<compile_context>
chip_gen: v7x
topology: tpu7x:2x2x1
jax: 0.10.2.dev20260603
libtpu: 0.0.44.dev20260713+nightly
codegen_flags: <defaults>
</compile_context>

<pallas_src>
import jax
import jax.numpy as jnp
from jax import lax
from jax.experimental import pallas as pl
from jax.experimental.pallas import tpu as pltpu
from jax.experimental.pallas import tpu_sc as plsc

N, E, L, D, B = 10000, 320000, 3200000, 128, 9
BPAD = 16
NC, NS = 2, 16
NW = NC * NS
SEG_PER = E // NW
CHUNK = 400
NCHUNKS = L // CHUNK
EDGE_CHUNK = 1000


def _atoms_body(x_ref, w_ref, b_ref, o_ref):
    x = jnp.dot(x_ref[...], w_ref[...], preferred_element_type=jnp.float32)
    o_ref[...] = jax.nn.sigmoid(x + b_ref[...][0:1, :])


def _compute_atoms(node_feat, w, bt):
    blk = 1000
    return pl.pallas_call(
        _atoms_body,
        grid=(N // blk,),
        in_specs=[
            pl.BlockSpec((blk, D), lambda i: (i, 0)),
            pl.BlockSpec((D, BPAD), lambda i: (0, 0)),
            pl.BlockSpec((8, BPAD), lambda i: (0, 0)),
        ],
        out_specs=pl.BlockSpec((blk, BPAD), lambda i: (i, 0)),
        out_shape=jax.ShapeDtypeStruct((N, BPAD), jnp.float32),
    )(node_feat, w, bt)


def _tbt_body(x_ref, o_ref):
    o_ref[...] = x_ref[...].reshape(o_ref.shape)


def _tbt_compact(tbt3):
    blk = 128000
    ni = L // blk
    return pl.pallas_call(
        _tbt_body,
        grid=(B, ni),
        in_specs=[pl.BlockSpec((1, 1, blk), lambda j, i: (j, 0, i))],
        out_specs=pl.BlockSpec((blk,), lambda j, i: (j * ni + i,)),
        out_shape=jax.ShapeDtypeStruct((B * L,), jnp.float32),
    )(tbt3)


def _edge_gather_body(atoms_hbm, gdst_hbm, out_hbm, idx_v, rows_v, sem):
    c = lax.axis_index("c")
    s = lax.axis_index("s")
    w = s * NC + c
    base = w * (E // NW)
    for i in range(E // NW // EDGE_CHUNK):
        off = base + i * EDGE_CHUNK
        pltpu.sync_copy(gdst_hbm.at[pl.ds(off, EDGE_CHUNK)], idx_v)
        pltpu.async_copy(atoms_hbm.at[idx_v], rows_v, sem).wait()
        pltpu.sync_copy(rows_v, out_hbm.at[pl.ds(off, EDGE_CHUNK)])


def _edge_gather(atoms, graph_dst):
    return pl.kernel(
        _edge_gather_body,
        out_type=jax.ShapeDtypeStruct((E, BPAD), jnp.float32),
        mesh=plsc.VectorSubcoreMesh(core_axis_name="c", subcore_axis_name="s"),
        scratch_types=[
            pltpu.VMEM((EDGE_CHUNK,), jnp.int32),
            pltpu.VMEM((EDGE_CHUNK, BPAD), jnp.float32),
            pltpu.SemaphoreType.DMA,
        ],
        compiler_params=pltpu.CompilerParams(use_tc_tiling_on_sc=False),
    )(atoms, graph_dst)


def _segsum_body(tbt_hbm, lg_hbm, seg_hbm, ea_hbm, cuts_hbm, out_hbm,
                 acc_v, tb0, tb1, tb2, ea0, ea1, ea2, lg0, lg1, lg2,
                 sg0, sg1, sg2, cuts_v, si0, si1, si2, se0, se1, se2):
    tbs, eas, lgs, sgs = [tb0, tb1, tb2], [ea0, ea1, ea2], \
        [lg0, lg1, lg2], [sg0, sg1, sg2]
    sin, sea = [si0, si1, si2], [se0, se1, se2]

    c = lax.axis_index("c")
    s = lax.axis_index("s")
    w = s * NC + c
    pltpu.sync_copy(cuts_hbm, cuts_v)
    lo = jnp.max(plsc.load_gather(cuts_v, [jnp.full((16,), w, jnp.int32)]))
    hi = jnp.max(plsc.load_gather(cuts_v, [jnp.full((16,), w + 1, jnp.int32)]))
    seg_base = w * SEG_PER

    zeros16 = jnp.zeros((16,), jnp.float32)

    for j in range(B):
        @plsc.parallel_loop(0, SEG_PER // 16, unroll=8)
        def _(i):
            acc_v[j, pl.ds(i * 16, 16)] = zeros16

    iota16 = lax.iota(jnp.int32, 16)

    def clamp(k):
        return jnp.minimum(k, NCHUNKS - 1)

    def issue_in(i, k):
        off = clamp(k) * CHUNK
        pltpu.async_copy(lg_hbm.at[pl.ds(off, CHUNK)], lgs[i], sin[i])
        pltpu.async_copy(seg_hbm.at[pl.ds(off, CHUNK)], sgs[i], sin[i])
        pltpu.async_copy(tbt_hbm.at[:, pl.ds(off, CHUNK)], tbs[i], sin[i])

    def wait_in(i, k):
        off = clamp(k) * CHUNK
        pltpu.make_async_copy(
            lg_hbm.at[pl.ds(off, CHUNK)], lgs[i], sin[i]).wait()
        pltpu.make_async_copy(
            seg_hbm.at[pl.ds(off, CHUNK)], sgs[i], sin[i]).wait()
        pltpu.make_async_copy(
            tbt_hbm.at[:, pl.ds(off, CHUNK)], tbs[i], sin[i]).wait()

    def start_ea(i):
        pltpu.async_copy(ea_hbm.at[lgs[i]], eas[i], sea[i])

    def wait_ea(i):
        pltpu.make_async_copy(ea_hbm.at[lgs[i]], eas[i], sea[i]).wait()

    def compute(i, x):
        off = x * CHUNK

        @plsc.parallel_loop(0, CHUNK // 16, unroll=5)
        def _(g):
            rows = g * 16 + iota16
            seg16 = sgs[i][pl.ds(g * 16, 16)]
            absi = off + rows
            m = (absi >= lo) & (absi < hi)
            local = jnp.clip(seg16 - seg_base, 0, SEG_PER - 1)
            for j in range(B):
                tbj = tbs[i][j, pl.ds(g * 16, 16)]
                eaj = plsc.load_gather(
                    eas[i], [rows, jnp.full((16,), j, jnp.int32)])
                plsc.addupdate_scatter(
                    acc_v, [jnp.full((16,), j, jnp.int32), local],
                    tbj * eaj, mask=m)

    k0 = lo // CHUNK
    k1 = (hi + CHUNK - 1) // CHUNK
    t1 = (k1 - k0 + 2) // 3

    issue_in(0, k0)
    issue_in(1, k0 + 1)
    wait_in(0, k0)
    start_ea(0)

    def triple_body(t, _):
        x0 = k0 + 3 * t
        for r in range(3):
            x = x0 + r
            wait_in((r + 1) % 3, x + 1)
            start_ea((r + 1) % 3)
            issue_in((r + 2) % 3, x + 2)
            wait_ea(r)
            compute(r, x)
        return 0

    lax.fori_loop(0, t1, triple_body, 0)
    wait_ea(0)
    wait_in(1, k0 + 3 * t1 + 1)
    pltpu.sync_copy(acc_v, out_hbm.at[:, pl.ds(w * SEG_PER, SEG_PER)])


def _segsum(tbt, lg_dst, segment_ids, edge_atoms, cuts):
    return pl.kernel(
        _segsum_body,
        out_type=jax.ShapeDtypeStruct((B, E), jnp.float32),
        mesh=plsc.VectorSubcoreMesh(core_axis_name="c", subcore_axis_name="s"),
        scratch_types=(
            [pltpu.VMEM((B, SEG_PER), jnp.float32)]
            + [pltpu.VMEM((B, CHUNK), jnp.float32) for _ in range(3)]
            + [pltpu.VMEM((CHUNK, BPAD), jnp.float32) for _ in range(3)]
            + [pltpu.VMEM((CHUNK,), jnp.int32) for _ in range(6)]
            + [pltpu.VMEM((40,), jnp.int32)]
            + [pltpu.SemaphoreType.DMA for _ in range(6)]
        ),
        compiler_params=pltpu.CompilerParams(use_tc_tiling_on_sc=False,
                                             needs_layout_passes=False),
    )(tbt, lg_dst, segment_ids, edge_atoms, cuts)


def _mlp_body(nbt_ref, ef_ref, w1_ref, b1_ref, wg_ref, bg_ref, o_ref):
    nbt = nbt_ref[...]
    dn = (((0,), (0,)), ((), ()))
    x = lax.dot_general(nbt, w1_ref[...], dn,
                        preferred_element_type=jnp.float32)
    x = x + b1_ref[...][0:1, :]
    g = lax.dot_general(nbt, wg_ref[...], dn,
                        preferred_element_type=jnp.float32)
    g = g + bg_ref[...][0:1, :]
    o_ref[...] = ef_ref[...] + (x * jax.nn.sigmoid(x)) * jax.nn.sigmoid(g)


def _mlp(nbt, edge_feat, w1, b1t, wg, bgt):
    blk = 2560
    return pl.pallas_call(
        _mlp_body,
        grid=(E // blk,),
        in_specs=[
            pl.BlockSpec((B, blk), lambda i: (0, i)),
            pl.BlockSpec((blk, D), lambda i: (i, 0)),
            pl.BlockSpec((B, D), lambda i: (0, 0)),
            pl.BlockSpec((8, D), lambda i: (0, 0)),
            pl.BlockSpec((B, D), lambda i: (0, 0)),
            pl.BlockSpec((8, D), lambda i: (0, 0)),
        ],
        out_specs=pl.BlockSpec((blk, D), lambda i: (i, 0)),
        out_shape=jax.ShapeDtypeStruct((E, D), jnp.float32),
    )(nbt, edge_feat, w1, b1t, wg, bgt)


def kernel(node_feat, edge_feat, graph_dst, lg_src, lg_dst, three_basis,
           three_cutoff, segment_ids, W_atom, b_atom, W1, b1, Wg, bg):
    w16 = jnp.pad(W_atom, ((0, 0), (0, BPAD - B)))
    bt = jnp.tile(jnp.pad(b_atom, (0, BPAD - B))[None, :], (8, 1))
    atoms = _compute_atoms(node_feat, w16, bt)

    edge_atoms = _edge_gather(atoms, graph_dst.astype(jnp.int32))

    cuts = jnp.searchsorted(
        segment_ids, jnp.arange(0, E + 1, SEG_PER)).astype(jnp.int32)
    cuts = jnp.pad(cuts, (0, 7))
    tbt = _tbt_compact(three_basis.T.reshape(B, 1, L)).reshape(B, L)
    nbt = _segsum(tbt,
                  lg_dst.astype(jnp.int32),
                  segment_ids.astype(jnp.int32),
                  edge_atoms, cuts)

    b1t = jnp.tile(b1[None, :], (8, 1))
    bgt = jnp.tile(bg[None, :], (8, 1))
    return _mlp(nbt, edge_feat, W1, b1t, Wg, bgt)

# --- scband reference (transcript-rebuilt; emitter-appended) ---
"""Pipeline reference for scband-three-body-interactions-59442347376884 (READ-ONLY COPY).

The authoritative reference and input builder live on the scoring server;
editing this copy changes nothing except your own understanding.
"""

import jax, jax.numpy as jnp
import numpy as np

N = 10000   # nodes
E = 320000  # bonds (edges of graph = nodes of line graph)
L = 3200000 # triples (edges of line graph)
D = 128     # node/edge feature dim
B = 9       # three-body basis size


def setup_inputs(seed: int = 0) -> dict:
    key = jax.random.key(seed)
    ks = jax.random.split(key, 14)
    node_feat = jax.random.normal(ks[0], (N, D), dtype=jnp.float32)
    edge_feat = jax.random.normal(ks[1], (E, D), dtype=jnp.float32)
    graph_dst = jax.random.randint(ks[2], (E,), 0, N)
    lg_src = jax.random.randint(ks[3], (L,), 0, E)
    lg_dst = jax.random.randint(ks[4], (L,), 0, E)
    three_basis = jax.random.normal(ks[5], (L, B), dtype=jnp.float32)
    three_cutoff = jax.random.uniform(ks[6], (E,), dtype=jnp.float32)
    segment_ids = jnp.sort(jax.random.randint(ks[7], (L,), 0, E))
    # learned params: update_network_atom = Linear(D->B) + sigmoid
    W_atom = jax.random.normal(ks[8], (D, B), dtype=jnp.float32) * 0.05
    b_atom = jnp.zeros((B,), dtype=jnp.float32)
    # update_network_bond = GatedMLP(B->D): swish(main) * sigmoid(gate)
    W1 = jax.random.normal(ks[9], (B, D), dtype=jnp.float32) * 0.05
    b1 = jnp.zeros((D,), dtype=jnp.float32)
    Wg = jax.random.normal(ks[10], (B, D), dtype=jnp.float32) * 0.05
    bg = jnp.zeros((D,), dtype=jnp.float32)
    return {"node_feat": node_feat, "edge_feat": edge_feat, "graph_dst": graph_dst,
            "lg_src": lg_src, "lg_dst": lg_dst, "three_basis": three_basis,
            "three_cutoff": three_cutoff, "segment_ids": segment_ids,
            "W_atom": W_atom, "b_atom": b_atom, "W1": W1, "b1": b1, "Wg": Wg, "bg": bg}


def reference(node_feat, edge_feat, graph_dst, lg_src, lg_dst, three_basis,
              three_cutoff, segment_ids, W_atom, b_atom, W1, b1, Wg, bg):
    # end_atom_index = gather(graph.edges()[1], line_graph.edges()[1])
    end_atom_index = jnp.take(graph_dst, lg_dst, axis=0)               # [L]
    # atoms = update_network_atom(node_feat)
    atoms = jax.nn.sigmoid(node_feat @ W_atom + b_atom)                # [N, B]
    atoms = jnp.take(atoms, end_atom_index, axis=0)                    # [L, B]
    basis = three_basis * atoms                                        # [L, B]
    tc = three_cutoff[:, None]                                         # [E, 1]
    pair_idx = jnp.stack([lg_src, lg_dst], axis=1)                     # [L, 2]
    weights = tc[pair_idx].reshape(-1, 2)                              # [L, 2]
    weights = jnp.prod(weights, axis=-1)                               # [L]
    weights = basis * weights[:, None]  # computed but unused downstream (faithful to original)
    new_bonds = jax.ops.segment_sum(basis.astype(jnp.float32), segment_ids,
                                    num_segments=edge_feat.shape[0])   # [E, B]
    main = jax.nn.swish(new_bonds @ W1 + b1)
    gate = jax.nn.sigmoid(new_bonds @ Wg + bg)
    edge_feat_updated = edge_feat + main * gate                        # [E, D]
    return edge_feat_updated

if __name__ == "__main__":
    import jax
    _d = setup_inputs()
    print(jax.jit(kernel)(*tuple(_d.values())))

</pallas_src>

<mosaic_0001>
#map = affine_map<(d0, d1) -> (0, 0)>
#map1 = affine_map<(d0, d1) -> (0)>
module attributes {stable_mosaic.version = 14 : i64} {
  func.func @_segsum_body(%arg0: i32, %arg1: i32, %arg2: memref<9x3200000xf32, #tpu.memory_space<hbm>>, %arg3: memref<3200000xi32, #tpu.memory_space<hbm>>, %arg4: memref<3200000xi32, #tpu.memory_space<hbm>>, %arg5: memref<320000x16xf32, #tpu.memory_space<hbm>>, %arg6: memref<40xi32, #tpu.memory_space<hbm>>, %arg7: memref<9x320000xf32, #tpu.memory_space<hbm>>, %arg8: memref<9x10000xf32, #tpu.memory_space<vmem>>, %arg9: memref<9x400xf32, #tpu.memory_space<vmem>>, %arg10: memref<9x400xf32, #tpu.memory_space<vmem>>, %arg11: memref<9x400xf32, #tpu.memory_space<vmem>>, %arg12: memref<400x16xf32, #tpu.memory_space<vmem>>, %arg13: memref<400x16xf32, #tpu.memory_space<vmem>>, %arg14: memref<400x16xf32, #tpu.memory_space<vmem>>, %arg15: memref<400xi32, #tpu.memory_space<vmem>>, %arg16: memref<400xi32, #tpu.memory_space<vmem>>, %arg17: memref<400xi32, #tpu.memory_space<vmem>>, %arg18: memref<400xi32, #tpu.memory_space<vmem>>, %arg19: memref<400xi32, #tpu.memory_space<vmem>>, %arg20: memref<400xi32, #tpu.memory_space<vmem>>, %arg21: memref<40xi32, #tpu.memory_space<vmem>>, %arg22: memref<!tpu.dma_semaphore, #tpu.memory_space<semaphore_mem>>, %arg23: memref<!tpu.dma_semaphore, #tpu.memory_space<semaphore_mem>>, %arg24: memref<!tpu.dma_semaphore, #tpu.memory_space<semaphore_mem>>, %arg25: memref<!tpu.dma_semaphore, #tpu.memory_space<semaphore_mem>>, %arg26: memref<!tpu.dma_semaphore, #tpu.memory_space<semaphore_mem>>, %arg27: memref<!tpu.dma_semaphore, #tpu.memory_space<semaphore_mem>>) attributes {dimension_semantics = [#tpu.dimension_semantics<core_parallel>, #tpu.dimension_semantics<subcore_parallel>], iteration_bounds = array<i64: 2, 16>, scalar_prefetch = 0 : i64, scratch_operands = 20 : i64, tpu.core_type = #tpu.core_type<sc_vector_subcore>, window_params = [{transform_indices = #map}, {transform_indices = #map1}, {transform_indices = #map1}, {transform_indices = #map}, {transform_indices = #map1}, {transform_indices = #map}]} {
    %mul3A = arith.constant 2 : i32
    %mul3A_0 = arith.muli %arg1, %mul3A : i32
    %add3A = arith.addi %mul3A_0, %arg0 : i32
    "tpu.region"() ({
      %run_scoped3A = tpu.sem_alloc : memref<!tpu.dma_semaphore, #tpu.memory_space<semaphore_mem>>
      tpu.enqueue_dma source(%arg6 : memref<40xi32, #tpu.memory_space<hbm>>) target(%arg21 : memref<40xi32, #tpu.memory_space<vmem>>) target_semaphore(%run_scoped3A : memref<!tpu.dma_semaphore, #tpu.memory_space<semaphore_mem>>)
      tpu.wait_dma2 semaphore(%run_scoped3A : memref<!tpu.dma_semaphore, #tpu.memory_space<semaphore_mem>>) src(%arg6 : memref<40xi32, #tpu.memory_space<hbm>>) dst(%arg21 : memref<40xi32, #tpu.memory_space<vmem>>)
      tpu.yield
    }) : () -> ()
    %broadcast_in_dim3A = vector.broadcast %add3A : i32 to vector<16xi32>
    %gather3A = tpu.vector_load_idx %arg21[%broadcast_in_dim3A] : memref<40xi32, #tpu.memory_space<vmem>>[vector<16xi32>], vector<16xi32>,
    %reduce_max3A = arith.constant true
    %reduce_max3A_1 = vector.broadcast %reduce_max3A : i1 to vector<16xi1>
    %reduce_max3A_2 = arith.constant -2147483648 : i32
    %reduce_max3A_3 = vector.broadcast %reduce_max3A_2 : i32 to vector<16xi32>
    %reduce_max3A_4 = arith.xori %gather3A, %reduce_max3A_3 : vector<16xi32>
    %reduce_max3A_5 = tpu.scan <max>, %reduce_max3A_4 masked %reduce_max3A_1 : vector<16xi32>, vector<16xi1> -> vector<16xi32>
    %reduce_max3A_6 = arith.xori %reduce_max3A_5, %reduce_max3A_3 : vector<16xi32>
    %reduce_max3A_7 = vector.extract %reduce_max3A_6[15] : i32 from vector<16xi32>
    %add3A_8 = arith.constant 1 : i32
    %add3A_9 = arith.addi %add3A, %add3A_8 : i32
    %broadcast_in_dim3A_10 = vector.broadcast %add3A_9 : i32 to vector<16xi32>
    %gather3A_11 = tpu.vector_load_idx %arg21[%broadcast_in_dim3A_10] : memref<40xi32, #tpu.memory_space<vmem>>[vector<16xi32>], vector<16xi32>,
    %reduce_max3A_12 = arith.constant true
    %reduce_max3A_13 = vector.broadcast %reduce_max3A_12 : i1 to vector<16xi1>
    %reduce_max3A_14 = arith.constant -2147483648 : i32
    %reduce_max3A_15 = vector.broadcast %reduce_max3A_14 : i32 to vector<16xi32>
    %reduce_max3A_16 = arith.xori %gather3A_11, %reduce_max3A_15 : vector<16xi32>
    %reduce_max3A_17 = tpu.scan <max>, %reduce_max3A_16 masked %reduce_max3A_13 : vector<16xi32>, vector<16xi1> -> vector<16xi32>
    %reduce_max3A_18 = arith.xori %reduce_max3A_17, %reduce_max3A_15 : vector<16xi32>
    %reduce_max3A_19 = vector.extract %reduce_max3A_18[15] : i32 from vector<16xi32>
    %mul3A_20 = arith.constant 10000 : i32
    %mul3A_21 = arith.muli %add3A, %mul3A_20 : i32
    %broadcast_in_dim3A_22 = arith.constant 0.000000e+00 : f32
    %broadcast_in_dim3A_23 = vector.broadcast %broadcast_in_dim3A_22 : f32 to vector<16xf32>
    %parallel_loop3A = arith.constant 0 : i32
    %parallel_loop3A_24 = arith.constant 625 : i32
    %parallel_loop3A_25 = arith.constant 1 : i32
    scf.for %parallel_loop3A_192 = %parallel_loop3A to %parallel_loop3A_24 step %parallel_loop3A_25  : i32 {
      %parallel_loop3A_193 = arith.constant 16 : i32
      %parallel_loop3A_194 = arith.muli %parallel_loop3A_192, %parallel_loop3A_193 : i32
      %parallel_loop3A_195 = arith.constant 0 : i32
      %parallel_loop3A_196 = arith.index_cast %parallel_loop3A_195 : i32 to index
      %parallel_loop3A_197 = arith.index_cast %parallel_loop3A_194 : i32 to index
      %parallel_loop3A_198 = tpu.vector_load %arg8[%parallel_loop3A_196, %parallel_loop3A_197] {strides = array<i32>} : memref<9x10000xf32, #tpu.memory_space<vmem>>, vector<16xf32>,
      tpu.vector_store %arg8[%parallel_loop3A_196, %parallel_loop3A_197], %broadcast_in_dim3A_23 {strides = array<i32>} : memref<9x10000xf32, #tpu.memory_space<vmem>>, vector<16xf32>,
    } {sc.loop_unroll_factor = 8 : i64, sc.parallel_access}
    %parallel_loop3A_26 = arith.constant 0 : i32
    %parallel_loop3A_27 = arith.constant 625 : i32
    %parallel_loop3A_28 = arith.constant 1 : i32
    scf.for %parallel_loop3A_192 = %parallel_loop3A_26 to %parallel_loop3A_27 step %parallel_loop3A_28  : i32 {
      %parallel_loop3A_193 = arith.constant 16 : i32
      %parallel_loop3A_194 = arith.muli %parallel_loop3A_192, %parallel_loop3A_193 : i32
      %parallel_loop3A_195 = arith.constant 1 : i32
      %parallel_loop3A_196 = arith.index_cast %parallel_loop3A_195 : i32 to index
      %parallel_loop3A_197 = arith.index_cast %parallel_loop3A_194 : i32 to index
      %parallel_loop3A_198 = tpu.vector_load %arg8[%parallel_loop3A_196, %parallel_loop3A_197] {strides = array<i32>} : memref<9x10000xf32, #tpu.memory_space<vmem>>, vector<16xf32>,
      tpu.vector_store %arg8[%parallel_loop3A_196, %parallel_loop3A_197], %broadcast_in_dim3A_23 {strides = array<i32>} : memref<9x10000xf32, #tpu.memory_space<vmem>>, vector<16xf32>,
    } {sc.loop_unroll_factor = 8 : i64, sc.parallel_access}
    %parallel_loop3A_29 = arith.constant 0 : i32
    %parallel_loop3A_30 = arith.constant 625 : i32
    %parallel_loop3A_31 = arith.constant 1 : i32
    scf.for %parallel_loop3A_192 = %parallel_loop3A_29 to %parallel_loop3A_30 step %parallel_loop3A_31  : i32 {
      %parallel_loop3A_193 = arith.constant 16 : i32
      %parallel_loop3A_194 = arith.muli %parallel_loop3A_192, %parallel_loop3A_193 : i32
      %parallel_loop3A_195 = arith.constant 2 : i32
      %parallel_loop3A_196 = arith.index_cast %parallel_loop3A_195 : i32 to index
      %parallel_loop3A_197 = arith.index_cast %parallel_loop3A_194 : i32 to index
      %parallel_loop3A_198 = tpu.vector_load %arg8[%parallel_loop3A_196, %parallel_loop3A_197] {strides = array<i32>} : memref<9x10000xf32, #tpu.memory_space<vmem>>, vector<16xf32>,
      tpu.vector_store %arg8[%parallel_loop3A_196, %parallel_loop3A_197], %broadcast_in_dim3A_23 {strides = array<i32>} : memref<9x10000xf32, #tpu.memory_space<vmem>>, vector<16xf32>,
    } {sc.loop_unroll_factor = 8 : i64, sc.parallel_access}
    %parallel_loop3A_32 = arith.constant 0 : i32
    %parallel_loop3A_33 = arith.constant 625 : i32
    %parallel_loop3A_34 = arith.constant 1 : i32
    scf.for %parallel_loop3A_192 = %parallel_loop3A_32 to %parallel_loop3A_33 step %parallel_loop3A_34  : i32 {
      %parallel_loop3A_193 = arith.constant 16 : i32
      %parallel_loop3A_194 = arith.muli %parallel_loop3A_192, %parallel_loop3A_193 : i32
      %parallel_loop3A_195 = arith.constant 3 : i32
      %parallel_loop3A_196 = arith.index_cast %parallel_loop3A_195 : i32 to index
      %parallel_loop3A_197 = arith.index_cast %parallel_loop3A_194 : i32 to index
      %parallel_loop3A_198 = tpu.vector_load %arg8[%parallel_loop3A_196, %parallel_loop3A_197] {strides = array<i32>} : memref<9x10000xf32, #tpu.memory_space<vmem>>, vector<16xf32>,
      tpu.vector_store %arg8[%parallel_loop3A_196, %parallel_loop3A_197], %broadcast_in_dim3A_23 {strides = array<i32>} : memref<9x10000xf32, #tpu.memory_space<vmem>>, vector<16xf32>,
    } {sc.loop_unroll_factor = 8 : i64, sc.parallel_access}
    %parallel_loop3A_35 = arith.constant 0 : i32
    %parallel_loop3A_36 = arith.constant 625 : i32
    %parallel_loop3A_37 = arith.constant 1 : i32
    scf.for %parallel_loop3A_192 = %parallel_loop3A_35 to %parallel_loop3A_36 step %parallel_loop3A_37  : i32 {
      %parallel_loop3A_193 = arith.constant 16 : i32
      %parallel_loop3A_194 = arith.muli %parallel_loop3A_192, %parallel_loop3A_193 : i32
      %parallel_loop3A_195 = arith.constant 4 : i32
      %parallel_loop3A_196 = arith.index_cast %parallel_loop3A_195 : i32 to index
      %parallel_loop3A_197 = arith.index_cast %parallel_loop3A_194 : i32 to index
      %parallel_loop3A_198 = tpu.vector_load %arg8[%parallel_loop3A_196, %parallel_loop3A_197] {strides = array<i32>} : memref<9x10000xf32, #tpu.memory_space<vmem>>, vector<16xf32>,
      tpu.vector_store %arg8[%parallel_loop3A_196, %parallel_loop3A_197], %broadcast_in_dim3A_23 {strides = array<i32>} : memref<9x10000xf32, #tpu.memory_space<vmem>>, vector<16xf32>,
    } {sc.loop_unroll_factor = 8 : i64, sc.parallel_access}
    %parallel_loop3A_38 = arith.constant 0 : i32
    %parallel_loop3A_39 = arith.constant 625 : i32
    %parallel_loop3A_40 = arith.constant 1 : i32
    scf.for %parallel_loop3A_192 = %parallel_loop3A_38 to %parallel_loop3A_39 step %parallel_loop3A_40  : i32 {
      %parallel_loop3A_193 = arith.constant 16 : i32
      %parallel_loop3A_194 = arith.muli %parallel_loop3A_192, %parallel_loop3A_193 : i32
      %parallel_loop3A_195 = arith.constant 5 : i32
      %parallel_loop3A_196 = arith.index_cast %parallel_loop3A_195 : i32 to index
      %parallel_loop3A_197 = arith.index_cast %parallel_loop3A_194 : i32 to index
      %parallel_loop3A_198 = tpu.vector_load %arg8[%parallel_loop3A_196, %parallel_loop3A_197] {strides = array<i32>} : memref<9x10000xf32, #tpu.memory_space<vmem>>, vector<16xf32>,
      tpu.vector_store %arg8[%parallel_loop3A_196, %parallel_loop3A_197], %broadcast_in_dim3A_23 {strides = array<i32>} : memref<9x10000xf32, #tpu.memory_space<vmem>>, vector<16xf32>,
    } {sc.loop_unroll_factor = 8 : i64, sc.parallel_access}
    %parallel_loop3A_41 = arith.constant 0 : i32
    %parallel_loop3A_42 = arith.constant 625 : i32
    %parallel_loop3A_43 = arith.constant 1 : i32
    scf.for %parallel_loop3A_192 = %parallel_loop3A_41 to %parallel_loop3A_42 step %parallel_loop3A_43  : i32 {
      %parallel_loop3A_193 = arith.constant 16 : i32
      %parallel_loop3A_194 = arith.muli %parallel_loop3A_192, %parallel_loop3A_193 : i32
      %parallel_loop3A_195 = arith.constant 6 : i32
      %parallel_loop3A_196 = arith.index_cast %parallel_loop3A_195 : i32 to index
      %parallel_loop3A_197 = arith.index_cast %parallel_loop3A_194 : i32 to index
      %parallel_loop3A_198 = tpu.vector_load %arg8[%parallel_loop3A_196, %parallel_loop3A_197] {strides = array<i32>} : memref<9x10000xf32, #tpu.memory_space<vmem>>, vector<16xf32>,
      tpu.vector_store %arg8[%parallel_loop3A_196, %parallel_loop3A_197], %broadcast_in_dim3A_23 {strides = array<i32>} : memref<9x10000xf32, #tpu.memory_space<vmem>>, vector<16xf32>,
    } {sc.loop_unroll_factor = 8 : i64, sc.parallel_access}
    %parallel_loop3A_44 = arith.constant 0 : i32
    %parallel_loop3A_45 = arith.constant 625 : i32
    %parallel_loop3A_46 = arith.constant 1 : i32
    scf.for %parallel_loop3A_192 = %parallel_loop3A_44 to %parallel_loop3A_45 step %parallel_loop3A_46  : i32 {
      %parallel_loop3A_193 = arith.constant 16 : i32
      %parallel_loop3A_194 = arith.muli %parallel_loop3A_192, %parallel_loop3A_193 : i32
      %parallel_loop3A_195 = arith.constant 7 : i32
      %parallel_loop3A_196 = arith.index_cast %parallel_loop3A_195 : i32 to index
      %parallel_loop3A_197 = arith.index_cast %parallel_loop3A_194 : i32 to index
      %parallel_loop3A_198 = tpu.vector_load %arg8[%parallel_loop3A_196, %parallel_loop3A_197] {strides = array<i32>} : memref<9x10000xf32, #tpu.memory_space<vmem>>, vector<16xf32>,
      tpu.vector_store %arg8[%parallel_loop3A_196, %parallel_loop3A_197], %broadcast_in_dim3A_23 {strides = array<i32>} : memref<9x10000xf32, #tpu.memory_space<vmem>>, vector<16xf32>,
    } {sc.loop_unroll_factor = 8 : i64, sc.parallel_access}
    %parallel_loop3A_47 = arith.constant 0 : i32
    %parallel_loop3A_48 = arith.constant 625 : i32
    %parallel_loop3A_49 = arith.constant 1 : i32
    scf.for %parallel_loop3A_192 = %parallel_loop3A_47 to %parallel_loop3A_48 step %parallel_loop3A_49  : i32 {
      %parallel_loop3A_193 = arith.constant 16 : i32
      %parallel_loop3A_194 = arith.muli %parallel_loop3A_192, %parallel_loop3A_193 : i32
      %parallel_loop3A_195 = arith.constant 8 : i32
      %parallel_loop3A_196 = arith.index_cast %parallel_loop3A_195 : i32 to index
      %parallel_loop3A_197 = arith.index_cast %parallel_loop3A_194 : i32 to index
      %parallel_loop3A_198 = tpu.vector_load %arg8[%parallel_loop3A_196, %parallel_loop3A_197] {strides = array<i32>} : memref<9x10000xf32, #tpu.memory_space<vmem>>, vector<16xf32>,
      tpu.vector_store %arg8[%parallel_loop3A_196, %parallel_loop3A_197], %broadcast_in_dim3A_23 {strides = array<i32>} : memref<9x10000xf32, #tpu.memory_space<vmem>>, vector<16xf32>,
    } {sc.loop_unroll_factor = 8 : i64, sc.parallel_access}
    %iota3A = tpu.iota {dimensions = array<i32: 0>} : vector<16xi32>
    %jit3A = arith.constant 400 : i32
    %div3A = arith.divsi %reduce_max3A_7, %jit3A : i32
    %sign3A = arith.constant 0 : i32
    %sign3A_50 = arith.cmpi sgt, %reduce_max3A_7, %sign3A : i32
    %sign3A_51 = arith.extui %sign3A_50 : i1 to i32
    %sign3A_52 = arith.constant 0 : i32
    %sign3A_53 = arith.cmpi slt, %reduce_max3A_7, %sign3A_52 : i32
    %sign3A_54 = arith.extui %sign3A_53 : i1 to i32
    %sign3A_55 = arith.subi %sign3A_51, %sign3A_54 : i32
    %sign3A_56 = arith.constant 0 : i32
    %sign3A_57 = arith.cmpi sgt, %jit3A, %sign3A_56 : i32
    %sign3A_58 = arith.extui %sign3A_57 : i1 to i32
    %sign3A_59 = arith.constant 0 : i32
    %sign3A_60 = arith.cmpi slt, %jit3A, %sign3A_59 : i32
    %sign3A_61 = arith.extui %sign3A_60 : i1 to i32
    %sign3A_62 = arith.subi %sign3A_58, %sign3A_61 : i32
    %ne3A = arith.cmpi ne, %sign3A_55, %sign3A_62 : i32
    %rem3A = arith.remsi %reduce_max3A_7, %jit3A : i32
    %ne3A_63 = arith.constant 0 : i32
    %ne3A_64 = arith.cmpi ne, %rem3A, %ne3A_63 : i32
    %and3A = arith.andi %ne3A, %ne3A_64 : i1
    %sub3A = arith.constant 1 : i32
    %sub3A_65 = arith.subi %div3A, %sub3A : i32
    %select_n3A = arith.select %and3A, %sub3A_65, %div3A : i32
    %add3A_66 = arith.constant 400 : i32
    %add3A_67 = arith.addi %reduce_max3A_19, %add3A_66 : i32
    %sub3A_68 = arith.constant 1 : i32
    %sub3A_69 = arith.subi %add3A_67, %sub3A_68 : i32
    %jit3A_70 = arith.constant 400 : i32
    %div3A_71 = arith.divsi %sub3A_69, %jit3A_70 : i32
    %sign3A_72 = arith.constant 0 : i32
    %sign3A_73 = arith.cmpi sgt, %sub3A_69, %sign3A_72 : i32
    %sign3A_74 = arith.extui %sign3A_73 : i1 to i32
    %sign3A_75 = arith.constant 0 : i32
    %sign3A_76 = arith.cmpi slt, %sub3A_69, %sign3A_75 : i32
    %sign3A_77 = arith.extui %sign3A_76 : i1 to i32
    %sign3A_78 = arith.subi %sign3A_74, %sign3A_77 : i32
    %sign3A_79 = arith.constant 0 : i32
    %sign3A_80 = arith.cmpi sgt, %jit3A_70, %sign3A_79 : i32
    %sign3A_81 = arith.extui %sign3A_80 : i1 to i32
    %sign3A_82 = arith.constant 0 : i32
    %sign3A_83 = arith.cmpi slt, %jit3A_70, %sign3A_82 : i32
    %sign3A_84 = arith.extui %sign3A_83 : i1 to i32
    %sign3A_85 = arith.subi %sign3A_81, %sign3A_84 : i32
    %ne3A_86 = arith.cmpi ne, %sign3A_78, %sign3A_85 : i32
    %rem3A_87 = arith.remsi %sub3A_69, %jit3A_70 : i32
    %ne3A_88 = arith.constant 0 : i32
    %ne3A_89 = arith.cmpi ne, %rem3A_87, %ne3A_88 : i32
    %and3A_90 = arith.andi %ne3A_86, %ne3A_89 : i1
    %sub3A_91 = arith.constant 1 : i32
    %sub3A_92 = arith.subi %div3A_71, %sub3A_91 : i32
    %select_n3A_93 = arith.select %and3A_90, %sub3A_92, %div3A_71 : i32
    %sub3A_94 = arith.subi %select_n3A_93, %select_n3A : i32
    %add3A_95 = arith.constant 2 : i32
    %add3A_96 = arith.addi %sub3A_94, %add3A_95 : i32
    %jit3A_97 = arith.constant 3 : i32
    %div3A_98 = arith.divsi %add3A_96, %jit3A_97 : i32
    %sign3A_99 = arith.constant 0 : i32
    %sign3A_100 = arith.cmpi sgt, %add3A_96, %sign3A_99 : i32
    %sign3A_101 = arith.extui %sign3A_100 : i1 to i32
    %sign3A_102 = arith.constant 0 : i32
    %sign3A_103 = arith.cmpi slt, %add3A_96, %sign3A_102 : i32
    %sign3A_104 = arith.extui %sign3A_103 : i1 to i32
    %sign3A_105 = arith.subi %sign3A_101, %sign3A_104 : i32
    %sign3A_106 = arith.constant 0 : i32
    %sign3A_107 = arith.cmpi sgt, %jit3A_97, %sign3A_106 : i32
    %sign3A_108 = arith.extui %sign3A_107 : i1 to i32
    %sign3A_109 = arith.constant 0 : i32
    %sign3A_110 = arith.cmpi slt, %jit3A_97, %sign3A_109 : i32
    %sign3A_111 = arith.extui %sign3A_110 : i1 to i32
    %sign3A_112 = arith.subi %sign3A_108, %sign3A_111 : i32
    %ne3A_113 = arith.cmpi ne, %sign3A_105, %sign3A_112 : i32
    %rem3A_114 = arith.remsi %add3A_96, %jit3A_97 : i32
    %ne3A_115 = arith.constant 0 : i32
    %ne3A_116 = arith.cmpi ne, %rem3A_114, %ne3A_115 : i32
    %and3A_117 = arith.andi %ne3A_113, %ne3A_116 : i1
    %sub3A_118 = arith.constant 1 : i32
    %sub3A_119 = arith.subi %div3A_98, %sub3A_118 : i32
    %select_n3A_120 = arith.select %and3A_117, %sub3A_119, %div3A_98 : i32
    %min3A = arith.constant 7999 : i32
    %min3A_121 = arith.minsi %select_n3A, %min3A : i32
    %mul3A_122 = arith.constant 400 : i32
    %mul3A_123 = arith.muli %min3A_121, %mul3A_122 : i32
    %dma_start3A = tpu.memref_slice %arg3[%mul3A_123] : memref<3200000xi32, #tpu.memory_space<hbm>> -> memref<400xi32, #tpu.memory_space<hbm>>
    %dma_start3A_124 = tpu.memref_slice %arg3[%mul3A_123] : memref<3200000xi32, #tpu.memory_space<hbm>> -> memref<400xi32, #tpu.memory_space<hbm>>
    tpu.enqueue_dma source(%dma_start3A_124 : memref<400xi32, #tpu.memory_space<hbm>>) target(%arg15 : memref<400xi32, #tpu.memory_space<vmem>>) target_semaphore(%arg22 : memref<!tpu.dma_semaphore, #tpu.memory_space<semaphore_mem>>)
    %dma_start3A_125 = tpu.memref_slice %arg4[%mul3A_123] : memref<3200000xi32, #tpu.memory_space<hbm>> -> memref<400xi32, #tpu.memory_space<hbm>>
    %dma_start3A_126 = tpu.memref_slice %arg4[%mul3A_123] : memref<3200000xi32, #tpu.memory_space<hbm>> -> memref<400xi32, #tpu.memory_space<hbm>>
    tpu.enqueue_dma source(%dma_start3A_126 : memref<400xi32, #tpu.memory_space<hbm>>) target(%arg18 : memref<400xi32, #tpu.memory_space<vmem>>) target_semaphore(%arg22 : memref<!tpu.dma_semaphore, #tpu.memory_space<semaphore_mem>>)
    %dma_start3A_127 = arith.constant 0 : i32
    %dma_start3A_128 = tpu.memref_slice %arg2[%dma_start3A_127, %mul3A_123] : memref<9x3200000xf32, #tpu.memory_space<hbm>> -> memref<9x400xf32, #tpu.memory_space<hbm>>
    %dma_start3A_129 = arith.constant 0 : i32
    %dma_start3A_130 = tpu.memref_slice %arg2[%dma_start3A_129, %mul3A_123] : memref<9x3200000xf32, #tpu.memory_space<hbm>> -> memref<9x400xf32, #tpu.memory_space<hbm>>
    tpu.enqueue_dma source(%dma_start3A_130 : memref<9x400xf32, #tpu.memory_space<hbm>>) target(%arg9 : memref<9x400xf32, #tpu.memory_space<vmem>>) target_semaphore(%arg22 : memref<!tpu.dma_semaphore, #tpu.memory_space<semaphore_mem>>)
    %add3A_131 = arith.constant 1 : i32
    %add3A_132 = arith.addi %select_n3A, %add3A_131 : i32
    %min3A_133 = arith.constant 7999 : i32
    %min3A_134 = arith.minsi %add3A_132, %min3A_133 : i32
    %mul3A_135 = arith.constant 400 : i32
    %mul3A_136 = arith.muli %min3A_134, %mul3A_135 : i32
    %dma_start3A_137 = tpu.memref_slice %arg3[%mul3A_136] : memref<3200000xi32, #tpu.memory_space<hbm>> -> memref<400xi32, #tpu.memory_space<hbm>>
    %dma_start3A_138 = tpu.memref_slice %arg3[%mul3A_136] : memref<3200000xi32, #tpu.memory_space<hbm>> -> memref<400xi32, #tpu.memory_space<hbm>>
    tpu.enqueue_dma source(%dma_start3A_138 : memref<400xi32, #tpu.memory_space<hbm>>) target(%arg16 : memref<400xi32, #tpu.memory_space<vmem>>) target_semaphore(%arg23 : memref<!tpu.dma_semaphore, #tpu.memory_space<semaphore_mem>>)
    %dma_start3A_139 = tpu.memref_slice %arg4[%mul3A_136] : memref<3200000xi32, #tpu.memory_space<hbm>> -> memref<400xi32, #tpu.memory_space<hbm>>
    %dma_start3A_140 = tpu.memref_slice %arg4[%mul3A_136] : memref<3200000xi32, #tpu.memory_space<hbm>> -> memref<400xi32, #tpu.memory_space<hbm>>
    tpu.enqueue_dma source(%dma_start3A_140 : memref<400xi32, #tpu.memory_space<hbm>>) target(%arg19 : memref<400xi32, #tpu.memory_space<vmem>>) target_semaphore(%arg23 : memref<!tpu.dma_semaphore, #tpu.memory_space<semaphore_mem>>)
    %dma_start3A_141 = arith.constant 0 : i32
    %dma_start3A_142 = tpu.memref_slice %arg2[%dma_start3A_141, %mul3A_136] : memref<9x3200000xf32, #tpu.memory_space<hbm>> -> memref<9x400xf32, #tpu.memory_space<hbm>>
    %dma_start3A_143 = arith.constant 0 : i32
    %dma_start3A_144 = tpu.memref_slice %arg2[%dma_start3A_143, %mul3A_136] : memref<9x3200000xf32, #tpu.memory_space<hbm>> -> memref<9x400xf32, #tpu.memory_space<hbm>>
    tpu.enqueue_dma source(%dma_start3A_144 : memref<9x400xf32, #tpu.memory_space<hbm>>) target(%arg10 : memref<9x400xf32, #tpu.memory_space<vmem>>) target_semaphore(%arg23 : memref<!tpu.dma_semaphore, #tpu.memory_space<semaphore_mem>>)
    %min3A_145 = arith.constant 7999 : i32
    %min3A_146 = arith.minsi %select_n3A, %min3A_145 : i32
    %mul3A_147 = arith.constant 400 : i32
    %mul3A_148 = arith.muli %min3A_146, %mul3A_147 : i32
    %dma_wait3A = tpu.memref_slice %arg3[%mul3A_148] : memref<3200000xi32, #tpu.memory_space<hbm>> -> memref<400xi32, #tpu.memory_space<hbm>>
    %dma_wait3A_149 = tpu.memref_slice %arg3[%mul3A_148] : memref<3200000xi32, #tpu.memory_space<hbm>> -> memref<400xi32, #tpu.memory_space<hbm>>
    tpu.wait_dma2 semaphore(%arg22 : memref<!tpu.dma_semaphore, #tpu.memory_space<semaphore_mem>>) src(%dma_wait3A_149 : memref<400xi32, #tpu.memory_space<hbm>>) dst(%arg15 : memref<400xi32, #tpu.memory_space<vmem>>)
    %dma_wait3A_150 = tpu.memref_slice %arg4[%mul3A_148] : memref<3200000xi32, #tpu.memory_space<hbm>> -> memref<400xi32, #tpu.memory_space<hbm>>
    %dma_wait3A_151 = tpu.memref_slice %arg4[%mul3A_148] : memref<3200000xi32, #tpu.memory_space<hbm>> -> memref<400xi32, #tpu.memory_space<hbm>>
    tpu.wait_dma2 semaphore(%arg22 : memref<!tpu.dma_semaphore, #tpu.memory_space<semaphore_mem>>) src(%dma_wait3A_151 : memref<400xi32, #tpu.memory_space<hbm>>) dst(%arg18 : memref<400xi32, #tpu.memory_space<vmem>>)
    %dma_wait3A_152 = arith.constant 0 : i32
    %dma_wait3A_153 = tpu.memref_slice %arg2[%dma_wait3A_152, %mul3A_148] : memref<9x3200000xf32, #tpu.memory_space<hbm>> -> memref<9x400xf32, #tpu.memory_space<hbm>>
    %dma_wait3A_154 = arith.constant 0 : i32
    %dma_wait3A_155 = tpu.memref_slice %arg2[%dma_wait3A_154, %mul3A_148] : memref<9x3200000xf32, #tpu.memory_space<hbm>> -> memref<9x400xf32, #tpu.memory_space<hbm>>
    tpu.wait_dma2 semaphore(%arg22 : memref<!tpu.dma_semaphore, #tpu.memory_space<semaphore_mem>>) src(%dma_wait3A_155 : memref<9x400xf32, #tpu.memory_space<hbm>>) dst(%arg9 : memref<9x400xf32, #tpu.memory_space<vmem>>)
    %dma_start3A_156 = arith.constant 0 : i32
    %dma_start3A_157 = arith.constant 0 : i32
    %dma_start3A_158 = tpu.memref_slice %arg5[%dma_start3A_156, %dma_start3A_157] : memref<320000x16xf32, #tpu.memory_space<hbm>> -> memref<320000x16xf32, #tpu.memory_space<hbm>>
    tpu.enqueue_indirect_dma source(%dma_start3A_158 : memref<320000x16xf32, #tpu.memory_space<hbm>>) target(%arg12 : memref<400x16xf32, #tpu.memory_space<vmem>>) offsets(%arg15 : memref<400xi32, #tpu.memory_space<vmem>>) semaphore(%arg25 : memref<!tpu.dma_semaphore, #tpu.memory_space<semaphore_mem>>)
    %while3A = arith.constant 0 : i32
    %while3A_159 = arith.constant 0 : i32
    %while3A_160 = arith.subi %select_n3A_120, %while3A : i32
    %while3A_161 = arith.addi %while3A, %while3A_160 : i32
    %while3A_162 = arith.constant 1 : i32
    %while3A_163 = arith.divsi %while3A_160, %while3A_162 : i32
    %while3A_164 = arith.muli %while3A_163, %while3A_162 : i32
    %while3A_165 = arith.addi %while3A, %while3A_164 : i32
    %while3A_166 = arith.constant 1 : i32
    %while3A_167 = scf.for %while3A_192 = %while3A to %while3A_165 step %while3A_166 iter_args(%while3A_193 = %while3A_159) -> (i32)  : i32 {
      %mul3A_194 = arith.constant 3 : i32
      %mul3A_195 = arith.muli %mul3A_194, %while3A_192 : i32
      %add3A_196 = arith.addi %select_n3A, %mul3A_195 : i32
      %add3A_197 = arith.constant 0 : i32
      %add3A_198 = arith.addi %add3A_196, %add3A_197 : i32
      %add3A_199 = arith.constant 1 : i32
      %add3A_200 = arith.addi %add3A_198, %add3A_199 : i32
      %min3A_201 = arith.constant 7999 : i32
      %min3A_202 = arith.minsi %add3A_200, %min3A_201 : i32
      %mul3A_203 = arith.constant 400 : i32
      %mul3A_204 = arith.muli %min3A_202, %mul3A_203 : i32
      %dma_wait3A_205 = tpu.memref_slice %arg3[%mul3A_204] : memref<3200000xi32, #tpu.memory_space<hbm>> -> memref<400xi32, #tpu.memory_space<hbm>>
      %dma_wait3A_206 = tpu.memref_slice %arg3[%mul3A_204] : memref<3200000xi32, #tpu.memory_space<hbm>> -> memref<400xi32, #tpu.memory_space<hbm>>
      tpu.wait_dma2 semaphore(%arg23 : memref<!tpu.dma_semaphore, #tpu.memory_space<semaphore_mem>>) src(%dma_wait3A_206 : memref<400xi32, #tpu.memory_space<hbm>>) dst(%arg16 : memref<400xi32, #tpu.memory_space<vmem>>)
      %dma_wait3A_207 = tpu.memref_slice %arg4[%mul3A_204] : memref<3200000xi32, #tpu.memory_space<hbm>> -> memref<400xi32, #tpu.memory_space<hbm>>
      %dma_wait3A_208 = tpu.memref_slice %arg4[%mul3A_204] : memref<3200000xi32, #tpu.memory_space<hbm>> -> memref<400xi32, #tpu.memory_space<hbm>>
      tpu.wait_dma2 semaphore(%arg23 : memref<!tpu.dma_semaphore, #tpu.memory_space<semaphore_mem>>) src(%dma_wait3A_208 : memref<400xi32, #tpu.memory_space<hbm>>) dst(%arg19 : memref<400xi32, #tpu.memory_space<vmem>>)
      %dma_wait3A_209 = arith.constant 0 : i32
      %dma_wait3A_210 = tpu.memref_slice %arg2[%dma_wait3A_209, %mul3A_204] : memref<9x3200000xf32, #tpu.memory_space<hbm>> -> memref<9x400xf32, #tpu.memory_space<hbm>>
      %dma_wait3A_211 = arith.constant 0 : i32
      %dma_wait3A_212 = tpu.memref_slice %arg2[%dma_wait3A_211, %mul3A_204] : memref<9x3200000xf32, #tpu.memory_space<hbm>> -> memref<9x400xf32, #tpu.memory_space<hbm>>
      tpu.wait_dma2 semaphore(%arg23 : memref<!tpu.dma_semaphore, #tpu.memory_space<semaphore_mem>>) src(%dma_wait3A_212 : memref<9x400xf32, #tpu.memory_space<hbm>>) dst(%arg10 : memref<9x400xf32, #tpu.memory_space<vmem>>)
      %dma_start3A_213 = arith.constant 0 : i32
      %dma_start3A_214 = arith.constant 0 : i32
      %dma_start3A_215 = tpu.memref_slice %arg5[%dma_start3A_213, %dma_start3A_214] : memref<320000x16xf32, #tpu.memory_space<hbm>> -> memref<320000x16xf32, #tpu.memory_space<hbm>>
      tpu.enqueue_indirect_dma source(%dma_start3A_215 : memref<320000x16xf32, #tpu.memory_space<hbm>>) target(%arg13 : memref<400x16xf32, #tpu.memory_space<vmem>>) offsets(%arg16 : memref<400xi32, #tpu.memory_space<vmem>>) semaphore(%arg26 : memref<!tpu.dma_semaphore, #tpu.memory_space<semaphore_mem>>)
      %add3A_216 = arith.constant 2 : i32
      %add3A_217 = arith.addi %add3A_198, %add3A_216 : i32
      %min3A_218 = arith.constant 7999 : i32
      %min3A_219 = arith.minsi %add3A_217, %min3A_218 : i32
      %mul3A_220 = arith.constant 400 : i32
      %mul3A_221 = arith.muli %min3A_219, %mul3A_220 : i32
      %dma_start3A_222 = tpu.memref_slice %arg3[%mul3A_221] : memref<3200000xi32, #tpu.memory_space<hbm>> -> memref<400xi32, #tpu.memory_space<hbm>>
      %dma_start3A_223 = tpu.memref_slice %arg3[%mul3A_221] : memref<3200000xi32, #tpu.memory_space<hbm>> -> memref<400xi32, #tpu.memory_space<hbm>>
      tpu.enqueue_dma source(%dma_start3A_223 : memref<400xi32, #tpu.memory_space<hbm>>) target(%arg17 : memref<400xi32, #tpu.memory_space<vmem>>) target_semaphore(%arg24 : memref<!tpu.dma_semaphore, #tpu.memory_space<semaphore_mem>>)
      %dma_start3A_224 = tpu.memref_slice %arg4[%mul3A_221] : memref<3200000xi32, #tpu.memory_space<hbm>> -> memref<400xi32, #tpu.memory_space<hbm>>
      %dma_start3A_225 = tpu.memref_slice %arg4[%mul3A_221] : memref<3200000xi32, #tpu.memory_space<hbm>> -> memref<400xi32, #tpu.memory_space<hbm>>
      tpu.enqueue_dma source(%dma_start3A_225 : memref<400xi32, #tpu.memory_space<hbm>>) target(%arg20 : memref<400xi32, #tpu.memory_space<vmem>>) target_semaphore(%arg24 : memref<!tpu.dma_semaphore, #tpu.memory_space<semaphore_mem>>)
      %dma_start3A_226 = arith.constant 0 : i32
      %dma_start3A_227 = tpu.memref_slice %arg2[%dma_start3A_226, %mul3A_221] : memref<9x3200000xf32, #tpu.memory_space<hbm>> -> memref<9x400xf32, #tpu.memory_space<hbm>>
      %dma_start3A_228 = arith.constant 0 : i32
      %dma_start3A_229 = tpu.memref_slice %arg2[%dma_start3A_228, %mul3A_221] : memref<9x3200000xf32, #tpu.memory_space<hbm>> -> memref<9x400xf32, #tpu.memory_space<hbm>>
      tpu.enqueue_dma source(%dma_start3A_229 : memref<9x400xf32, #tpu.memory_space<hbm>>) target(%arg11 : memref<9x400xf32, #tpu.memory_space<vmem>>) target_semaphore(%arg24 : memref<!tpu.dma_semaphore, #tpu.memory_space<semaphore_mem>>)
      %dma_wait3A_230 = arith.constant 0 : i32
      %dma_wait3A_231 = arith.constant 0 : i32
      %dma_wait3A_232 = tpu.memref_slice %arg5[%dma_wait3A_230, %dma_wait3A_231] : memref<320000x16xf32, #tpu.memory_space<hbm>> -> memref<320000x16xf32, #tpu.memory_space<hbm>>
      tpu.wait_indirect_dma semaphore(%arg25 : memref<!tpu.dma_semaphore, #tpu.memory_space<semaphore_mem>>) src(%dma_wait3A_232 : memref<320000x16xf32, #tpu.memory_space<hbm>>) dst(%arg12 : memref<400x16xf32, #tpu.memory_space<vmem>>)
      %mul3A_233 = arith.constant 400 : i32
      %mul3A_234 = arith.muli %add3A_198, %mul3A_233 : i32
      %parallel_loop3A_235 = arith.constant 0 : i32
      %parallel_loop3A_236 = arith.constant 25 : i32
      %parallel_loop3A_237 = arith.constant 1 : i32
      scf.for %parallel_loop3A_321 = %parallel_loop3A_235 to %parallel_loop3A_236 step %parallel_loop3A_237  : i32 {
        %parallel_loop3A_322 = arith.constant 16 : i32
        %parallel_loop3A_323 = arith.muli %parallel_loop3A_321, %parallel_loop3A_322 : i32
        %parallel_loop3A_324 = vector.broadcast %parallel_loop3A_323 : i32 to vector<16xi32>
        %parallel_loop3A_325 = arith.addi %parallel_loop3A_324, %iota3A : vector<16xi32>
        %parallel_loop3A_326 = arith.constant 16 : i32
        %parallel_loop3A_327 = arith.muli %parallel_loop3A_321, %parallel_loop3A_326 : i32
        %parallel_loop3A_328 = arith.index_cast %parallel_loop3A_327 : i32 to index
        %parallel_loop3A_329 = tpu.vector_load %arg18[%parallel_loop3A_328] {strides = array<i32>} : memref<400xi32, #tpu.memory_space<vmem>>, vector<16xi32>,
        %parallel_loop3A_330 = vector.broadcast %mul3A_234 : i32 to vector<16xi32>
        %parallel_loop3A_331 = arith.addi %parallel_loop3A_330, %parallel_loop3A_325 : vector<16xi32>
        %parallel_loop3A_332 = vector.broadcast %reduce_max3A_7 : i32 to vector<16xi32>
        %parallel_loop3A_333 = arith.cmpi sge, %parallel_loop3A_331, %parallel_loop3A_332 : vector<16xi32>
        %parallel_loop3A_334 = vector.broadcast %reduce_max3A_19 : i32 to vector<16xi32>
        %parallel_loop3A_335 = arith.cmpi slt, %parallel_loop3A_331, %parallel_loop3A_334 : vector<16xi32>
        %parallel_loop3A_336 = arith.andi %parallel_loop3A_333, %parallel_loop3A_335 : vector<16xi1>
        %parallel_loop3A_337 = vector.broadcast %mul3A_21 : i32 to vector<16xi32>
        %parallel_loop3A_338 = arith.subi %parallel_loop3A_329, %parallel_loop3A_337 : vector<16xi32>
        %parallel_loop3A_339 = arith.constant 0 : i32
        %parallel_loop3A_340 = arith.constant 9999 : i32
        %parallel_loop3A_341 = vector.broadcast %parallel_loop3A_339 : i32 to vector<16xi32>
        %parallel_loop3A_342 = arith.maxsi %parallel_loop3A_341, %parallel_loop3A_338 : vector<16xi32>
        %parallel_loop3A_343 = vector.broadcast %parallel_loop3A_340 : i32 to vector<16xi32>
        %parallel_loop3A_344 = arith.minsi %parallel_loop3A_343, %parallel_loop3A_342 : vector<16xi32>
        %parallel_loop3A_345 = arith.constant 16 : i32
        %parallel_loop3A_346 = arith.muli %parallel_loop3A_321, %parallel_loop3A_345 : i32
        %parallel_loop3A_347 = arith.constant 0 : i32
        %parallel_loop3A_348 = arith.index_cast %parallel_loop3A_347 : i32 to index
        %parallel_loop3A_349 = arith.index_cast %parallel_loop3A_346 : i32 to index
        %parallel_loop3A_350 = tpu.vector_load %arg9[%parallel_loop3A_348, %parallel_loop3A_349] {strides = array<i32>} : memref<9x400xf32, #tpu.memory_space<vmem>>, vector<16xf32>,
        %parallel_loop3A_351 = arith.constant 0 : i32
        %parallel_loop3A_352 = vector.broadcast %parallel_loop3A_351 : i32 to vector<16xi32>
        %parallel_loop3A_353 = tpu.vector_load_idx %arg12[%parallel_loop3A_325, %parallel_loop3A_352] : memref<400x16xf32, #tpu.memory_space<vmem>>[vector<16xi32>, vector<16xi32>], vector<16xf32>,
        %parallel_loop3A_354 = arith.constant 0 : i32
        %parallel_loop3A_355 = vector.broadcast %parallel_loop3A_354 : i32 to vector<16xi32>
        %parallel_loop3A_356 = arith.mulf %parallel_loop3A_350, %parallel_loop3A_353 : vector<16xf32>
        tpu.vector_store_idx %arg8[%parallel_loop3A_355, %parallel_loop3A_344], %parallel_loop3A_356 masked %parallel_loop3A_336 {add = true} : memref<9x10000xf32, #tpu.memory_space<vmem>>[vector<16xi32>, vector<16xi32>], vector<16xf32>, vector<16xi1>
        %parallel_loop3A_357 = arith.constant 16 : i32
        %parallel_loop3A_358 = arith.muli %parallel_loop3A_321, %parallel_loop3A_357 : i32
        %parallel_loop3A_359 = arith.constant 1 : i32
        %parallel_loop3A_360 = arith.index_cast %parallel_loop3A_359 : i32 to index
        %parallel_loop3A_361 = arith.index_cast %parallel_loop3A_358 : i32 to index
        %parallel_loop3A_362 = tpu.vector_load %arg9[%parallel_loop3A_360, %parallel_loop3A_361] {strides = array<i32>} : memref<9x400xf32, #tpu.memory_space<vmem>>, vector<16xf32>,
        %parallel_loop3A_363 = arith.constant 1 : i32
        %parallel_loop3A_364 = vector.broadcast %parallel_loop3A_363 : i32 to vector<16xi32>
        %parallel_loop3A_365 = tpu.vector_load_idx %arg12[%parallel_loop3A_325, %parallel_loop3A_364] : memref<400x16xf32, #tpu.memory_space<vmem>>[vector<16xi32>, vector<16xi32>], vector<16xf32>,
        %parallel_loop3A_366 = arith.constant 1 : i32
        %parallel_loop3A_367 = vector.broadcast %parallel_loop3A_366 : i32 to vector<16xi32>
        %parallel_loop3A_368 = arith.mulf %parallel_loop3A_362, %parallel_loop3A_365 : vector<16xf32>
        tpu.vector_store_idx %arg8[%parallel_loop3A_367, %parallel_loop3A_344], %parallel_loop3A_368 masked %parallel_loop3A_336 {add = true} : memref<9x10000xf32, #tpu.memory_space<vmem>>[vector<16xi32>, vector<16xi32>], vector<16xf32>, vector<16xi1>
        %parallel_loop3A_369 = arith.constant 16 : i32
        %parallel_loop3A_370 = arith.muli %parallel_loop3A_321, %parallel_loop3A_369 : i32
        %parallel_loop3A_371 = arith.constant 2 : i32
        %parallel_loop3A_372 = arith.index_cast %parallel_loop3A_371 : i32 to index
        %parallel_loop3A_373 = arith.index_cast %parallel_loop3A_370 : i32 to index
        %parallel_loop3A_374 = tpu.vector_load %arg9[%parallel_loop3A_372, %parallel_loop3A_373] {strides = array<i32>} : memref<9x400xf32, #tpu.memory_space<vmem>>, vector<16xf32>,
        %parallel_loop3A_375 = arith.constant 2 : i32
        %parallel_loop3A_376 = vector.broadcast %parallel_loop3A_375 : i32 to vector<16xi32>
        %parallel_loop3A_377 = tpu.vector_load_idx %arg12[%parallel_loop3A_325, %parallel_loop3A_376] : memref<400x16xf32, #tpu.memory_space<vmem>>[vector<16xi32>, vector<16xi32>], vector<16xf32>,
        %parallel_loop3A_378 = arith.constant 2 : i32
        %parallel_loop3A_379 = vector.broadcast %parallel_loop3A_378 : i32 to vector<16xi32>
        %parallel_loop3A_380 = arith.mulf %parallel_loop3A_374, %parallel_loop3A_377 : vector<16xf32>
        tpu.vector_store_idx %arg8[%parallel_loop3A_379, %parallel_loop3A_344], %parallel_loop3A_380 masked %parallel_loop3A_336 {add = true} : memref<9x10000xf32, #tpu.memory_space<vmem>>[vector<16xi32>, vector<16xi32>], vector<16xf32>, vector<16xi1>
        %parallel_loop3A_381 = arith.constant 16 : i32
        %parallel_loop3A_382 = arith.muli %parallel_loop3A_321, %parallel_loop3A_381 : i32
        %parallel_loop3A_383 = arith.constant 3 : i32
        %parallel_loop3A_384 = arith.index_cast %parallel_loop3A_383 : i32 to index
        %parallel_loop3A_385 = arith.index_cast %parallel_loop3A_382 : i32 to index
        %parallel_loop3A_386 = tpu.vector_load %arg9[%parallel_loop3A_384, %parallel_loop3A_385] {strides = array<i32>} : memref<9x400xf32, #tpu.memory_space<vmem>>, vector<16xf32>,
        %parallel_loop3A_387 = arith.constant 3 : i32
        %parallel_loop3A_388 = vector.broadcast %parallel_loop3A_387 : i32 to vector<16xi32>
        %parallel_loop3A_389 = tpu.vector_load_idx %arg12[%parallel_loop3A_325, %parallel_loop3A_388] : memref<400x16xf32, #tpu.memory_space<vmem>>[vector<16xi32>, vector<16xi32>], vector<16xf32>,
        %parallel_loop3A_390 = arith.constant 3 : i32
        %parallel_loop3A_391 = vector.broadcast %parallel_loop3A_390 : i32 to vector<16xi32>
        %parallel_loop3A_392 = arith.mulf %parallel_loop3A_386, %parallel_loop3A_389 : vector<16xf32>
        tpu.vector_store_idx %arg8[%parallel_loop3A_391, %parallel_loop3A_344], %parallel_loop3A_392 masked %parallel_loop3A_336 {add = true} : memref<9x10000xf32, #tpu.memory_space<vmem>>[vector<16xi32>, vector<16xi32>], vector<16xf32>, vector<16xi1>
        %parallel_loop3A_393 = arith.constant 16 : i32
        %parallel_loop3A_394 = arith.muli %parallel_loop3A_321, %parallel_loop3A_393 : i32
        %parallel_loop3A_395 = arith.constant 4 : i32
        %parallel_loop3A_396 = arith.index_cast %parallel_loop3A_395 : i32 to index
        %parallel_loop3A_397 = arith.index_cast %parallel_loop3A_394 : i32 to index
        %parallel_loop3A_398 = tpu.vector_load %arg9[%parallel_loop3A_396, %parallel_loop3A_397] {strides = array<i32>} : memref<9x400xf32, #tpu.memory_space<vmem>>, vector<16xf32>,
        %parallel_loop3A_399 = arith.constant 4 : i32
        %parallel_loop3A_400 = vector.broadcast %parallel_loop3A_399 : i32 to vector<16xi32>
        %parallel_loop3A_401 = tpu.vector_load_idx %arg12[%parallel_loop3A_325, %parallel_loop3A_400] : memref<400x16xf32, #tpu.memory_space<vmem>>[vector<16xi32>, vector<16xi32>], vector<16xf32>,
        %parallel_loop3A_402 = arith.constant 4 : i32
        %parallel_loop3A_403 = vector.broadcast %parallel_loop3A_402 : i32 to vector<16xi32>
        %parallel_loop3A_404 = arith.mulf %parallel_loop3A_398, %parallel_loop3A_401 : vector<16xf32>
        tpu.vector_store_idx %arg8[%parallel_loop3A_403, %parallel_loop3A_344], %parallel_loop3A_404 masked %parallel_loop3A_336 {add = true} : memref<9x10000xf32, #tpu.memory_space<vmem>>[vector<16xi32>, vector<16xi32>], vector<16xf32>, vector<16xi1>
        %parallel_loop3A_405 = arith.constant 16 : i32
        %parallel_loop3A_406 = arith.muli %parallel_loop3A_321, %parallel_loop3A_405 : i32
        %parallel_loop3A_407 = arith.constant 5 : i32
        %parallel_loop3A_408 = arith.index_cast %parallel_loop3A_407 : i32 to index
        %parallel_loop3A_409 = arith.index_cast %parallel_loop3A_406 : i32 to index
        %parallel_loop3A_410 = tpu.vector_load %arg9[%parallel_loop3A_408, %parallel_loop3A_409] {strides = array<i32>} : memref<9x400xf32, #tpu.memory_space<vmem>>, vector<16xf32>,
        %parallel_loop3A_411 = arith.constant 5 : i32
        %parallel_loop3A_412 = vector.broadcast %parallel_loop3A_411 : i32 to vector<16xi32>
        %parallel_loop3A_413 = tpu.vector_load_idx %arg12[%parallel_loop3A_325, %parallel_loop3A_412] : memref<400x16xf32, #tpu.memory_space<vmem>>[vector<16xi32>, vector<16xi32>], vector<16xf32>,
        %parallel_loop3A_414 = arith.constant 5 : i32
        %parallel_loop3A_415 = vector.broadcast %parallel_loop3A_414 : i32 to vector<16xi32>
        %parallel_loop3A_416 = arith.mulf %parallel_loop3A_410, %parallel_loop3A_413 : vector<16xf32>
        tpu.vector_store_idx %arg8[%parallel_loop3A_415, %parallel_loop3A_344], %parallel_loop3A_416 masked %parallel_loop3A_336 {add = true} : memref<9x10000xf32, #tpu.memory_space<vmem>>[vector<16xi32>, vector<16xi32>], vector<16xf32>, vector<16xi1>
        %parallel_loop3A_417 = arith.constant 16 : i32
        %parallel_loop3A_418 = arith.muli %parallel_loop3A_321, %parallel_loop3A_417 : i32
        %parallel_loop3A_419 = arith.constant 6 : i32
        %parallel_loop3A_420 = arith.index_cast %parallel_loop3A_419 : i32 to index
        %parallel_loop3A_421 = arith.index_cast %parallel_loop3A_418 : i32 to index
        %parallel_loop3A_422 = tpu.vector_load %arg9[%parallel_loop3A_420, %parallel_loop3A_421] {strides = array<i32>} : memref<9x400xf32, #tpu.memory_space<vmem>>, vector<16xf32>,
        %parallel_loop3A_423 = arith.constant 6 : i32
        %parallel_loop3A_424 = vector.broadcast %parallel_loop3A_423 : i32 to vector<16xi32>
        %parallel_loop3A_425 = tpu.vector_load_idx %arg12[%parallel_loop3A_325, %parallel_loop3A_424] : memref<400x16xf32, #tpu.memory_space<vmem>>[vector<16xi32>, vector<16xi32>], vector<16xf32>,
        %parallel_loop3A_426 = arith.constant 6 : i32
        %parallel_loop3A_427 = vector.broadcast %parallel_loop3A_426 : i32 to vector<16xi32>
        %parallel_loop3A_428 = arith.mulf %parallel_loop3A_422, %parallel_loop3A_425 : vector<16xf32>
        tpu.vector_store_idx %arg8[%parallel_loop3A_427, %parallel_loop3A_344], %parallel_loop3A_428 masked %parallel_loop3A_336 {add = true} : memref<9x10000xf32, #tpu.memory_space<vmem>>[vector<16xi32>, vector<16xi32>], vector<16xf32>, vector<16xi1>
        %parallel_loop3A_429 = arith.constant 16 : i32
        %parallel_loop3A_430 = arith.muli %parallel_loop3A_321, %parallel_loop3A_429 : i32
        %parallel_loop3A_431 = arith.constant 7 : i32
        %parallel_loop3A_432 = arith.index_cast %parallel_loop3A_431 : i32 to index
        %parallel_loop3A_433 = arith.index_cast %parallel_loop3A_430 : i32 to index
        %parallel_loop3A_434 = tpu.vector_load %arg9[%parallel_loop3A_432, %parallel_loop3A_433] {strides = array<i32>} : memref<9x400xf32, #tpu.memory_space<vmem>>, vector<16xf32>,
        %parallel_loop3A_435 = arith.constant 7 : i32
        %parallel_loop3A_436 = vector.broadcast %parallel_loop3A_435 : i32 to vector<16xi32>
        %parallel_loop3A_437 = tpu.vector_load_idx %arg12[%parallel_loop3A_325, %parallel_loop3A_436] : memref<400x16xf32, #tpu.memory_space<vmem>>[vector<16xi32>, vector<16xi32>], vector<16xf32>,
        %parallel_loop3A_438 = arith.constant 7 : i32
        %parallel_loop3A_439 = vector.broadcast %parallel_loop3A_438 : i32 to vector<16xi32>
        %parallel_loop3A_440 = arith.mulf %parallel_loop3A_434, %parallel_loop3A_437 : vector<16xf32>
        tpu.vector_store_idx %arg8[%parallel_loop3A_439, %parallel_loop3A_344], %parallel_loop3A_440 masked %parallel_loop3A_336 {add = true} : memref<9x10000xf32, #tpu.memory_space<vmem>>[vector<16xi32>, vector<16xi32>], vector<16xf32>, vector<16xi1>
        %parallel_loop3A_441 = arith.constant 16 : i32
        %parallel_loop3A_442 = arith.muli %parallel_loop3A_321, %parallel_loop3A_441 : i32
        %parallel_loop3A_443 = arith.constant 8 : i32
        %parallel_loop3A_444 = arith.index_cast %parallel_loop3A_443 : i32 to index
        %parallel_loop3A_445 = arith.index_cast %parallel_loop3A_442 : i32 to index
        %parallel_loop3A_446 = tpu.vector_load %arg9[%parallel_loop3A_444, %parallel_loop3A_445] {strides = array<i32>} : memref<9x400xf32, #tpu.memory_space<vmem>>, vector<16xf32>,
        %parallel_loop3A_447 = arith.constant 8 : i32
        %parallel_loop3A_448 = vector.broadcast %parallel_loop3A_447 : i32 to vector<16xi32>
        %parallel_loop3A_449 = tpu.vector_load_idx %arg12[%parallel_loop3A_325, %parallel_loop3A_448] : memref<400x16xf32, #tpu.memory_space<vmem>>[vector<16xi32>, vector<16xi32>], vector<16xf32>,
        %parallel_loop3A_450 = arith.constant 8 : i32
        %parallel_loop3A_451 = vector.broadcast %parallel_loop3A_450 : i32 to vector<16xi32>
        %parallel_loop3A_452 = arith.mulf %parallel_loop3A_446, %parallel_loop3A_449 : vector<16xf32>
        tpu.vector_store_idx %arg8[%parallel_loop3A_451, %parallel_loop3A_344], %parallel_loop3A_452 masked %parallel_loop3A_336 {add = true} : memref<9x10000xf32, #tpu.memory_space<vmem>>[vector<16xi32>, vector<16xi32>], vector<16xf32>, vector<16xi1>
      } {sc.loop_unroll_factor = 5 : i64, sc.parallel_access}
      %add3A_238 = arith.constant 1 : i32
      %add3A_239 = arith.addi %add3A_196, %add3A_238 : i32
      %add3A_240 = arith.constant 1 : i32
      %add3A_241 = arith.addi %add3A_239, %add3A_240 : i32
      %min3A_242 = arith.constant 7999 : i32
      %min3A_243 = arith.minsi %add3A_241, %min3A_242 : i32
      %mul3A_244 = arith.constant 400 : i32
      %mul3A_245 = arith.muli %min3A_243, %mul3A_244 : i32
      %dma_wait3A_246 = tpu.memref_slice %arg3[%mul3A_245] : memref<3200000xi32, #tpu.memory_space<hbm>> -> memref<400xi32, #tpu.memory_space<hbm>>
      %dma_wait3A_247 = tpu.memref_slice %arg3[%mul3A_245] : memref<3200000xi32, #tpu.memory_space<hbm>> -> memref<400xi32, #tpu.memory_space<hbm>>
      tpu.wait_dma2 semaphore(%arg24 : memref<!tpu.dma_semaphore, #tpu.memory_space<semaphore_mem>>) src(%dma_wait3A_247 : memref<400xi32, #tpu.memory_space<hbm>>) dst(%arg17 : memref<400xi32, #tpu.memory_space<vmem>>)
      %dma_wait3A_248 = tpu.memref_slice %arg4[%mul3A_245] : memref<3200000xi32, #tpu.memory_space<hbm>> -> memref<400xi32, #tpu.memory_space<hbm>>
      %dma_wait3A_249 = tpu.memref_slice %arg4[%mul3A_245] : memref<3200000xi32, #tpu.memory_space<hbm>> -> memref<400xi32, #tpu.memory_space<hbm>>
      tpu.wait_dma2 semaphore(%arg24 : memref<!tpu.dma_semaphore, #tpu.memory_space<semaphore_mem>>) src(%dma_wait3A_249 : memref<400xi32, #tpu.memory_space<hbm>>) dst(%arg20 : memref<400xi32, #tpu.memory_space<vmem>>)
      %dma_wait3A_250 = arith.constant 0 : i32
      %dma_wait3A_251 = tpu.memref_slice %arg2[%dma_wait3A_250, %mul3A_245] : memref<9x3200000xf32, #tpu.memory_space<hbm>> -> memref<9x400xf32, #tpu.memory_space<hbm>>
      %dma_wait3A_252 = arith.constant 0 : i32
      %dma_wait3A_253 = tpu.memref_slice %arg2[%dma_wait3A_252, %mul3A_245] : memref<9x3200000xf32, #tpu.memory_space<hbm>> -> memref<9x400xf32, #tpu.memory_space<hbm>>
      tpu.wait_dma2 semaphore(%arg24 : memref<!tpu.dma_semaphore, #tpu.memory_space<semaphore_mem>>) src(%dma_wait3A_253 : memref<9x400xf32, #tpu.memory_space<hbm>>) dst(%arg11 : memref<9x400xf32, #tpu.memory_space<vmem>>)
      %dma_start3A_254 = arith.constant 0 : i32
      %dma_start3A_255 = arith.constant 0 : i32
      %dma_start3A_256 = tpu.memref_slice %arg5[%dma_start3A_254, %dma_start3A_255] : memref<320000x16xf32, #tpu.memory_space<hbm>> -> memref<320000x16xf32, #tpu.memory_space<hbm>>
      tpu.enqueue_indirect_dma source(%dma_start3A_256 : memref<320000x16xf32, #tpu.memory_space<hbm>>) target(%arg14 : memref<400x16xf32, #tpu.memory_space<vmem>>) offsets(%arg17 : memref<400xi32, #tpu.memory_space<vmem>>) semaphore(%arg27 : memref<!tpu.dma_semaphore, #tpu.memory_space<semaphore_mem>>)
      %add3A_257 = arith.constant 2 : i32
      %add3A_258 = arith.addi %add3A_239, %add3A_257 : i32
      %min3A_259 = arith.constant 7999 : i32
      %min3A_260 = arith.minsi %add3A_258, %min3A_259 : i32
      %mul3A_261 = arith.constant 400 : i32
      %mul3A_262 = arith.muli %min3A_260, %mul3A_261 : i32
      %dma_start3A_263 = tpu.memref_slice %arg3[%mul3A_262] : memref<3200000xi32, #tpu.memory_space<hbm>> -> memref<400xi32, #tpu.memory_space<hbm>>
      %dma_start3A_264 = tpu.memref_slice %arg3[%mul3A_262] : memref<3200000xi32, #tpu.memory_space<hbm>> -> memref<400xi32, #tpu.memory_space<hbm>>
      tpu.enqueue_dma source(%dma_start3A_264 : memref<400xi32, #tpu.memory_space<hbm>>) target(%arg15 : memref<400xi32, #tpu.memory_space<vmem>>) target_semaphore(%arg22 : memref<!tpu.dma_semaphore, #tpu.memory_space<semaphore_mem>>)
      %dma_start3A_265 = tpu.memref_slice %arg4[%mul3A_262] : memref<3200000xi32, #tpu.memory_space<hbm>> -> memref<400xi32, #tpu.memory_space<hbm>>
      %dma_start3A_266 = tpu.memref_slice %arg4[%mul3A_262] : memref<3200000xi32, #tpu.memory_space<hbm>> -> memref<400xi32, #tpu.memory_space<hbm>>
      tpu.enqueue_dma source(%dma_start3A_266 : memref<400xi32, #tpu.memory_space<hbm>>) target(%arg18 : memref<400xi32, #tpu.memory_space<vmem>>) target_semaphore(%arg22 : memref<!tpu.dma_semaphore, #tpu.memory_space<semaphore_mem>>)
      %dma_start3A_267 = arith.constant 0 : i32
      %dma_start3A_268 = tpu.memref_slice %arg2[%dma_start3A_267, %mul3A_262] : memref<9x3200000xf32, #tpu.memory_space<hbm>> -> memref<9x400xf32, #tpu.memory_space<hbm>>
      %dma_start3A_269 = arith.constant 0 : i32
      %dma_start3A_270 = tpu.memref_slice %arg2[%dma_start3A_269, %mul3A_262] : memref<9x3200000xf32, #tpu.memory_space<hbm>> -> memref<9x400xf32, #tpu.memory_space<hbm>>
      tpu.enqueue_dma source(%dma_start3A_270 : memref<9x400xf32, #tpu.memory_space<hbm>>) target(%arg9 : memref<9x400xf32, #tpu.memory_space<vmem>>) target_semaphore(%arg22 : memref<!tpu.dma_semaphore, #tpu.memory_space<semaphore_mem>>)
      %dma_wait3A_271 = arith.constant 0 : i32
      %dma_wait3A_272 = arith.constant 0 : i32
      %dma_wait3A_273 = tpu.memref_slice %arg5[%dma_wait3A_271, %dma_wait3A_272] : memref<320000x16xf32, #tpu.memory_space<hbm>> -> memref<320000x16xf32, #tpu.memory_space<hbm>>
      tpu.wait_indirect_dma semaphore(%arg26 : memref<!tpu.dma_semaphore, #tpu.memory_space<semaphore_mem>>) src(%dma_wait3A_273 : memref<320000x16xf32, #tpu.memory_space<hbm>>) dst(%arg13 : memref<400x16xf32, #tpu.memory_space<vmem>>)
      %mul3A_274 = arith.constant 400 : i32
      %mul3A_275 = arith.muli %add3A_239, %mul3A_274 : i32
      %parallel_loop3A_276 = arith.constant 0 : i32
      %parallel_loop3A_277 = arith.constant 25 : i32
      %parallel_loop3A_278 = arith.constant 1 : i32
      scf.for %parallel_loop3A_321 = %parallel_loop3A_276 to %parallel_loop3A_277 step %parallel_loop3A_278  : i32 {
        %parallel_loop3A_322 = arith.constant 16 : i32
        %parallel_loop3A_323 = arith.muli %parallel_loop3A_321, %parallel_loop3A_322 : i32
        %parallel_loop3A_324 = vector.broadcast %parallel_loop3A_323 : i32 to vector<16xi32>
        %parallel_loop3A_325 = arith.addi %parallel_loop3A_324, %iota3A : vector<16xi32>
        %parallel_loop3A_326 = arith.constant 16 : i32
        %parallel_loop3A_327 = arith.muli %parallel_loop3A_321, %parallel_loop3A_326 : i32
        %parallel_loop3A_328 = arith.index_cast %parallel_loop3A_327 : i32 to index
        %parallel_loop3A_329 = tpu.vector_load %arg19[%parallel_loop3A_328] {strides = array<i32>} : memref<400xi32, #tpu.memory_space<vmem>>, vector<16xi32>,
        %parallel_loop3A_330 = vector.broadcast %mul3A_275 : i32 to vector<16xi32>
        %parallel_loop3A_331 = arith.addi %parallel_loop3A_330, %parallel_loop3A_325 : vector<16xi32>
        %parallel_loop3A_332 = vector.broadcast %reduce_max3A_7 : i32 to vector<16xi32>
        %parallel_loop3A_333 = arith.cmpi sge, %parallel_loop3A_331, %parallel_loop3A_332 : vector<16xi32>
        %parallel_loop3A_334 = vector.broadcast %reduce_max3A_19 : i32 to vector<16xi32>
        %parallel_loop3A_335 = arith.cmpi slt, %parallel_loop3A_331, %parallel_loop3A_334 : vector<16xi32>
        %parallel_loop3A_336 = arith.andi %parallel_loop3A_333, %parallel_loop3A_335 : vector<16xi1>
        %parallel_loop3A_337 = vector.broadcast %mul3A_21 : i32 to vector<16xi32>
        %parallel_loop3A_338 = arith.subi %parallel_loop3A_329, %parallel_loop3A_337 : vector<16xi32>
        %parallel_loop3A_339 = arith.constant 0 : i32
        %parallel_loop3A_340 = arith.constant 9999 : i32
        %parallel_loop3A_341 = vector.broadcast %parallel_loop3A_339 : i32 to vector<16xi32>
        %parallel_loop3A_342 = arith.maxsi %parallel_loop3A_341, %parallel_loop3A_338 : vector<16xi32>
        %parallel_loop3A_343 = vector.broadcast %parallel_loop3A_340 : i32 to vector<16xi32>
        %parallel_loop3A_344 = arith.minsi %parallel_loop3A_343, %parallel_loop3A_342 : vector<16xi32>
        %parallel_loop3A_345 = arith.constant 16 : i32
        %parallel_loop3A_346 = arith.muli %parallel_loop3A_321, %parallel_loop3A_345 : i32
        %parallel_loop3A_347 = arith.constant 0 : i32
        %parallel_loop3A_348 = arith.index_cast %parallel_loop3A_347 : i32 to index
        %parallel_loop3A_349 = arith.index_cast %parallel_loop3A_346 : i32 to index
        %parallel_loop3A_350 = tpu.vector_load %arg10[%parallel_loop3A_348, %parallel_loop3A_349] {strides = array<i32>} : memref<9x400xf32, #tpu.memory_space<vmem>>, vector<16xf32>,
        %parallel_loop3A_351 = arith.constant 0 : i32
        %parallel_loop3A_352 = vector.broadcast %parallel_loop3A_351 : i32 to vector<16xi32>
        %parallel_loop3A_353 = tpu.vector_load_idx %arg13[%parallel_loop3A_325, %parallel_loop3A_352] : memref<400x16xf32, #tpu.memory_space<vmem>>[vector<16xi32>, vector<16xi32>], vector<16xf32>,
        %parallel_loop3A_354 = arith.constant 0 : i32
        %parallel_loop3A_355 = vector.broadcast %parallel_loop3A_354 : i32 to vector<16xi32>
        %parallel_loop3A_356 = arith.mulf %parallel_loop3A_350, %parallel_loop3A_353 : vector<16xf32>
        tpu.vector_store_idx %arg8[%parallel_loop3A_355, %parallel_loop3A_344], %parallel_loop3A_356 masked %parallel_loop3A_336 {add = true} : memref<9x10000xf32, #tpu.memory_space<vmem>>[vector<16xi32>, vector<16xi32>], vector<16xf32>, vector<16xi1>
        %parallel_loop3A_357 = arith.constant 16 : i32
        %parallel_loop3A_358 = arith.muli %parallel_loop3A_321, %parallel_loop3A_357 : i32
        %parallel_loop3A_359 = arith.constant 1 : i32
        %parallel_loop3A_360 = arith.index_cast %parallel_loop3A_359 : i32 to index
        %parallel_loop3A_361 = arith.index_cast %parallel_loop3A_358 : i32 to index
        %parallel_loop3A_362 = tpu.vector_load %arg10[%parallel_loop3A_360, %parallel_loop3A_361] {strides = array<i32>} : memref<9x400xf32, #tpu.memory_space<vmem>>, vector<16xf32>,
        %parallel_loop3A_363 = arith.constant 1 : i32
        %parallel_loop3A_364 = vector.broadcast %parallel_loop3A_363 : i32 to vector<16xi32>
        %parallel_loop3A_365 = tpu.vector_load_idx %arg13[%parallel_loop3A_325, %parallel_loop3A_364] : memref<400x16xf32, #tpu.memory_space<vmem>>[vector<16xi32>, vector<16xi32>], vector<16xf32>,
        %parallel_loop3A_366 = arith.constant 1 : i32
        %parallel_loop3A_367 = vector.broadcast %parallel_loop3A_366 : i32 to vector<16xi32>
        %parallel_loop3A_368 = arith.mulf %parallel_loop3A_362, %parallel_loop3A_365 : vector<16xf32>
        tpu.vector_store_idx %arg8[%parallel_loop3A_367, %parallel_loop3A_344], %parallel_loop3A_368 masked %parallel_loop3A_336 {add = true} : memref<9x10000xf32, #tpu.memory_space<vmem>>[vector<16xi32>, vector<16xi32>], vector<16xf32>, vector<16xi1>
        %parallel_loop3A_369 = arith.constant 16 : i32
        %parallel_loop3A_370 = arith.muli %parallel_loop3A_321, %parallel_loop3A_369 : i32
        %parallel_loop3A_371 = arith.constant 2 : i32
        %parallel_loop3A_372 = arith.index_cast %parallel_loop3A_371 : i32 to index
        %parallel_loop3A_373 = arith.index_cast %parallel_loop3A_370 : i32 to index
        %parallel_loop3A_374 = tpu.vector_load %arg10[%parallel_loop3A_372, %parallel_loop3A_373] {strides = array<i32>} : memref<9x400xf32, #tpu.memory_space<vmem>>, vector<16xf32>,
        %parallel_loop3A_375 = arith.constant 2 : i32
        %parallel_loop3A_376 = vector.broadcast %parallel_loop3A_375 : i32 to vector<16xi32>
        %parallel_loop3A_377 = tpu.vector_load_idx %arg13[%parallel_loop3A_325, %parallel_loop3A_376] : memref<400x16xf32, #tpu.memory_space<vmem>>[vector<16xi32>, vector<16xi32>], vector<16xf32>,
        %parallel_loop3A_378 = arith.constant 2 : i32
        %parallel_loop3A_379 = vector.broadcast %parallel_loop3A_378 : i32 to vector<16xi32>
        %parallel_loop3A_380 = arith.mulf %parallel_loop3A_374, %parallel_loop3A_377 : vector<16xf32>
        tpu.vector_store_idx %arg8[%parallel_loop3A_379, %parallel_loop3A_344], %parallel_loop3A_380 masked %parallel_loop3A_336 {add = true} : memref<9x10000xf32, #tpu.memory_space<vmem>>[vector<16xi32>, vector<16xi32>], vector<16xf32>, vector<16xi1>
        %parallel_loop3A_381 = arith.constant 16 : i32
        %parallel_loop3A_382 = arith.muli %parallel_loop3A_321, %parallel_loop3A_381 : i32
        %parallel_loop3A_383 = arith.constant 3 : i32
        %parallel_loop3A_384 = arith.index_cast %parallel_loop3A_383 : i32 to index
        %parallel_loop3A_385 = arith.index_cast %parallel_loop3A_382 : i32 to index
        %parallel_loop3A_386 = tpu.vector_load %arg10[%parallel_loop3A_384, %parallel_loop3A_385] {strides = array<i32>} : memref<9x400xf32, #tpu.memory_space<vmem>>, vector<16xf32>,
        %parallel_loop3A_387 = arith.constant 3 : i32
        %parallel_loop3A_388 = vector.broadcast %parallel_loop3A_387 : i32 to vector<16xi32>
        %parallel_loop3A_389 = tpu.vector_load_idx %arg13[%parallel_loop3A_325, %parallel_loop3A_388] : memref<400x16xf32, #tpu.memory_space<vmem>>[vector<16xi32>, vector<16xi32>], vector<16xf32>,
        %parallel_loop3A_390 = arith.constant 3 : i32
        %parallel_loop3A_391 = vector.broadcast %parallel_loop3A_390 : i32 to vector<16xi32>
        %parallel_loop3A_392 = arith.mulf %parallel_loop3A_386, %parallel_loop3A_389 : vector<16xf32>
        tpu.vector_store_idx %arg8[%parallel_loop3A_391, %parallel_loop3A_344], %parallel_loop3A_392 masked %parallel_loop3A_336 {add = true} : memref<9x10000xf32, #tpu.memory_space<vmem>>[vector<16xi32>, vector<16xi32>], vector<16xf32>, vector<16xi1>
        %parallel_loop3A_393 = arith.constant 16 : i32
        %parallel_loop3A_394 = arith.muli %parallel_loop3A_321, %parallel_loop3A_393 : i32
        %parallel_loop3A_395 = arith.constant 4 : i32
        %parallel_loop3A_396 = arith.index_cast %parallel_loop3A_395 : i32 to index
        %parallel_loop3A_397 = arith.index_cast %parallel_loop3A_394 : i32 to index
        %parallel_loop3A_398 = tpu.vector_load %arg10[%parallel_loop3A_396, %parallel_loop3A_397] {strides = array<i32>} : memref<9x400xf32, #tpu.memory_space<vmem>>, vector<16xf32>,
        %parallel_loop3A_399 = arith.constant 4 : i32
        %parallel_loop3A_400 = vector.broadcast %parallel_loop3A_399 : i32 to vector<16xi32>
        %parallel_loop3A_401 = tpu.vector_load_idx %arg13[%parallel_loop3A_325, %parallel_loop3A_400] : memref<400x16xf32, #tpu.memory_space<vmem>>[vector<16xi32>, vector<16xi32>], vector<16xf32>,
        %parallel_loop3A_402 = arith.constant 4 : i32
        %parallel_loop3A_403 = vector.broadcast %parallel_loop3A_402 : i32 to vector<16xi32>
        %parallel_loop3A_404 = arith.mulf %parallel_loop3A_398, %parallel_loop3A_401 : vector<16xf32>
        tpu.vector_store_idx %arg8[%parallel_loop3A_403, %parallel_loop3A_344], %parallel_loop3A_404 masked %parallel_loop3A_336 {add = true} : memref<9x10000xf32, #tpu.memory_space<vmem>>[vector<16xi32>, vector<16xi32>], vector<16xf32>, vector<16xi1>
        %parallel_loop3A_405 = arith.constant 16 : i32
        %parallel_loop3A_406 = arith.muli %parallel_loop3A_321, %parallel_loop3A_405 : i32
        %parallel_loop3A_407 = arith.constant 5 : i32
        %parallel_loop3A_408 = arith.index_cast %parallel_loop3A_407 : i32 to index
        %parallel_loop3A_409 = arith.index_cast %parallel_loop3A_406 : i32 to index
        %parallel_loop3A_410 = tpu.vector_load %arg10[%parallel_loop3A_408, %parallel_loop3A_409] {strides = array<i32>} : memref<9x400xf32, #tpu.memory_space<vmem>>, vector<16xf32>,
        %parallel_loop3A_411 = arith.constant 5 : i32
        %parallel_loop3A_412 = vector.broadcast %parallel_loop3A_411 : i32 to vector<16xi32>
        %parallel_loop3A_413 = tpu.vector_load_idx %arg13[%parallel_loop3A_325, %parallel_loop3A_412] : memref<400x16xf32, #tpu.memory_space<vmem>>[vector<16xi32>, vector<16xi32>], vector<16xf32>,
        %parallel_loop3A_414 = arith.constant 5 : i32
        %parallel_loop3A_415 = vector.broadcast %parallel_loop3A_414 : i32 to vector<16xi32>
        %parallel_loop3A_416 = arith.mulf %parallel_loop3A_410, %parallel_loop3A_413 : vector<16xf32>
        tpu.vector_store_idx %arg8[%parallel_loop3A_415, %parallel_loop3A_344], %parallel_loop3A_416 masked %parallel_loop3A_336 {add = true} : memref<9x10000xf32, #tpu.memory_space<vmem>>[vector<16xi32>, vector<16xi32>], vector<16xf32>, vector<16xi1>
        %parallel_loop3A_417 = arith.constant 16 : i32
        %parallel_loop3A_418 = arith.muli %parallel_loop3A_321, %parallel_loop3A_417 : i32
        %parallel_loop3A_419 = arith.constant 6 : i32
        %parallel_loop3A_420 = arith.index_cast %parallel_loop3A_419 : i32 to index
        %parallel_loop3A_421 = arith.index_cast %parallel_loop3A_418 : i32 to index
        %parallel_loop3A_422 = tpu.vector_load %arg10[%parallel_loop3A_420, %parallel_loop3A_421] {strides = array<i32>} : memref<9x400xf32, #tpu.memory_space<vmem>>, vector<16xf32>,
        %parallel_loop3A_423 = arith.constant 6 : i32
        %parallel_loop3A_424 = vector.broadcast %parallel_loop3A_423 : i32 to vector<16xi32>
        %parallel_loop3A_425 = tpu.vector_load_idx %arg13[%parallel_loop3A_325, %parallel_loop3A_424] : memref<400x16xf32, #tpu.memory_space<vmem>>[vector<16xi32>, vector<16xi32>], vector<16xf32>,
        %parallel_loop3A_426 = arith.constant 6 : i32
        %parallel_loop3A_427 = vector.broadcast %parallel_loop3A_426 : i32 to vector<16xi32>
        %parallel_loop3A_428 = arith.mulf %parallel_loop3A_422, %parallel_loop3A_425 : vector<16xf32>
        tpu.vector_store_idx %arg8[%parallel_loop3A_427, %parallel_loop3A_344], %parallel_loop3A_428 masked %parallel_loop3A_336 {add = true} : memref<9x10000xf32, #tpu.memory_space<vmem>>[vector<16xi32>, vector<16xi32>], vector<16xf32>, vector<16xi1>
        %parallel_loop3A_429 = arith.constant 16 : i32
        %parallel_loop3A_430 = arith.muli %parallel_loop3A_321, %parallel_loop3A_429 : i32
        %parallel_loop3A_431 = arith.constant 7 : i32
        %parallel_loop3A_432 = arith.index_cast %parallel_loop3A_431 : i32 to index
        %parallel_loop3A_433 = arith.index_cast %parallel_loop3A_430 : i32 to index
        %parallel_loop3A_434 = tpu.vector_load %arg10[%parallel_loop3A_432, %parallel_loop3A_433] {strides = array<i32>} : memref<9x400xf32, #tpu.memory_space<vmem>>, vector<16xf32>,
        %parallel_loop3A_435 = arith.constant 7 : i32
        %parallel_loop3A_436 = vector.broadcast %parallel_loop3A_435 : i32 to vector<16xi32>
        %parallel_loop3A_437 = tpu.vector_load_idx %arg13[%parallel_loop3A_325, %parallel_loop3A_436] : memref<400x16xf32, #tpu.memory_space<vmem>>[vector<16xi32>, vector<16xi32>], vector<16xf32>,
        %parallel_loop3A_438 = arith.constant 7 : i32
        %parallel_loop3A_439 = vector.broadcast %parallel_loop3A_438 : i32 to vector<16xi32>
        %parallel_loop3A_440 = arith.mulf %parallel_loop3A_434, %parallel_loop3A_437 : vector<16xf32>
        tpu.vector_store_idx %arg8[%parallel_loop3A_439, %parallel_loop3A_344], %parallel_loop3A_440 masked %parallel_loop3A_336 {add = true} : memref<9x10000xf32, #tpu.memory_space<vmem>>[vector<16xi32>, vector<16xi32>], vector<16xf32>, vector<16xi1>
        %parallel_loop3A_441 = arith.constant 16 : i32
        %parallel_loop3A_442 = arith.muli %parallel_loop3A_321, %parallel_loop3A_441 : i32
        %parallel_loop3A_443 = arith.constant 8 : i32
        %parallel_loop3A_444 = arith.index_cast %parallel_loop3A_443 : i32 to index
        %parallel_loop3A_445 = arith.index_cast %parallel_loop3A_442 : i32 to index
        %parallel_loop3A_446 = tpu.vector_load %arg10[%parallel_loop3A_444, %parallel_loop3A_445] {strides = array<i32>} : memref<9x400xf32, #tpu.memory_space<vmem>>, vector<16xf32>,
        %parallel_loop3A_447 = arith.constant 8 : i32
        %parallel_loop3A_448 = vector.broadcast %parallel_loop3A_447 : i32 to vector<16xi32>
        %parallel_loop3A_449 = tpu.vector_load_idx %arg13[%parallel_loop3A_325, %parallel_loop3A_448] : memref<400x16xf32, #tpu.memory_space<vmem>>[vector<16xi32>, vector<16xi32>], vector<16xf32>,
        %parallel_loop3A_450 = arith.constant 8 : i32
        %parallel_loop3A_451 = vector.broadcast %parallel_loop3A_450 : i32 to vector<16xi32>
        %parallel_loop3A_452 = arith.mulf %parallel_loop3A_446, %parallel_loop3A_449 : vector<16xf32>
        tpu.vector_store_idx %arg8[%parallel_loop3A_451, %parallel_loop3A_344], %parallel_loop3A_452 masked %parallel_loop3A_336 {add = true} : memref<9x10000xf32, #tpu.memory_space<vmem>>[vector<16xi32>, vector<16xi32>], vector<16xf32>, vector<16xi1>
      } {sc.loop_unroll_factor = 5 : i64, sc.parallel_access}
      %add3A_279 = arith.constant 2 : i32
      %add3A_280 = arith.addi %add3A_196, %add3A_279 : i32
      %add3A_281 = arith.constant 1 : i32
      %add3A_282 = arith.addi %add3A_280, %add3A_281 : i32
      %min3A_283 = arith.constant 7999 : i32
      %min3A_284 = arith.minsi %add3A_282, %min3A_283 : i32
      %mul3A_285 = arith.constant 400 : i32
      %mul3A_286 = arith.muli %min3A_284, %mul3A_285 : i32
      %dma_wait3A_287 = tpu.memref_slice %arg3[%mul3A_286] : memref<3200000xi32, #tpu.memory_space<hbm>> -> memref<400xi32, #tpu.memory_space<hbm>>
      %dma_wait3A_288 = tpu.memref_slice %arg3[%mul3A_286] : memref<3200000xi32, #tpu.memory_space<hbm>> -> memref<400xi32, #tpu.memory_space<hbm>>
      tpu.wait_dma2 semaphore(%arg22 : memref<!tpu.dma_semaphore, #tpu.memory_space<semaphore_mem>>) src(%dma_wait3A_288 : memref<400xi32, #tpu.memory_space<hbm>>) dst(%arg15 : memref<400xi32, #tpu.memory_space<vmem>>)
      %dma_wait3A_289 = tpu.memref_slice %arg4[%mul3A_286] : memref<3200000xi32, #tpu.memory_space<hbm>> -> memref<400xi32, #tpu.memory_space<hbm>>
      %dma_wait3A_290 = tpu.memref_slice %arg4[%mul3A_286] : memref<3200000xi32, #tpu.memory_space<hbm>> -> memref<400xi32, #tpu.memory_space<hbm>>
      tpu.wait_dma2 semaphore(%arg22 : memref<!tpu.dma_semaphore, #tpu.memory_space<semaphore_mem>>) src(%dma_wait3A_290 : memref<400xi32, #tpu.memory_space<hbm>>) dst(%arg18 : memref<400xi32, #tpu.memory_space<vmem>>)
      %dma_wait3A_291 = arith.constant 0 : i32
      %dma_wait3A_292 = tpu.memref_slice %arg2[%dma_wait3A_291, %mul3A_286] : memref<9x3200000xf32, #tpu.memory_space<hbm>> -> memref<9x400xf32, #tpu.memory_space<hbm>>
      %dma_wait3A_293 = arith.constant 0 : i32
      %dma_wait3A_294 = tpu.memref_slice %arg2[%dma_wait3A_293, %mul3A_286] : memref<9x3200000xf32, #tpu.memory_space<hbm>> -> memref<9x400xf32, #tpu.memory_space<hbm>>
      tpu.wait_dma2 semaphore(%arg22 : memref<!tpu.dma_semaphore, #tpu.memory_space<semaphore_mem>>) src(%dma_wait3A_294 : memref<9x400xf32, #tpu.memory_space<hbm>>) dst(%arg9 : memref<9x400xf32, #tpu.memory_space<vmem>>)
      %dma_start3A_295 = arith.constant 0 : i32
      %dma_start3A_296 = arith.constant 0 : i32
      %dma_start3A_297 = tpu.memref_slice %arg5[%dma_start3A_295, %dma_start3A_296] : memref<320000x16xf32, #tpu.memory_space<hbm>> -> memref<320000x16xf32, #tpu.memory_space<hbm>>
      tpu.enqueue_indirect_dma source(%dma_start3A_297 : memref<320000x16xf32, #tpu.memory_space<hbm>>) target(%arg12 : memref<400x16xf32, #tpu.memory_space<vmem>>) offsets(%arg15 : memref<400xi32, #tpu.memory_space<vmem>>) semaphore(%arg25 : memref<!tpu.dma_semaphore, #tpu.memory_space<semaphore_mem>>)
      %add3A_298 = arith.constant 2 : i32
      %add3A_299 = arith.addi %add3A_280, %add3A_298 : i32
      %min3A_300 = arith.constant 7999 : i32
      %min3A_301 = arith.minsi %add3A_299, %min3A_300 : i32
      %mul3A_302 = arith.constant 400 : i32
      %mul3A_303 = arith.muli %min3A_301, %mul3A_302 : i32
      %dma_start3A_304 = tpu.memref_slice %arg3[%mul3A_303] : memref<3200000xi32, #tpu.memory_space<hbm>> -> memref<400xi32, #tpu.memory_space<hbm>>
      %dma_start3A_305 = tpu.memref_slice %arg3[%mul3A_303] : memref<3200000xi32, #tpu.memory_space<hbm>> -> memref<400xi32, #tpu.memory_space<hbm>>
      tpu.enqueue_dma source(%dma_start3A_305 : memref<400xi32, #tpu.memory_space<hbm>>) target(%arg16 : memref<400xi32, #tpu.memory_space<vmem>>) target_semaphore(%arg23 : memref<!tpu.dma_semaphore, #tpu.memory_space<semaphore_mem>>)
      %dma_start3A_306 = tpu.memref_slice %arg4[%mul3A_303] : memref<3200000xi32, #tpu.memory_space<hbm>> -> memref<400xi32, #tpu.memory_space<hbm>>
      %dma_start3A_307 = tpu.memref_slice %arg4[%mul3A_303] : memref<3200000xi32, #tpu.memory_space<hbm>> -> memref<400xi32, #tpu.memory_space<hbm>>
      tpu.enqueue_dma source(%dma_start3A_307 : memref<400xi32, #tpu.memory_space<hbm>>) target(%arg19 : memref<400xi32, #tpu.memory_space<vmem>>) target_semaphore(%arg23 : memref<!tpu.dma_semaphore, #tpu.memory_space<semaphore_mem>>)
      %dma_start3A_308 = arith.constant 0 : i32
      %dma_start3A_309 = tpu.memref_slice %arg2[%dma_start3A_308, %mul3A_303] : memref<9x3200000xf32, #tpu.memory_space<hbm>> -> memref<9x400xf32, #tpu.memory_space<hbm>>
      %dma_start3A_310 = arith.constant 0 : i32
      %dma_start3A_311 = tpu.memref_slice %arg2[%dma_start3A_310, %mul3A_303] : memref<9x3200000xf32, #tpu.memory_space<hbm>> -> memref<9x400xf32, #tpu.memory_space<hbm>>
      tpu.enqueue_dma source(%dma_start3A_311 : memref<9x400xf32, #tpu.memory_space<hbm>>) target(%arg10 : memref<9x400xf32, #tpu.memory_space<vmem>>) target_semaphore(%arg23 : memref<!tpu.dma_semaphore, #tpu.memory_space<semaphore_mem>>)
      %dma_wait3A_312 = arith.constant 0 : i32
      %dma_wait3A_313 = arith.constant 0 : i32
      %dma_wait3A_314 = tpu.memref_slice %arg5[%dma_wait3A_312, %dma_wait3A_313] : memref<320000x16xf32, #tpu.memory_space<hbm>> -> memref<320000x16xf32, #tpu.memory_space<hbm>>
      tpu.wait_indirect_dma semaphore(%arg27 : memref<!tpu.dma_semaphore, #tpu.memory_space<semaphore_mem>>) src(%dma_wait3A_314 : memref<320000x16xf32, #tpu.memory_space<hbm>>) dst(%arg14 : memref<400x16xf32, #tpu.memory_space<vmem>>)
      %mul3A_315 = arith.constant 400 : i32
      %mul3A_316 = arith.muli %add3A_280, %mul3A_315 : i32
      %parallel_loop3A_317 = arith.constant 0 : i32
      %parallel_loop3A_318 = arith.constant 25 : i32
      %parallel_loop3A_319 = arith.constant 1 : i32
      scf.for %parallel_loop3A_321 = %parallel_loop3A_317 to %parallel_loop3A_318 step %parallel_loop3A_319  : i32 {
        %parallel_loop3A_322 = arith.constant 16 : i32
        %parallel_loop3A_323 = arith.muli %parallel_loop3A_321, %parallel_loop3A_322 : i32
        %parallel_loop3A_324 = vector.broadcast %parallel_loop3A_323 : i32 to vector<16xi32>
        %parallel_loop3A_325 = arith.addi %parallel_loop3A_324, %iota3A : vector<16xi32>
        %parallel_loop3A_326 = arith.constant 16 : i32
        %parallel_loop3A_327 = arith.muli %parallel_loop3A_321, %parallel_loop3A_326 : i32
        %parallel_loop3A_328 = arith.index_cast %parallel_loop3A_327 : i32 to index
        %parallel_loop3A_329 = tpu.vector_load %arg20[%parallel_loop3A_328] {strides = array<i32>} : memref<400xi32, #tpu.memory_space<vmem>>, vector<16xi32>,
        %parallel_loop3A_330 = vector.broadcast %mul3A_316 : i32 to vector<16xi32>
        %parallel_loop3A_331 = arith.addi %parallel_loop3A_330, %parallel_loop3A_325 : vector<16xi32>
        %parallel_loop3A_332 = vector.broadcast %reduce_max3A_7 : i32 to vector<16xi32>
        %parallel_loop3A_333 = arith.cmpi sge, %parallel_loop3A_331, %parallel_loop3A_332 : vector<16xi32>
        %parallel_loop3A_334 = vector.broadcast %reduce_max3A_19 : i32 to vector<16xi32>
        %parallel_loop3A_335 = arith.cmpi slt, %parallel_loop3A_331, %parallel_loop3A_334 : vector<16xi32>
        %parallel_loop3A_336 = arith.andi %parallel_loop3A_333, %parallel_loop3A_335 : vector<16xi1>
        %parallel_loop3A_337 = vector.broadcast %mul3A_21 : i32 to vector<16xi32>
        %parallel_loop3A_338 = arith.subi %parallel_loop3A_329, %parallel_loop3A_337 : vector<16xi32>
        %parallel_loop3A_339 = arith.constant 0 : i32
        %parallel_loop3A_340 = arith.constant 9999 : i32
        %parallel_loop3A_341 = vector.broadcast %parallel_loop3A_339 : i32 to vector<16xi32>
        %parallel_loop3A_342 = arith.maxsi %parallel_loop3A_341, %parallel_loop3A_338 : vector<16xi32>
        %parallel_loop3A_343 = vector.broadcast %parallel_loop3A_340 : i32 to vector<16xi32>
        %parallel_loop3A_344 = arith.minsi %parallel_loop3A_343, %parallel_loop3A_342 : vector<16xi32>
        %parallel_loop3A_345 = arith.constant 16 : i32
        %parallel_loop3A_346 = arith.muli %parallel_loop3A_321, %parallel_loop3A_345 : i32
        %parallel_loop3A_347 = arith.constant 0 : i32
        %parallel_loop3A_348 = arith.index_cast %parallel_loop3A_347 : i32 to index
        %parallel_loop3A_349 = arith.index_cast %parallel_loop3A_346 : i32 to index
        %parallel_loop3A_350 = tpu.vector_load %arg11[%parallel_loop3A_348, %parallel_loop3A_349] {strides = array<i32>} : memref<9x400xf32, #tpu.memory_space<vmem>>, vector<16xf32>,
        %parallel_loop3A_351 = arith.constant 0 : i32
        %parallel_loop3A_352 = vector.broadcast %parallel_loop3A_351 : i32 to vector<16xi32>
        %parallel_loop3A_353 = tpu.vector_load_idx %arg14[%parallel_loop3A_325, %parallel_loop3A_352] : memref<400x16xf32, #tpu.memory_space<vmem>>[vector<16xi32>, vector<16xi32>], vector<16xf32>,
        %parallel_loop3A_354 = arith.constant 0 : i32
        %parallel_loop3A_355 = vector.broadcast %parallel_loop3A_354 : i32 to vector<16xi32>
        %parallel_loop3A_356 = arith.mulf %parallel_loop3A_350, %parallel_loop3A_353 : vector<16xf32>
        tpu.vector_store_idx %arg8[%parallel_loop3A_355, %parallel_loop3A_344], %parallel_loop3A_356 masked %parallel_loop3A_336 {add = true} : memref<9x10000xf32, #tpu.memory_space<vmem>>[vector<16xi32>, vector<16xi32>], vector<16xf32>, vector<16xi1>
        %parallel_loop3A_357 = arith.constant 16 : i32
        %parallel_loop3A_358 = arith.muli %parallel_loop3A_321, %parallel_loop3A_357 : i32
        %parallel_loop3A_359 = arith.constant 1 : i32
        %parallel_loop3A_360 = arith.index_cast %parallel_loop3A_359 : i32 to index
        %parallel_loop3A_361 = arith.index_cast %parallel_loop3A_358 : i32 to index
        %parallel_loop3A_362 = tpu.vector_load %arg11[%parallel_loop3A_360, %parallel_loop3A_361] {strides = array<i32>} : memref<9x400xf32, #tpu.memory_space<vmem>>, vector<16xf32>,
        %parallel_loop3A_363 = arith.constant 1 : i32
        %parallel_loop3A_364 = vector.broadcast %parallel_loop3A_363 : i32 to vector<16xi32>
        %parallel_loop3A_365 = tpu.vector_load_idx %arg14[%parallel_loop3A_325, %parallel_loop3A_364] : memref<400x16xf32, #tpu.memory_space<vmem>>[vector<16xi32>, vector<16xi32>], vector<16xf32>,
        %parallel_loop3A_366 = arith.constant 1 : i32
        %parallel_loop3A_367 = vector.broadcast %parallel_loop3A_366 : i32 to vector<16xi32>
        %parallel_loop3A_368 = arith.mulf %parallel_loop3A_362, %parallel_loop3A_365 : vector<16xf32>
        tpu.vector_store_idx %arg8[%parallel_loop3A_367, %parallel_loop3A_344], %parallel_loop3A_368 masked %parallel_loop3A_336 {add = true} : memref<9x10000xf32, #tpu.memory_space<vmem>>[vector<16xi32>, vector<16xi32>], vector<16xf32>, vector<16xi1>
        %parallel_loop3A_369 = arith.constant 16 : i32
        %parallel_loop3A_370 = arith.muli %parallel_loop3A_321, %parallel_loop3A_369 : i32
        %parallel_loop3A_371 = arith.constant 2 : i32
        %parallel_loop3A_372 = arith.index_cast %parallel_loop3A_371 : i32 to index
        %parallel_loop3A_373 = arith.index_cast %parallel_loop3A_370 : i32 to index
        %parallel_loop3A_374 = tpu.vector_load %arg11[%parallel_loop3A_372, %parallel_loop3A_373] {strides = array<i32>} : memref<9x400xf32, #tpu.memory_space<vmem>>, vector<16xf32>,
        %parallel_loop3A_375 = arith.constant 2 : i32
        %parallel_loop3A_376 = vector.broadcast %parallel_loop3A_375 : i32 to vector<16xi32>
        %parallel_loop3A_377 = tpu.vector_load_idx %arg14[%parallel_loop3A_325, %parallel_loop3A_376] : memref<400x16xf32, #tpu.memory_space<vmem>>[vector<16xi32>, vector<16xi32>], vector<16xf32>,
        %parallel_loop3A_378 = arith.constant 2 : i32
        %parallel_loop3A_379 = vector.broadcast %parallel_loop3A_378 : i32 to vector<16xi32>
        %parallel_loop3A_380 = arith.mulf %parallel_loop3A_374, %parallel_loop3A_377 : vector<16xf32>
        tpu.vector_store_idx %arg8[%parallel_loop3A_379, %parallel_loop3A_344], %parallel_loop3A_380 masked %parallel_loop3A_336 {add = true} : memref<9x10000xf32, #tpu.memory_space<vmem>>[vector<16xi32>, vector<16xi32>], vector<16xf32>, vector<16xi1>
        %parallel_loop3A_381 = arith.constant 16 : i32
        %parallel_loop3A_382 = arith.muli %parallel_loop3A_321, %parallel_loop3A_381 : i32
        %parallel_loop3A_383 = arith.constant 3 : i32
        %parallel_loop3A_384 = arith.index_cast %parallel_loop3A_383 : i32 to index
        %parallel_loop3A_385 = arith.index_cast %parallel_loop3A_382 : i32 to index
        %parallel_loop3A_386 = tpu.vector_load %arg11[%parallel_loop3A_384, %parallel_loop3A_385] {strides = array<i32>} : memref<9x400xf32, #tpu.memory_space<vmem>>, vector<16xf32>,
        %parallel_loop3A_387 = arith.constant 3 : i32
        %parallel_loop3A_388 = vector.broadcast %parallel_loop3A_387 : i32 to vector<16xi32>
        %parallel_loop3A_389 = tpu.vector_load_idx %arg14[%parallel_loop3A_325, %parallel_loop3A_388] : memref<400x16xf32, #tpu.memory_space<vmem>>[vector<16xi32>, vector<16xi32>], vector<16xf32>,
        %parallel_loop3A_390 = arith.constant 3 : i32
        %parallel_loop3A_391 = vector.broadcast %parallel_loop3A_390 : i32 to vector<16xi32>
        %parallel_loop3A_392 = arith.mulf %parallel_loop3A_386, %parallel_loop3A_389 : vector<16xf32>
        tpu.vector_store_idx %arg8[%parallel_loop3A_391, %parallel_loop3A_344], %parallel_loop3A_392 masked %parallel_loop3A_336 {add = true} : memref<9x10000xf32, #tpu.memory_space<vmem>>[vector<16xi32>, vector<16xi32>], vector<16xf32>, vector<16xi1>
        %parallel_loop3A_393 = arith.constant 16 : i32
        %parallel_loop3A_394 = arith.muli %parallel_loop3A_321, %parallel_loop3A_393 : i32
        %parallel_loop3A_395 = arith.constant 4 : i32
        %parallel_loop3A_396 = arith.index_cast %parallel_loop3A_395 : i32 to index
        %parallel_loop3A_397 = arith.index_cast %parallel_loop3A_394 : i32 to index
        %parallel_loop3A_398 = tpu.vector_load %arg11[%parallel_loop3A_396, %parallel_loop3A_397] {strides = array<i32>} : memref<9x400xf32, #tpu.memory_space<vmem>>, vector<16xf32>,
        %parallel_loop3A_399 = arith.constant 4 : i32
        %parallel_loop3A_400 = vector.broadcast %parallel_loop3A_399 : i32 to vector<16xi32>
        %parallel_loop3A_401 = tpu.vector_load_idx %arg14[%parallel_loop3A_325, %parallel_loop3A_400] : memref<400x16xf32, #tpu.memory_space<vmem>>[vector<16xi32>, vector<16xi32>], vector<16xf32>,
        %parallel_loop3A_402 = arith.constant 4 : i32
        %parallel_loop3A_403 = vector.broadcast %parallel_loop3A_402 : i32 to vector<16xi32>
        %parallel_loop3A_404 = arith.mulf %parallel_loop3A_398, %parallel_loop3A_401 : vector<16xf32>
        tpu.vector_store_idx %arg8[%parallel_loop3A_403, %parallel_loop3A_344], %parallel_loop3A_404 masked %parallel_loop3A_336 {add = true} : memref<9x10000xf32, #tpu.memory_space<vmem>>[vector<16xi32>, vector<16xi32>], vector<16xf32>, vector<16xi1>
        %parallel_loop3A_405 = arith.constant 16 : i32
        %parallel_loop3A_406 = arith.muli %parallel_loop3A_321, %parallel_loop3A_405 : i32
        %parallel_loop3A_407 = arith.constant 5 : i32
        %parallel_loop3A_408 = arith.index_cast %parallel_loop3A_407 : i32 to index
        %parallel_loop3A_409 = arith.index_cast %parallel_loop3A_406 : i32 to index
        %parallel_loop3A_410 = tpu.vector_load %arg11[%parallel_loop3A_408, %parallel_loop3A_409] {strides = array<i32>} : memref<9x400xf32, #tpu.memory_space<vmem>>, vector<16xf32>,
        %parallel_loop3A_411 = arith.constant 5 : i32
        %parallel_loop3A_412 = vector.broadcast %parallel_loop3A_411 : i32 to vector<16xi32>
        %parallel_loop3A_413 = tpu.vector_load_idx %arg14[%parallel_loop3A_325, %parallel_loop3A_412] : memref<400x16xf32, #tpu.memory_space<vmem>>[vector<16xi32>, vector<16xi32>], vector<16xf32>,
        %parallel_loop3A_414 = arith.constant 5 : i32
        %parallel_loop3A_415 = vector.broadcast %parallel_loop3A_414 : i32 to vector<16xi32>
        %parallel_loop3A_416 = arith.mulf %parallel_loop3A_410, %parallel_loop3A_413 : vector<16xf32>
        tpu.vector_store_idx %arg8[%parallel_loop3A_415, %parallel_loop3A_344], %parallel_loop3A_416 masked %parallel_loop3A_336 {add = true} : memref<9x10000xf32, #tpu.memory_space<vmem>>[vector<16xi32>, vector<16xi32>], vector<16xf32>, vector<16xi1>
        %parallel_loop3A_417 = arith.constant 16 : i32
        %parallel_loop3A_418 = arith.muli %parallel_loop3A_321, %parallel_loop3A_417 : i32
        %parallel_loop3A_419 = arith.constant 6 : i32
        %parallel_loop3A_420 = arith.index_cast %parallel_loop3A_419 : i32 to index
        %parallel_loop3A_421 = arith.index_cast %parallel_loop3A_418 : i32 to index
        %parallel_loop3A_422 = tpu.vector_load %arg11[%parallel_loop3A_420, %parallel_loop3A_421] {strides = array<i32>} : memref<9x400xf32, #tpu.memory_space<vmem>>, vector<16xf32>,
        %parallel_loop3A_423 = arith.constant 6 : i32
        %parallel_loop3A_424 = vector.broadcast %parallel_loop3A_423 : i32 to vector<16xi32>
        %parallel_loop3A_425 = tpu.vector_load_idx %arg14[%parallel_loop3A_325, %parallel_loop3A_424] : memref<400x16xf32, #tpu.memory_space<vmem>>[vector<16xi32>, vector<16xi32>], vector<16xf32>,
        %parallel_loop3A_426 = arith.constant 6 : i32
        %parallel_loop3A_427 = vector.broadcast %parallel_loop3A_426 : i32 to vector<16xi32>
        %parallel_loop3A_428 = arith.mulf %parallel_loop3A_422, %parallel_loop3A_425 : vector<16xf32>
        tpu.vector_store_idx %arg8[%parallel_loop3A_427, %parallel_loop3A_344], %parallel_loop3A_428 masked %parallel_loop3A_336 {add = true} : memref<9x10000xf32, #tpu.memory_space<vmem>>[vector<16xi32>, vector<16xi32>], vector<16xf32>, vector<16xi1>
        %parallel_loop3A_429 = arith.constant 16 : i32
        %parallel_loop3A_430 = arith.muli %parallel_loop3A_321, %parallel_loop3A_429 : i32
        %parallel_loop3A_431 = arith.constant 7 : i32
        %parallel_loop3A_432 = arith.index_cast %parallel_loop3A_431 : i32 to index
        %parallel_loop3A_433 = arith.index_cast %parallel_loop3A_430 : i32 to index
        %parallel_loop3A_434 = tpu.vector_load %arg11[%parallel_loop3A_432, %parallel_loop3A_433] {strides = array<i32>} : memref<9x400xf32, #tpu.memory_space<vmem>>, vector<16xf32>,
        %parallel_loop3A_435 = arith.constant 7 : i32
        %parallel_loop3A_436 = vector.broadcast %parallel_loop3A_435 : i32 to vector<16xi32>
        %parallel_loop3A_437 = tpu.vector_load_idx %arg14[%parallel_loop3A_325, %parallel_loop3A_436] : memref<400x16xf32, #tpu.memory_space<vmem>>[vector<16xi32>, vector<16xi32>], vector<16xf32>,
        %parallel_loop3A_438 = arith.constant 7 : i32
        %parallel_loop3A_439 = vector.broadcast %parallel_loop3A_438 : i32 to vector<16xi32>
        %parallel_loop3A_440 = arith.mulf %parallel_loop3A_434, %parallel_loop3A_437 : vector<16xf32>
        tpu.vector_store_idx %arg8[%parallel_loop3A_439, %parallel_loop3A_344], %parallel_loop3A_440 masked %parallel_loop3A_336 {add = true} : memref<9x10000xf32, #tpu.memory_space<vmem>>[vector<16xi32>, vector<16xi32>], vector<16xf32>, vector<16xi1>
        %parallel_loop3A_441 = arith.constant 16 : i32
        %parallel_loop3A_442 = arith.muli %parallel_loop3A_321, %parallel_loop3A_441 : i32
        %parallel_loop3A_443 = arith.constant 8 : i32
        %parallel_loop3A_444 = arith.index_cast %parallel_loop3A_443 : i32 to index
        %parallel_loop3A_445 = arith.index_cast %parallel_loop3A_442 : i32 to index
        %parallel_loop3A_446 = tpu.vector_load %arg11[%parallel_loop3A_444, %parallel_loop3A_445] {strides = array<i32>} : memref<9x400xf32, #tpu.memory_space<vmem>>, vector<16xf32>,
        %parallel_loop3A_447 = arith.constant 8 : i32
        %parallel_loop3A_448 = vector.broadcast %parallel_loop3A_447 : i32 to vector<16xi32>
        %parallel_loop3A_449 = tpu.vector_load_idx %arg14[%parallel_loop3A_325, %parallel_loop3A_448] : memref<400x16xf32, #tpu.memory_space<vmem>>[vector<16xi32>, vector<16xi32>], vector<16xf32>,
        %parallel_loop3A_450 = arith.constant 8 : i32
        %parallel_loop3A_451 = vector.broadcast %parallel_loop3A_450 : i32 to vector<16xi32>
        %parallel_loop3A_452 = arith.mulf %parallel_loop3A_446, %parallel_loop3A_449 : vector<16xf32>
        tpu.vector_store_idx %arg8[%parallel_loop3A_451, %parallel_loop3A_344], %parallel_loop3A_452 masked %parallel_loop3A_336 {add = true} : memref<9x10000xf32, #tpu.memory_space<vmem>>[vector<16xi32>, vector<16xi32>], vector<16xf32>, vector<16xi1>
      } {sc.loop_unroll_factor = 5 : i64, sc.parallel_access}
      %while3A_320 = arith.constant 0 : i32
      scf.yield %while3A_320 : i32
    }
    %while3A_168 = arith.constant 1 : i32
    %while3A_169 = scf.for %while3A_192 = %while3A_165 to %while3A_161 step %while3A_168 iter_args(%while3A_193 = %while3A_167) -> (i32)  : i32 {
      %mul3A_194 = arith.constant 3 : i32
      %mul3A_195 = arith.muli %mul3A_194, %while3A_192 : i32
      %add3A_196 = arith.addi %select_n3A, %mul3A_195 : i32
      %add3A_197 = arith.constant 0 : i32
      %add3A_198 = arith.addi %add3A_196, %add3A_197 : i32
      %add3A_199 = arith.constant 1 : i32
      %add3A_200 = arith.addi %add3A_198, %add3A_199 : i32
      %min3A_201 = arith.constant 7999 : i32
      %min3A_202 = arith.minsi %add3A_200, %min3A_201 : i32
      %mul3A_203 = arith.constant 400 : i32
      %mul3A_204 = arith.muli %min3A_202, %mul3A_203 : i32
      %dma_wait3A_205 = tpu.memref_slice %arg3[%mul3A_204] : memref<3200000xi32, #tpu.memory_space<hbm>> -> memref<400xi32, #tpu.memory_space<hbm>>
      %dma_wait3A_206 = tpu.memref_slice %arg3[%mul3A_204] : memref<3200000xi32, #tpu.memory_space<hbm>> -> memref<400xi32, #tpu.memory_space<hbm>>
      tpu.wait_dma2 semaphore(%arg23 : memref<!tpu.dma_semaphore, #tpu.memory_space<semaphore_mem>>) src(%dma_wait3A_206 : memref<400xi32, #tpu.memory_space<hbm>>) dst(%arg16 : memref<400xi32, #tpu.memory_space<vmem>>)
      %dma_wait3A_207 = tpu.memref_slice %arg4[%mul3A_204] : memref<3200000xi32, #tpu.memory_space<hbm>> -> memref<400xi32, #tpu.memory_space<hbm>>
      %dma_wait3A_208 = tpu.memref_slice %arg4[%mul3A_204] : memref<3200000xi32, #tpu.memory_space<hbm>> -> memref<400xi32, #tpu.memory_space<hbm>>
      tpu.wait_dma2 semaphore(%arg23 : memref<!tpu.dma_semaphore, #tpu.memory_space<semaphore_mem>>) src(%dma_wait3A_208 : memref<400xi32, #tpu.memory_space<hbm>>) dst(%arg19 : memref<400xi32, #tpu.memory_space<vmem>>)
      %dma_wait3A_209 = arith.constant 0 : i32
      %dma_wait3A_210 = tpu.memref_slice %arg2[%dma_wait3A_209, %mul3A_204] : memref<9x3200000xf32, #tpu.memory_space<hbm>> -> memref<9x400xf32, #tpu.memory_space<hbm>>
      %dma_wait3A_211 = arith.constant 0 : i32
      %dma_wait3A_212 = tpu.memref_slice %arg2[%dma_wait3A_211, %mul3A_204] : memref<9x3200000xf32, #tpu.memory_space<hbm>> -> memref<9x400xf32, #tpu.memory_space<hbm>>
      tpu.wait_dma2 semaphore(%arg23 : memref<!tpu.dma_semaphore, #tpu.memory_space<semaphore_mem>>) src(%dma_wait3A_212 : memref<9x400xf32, #tpu.memory_space<hbm>>) dst(%arg10 : memref<9x400xf32, #tpu.memory_space<vmem>>)
      %dma_start3A_213 = arith.constant 0 : i32
      %dma_start3A_214 = arith.constant 0 : i32
      %dma_start3A_215 = tpu.memref_slice %arg5[%dma_start3A_213, %dma_start3A_214] : memref<320000x16xf32, #tpu.memory_space<hbm>> -> memref<320000x16xf32, #tpu.memory_space<hbm>>
      tpu.enqueue_indirect_dma source(%dma_start3A_215 : memref<320000x16xf32, #tpu.memory_space<hbm>>) target(%arg13 : memref<400x16xf32, #tpu.memory_space<vmem>>) offsets(%arg16 : memref<400xi32, #tpu.memory_space<vmem>>) semaphore(%arg26 : memref<!tpu.dma_semaphore, #tpu.memory_space<semaphore_mem>>)
      %add3A_216 = arith.constant 2 : i32
      %add3A_217 = arith.addi %add3A_198, %add3A_216 : i32
      %min3A_218 = arith.constant 7999 : i32
      %min3A_219 = arith.minsi %add3A_217, %min3A_218 : i32
      %mul3A_220 = arith.constant 400 : i32
      %mul3A_221 = arith.muli %min3A_219, %mul3A_220 : i32
      %dma_start3A_222 = tpu.memref_slice %arg3[%mul3A_221] : memref<3200000xi32, #tpu.memory_space<hbm>> -> memref<400xi32, #tpu.memory_space<hbm>>
      %dma_start3A_223 = tpu.memref_slice %arg3[%mul3A_221] : memref<3200000xi32, #tpu.memory_space<hbm>> -> memref<400xi32, #tpu.memory_space<hbm>>
      tpu.enqueue_dma source(%dma_start3A_223 : memref<400xi32, #tpu.memory_space<hbm>>) target(%arg17 : memref<400xi32, #tpu.memory_space<vmem>>) target_semaphore(%arg24 : memref<!tpu.dma_semaphore, #tpu.memory_space<semaphore_mem>>)
      %dma_start3A_224 = tpu.memref_slice %arg4[%mul3A_221] : memref<3200000xi32, #tpu.memory_space<hbm>> -> memref<400xi32, #tpu.memory_space<hbm>>
      %dma_start3A_225 = tpu.memref_slice %arg4[%mul3A_221] : memref<3200000xi32, #tpu.memory_space<hbm>> -> memref<400xi32, #tpu.memory_space<hbm>>
      tpu.enqueue_dma source(%dma_start3A_225 : memref<400xi32, #tpu.memory_space<hbm>>) target(%arg20 : memref<400xi32, #tpu.memory_space<vmem>>) target_semaphore(%arg24 : memref<!tpu.dma_semaphore, #tpu.memory_space<semaphore_mem>>)
      %dma_start3A_226 = arith.constant 0 : i32
      %dma_start3A_227 = tpu.memref_slice %arg2[%dma_start3A_226, %mul3A_221] : memref<9x3200000xf32, #tpu.memory_space<hbm>> -> memref<9x400xf32, #tpu.memory_space<hbm>>
      %dma_start3A_228 = arith.constant 0 : i32
      %dma_start3A_229 = tpu.memref_slice %arg2[%dma_start3A_228, %mul3A_221] : memref<9x3200000xf32, #tpu.memory_space<hbm>> -> memref<9x400xf32, #tpu.memory_space<hbm>>
      tpu.enqueue_dma source(%dma_start3A_229 : memref<9x400xf32, #tpu.memory_space<hbm>>) target(%arg11 : memref<9x400xf32, #tpu.memory_space<vmem>>) target_semaphore(%arg24 : memref<!tpu.dma_semaphore, #tpu.memory_space<semaphore_mem>>)
      %dma_wait3A_230 = arith.constant 0 : i32
      %dma_wait3A_231 = arith.constant 0 : i32
      %dma_wait3A_232 = tpu.memref_slice %arg5[%dma_wait3A_230, %dma_wait3A_231] : memref<320000x16xf32, #tpu.memory_space<hbm>> -> memref<320000x16xf32, #tpu.memory_space<hbm>>
      tpu.wait_indirect_dma semaphore(%arg25 : memref<!tpu.dma_semaphore, #tpu.memory_space<semaphore_mem>>) src(%dma_wait3A_232 : memref<320000x16xf32, #tpu.memory_space<hbm>>) dst(%arg12 : memref<400x16xf32, #tpu.memory_space<vmem>>)
      %mul3A_233 = arith.constant 400 : i32
      %mul3A_234 = arith.muli %add3A_198, %mul3A_233 : i32
      %parallel_loop3A_235 = arith.constant 0 : i32
      %parallel_loop3A_236 = arith.constant 25 : i32
      %parallel_loop3A_237 = arith.constant 1 : i32
      scf.for %parallel_loop3A_321 = %parallel_loop3A_235 to %parallel_loop3A_236 step %parallel_loop3A_237  : i32 {
        %parallel_loop3A_322 = arith.constant 16 : i32
        %parallel_loop3A_323 = arith.muli %parallel_loop3A_321, %parallel_loop3A_322 : i32
        %parallel_loop3A_324 = vector.broadcast %parallel_loop3A_323 : i32 to vector<16xi32>
        %parallel_loop3A_325 = arith.addi %parallel_loop3A_324, %iota3A : vector<16xi32>
        %parallel_loop3A_326 = arith.constant 16 : i32
        %parallel_loop3A_327 = arith.muli %parallel_loop3A_321, %parallel_loop3A_326 : i32
        %parallel_loop3A_328 = arith.index_cast %parallel_loop3A_327 : i32 to index
        %parallel_loop3A_329 = tpu.vector_load %arg18[%parallel_loop3A_328] {strides = array<i32>} : memref<400xi32, #tpu.memory_space<vmem>>, vector<16xi32>,
        %parallel_loop3A_330 = vector.broadcast %mul3A_234 : i32 to vector<16xi32>
        %parallel_loop3A_331 = arith.addi %parallel_loop3A_330, %parallel_loop3A_325 : vector<16xi32>
        %parallel_loop3A_332 = vector.broadcast %reduce_max3A_7 : i32 to vector<16xi32>
        %parallel_loop3A_333 = arith.cmpi sge, %parallel_loop3A_331, %parallel_loop3A_332 : vector<16xi32>
        %parallel_loop3A_334 = vector.broadcast %reduce_max3A_19 : i32 to vector<16xi32>
        %parallel_loop3A_335 = arith.cmpi slt, %parallel_loop3A_331, %parallel_loop3A_334 : vector<16xi32>
        %parallel_loop3A_336 = arith.andi %parallel_loop3A_333, %parallel_loop3A_335 : vector<16xi1>
        %parallel_loop3A_337 = vector.broadcast %mul3A_21 : i32 to vector<16xi32>
        %parallel_loop3A_338 = arith.subi %parallel_loop3A_329, %parallel_loop3A_337 : vector<16xi32>
        %parallel_loop3A_339 = arith.constant 0 : i32
        %parallel_loop3A_340 = arith.constant 9999 : i32
        %parallel_loop3A_341 = vector.broadcast %parallel_loop3A_339 : i32 to vector<16xi32>
        %parallel_loop3A_342 = arith.maxsi %parallel_loop3A_341, %parallel_loop3A_338 : vector<16xi32>
        %parallel_loop3A_343 = vector.broadcast %parallel_loop3A_340 : i32 to vector<16xi32>
        %parallel_loop3A_344 = arith.minsi %parallel_loop3A_343, %parallel_loop3A_342 : vector<16xi32>
        %parallel_loop3A_345 = arith.constant 16 : i32
        %parallel_loop3A_346 = arith.muli %parallel_loop3A_321, %parallel_loop3A_345 : i32
        %parallel_loop3A_347 = arith.constant 0 : i32
        %parallel_loop3A_348 = arith.index_cast %parallel_loop3A_347 : i32 to index
        %parallel_loop3A_349 = arith.index_cast %parallel_loop3A_346 : i32 to index
        %parallel_loop3A_350 = tpu.vector_load %arg9[%parallel_loop3A_348, %parallel_loop3A_349] {strides = array<i32>} : memref<9x400xf32, #tpu.memory_space<vmem>>, vector<16xf32>,
        %parallel_loop3A_351 = arith.constant 0 : i32
        %parallel_loop3A_352 = vector.broadcast %parallel_loop3A_351 : i32 to vector<16xi32>
        %parallel_loop3A_353 = tpu.vector_load_idx %arg12[%parallel_loop3A_325, %parallel_loop3A_352] : memref<400x16xf32, #tpu.memory_space<vmem>>[vector<16xi32>, vector<16xi32>], vector<16xf32>,
        %parallel_loop3A_354 = arith.constant 0 : i32
        %parallel_loop3A_355 = vector.broadcast %parallel_loop3A_354 : i32 to vector<16xi32>
        %parallel_loop3A_356 = arith.mulf %parallel_loop3A_350, %parallel_loop3A_353 : vector<16xf32>
        tpu.vector_store_idx %arg8[%parallel_loop3A_355, %parallel_loop3A_344], %parallel_loop3A_356 masked %parallel_loop3A_336 {add = true} : memref<9x10000xf32, #tpu.memory_space<vmem>>[vector<16xi32>, vector<16xi32>], vector<16xf32>, vector<16xi1>
        %parallel_loop3A_357 = arith.constant 16 : i32
        %parallel_loop3A_358 = arith.muli %parallel_loop3A_321, %parallel_loop3A_357 : i32
        %parallel_loop3A_359 = arith.constant 1 : i32
        %parallel_loop3A_360 = arith.index_cast %parallel_loop3A_359 : i32 to index
        %parallel_loop3A_361 = arith.index_cast %parallel_loop3A_358 : i32 to index
        %parallel_loop3A_362 = tpu.vector_load %arg9[%parallel_loop3A_360, %parallel_loop3A_361] {strides = array<i32>} : memref<9x400xf32, #tpu.memory_space<vmem>>, vector<16xf32>,
        %parallel_loop3A_363 = arith.constant 1 : i32
        %parallel_loop3A_364 = vector.broadcast %parallel_loop3A_363 : i32 to vector<16xi32>
        %parallel_loop3A_365 = tpu.vector_load_idx %arg12[%parallel_loop3A_325, %parallel_loop3A_364] : memref<400x16xf32, #tpu.memory_space<vmem>>[vector<16xi32>, vector<16xi32>], vector<16xf32>,
        %parallel_loop3A_366 = arith.constant 1 : i32
        %parallel_loop3A_367 = vector.broadcast %parallel_loop3A_366 : i32 to vector<16xi32>
        %parallel_loop3A_368 = arith.mulf %parallel_loop3A_362, %parallel_loop3A_365 : vector<16xf32>
        tpu.vector_store_idx %arg8[%parallel_loop3A_367, %parallel_loop3A_344], %parallel_loop3A_368 masked %parallel_loop3A_336 {add = true} : memref<9x10000xf32, #tpu.memory_space<vmem>>[vector<16xi32>, vector<16xi32>], vector<16xf32>, vector<16xi1>
        %parallel_loop3A_369 = arith.constant 16 : i32
        %parallel_loop3A_370 = arith.muli %parallel_loop3A_321, %parallel_loop3A_369 : i32
        %parallel_loop3A_371 = arith.constant 2 : i32
        %parallel_loop3A_372 = arith.index_cast %parallel_loop3A_371 : i32 to index
        %parallel_loop3A_373 = arith.index_cast %parallel_loop3A_370 : i32 to index
        %parallel_loop3A_374 = tpu.vector_load %arg9[%parallel_loop3A_372, %parallel_loop3A_373] {strides = array<i32>} : memref<9x400xf32, #tpu.memory_space<vmem>>, vector<16xf32>,
        %parallel_loop3A_375 = arith.constant 2 : i32
        %parallel_loop3A_376 = vector.broadcast %parallel_loop3A_375 : i32 to vector<16xi32>
        %parallel_loop3A_377 = tpu.vector_load_idx %arg12[%parallel_loop3A_325, %parallel_loop3A_376] : memref<400x16xf32, #tpu.memory_space<vmem>>[vector<16xi32>, vector<16xi32>], vector<16xf32>,
        %parallel_loop3A_378 = arith.constant 2 : i32
        %parallel_loop3A_379 = vector.broadcast %parallel_loop3A_378 : i32 to vector<16xi32>
        %parallel_loop3A_380 = arith.mulf %parallel_loop3A_374, %parallel_loop3A_377 : vector<16xf32>
        tpu.vector_store_idx %arg8[%parallel_loop3A_379, %parallel_loop3A_344], %parallel_loop3A_380 masked %parallel_loop3A_336 {add = true} : memref<9x10000xf32, #tpu.memory_space<vmem>>[vector<16xi32>, vector<16xi32>], vector<16xf32>, vector<16xi1>
        %parallel_loop3A_381 = arith.constant 16 : i32
        %parallel_loop3A_382 = arith.muli %parallel_loop3A_321, %parallel_loop3A_381 : i32
        %parallel_loop3A_383 = arith.constant 3 : i32
        %parallel_loop3A_384 = arith.index_cast %parallel_loop3A_383 : i32 to index
        %parallel_loop3A_385 = arith.index_cast %parallel_loop3A_382 : i32 to index
        %parallel_loop3A_386 = tpu.vector_load %arg9[%parallel_loop3A_384, %parallel_loop3A_385] {strides = array<i32>} : memref<9x400xf32, #tpu.memory_space<vmem>>, vector<16xf32>,
        %parallel_loop3A_387 = arith.constant 3 : i32
        %parallel_loop3A_388 = vector.broadcast %parallel_loop3A_387 : i32 to vector<16xi32>
        %parallel_loop3A_389 = tpu.vector_load_idx %arg12[%parallel_loop3A_325, %parallel_loop3A_388] : memref<400x16xf32, #tpu.memory_space<vmem>>[vector<16xi32>, vector<16xi32>], vector<16xf32>,
        %parallel_loop3A_390 = arith.constant 3 : i32
        %parallel_loop3A_391 = vector.broadcast %parallel_loop3A_390 : i32 to vector<16xi32>
        %parallel_loop3A_392 = arith.mulf %parallel_loop3A_386, %parallel_loop3A_389 : vector<16xf32>
        tpu.vector_store_idx %arg8[%parallel_loop3A_391, %parallel_loop3A_344], %parallel_loop3A_392 masked %parallel_loop3A_336 {add = true} : memref<9x10000xf32, #tpu.memory_space<vmem>>[vector<16xi32>, vector<16xi32>], vector<16xf32>, vector<16xi1>
        %parallel_loop3A_393 = arith.constant 16 : i32
        %parallel_loop3A_394 = arith.muli %parallel_loop3A_321, %parallel_loop3A_393 : i32
        %parallel_loop3A_395 = arith.constant 4 : i32
        %parallel_loop3A_396 = arith.index_cast %parallel_loop3A_395 : i32 to index
        %parallel_loop3A_397 = arith.index_cast %parallel_loop3A_394 : i32 to index
        %parallel_loop3A_398 = tpu.vector_load %arg9[%parallel_loop3A_396, %parallel_loop3A_397] {strides = array<i32>} : memref<9x400xf32, #tpu.memory_space<vmem>>, vector<16xf32>,
        %parallel_loop3A_399 = arith.constant 4 : i32
        %parallel_loop3A_400 = vector.broadcast %parallel_loop3A_399 : i32 to vector<16xi32>
        %parallel_loop3A_401 = tpu.vector_load_idx %arg12[%parallel_loop3A_325, %parallel_loop3A_400] : memref<400x16xf32, #tpu.memory_space<vmem>>[vector<16xi32>, vector<16xi32>], vector<16xf32>,
        %parallel_loop3A_402 = arith.constant 4 : i32
        %parallel_loop3A_403 = vector.broadcast %parallel_loop3A_402 : i32 to vector<16xi32>
        %parallel_loop3A_404 = arith.mulf %parallel_loop3A_398, %parallel_loop3A_401 : vector<16xf32>
        tpu.vector_store_idx %arg8[%parallel_loop3A_403, %parallel_loop3A_344], %parallel_loop3A_404 masked %parallel_loop3A_336 {add = true} : memref<9x10000xf32, #tpu.memory_space<vmem>>[vector<16xi32>, vector<16xi32>], vector<16xf32>, vector<16xi1>
        %parallel_loop3A_405 = arith.constant 16 : i32
        %parallel_loop3A_406 = arith.muli %parallel_loop3A_321, %parallel_loop3A_405 : i32
        %parallel_loop3A_407 = arith.constant 5 : i32
        %parallel_loop3A_408 = arith.index_cast %parallel_loop3A_407 : i32 to index
        %parallel_loop3A_409 = arith.index_cast %parallel_loop3A_406 : i32 to index
        %parallel_loop3A_410 = tpu.vector_load %arg9[%parallel_loop3A_408, %parallel_loop3A_409] {strides = array<i32>} : memref<9x400xf32, #tpu.memory_space<vmem>>, vector<16xf32>,
        %parallel_loop3A_411 = arith.constant 5 : i32
        %parallel_loop3A_412 = vector.broadcast %parallel_loop3A_411 : i32 to vector<16xi32>
        %parallel_loop3A_413 = tpu.vector_load_idx %arg12[%parallel_loop3A_325, %parallel_loop3A_412] : memref<400x16xf32, #tpu.memory_space<vmem>>[vector<16xi32>, vector<16xi32>], vector<16xf32>,
        %parallel_loop3A_414 = arith.constant 5 : i32
        %parallel_loop3A_415 = vector.broadcast %parallel_loop3A_414 : i32 to vector<16xi32>
        %parallel_loop3A_416 = arith.mulf %parallel_loop3A_410, %parallel_loop3A_413 : vector<16xf32>
        tpu.vector_store_idx %arg8[%parallel_loop3A_415, %parallel_loop3A_344], %parallel_loop3A_416 masked %parallel_loop3A_336 {add = true} : memref<9x10000xf32, #tpu.memory_space<vmem>>[vector<16xi32>, vector<16xi32>], vector<16xf32>, vector<16xi1>
        %parallel_loop3A_417 = arith.constant 16 : i32
        %parallel_loop3A_418 = arith.muli %parallel_loop3A_321, %parallel_loop3A_417 : i32
        %parallel_loop3A_419 = arith.constant 6 : i32
        %parallel_loop3A_420 = arith.index_cast %parallel_loop3A_419 : i32 to index
        %parallel_loop3A_421 = arith.index_cast %parallel_loop3A_418 : i32 to index
        %parallel_loop3A_422 = tpu.vector_load %arg9[%parallel_loop3A_420, %parallel_loop3A_421] {strides = array<i32>} : memref<9x400xf32, #tpu.memory_space<vmem>>, vector<16xf32>,
        %parallel_loop3A_423 = arith.constant 6 : i32
        %parallel_loop3A_424 = vector.broadcast %parallel_loop3A_423 : i32 to vector<16xi32>
        %parallel_loop3A_425 = tpu.vector_load_idx %arg12[%parallel_loop3A_325, %parallel_loop3A_424] : memref<400x16xf32, #tpu.memory_space<vmem>>[vector<16xi32>, vector<16xi32>], vector<16xf32>,
        %parallel_loop3A_426 = arith.constant 6 : i32
        %parallel_loop3A_427 = vector.broadcast %parallel_loop3A_426 : i32 to vector<16xi32>
        %parallel_loop3A_428 = arith.mulf %parallel_loop3A_422, %parallel_loop3A_425 : vector<16xf32>
        tpu.vector_store_idx %arg8[%parallel_loop3A_427, %parallel_loop3A_344], %parallel_loop3A_428 masked %parallel_loop3A_336 {add = true} : memref<9x10000xf32, #tpu.memory_space<vmem>>[vector<16xi32>, vector<16xi32>], vector<16xf32>, vector<16xi1>
        %parallel_loop3A_429 = arith.constant 16 : i32
        %parallel_loop3A_430 = arith.muli %parallel_loop3A_321, %parallel_loop3A_429 : i32
        %parallel_loop3A_431 = arith.constant 7 : i32
        %parallel_loop3A_432 = arith.index_cast %parallel_loop3A_431 : i32 to index
        %parallel_loop3A_433 = arith.index_cast %parallel_loop3A_430 : i32 to index
        %parallel_loop3A_434 = tpu.vector_load %arg9[%parallel_loop3A_432, %parallel_loop3A_433] {strides = array<i32>} : memref<9x400xf32, #tpu.memory_space<vmem>>, vector<16xf32>,
        %parallel_loop3A_435 = arith.constant 7 : i32
        %parallel_loop3A_436 = vector.broadcast %parallel_loop3A_435 : i32 to vector<16xi32>
        %parallel_loop3A_437 = tpu.vector_load_idx %arg12[%parallel_loop3A_325, %parallel_loop3A_436] : memref<400x16xf32, #tpu.memory_space<vmem>>[vector<16xi32>, vector<16xi32>], vector<16xf32>,
        %parallel_loop3A_438 = arith.constant 7 : i32
        %parallel_loop3A_439 = vector.broadcast %parallel_loop3A_438 : i32 to vector<16xi32>
        %parallel_loop3A_440 = arith.mulf %parallel_loop3A_434, %parallel_loop3A_437 : vector<16xf32>
        tpu.vector_store_idx %arg8[%parallel_loop3A_439, %parallel_loop3A_344], %parallel_loop3A_440 masked %parallel_loop3A_336 {add = true} : memref<9x10000xf32, #tpu.memory_space<vmem>>[vector<16xi32>, vector<16xi32>], vector<16xf32>, vector<16xi1>
        %parallel_loop3A_441 = arith.constant 16 : i32
        %parallel_loop3A_442 = arith.muli %parallel_loop3A_321, %parallel_loop3A_441 : i32
        %parallel_loop3A_443 = arith.constant 8 : i32
        %parallel_loop3A_444 = arith.index_cast %parallel_loop3A_443 : i32 to index
        %parallel_loop3A_445 = arith.index_cast %parallel_loop3A_442 : i32 to index
        %parallel_loop3A_446 = tpu.vector_load %arg9[%parallel_loop3A_444, %parallel_loop3A_445] {strides = array<i32>} : memref<9x400xf32, #tpu.memory_space<vmem>>, vector<16xf32>,
        %parallel_loop3A_447 = arith.constant 8 : i32
        %parallel_loop3A_448 = vector.broadcast %parallel_loop3A_447 : i32 to vector<16xi32>
        %parallel_loop3A_449 = tpu.vector_load_idx %arg12[%parallel_loop3A_325, %parallel_loop3A_448] : memref<400x16xf32, #tpu.memory_space<vmem>>[vector<16xi32>, vector<16xi32>], vector<16xf32>,
        %parallel_loop3A_450 = arith.constant 8 : i32
        %parallel_loop3A_451 = vector.broadcast %parallel_loop3A_450 : i32 to vector<16xi32>
        %parallel_loop3A_452 = arith.mulf %parallel_loop3A_446, %parallel_loop3A_449 : vector<16xf32>
        tpu.vector_store_idx %arg8[%parallel_loop3A_451, %parallel_loop3A_344], %parallel_loop3A_452 masked %parallel_loop3A_336 {add = true} : memref<9x10000xf32, #tpu.memory_space<vmem>>[vector<16xi32>, vector<16xi32>], vector<16xf32>, vector<16xi1>
      } {sc.loop_unroll_factor = 5 : i64, sc.parallel_access}
      %add3A_238 = arith.constant 1 : i32
      %add3A_239 = arith.addi %add3A_196, %add3A_238 : i32
      %add3A_240 = arith.constant 1 : i32
      %add3A_241 = arith.addi %add3A_239, %add3A_240 : i32
      %min3A_242 = arith.constant 7999 : i32
      %min3A_243 = arith.minsi %add3A_241, %min3A_242 : i32
      %mul3A_244 = arith.constant 400 : i32
      %mul3A_245 = arith.muli %min3A_243, %mul3A_244 : i32
      %dma_wait3A_246 = tpu.memref_slice %arg3[%mul3A_245] : memref<3200000xi32, #tpu.memory_space<hbm>> -> memref<400xi32, #tpu.memory_space<hbm>>
      %dma_wait3A_247 = tpu.memref_slice %arg3[%mul3A_245] : memref<3200000xi32, #tpu.memory_space<hbm>> -> memref<400xi32, #tpu.memory_space<hbm>>
      tpu.wait_dma2 semaphore(%arg24 : memref<!tpu.dma_semaphore, #tpu.memory_space<semaphore_mem>>) src(%dma_wait3A_247 : memref<400xi32, #tpu.memory_space<hbm>>) dst(%arg17 : memref<400xi32, #tpu.memory_space<vmem>>)
      %dma_wait3A_248 = tpu.memref_slice %arg4[%mul3A_245] : memref<3200000xi32, #tpu.memory_space<hbm>> -> memref<400xi32, #tpu.memory_space<hbm>>
      %dma_wait3A_249 = tpu.memref_slice %arg4[%mul3A_245] : memref<3200000xi32, #tpu.memory_space<hbm>> -> memref<400xi32, #tpu.memory_space<hbm>>
      tpu.wait_dma2 semaphore(%arg24 : memref<!tpu.dma_semaphore, #tpu.memory_space<semaphore_mem>>) src(%dma_wait3A_249 : memref<400xi32, #tpu.memory_space<hbm>>) dst(%arg20 : memref<400xi32, #tpu.memory_space<vmem>>)
      %dma_wait3A_250 = arith.constant 0 : i32
      %dma_wait3A_251 = tpu.memref_slice %arg2[%dma_wait3A_250, %mul3A_245] : memref<9x3200000xf32, #tpu.memory_space<hbm>> -> memref<9x400xf32, #tpu.memory_space<hbm>>
      %dma_wait3A_252 = arith.constant 0 : i32
      %dma_wait3A_253 = tpu.memref_slice %arg2[%dma_wait3A_252, %mul3A_245] : memref<9x3200000xf32, #tpu.memory_space<hbm>> -> memref<9x400xf32, #tpu.memory_space<hbm>>
      tpu.wait_dma2 semaphore(%arg24 : memref<!tpu.dma_semaphore, #tpu.memory_space<semaphore_mem>>) src(%dma_wait3A_253 : memref<9x400xf32, #tpu.memory_space<hbm>>) dst(%arg11 : memref<9x400xf32, #tpu.memory_space<vmem>>)
      %dma_start3A_254 = arith.constant 0 : i32
      %dma_start3A_255 = arith.constant 0 : i32
      %dma_start3A_256 = tpu.memref_slice %arg5[%dma_start3A_254, %dma_start3A_255] : memref<320000x16xf32, #tpu.memory_space<hbm>> -> memref<320000x16xf32, #tpu.memory_space<hbm>>
      tpu.enqueue_indirect_dma source(%dma_start3A_256 : memref<320000x16xf32, #tpu.memory_space<hbm>>) target(%arg14 : memref<400x16xf32, #tpu.memory_space<vmem>>) offsets(%arg17 : memref<400xi32, #tpu.memory_space<vmem>>) semaphore(%arg27 : memref<!tpu.dma_semaphore, #tpu.memory_space<semaphore_mem>>)
      %add3A_257 = arith.constant 2 : i32
      %add3A_258 = arith.addi %add3A_239, %add3A_257 : i32
      %min3A_259 = arith.constant 7999 : i32
      %min3A_260 = arith.minsi %add3A_258, %min3A_259 : i32
      %mul3A_261 = arith.constant 400 : i32
      %mul3A_262 = arith.muli %min3A_260, %mul3A_261 : i32
      %dma_start3A_263 = tpu.memref_slice %arg3[%mul3A_262] : memref<3200000xi32, #tpu.memory_space<hbm>> -> memref<400xi32, #tpu.memory_space<hbm>>
      %dma_start3A_264 = tpu.memref_slice %arg3[%mul3A_262] : memref<3200000xi32, #tpu.memory_space<hbm>> -> memref<400xi32, #tpu.memory_space<hbm>>
      tpu.enqueue_dma source(%dma_start3A_264 : memref<400xi32, #tpu.memory_space<hbm>>) target(%arg15 : memref<400xi32, #tpu.memory_space<vmem>>) target_semaphore(%arg22 : memref<!tpu.dma_semaphore, #tpu.memory_space<semaphore_mem>>)
      %dma_start3A_265 = tpu.memref_slice %arg4[%mul3A_262] : memref<3200000xi32, #tpu.memory_space<hbm>> -> memref<400xi32, #tpu.memory_space<hbm>>
      %dma_start3A_266 = tpu.memref_slice %arg4[%mul3A_262] : memref<3200000xi32, #tpu.memory_space<hbm>> -> memref<400xi32, #tpu.memory_space<hbm>>
      tpu.enqueue_dma source(%dma_start3A_266 : memref<400xi32, #tpu.memory_space<hbm>>) target(%arg18 : memref<400xi32, #tpu.memory_space<vmem>>) target_semaphore(%arg22 : memref<!tpu.dma_semaphore, #tpu.memory_space<semaphore_mem>>)
      %dma_start3A_267 = arith.constant 0 : i32
      %dma_start3A_268 = tpu.memref_slice %arg2[%dma_start3A_267, %mul3A_262] : memref<9x3200000xf32, #tpu.memory_space<hbm>> -> memref<9x400xf32, #tpu.memory_space<hbm>>
      %dma_start3A_269 = arith.constant 0 : i32
      %dma_start3A_270 = tpu.memref_slice %arg2[%dma_start3A_269, %mul3A_262] : memref<9x3200000xf32, #tpu.memory_space<hbm>> -> memref<9x400xf32, #tpu.memory_space<hbm>>
      tpu.enqueue_dma source(%dma_start3A_270 : memref<9x400xf32, #tpu.memory_space<hbm>>) target(%arg9 : memref<9x400xf32, #tpu.memory_space<vmem>>) target_semaphore(%arg22 : memref<!tpu.dma_semaphore, #tpu.memory_space<semaphore_mem>>)
      %dma_wait3A_271 = arith.constant 0 : i32
      %dma_wait3A_272 = arith.constant 0 : i32
      %dma_wait3A_273 = tpu.memref_slice %arg5[%dma_wait3A_271, %dma_wait3A_272] : memref<320000x16xf32, #tpu.memory_space<hbm>> -> memref<320000x16xf32, #tpu.memory_space<hbm>>
      tpu.wait_indirect_dma semaphore(%arg26 : memref<!tpu.dma_semaphore, #tpu.memory_space<semaphore_mem>>) src(%dma_wait3A_273 : memref<320000x16xf32, #tpu.memory_space<hbm>>) dst(%arg13 : memref<400x16xf32, #tpu.memory_space<vmem>>)
      %mul3A_274 = arith.constant 400 : i32
      %mul3A_275 = arith.muli %add3A_239, %mul3A_274 : i32
      %parallel_loop3A_276 = arith.constant 0 : i32
      %parallel_loop3A_277 = arith.constant 25 : i32
      %parallel_loop3A_278 = arith.constant 1 : i32
      scf.for %parallel_loop3A_321 = %parallel_loop3A_276 to %parallel_loop3A_277 step %parallel_loop3A_278  : i32 {
        %parallel_loop3A_322 = arith.constant 16 : i32
        %parallel_loop3A_323 = arith.muli %parallel_loop3A_321, %parallel_loop3A_322 : i32
        %parallel_loop3A_324 = vector.broadcast %parallel_loop3A_323 : i32 to vector<16xi32>
        %parallel_loop3A_325 = arith.addi %parallel_loop3A_324, %iota3A : vector<16xi32>
        %parallel_loop3A_326 = arith.constant 16 : i32
        %parallel_loop3A_327 = arith.muli %parallel_loop3A_321, %parallel_loop3A_326 : i32
        %parallel_loop3A_328 = arith.index_cast %parallel_loop3A_327 : i32 to index
        %parallel_loop3A_329 = tpu.vector_load %arg19[%parallel_loop3A_328] {strides = array<i32>} : memref<400xi32, #tpu.memory_space<vmem>>, vector<16xi32>,
        %parallel_loop3A_330 = vector.broadcast %mul3A_275 : i32 to vector<16xi32>
        %parallel_loop3A_331 = arith.addi %parallel_loop3A_330, %parallel_loop3A_325 : vector<16xi32>
        %parallel_loop3A_332 = vector.broadcast %reduce_max3A_7 : i32 to vector<16xi32>
        %parallel_loop3A_333 = arith.cmpi sge, %parallel_loop3A_331, %parallel_loop3A_332 : vector<16xi32>
        %parallel_loop3A_334 = vector.broadcast %reduce_max3A_19 : i32 to vector<16xi32>
        %parallel_loop3A_335 = arith.cmpi slt, %parallel_loop3A_331, %parallel_loop3A_334 : vector<16xi32>
        %parallel_loop3A_336 = arith.andi %parallel_loop3A_333, %parallel_loop3A_335 : vector<16xi1>
        %parallel_loop3A_337 = vector.broadcast %mul3A_21 : i32 to vector<16xi32>
        %parallel_loop3A_338 = arith.subi %parallel_loop3A_329, %parallel_loop3A_337 : vector<16xi32>
        %parallel_loop3A_339 = arith.constant 0 : i32
        %parallel_loop3A_340 = arith.constant 9999 : i32
        %parallel_loop3A_341 = vector.broadcast %parallel_loop3A_339 : i32 to vector<16xi32>
        %parallel_loop3A_342 = arith.maxsi %parallel_loop3A_341, %parallel_loop3A_338 : vector<16xi32>
        %parallel_loop3A_343 = vector.broadcast %parallel_loop3A_340 : i32 to vector<16xi32>
        %parallel_loop3A_344 = arith.minsi %parallel_loop3A_343, %parallel_loop3A_342 : vector<16xi32>
        %parallel_loop3A_345 = arith.constant 16 : i32
        %parallel_loop3A_346 = arith.muli %parallel_loop3A_321, %parallel_loop3A_345 : i32
        %parallel_loop3A_347 = arith.constant 0 : i32
        %parallel_loop3A_348 = arith.index_cast %parallel_loop3A_347 : i32 to index
        %parallel_loop3A_349 = arith.index_cast %parallel_loop3A_346 : i32 to index
        %parallel_loop3A_350 = tpu.vector_load %arg10[%parallel_loop3A_348, %parallel_loop3A_349] {strides = array<i32>} : memref<9x400xf32, #tpu.memory_space<vmem>>, vector<16xf32>,
        %parallel_loop3A_351 = arith.constant 0 : i32
        %parallel_loop3A_352 = vector.broadcast %parallel_loop3A_351 : i32 to vector<16xi32>
        %parallel_loop3A_353 = tpu.vector_load_idx %arg13[%parallel_loop3A_325, %parallel_loop3A_352] : memref<400x16xf32, #tpu.memory_space<vmem>>[vector<16xi32>, vector<16xi32>], vector<16xf32>,
        %parallel_loop3A_354 = arith.constant 0 : i32
        %parallel_loop3A_355 = vector.broadcast %parallel_loop3A_354 : i32 to vector<16xi32>
        %parallel_loop3A_356 = arith.mulf %parallel_loop3A_350, %parallel_loop3A_353 : vector<16xf32>
        tpu.vector_store_idx %arg8[%parallel_loop3A_355, %parallel_loop3A_344], %parallel_loop3A_356 masked %parallel_loop3A_336 {add = true} : memref<9x10000xf32, #tpu.memory_space<vmem>>[vector<16xi32>, vector<16xi32>], vector<16xf32>, vector<16xi1>
        %parallel_loop3A_357 = arith.constant 16 : i32
        %parallel_loop3A_358 = arith.muli %parallel_loop3A_321, %parallel_loop3A_357 : i32
        %parallel_loop3A_359 = arith.constant 1 : i32
        %parallel_loop3A_360 = arith.index_cast %parallel_loop3A_359 : i32 to index
        %parallel_loop3A_361 = arith.index_cast %parallel_loop3A_358 : i32 to index
        %parallel_loop3A_362 = tpu.vector_load %arg10[%parallel_loop3A_360, %parallel_loop3A_361] {strides = array<i32>} : memref<9x400xf32, #tpu.memory_space<vmem>>, vector<16xf32>,
        %parallel_loop3A_363 = arith.constant 1 : i32
        %parallel_loop3A_364 = vector.broadcast %parallel_loop3A_363 : i32 to vector<16xi32>
        %parallel_loop3A_365 = tpu.vector_load_idx %arg13[%parallel_loop3A_325, %parallel_loop3A_364] : memref<400x16xf32, #tpu.memory_space<vmem>>[vector<16xi32>, vector<16xi32>], vector<16xf32>,
        %parallel_loop3A_366 = arith.constant 1 : i32
        %parallel_loop3A_367 = vector.broadcast %parallel_loop3A_366 : i32 to vector<16xi32>
        %parallel_loop3A_368 = arith.mulf %parallel_loop3A_362, %parallel_loop3A_365 : vector<16xf32>
        tpu.vector_store_idx %arg8[%parallel_loop3A_367, %parallel_loop3A_344], %parallel_loop3A_368 masked %parallel_loop3A_336 {add = true} : memref<9x10000xf32, #tpu.memory_space<vmem>>[vector<16xi32>, vector<16xi32>], vector<16xf32>, vector<16xi1>
        %parallel_loop3A_369 = arith.constant 16 : i32
        %parallel_loop3A_370 = arith.muli %parallel_loop3A_321, %parallel_loop3A_369 : i32
        %parallel_loop3A_371 = arith.constant 2 : i32
        %parallel_loop3A_372 = arith.index_cast %parallel_loop3A_371 : i32 to index
        %parallel_loop3A_373 = arith.index_cast %parallel_loop3A_370 : i32 to index
        %parallel_loop3A_374 = tpu.vector_load %arg10[%parallel_loop3A_372, %parallel_loop3A_373] {strides = array<i32>} : memref<9x400xf32, #tpu.memory_space<vmem>>, vector<16xf32>,
        %parallel_loop3A_375 = arith.constant 2 : i32
        %parallel_loop3A_376 = vector.broadcast %parallel_loop3A_375 : i32 to vector<16xi32>
        %parallel_loop3A_377 = tpu.vector_load_idx %arg13[%parallel_loop3A_325, %parallel_loop3A_376] : memref<400x16xf32, #tpu.memory_space<vmem>>[vector<16xi32>, vector<16xi32>], vector<16xf32>,
        %parallel_loop3A_378 = arith.constant 2 : i32
        %parallel_loop3A_379 = vector.broadcast %parallel_loop3A_378 : i32 to vector<16xi32>
        %parallel_loop3A_380 = arith.mulf %parallel_loop3A_374, %parallel_loop3A_377 : vector<16xf32>
        tpu.vector_store_idx %arg8[%parallel_loop3A_379, %parallel_loop3A_344], %parallel_loop3A_380 masked %parallel_loop3A_336 {add = true} : memref<9x10000xf32, #tpu.memory_space<vmem>>[vector<16xi32>, vector<16xi32>], vector<16xf32>, vector<16xi1>
        %parallel_loop3A_381 = arith.constant 16 : i32
        %parallel_loop3A_382 = arith.muli %parallel_loop3A_321, %parallel_loop3A_381 : i32
        %parallel_loop3A_383 = arith.constant 3 : i32
        %parallel_loop3A_384 = arith.index_cast %parallel_loop3A_383 : i32 to index
        %parallel_loop3A_385 = arith.index_cast %parallel_loop3A_382 : i32 to index
        %parallel_loop3A_386 = tpu.vector_load %arg10[%parallel_loop3A_384, %parallel_loop3A_385] {strides = array<i32>} : memref<9x400xf32, #tpu.memory_space<vmem>>, vector<16xf32>,
        %parallel_loop3A_387 = arith.constant 3 : i32
        %parallel_loop3A_388 = vector.broadcast %parallel_loop3A_387 : i32 to vector<16xi32>
        %parallel_loop3A_389 = tpu.vector_load_idx %arg13[%parallel_loop3A_325, %parallel_loop3A_388] : memref<400x16xf32, #tpu.memory_space<vmem>>[vector<16xi32>, vector<16xi32>], vector<16xf32>,
        %parallel_loop3A_390 = arith.constant 3 : i32
        %parallel_loop3A_391 = vector.broadcast %parallel_loop3A_390 : i32 to vector<16xi32>
        %parallel_loop3A_392 = arith.mulf %parallel_loop3A_386, %parallel_loop3A_389 : vector<16xf32>
        tpu.vector_store_idx %arg8[%parallel_loop3A_391, %parallel_loop3A_344], %parallel_loop3A_392 masked %parallel_loop3A_336 {add = true} : memref<9x10000xf32, #tpu.memory_space<vmem>>[vector<16xi32>, vector<16xi32>], vector<16xf32>, vector<16xi1>
        %parallel_loop3A_393 = arith.constant 16 : i32
        %parallel_loop3A_394 = arith.muli %parallel_loop3A_321, %parallel_loop3A_393 : i32
        %parallel_loop3A_395 = arith.constant 4 : i32
        %parallel_loop3A_396 = arith.index_cast %parallel_loop3A_395 : i32 to index
        %parallel_loop3A_397 = arith.index_cast %parallel_loop3A_394 : i32 to index
        %parallel_loop3A_398 = tpu.vector_load %arg10[%parallel_loop3A_396, %parallel_loop3A_397] {strides = array<i32>} : memref<9x400xf32, #tpu.memory_space<vmem>>, vector<16xf32>,
        %parallel_loop3A_399 = arith.constant 4 : i32
        %parallel_loop3A_400 = vector.broadcast %parallel_loop3A_399 : i32 to vector<16xi32>
        %parallel_loop3A_401 = tpu.vector_load_idx %arg13[%parallel_loop3A_325, %parallel_loop3A_400] : memref<400x16xf32, #tpu.memory_space<vmem>>[vector<16xi32>, vector<16xi32>], vector<16xf32>,
        %parallel_loop3A_402 = arith.constant 4 : i32
        %parallel_loop3A_403 = vector.broadcast %parallel_loop3A_402 : i32 to vector<16xi32>
        %parallel_loop3A_404 = arith.mulf %parallel_loop3A_398, %parallel_loop3A_401 : vector<16xf32>
        tpu.vector_store_idx %arg8[%parallel_loop3A_403, %parallel_loop3A_344], %parallel_loop3A_404 masked %parallel_loop3A_336 {add = true} : memref<9x10000xf32, #tpu.memory_space<vmem>>[vector<16xi32>, vector<16xi32>], vector<16xf32>, vector<16xi1>
        %parallel_loop3A_405 = arith.constant 16 : i32
        %parallel_loop3A_406 = arith.muli %parallel_loop3A_321, %parallel_loop3A_405 : i32
        %parallel_loop3A_407 = arith.constant 5 : i32
        %parallel_loop3A_408 = arith.index_cast %parallel_loop3A_407 : i32 to index
        %parallel_loop3A_409 = arith.index_cast %parallel_loop3A_406 : i32 to index
        %parallel_loop3A_410 = tpu.vector_load %arg10[%parallel_loop3A_408, %parallel_loop3A_409] {strides = array<i32>} : memref<9x400xf32, #tpu.memory_space<vmem>>, vector<16xf32>,
        %parallel_loop3A_411 = arith.constant 5 : i32
        %parallel_loop3A_412 = vector.broadcast %parallel_loop3A_411 : i32 to vector<16xi32>
        %parallel_loop3A_413 = tpu.vector_load_idx %arg13[%parallel_loop3A_325, %parallel_loop3A_412] : memref<400x16xf32, #tpu.memory_space<vmem>>[vector<16xi32>, vector<16xi32>], vector<16xf32>,
        %parallel_loop3A_414 = arith.constant 5 : i32
        %parallel_loop3A_415 = vector.broadcast %parallel_loop3A_414 : i32 to vector<16xi32>
        %parallel_loop3A_416 = arith.mulf %parallel_loop3A_410, %parallel_loop3A_413 : vector<16xf32>
        tpu.vector_store_idx %arg8[%parallel_loop3A_415, %parallel_loop3A_344], %parallel_loop3A_416 masked %parallel_loop3A_336 {add = true} : memref<9x10000xf32, #tpu.memory_space<vmem>>[vector<16xi32>, vector<16xi32>], vector<16xf32>, vector<16xi1>
        %parallel_loop3A_417 = arith.constant 16 : i32
        %parallel_loop3A_418 = arith.muli %parallel_loop3A_321, %parallel_loop3A_417 : i32
        %parallel_loop3A_419 = arith.constant 6 : i32
        %parallel_loop3A_420 = arith.index_cast %parallel_loop3A_419 : i32 to index
        %parallel_loop3A_421 = arith.index_cast %parallel_loop3A_418 : i32 to index
        %parallel_loop3A_422 = tpu.vector_load %arg10[%parallel_loop3A_420, %parallel_loop3A_421] {strides = array<i32>} : memref<9x400xf32, #tpu.memory_space<vmem>>, vector<16xf32>,
        %parallel_loop3A_423 = arith.constant 6 : i32
        %parallel_loop3A_424 = vector.broadcast %parallel_loop3A_423 : i32 to vector<16xi32>
        %parallel_loop3A_425 = tpu.vector_load_idx %arg13[%parallel_loop3A_325, %parallel_loop3A_424] : memref<400x16xf32, #tpu.memory_space<vmem>>[vector<16xi32>, vector<16xi32>], vector<16xf32>,
        %parallel_loop3A_426 = arith.constant 6 : i32
        %parallel_loop3A_427 = vector.broadcast %parallel_loop3A_426 : i32 to vector<16xi32>
        %parallel_loop3A_428 = arith.mulf %parallel_loop3A_422, %parallel_loop3A_425 : vector<16xf32>
        tpu.vector_store_idx %arg8[%parallel_loop3A_427, %parallel_loop3A_344], %parallel_loop3A_428 masked %parallel_loop3A_336 {add = true} : memref<9x10000xf32, #tpu.memory_space<vmem>>[vector<16xi32>, vector<16xi32>], vector<16xf32>, vector<16xi1>
        %parallel_loop3A_429 = arith.constant 16 : i32
        %parallel_loop3A_430 = arith.muli %parallel_loop3A_321, %parallel_loop3A_429 : i32
        %parallel_loop3A_431 = arith.constant 7 : i32
        %parallel_loop3A_432 = arith.index_cast %parallel_loop3A_431 : i32 to index
        %parallel_loop3A_433 = arith.index_cast %parallel_loop3A_430 : i32 to index
        %parallel_loop3A_434 = tpu.vector_load %arg10[%parallel_loop3A_432, %parallel_loop3A_433] {strides = array<i32>} : memref<9x400xf32, #tpu.memory_space<vmem>>, vector<16xf32>,
        %parallel_loop3A_435 = arith.constant 7 : i32
        %parallel_loop3A_436 = vector.broadcast %parallel_loop3A_435 : i32 to vector<16xi32>
        %parallel_loop3A_437 = tpu.vector_load_idx %arg13[%parallel_loop3A_325, %parallel_loop3A_436] : memref<400x16xf32, #tpu.memory_space<vmem>>[vector<16xi32>, vector<16xi32>], vector<16xf32>,
        %parallel_loop3A_438 = arith.constant 7 : i32
        %parallel_loop3A_439 = vector.broadcast %parallel_loop3A_438 : i32 to vector<16xi32>
        %parallel_loop3A_440 = arith.mulf %parallel_loop3A_434, %parallel_loop3A_437 : vector<16xf32>
        tpu.vector_store_idx %arg8[%parallel_loop3A_439, %parallel_loop3A_344], %parallel_loop3A_440 masked %parallel_loop3A_336 {add = true} : memref<9x10000xf32, #tpu.memory_space<vmem>>[vector<16xi32>, vector<16xi32>], vector<16xf32>, vector<16xi1>
        %parallel_loop3A_441 = arith.constant 16 : i32
        %parallel_loop3A_442 = arith.muli %parallel_loop3A_321, %parallel_loop3A_441 : i32
        %parallel_loop3A_443 = arith.constant 8 : i32
        %parallel_loop3A_444 = arith.index_cast %parallel_loop3A_443 : i32 to index
        %parallel_loop3A_445 = arith.index_cast %parallel_loop3A_442 : i32 to index
        %parallel_loop3A_446 = tpu.vector_load %arg10[%parallel_loop3A_444, %parallel_loop3A_445] {strides = array<i32>} : memref<9x400xf32, #tpu.memory_space<vmem>>, vector<16xf32>,
        %parallel_loop3A_447 = arith.constant 8 : i32
        %parallel_loop3A_448 = vector.broadcast %parallel_loop3A_447 : i32 to vector<16xi32>
        %parallel_loop3A_449 = tpu.vector_load_idx %arg13[%parallel_loop3A_325, %parallel_loop3A_448] : memref<400x16xf32, #tpu.memory_space<vmem>>[vector<16xi32>, vector<16xi32>], vector<16xf32>,
        %parallel_loop3A_450 = arith.constant 8 : i32
        %parallel_loop3A_451 = vector.broadcast %parallel_loop3A_450 : i32 to vector<16xi32>
        %parallel_loop3A_452 = arith.mulf %parallel_loop3A_446, %parallel_loop3A_449 : vector<16xf32>
        tpu.vector_store_idx %arg8[%parallel_loop3A_451, %parallel_loop3A_344], %parallel_loop3A_452 masked %parallel_loop3A_336 {add = true} : memref<9x10000xf32, #tpu.memory_space<vmem>>[vector<16xi32>, vector<16xi32>], vector<16xf32>, vector<16xi1>
      } {sc.loop_unroll_factor = 5 : i64, sc.parallel_access}
      %add3A_279 = arith.constant 2 : i32
      %add3A_280 = arith.addi %add3A_196, %add3A_279 : i32
      %add3A_281 = arith.constant 1 : i32
      %add3A_282 = arith.addi %add3A_280, %add3A_281 : i32
      %min3A_283 = arith.constant 7999 : i32
      %min3A_284 = arith.minsi %add3A_282, %min3A_283 : i32
      %mul3A_285 = arith.constant 400 : i32
      %mul3A_286 = arith.muli %min3A_284, %mul3A_285 : i32
      %dma_wait3A_287 = tpu.memref_slice %arg3[%mul3A_286] : memref<3200000xi32, #tpu.memory_space<hbm>> -> memref<400xi32, #tpu.memory_space<hbm>>
      %dma_wait3A_288 = tpu.memref_slice %arg3[%mul3A_286] : memref<3200000xi32, #tpu.memory_space<hbm>> -> memref<400xi32, #tpu.memory_space<hbm>>
      tpu.wait_dma2 semaphore(%arg22 : memref<!tpu.dma_semaphore, #tpu.memory_space<semaphore_mem>>) src(%dma_wait3A_288 : memref<400xi32, #tpu.memory_space<hbm>>) dst(%arg15 : memref<400xi32, #tpu.memory_space<vmem>>)
      %dma_wait3A_289 = tpu.memref_slice %arg4[%mul3A_286] : memref<3200000xi32, #tpu.memory_space<hbm>> -> memref<400xi32, #tpu.memory_space<hbm>>
      %dma_wait3A_290 = tpu.memref_slice %arg4[%mul3A_286] : memref<3200000xi32, #tpu.memory_space<hbm>> -> memref<400xi32, #tpu.memory_space<hbm>>
      tpu.wait_dma2 semaphore(%arg22 : memref<!tpu.dma_semaphore, #tpu.memory_space<semaphore_mem>>) src(%dma_wait3A_290 : memref<400xi32, #tpu.memory_space<hbm>>) dst(%arg18 : memref<400xi32, #tpu.memory_space<vmem>>)
      %dma_wait3A_291 = arith.constant 0 : i32
      %dma_wait3A_292 = tpu.memref_slice %arg2[%dma_wait3A_291, %mul3A_286] : memref<9x3200000xf32, #tpu.memory_space<hbm>> -> memref<9x400xf32, #tpu.memory_space<hbm>>
      %dma_wait3A_293 = arith.constant 0 : i32
      %dma_wait3A_294 = tpu.memref_slice %arg2[%dma_wait3A_293, %mul3A_286] : memref<9x3200000xf32, #tpu.memory_space<hbm>> -> memref<9x400xf32, #tpu.memory_space<hbm>>
      tpu.wait_dma2 semaphore(%arg22 : memref<!tpu.dma_semaphore, #tpu.memory_space<semaphore_mem>>) src(%dma_wait3A_294 : memref<9x400xf32, #tpu.memory_space<hbm>>) dst(%arg9 : memref<9x400xf32, #tpu.memory_space<vmem>>)
      %dma_start3A_295 = arith.constant 0 : i32
      %dma_start3A_296 = arith.constant 0 : i32
      %dma_start3A_297 = tpu.memref_slice %arg5[%dma_start3A_295, %dma_start3A_296] : memref<320000x16xf32, #tpu.memory_space<hbm>> -> memref<320000x16xf32, #tpu.memory_space<hbm>>
      tpu.enqueue_indirect_dma source(%dma_start3A_297 : memref<320000x16xf32, #tpu.memory_space<hbm>>) target(%arg12 : memref<400x16xf32, #tpu.memory_space<vmem>>) offsets(%arg15 : memref<400xi32, #tpu.memory_space<vmem>>) semaphore(%arg25 : memref<!tpu.dma_semaphore, #tpu.memory_space<semaphore_mem>>)
      %add3A_298 = arith.constant 2 : i32
      %add3A_299 = arith.addi %add3A_280, %add3A_298 : i32
      %min3A_300 = arith.constant 7999 : i32
      %min3A_301 = arith.minsi %add3A_299, %min3A_300 : i32
      %mul3A_302 = arith.constant 400 : i32
      %mul3A_303 = arith.muli %min3A_301, %mul3A_302 : i32
      %dma_start3A_304 = tpu.memref_slice %arg3[%mul3A_303] : memref<3200000xi32, #tpu.memory_space<hbm>> -> memref<400xi32, #tpu.memory_space<hbm>>
      %dma_start3A_305 = tpu.memref_slice %arg3[%mul3A_303] : memref<3200000xi32, #tpu.memory_space<hbm>> -> memref<400xi32, #tpu.memory_space<hbm>>
      tpu.enqueue_dma source(%dma_start3A_305 : memref<400xi32, #tpu.memory_space<hbm>>) target(%arg16 : memref<400xi32, #tpu.memory_space<vmem>>) target_semaphore(%arg23 : memref<!tpu.dma_semaphore, #tpu.memory_space<semaphore_mem>>)
      %dma_start3A_306 = tpu.memref_slice %arg4[%mul3A_303] : memref<3200000xi32, #tpu.memory_space<hbm>> -> memref<400xi32, #tpu.memory_space<hbm>>
      %dma_start3A_307 = tpu.memref_slice %arg4[%mul3A_303] : memref<3200000xi32, #tpu.memory_space<hbm>> -> memref<400xi32, #tpu.memory_space<hbm>>
      tpu.enqueue_dma source(%dma_start3A_307 : memref<400xi32, #tpu.memory_space<hbm>>) target(%arg19 : memref<400xi32, #tpu.memory_space<vmem>>) target_semaphore(%arg23 : memref<!tpu.dma_semaphore, #tpu.memory_space<semaphore_mem>>)
      %dma_start3A_308 = arith.constant 0 : i32
      %dma_start3A_309 = tpu.memref_slice %arg2[%dma_start3A_308, %mul3A_303] : memref<9x3200000xf32, #tpu.memory_space<hbm>> -> memref<9x400xf32, #tpu.memory_space<hbm>>
      %dma_start3A_310 = arith.constant 0 : i32
      %dma_start3A_311 = tpu.memref_slice %arg2[%dma_start3A_310, %mul3A_303] : memref<9x3200000xf32, #tpu.memory_space<hbm>> -> memref<9x400xf32, #tpu.memory_space<hbm>>
      tpu.enqueue_dma source(%dma_start3A_311 : memref<9x400xf32, #tpu.memory_space<hbm>>) target(%arg10 : memref<9x400xf32, #tpu.memory_space<vmem>>) target_semaphore(%arg23 : memref<!tpu.dma_semaphore, #tpu.memory_space<semaphore_mem>>)
      %dma_wait3A_312 = arith.constant 0 : i32
      %dma_wait3A_313 = arith.constant 0 : i32
      %dma_wait3A_314 = tpu.memref_slice %arg5[%dma_wait3A_312, %dma_wait3A_313] : memref<320000x16xf32, #tpu.memory_space<hbm>> -> memref<320000x16xf32, #tpu.memory_space<hbm>>
      tpu.wait_indirect_dma semaphore(%arg27 : memref<!tpu.dma_semaphore, #tpu.memory_space<semaphore_mem>>) src(%dma_wait3A_314 : memref<320000x16xf32, #tpu.memory_space<hbm>>) dst(%arg14 : memref<400x16xf32, #tpu.memory_space<vmem>>)
      %mul3A_315 = arith.constant 400 : i32
      %mul3A_316 = arith.muli %add3A_280, %mul3A_315 : i32
      %parallel_loop3A_317 = arith.constant 0 : i32
      %parallel_loop3A_318 = arith.constant 25 : i32
      %parallel_loop3A_319 = arith.constant 1 : i32
      scf.for %parallel_loop3A_321 = %parallel_loop3A_317 to %parallel_loop3A_318 step %parallel_loop3A_319  : i32 {
        %parallel_loop3A_322 = arith.constant 16 : i32
        %parallel_loop3A_323 = arith.muli %parallel_loop3A_321, %parallel_loop3A_322 : i32
        %parallel_loop3A_324 = vector.broadcast %parallel_loop3A_323 : i32 to vector<16xi32>
        %parallel_loop3A_325 = arith.addi %parallel_loop3A_324, %iota3A : vector<16xi32>
        %parallel_loop3A_326 = arith.constant 16 : i32
        %parallel_loop3A_327 = arith.muli %parallel_loop3A_321, %parallel_loop3A_326 : i32
        %parallel_loop3A_328 = arith.index_cast %parallel_loop3A_327 : i32 to index
        %parallel_loop3A_329 = tpu.vector_load %arg20[%parallel_loop3A_328] {strides = array<i32>} : memref<400xi32, #tpu.memory_space<vmem>>, vector<16xi32>,
        %parallel_loop3A_330 = vector.broadcast %mul3A_316 : i32 to vector<16xi32>
        %parallel_loop3A_331 = arith.addi %parallel_loop3A_330, %parallel_loop3A_325 : vector<16xi32>
        %parallel_loop3A_332 = vector.broadcast %reduce_max3A_7 : i32 to vector<16xi32>
        %parallel_loop3A_333 = arith.cmpi sge, %parallel_loop3A_331, %parallel_loop3A_332 : vector<16xi32>
        %parallel_loop3A_334 = vector.broadcast %reduce_max3A_19 : i32 to vector<16xi32>
        %parallel_loop3A_335 = arith.cmpi slt, %parallel_loop3A_331, %parallel_loop3A_334 : vector<16xi32>
        %parallel_loop3A_336 = arith.andi %parallel_loop3A_333, %parallel_loop3A_335 : vector<16xi1>
        %parallel_loop3A_337 = vector.broadcast %mul3A_21 : i32 to vector<16xi32>
        %parallel_loop3A_338 = arith.subi %parallel_loop3A_329, %parallel_loop3A_337 : vector<16xi32>
        %parallel_loop3A_339 = arith.constant 0 : i32
        %parallel_loop3A_340 = arith.constant 9999 : i32
        %parallel_loop3A_341 = vector.broadcast %parallel_loop3A_339 : i32 to vector<16xi32>
        %parallel_loop3A_342 = arith.maxsi %parallel_loop3A_341, %parallel_loop3A_338 : vector<16xi32>
        %parallel_loop3A_343 = vector.broadcast %parallel_loop3A_340 : i32 to vector<16xi32>
        %parallel_loop3A_344 = arith.minsi %parallel_loop3A_343, %parallel_loop3A_342 : vector<16xi32>
        %parallel_loop3A_345 = arith.constant 16 : i32
        %parallel_loop3A_346 = arith.muli %parallel_loop3A_321, %parallel_loop3A_345 : i32
        %parallel_loop3A_347 = arith.constant 0 : i32
        %parallel_loop3A_348 = arith.index_cast %parallel_loop3A_347 : i32 to index
        %parallel_loop3A_349 = arith.index_cast %parallel_loop3A_346 : i32 to index
        %parallel_loop3A_350 = tpu.vector_load %arg11[%parallel_loop3A_348, %parallel_loop3A_349] {strides = array<i32>} : memref<9x400xf32, #tpu.memory_space<vmem>>, vector<16xf32>,
        %parallel_loop3A_351 = arith.constant 0 : i32
        %parallel_loop3A_352 = vector.broadcast %parallel_loop3A_351 : i32 to vector<16xi32>
        %parallel_loop3A_353 = tpu.vector_load_idx %arg14[%parallel_loop3A_325, %parallel_loop3A_352] : memref<400x16xf32, #tpu.memory_space<vmem>>[vector<16xi32>, vector<16xi32>], vector<16xf32>,
        %parallel_loop3A_354 = arith.constant 0 : i32
        %parallel_loop3A_355 = vector.broadcast %parallel_loop3A_354 : i32 to vector<16xi32>
        %parallel_loop3A_356 = arith.mulf %parallel_loop3A_350, %parallel_loop3A_353 : vector<16xf32>
        tpu.vector_store_idx %arg8[%parallel_loop3A_355, %parallel_loop3A_344], %parallel_loop3A_356 masked %parallel_loop3A_336 {add = true} : memref<9x10000xf32, #tpu.memory_space<vmem>>[vector<16xi32>, vector<16xi32>], vector<16xf32>, vector<16xi1>
        %parallel_loop3A_357 = arith.constant 16 : i32
        %parallel_loop3A_358 = arith.muli %parallel_loop3A_321, %parallel_loop3A_357 : i32
        %parallel_loop3A_359 = arith.constant 1 : i32
        %parallel_loop3A_360 = arith.index_cast %parallel_loop3A_359 : i32 to index
        %parallel_loop3A_361 = arith.index_cast %parallel_loop3A_358 : i32 to index
        %parallel_loop3A_362 = tpu.vector_load %arg11[%parallel_loop3A_360, %parallel_loop3A_361] {strides = array<i32>} : memref<9x400xf32, #tpu.memory_space<vmem>>, vector<16xf32>,
        %parallel_loop3A_363 = arith.constant 1 : i32
        %parallel_loop3A_364 = vector.broadcast %parallel_loop3A_363 : i32 to vector<16xi32>
        %parallel_loop3A_365 = tpu.vector_load_idx %arg14[%parallel_loop3A_325, %parallel_loop3A_364] : memref<400x16xf32, #tpu.memory_space<vmem>>[vector<16xi32>, vector<16xi32>], vector<16xf32>,
        %parallel_loop3A_366 = arith.constant 1 : i32
        %parallel_loop3A_367 = vector.broadcast %parallel_loop3A_366 : i32 to vector<16xi32>
        %parallel_loop3A_368 = arith.mulf %parallel_loop3A_362, %parallel_loop3A_365 : vector<16xf32>
        tpu.vector_store_idx %arg8[%parallel_loop3A_367, %parallel_loop3A_344], %parallel_loop3A_368 masked %parallel_loop3A_336 {add = true} : memref<9x10000xf32, #tpu.memory_space<vmem>>[vector<16xi32>, vector<16xi32>], vector<16xf32>, vector<16xi1>
        %parallel_loop3A_369 = arith.constant 16 : i32
        %parallel_loop3A_370 = arith.muli %parallel_loop3A_321, %parallel_loop3A_369 : i32
        %parallel_loop3A_371 = arith.constant 2 : i32
        %parallel_loop3A_372 = arith.index_cast %parallel_loop3A_371 : i32 to index
        %parallel_loop3A_373 = arith.index_cast %parallel_loop3A_370 : i32 to index
        %parallel_loop3A_374 = tpu.vector_load %arg11[%parallel_loop3A_372, %parallel_loop3A_373] {strides = array<i32>} : memref<9x400xf32, #tpu.memory_space<vmem>>, vector<16xf32>,
        %parallel_loop3A_375 = arith.constant 2 : i32
        %parallel_loop3A_376 = vector.broadcast %parallel_loop3A_375 : i32 to vector<16xi32>
        %parallel_loop3A_377 = tpu.vector_load_idx %arg14[%parallel_loop3A_325, %parallel_loop3A_376] : memref<400x16xf32, #tpu.memory_space<vmem>>[vector<16xi32>, vector<16xi32>], vector<16xf32>,
        %parallel_loop3A_378 = arith.constant 2 : i32
        %parallel_loop3A_379 = vector.broadcast %parallel_loop3A_378 : i32 to vector<16xi32>
        %parallel_loop3A_380 = arith.mulf %parallel_loop3A_374, %parallel_loop3A_377 : vector<16xf32>
        tpu.vector_store_idx %arg8[%parallel_loop3A_379, %parallel_loop3A_344], %parallel_loop3A_380 masked %parallel_loop3A_336 {add = true} : memref<9x10000xf32, #tpu.memory_space<vmem>>[vector<16xi32>, vector<16xi32>], vector<16xf32>, vector<16xi1>
        %parallel_loop3A_381 = arith.constant 16 : i32
        %parallel_loop3A_382 = arith.muli %parallel_loop3A_321, %parallel_loop3A_381 : i32
        %parallel_loop3A_383 = arith.constant 3 : i32
        %parallel_loop3A_384 = arith.index_cast %parallel_loop3A_383 : i32 to index
        %parallel_loop3A_385 = arith.index_cast %parallel_loop3A_382 : i32 to index
        %parallel_loop3A_386 = tpu.vector_load %arg11[%parallel_loop3A_384, %parallel_loop3A_385] {strides = array<i32>} : memref<9x400xf32, #tpu.memory_space<vmem>>, vector<16xf32>,
        %parallel_loop3A_387 = arith.constant 3 : i32
        %parallel_loop3A_388 = vector.broadcast %parallel_loop3A_387 : i32 to vector<16xi32>
        %parallel_loop3A_389 = tpu.vector_load_idx %arg14[%parallel_loop3A_325, %parallel_loop3A_388] : memref<400x16xf32, #tpu.memory_space<vmem>>[vector<16xi32>, vector<16xi32>], vector<16xf32>,
        %parallel_loop3A_390 = arith.constant 3 : i32
        %parallel_loop3A_391 = vector.broadcast %parallel_loop3A_390 : i32 to vector<16xi32>
        %parallel_loop3A_392 = arith.mulf %parallel_loop3A_386, %parallel_loop3A_389 : vector<16xf32>
        tpu.vector_store_idx %arg8[%parallel_loop3A_391, %parallel_loop3A_344], %parallel_loop3A_392 masked %parallel_loop3A_336 {add = true} : memref<9x10000xf32, #tpu.memory_space<vmem>>[vector<16xi32>, vector<16xi32>], vector<16xf32>, vector<16xi1>
        %parallel_loop3A_393 = arith.constant 16 : i32
        %parallel_loop3A_394 = arith.muli %parallel_loop3A_321, %parallel_loop3A_393 : i32
        %parallel_loop3A_395 = arith.constant 4 : i32
        %parallel_loop3A_396 = arith.index_cast %parallel_loop3A_395 : i32 to index
        %parallel_loop3A_397 = arith.index_cast %parallel_loop3A_394 : i32 to index
        %parallel_loop3A_398 = tpu.vector_load %arg11[%parallel_loop3A_396, %parallel_loop3A_397] {strides = array<i32>} : memref<9x400xf32, #tpu.memory_space<vmem>>, vector<16xf32>,
        %parallel_loop3A_399 = arith.constant 4 : i32
        %parallel_loop3A_400 = vector.broadcast %parallel_loop3A_399 : i32 to vector<16xi32>
        %parallel_loop3A_401 = tpu.vector_load_idx %arg14[%parallel_loop3A_325, %parallel_loop3A_400] : memref<400x16xf32, #tpu.memory_space<vmem>>[vector<16xi32>, vector<16xi32>], vector<16xf32>,
        %parallel_loop3A_402 = arith.constant 4 : i32
        %parallel_loop3A_403 = vector.broadcast %parallel_loop3A_402 : i32 to vector<16xi32>
        %parallel_loop3A_404 = arith.mulf %parallel_loop3A_398, %parallel_loop3A_401 : vector<16xf32>
        tpu.vector_store_idx %arg8[%parallel_loop3A_403, %parallel_loop3A_344], %parallel_loop3A_404 masked %parallel_loop3A_336 {add = true} : memref<9x10000xf32, #tpu.memory_space<vmem>>[vector<16xi32>, vector<16xi32>], vector<16xf32>, vector<16xi1>
        %parallel_loop3A_405 = arith.constant 16 : i32
        %parallel_loop3A_406 = arith.muli %parallel_loop3A_321, %parallel_loop3A_405 : i32
        %parallel_loop3A_407 = arith.constant 5 : i32
        %parallel_loop3A_408 = arith.index_cast %parallel_loop3A_407 : i32 to index
        %parallel_loop3A_409 = arith.index_cast %parallel_loop3A_406 : i32 to index
        %parallel_loop3A_410 = tpu.vector_load %arg11[%parallel_loop3A_408, %parallel_loop3A_409] {strides = array<i32>} : memref<9x400xf32, #tpu.memory_space<vmem>>, vector<16xf32>,
        %parallel_loop3A_411 = arith.constant 5 : i32
        %parallel_loop3A_412 = vector.broadcast %parallel_loop3A_411 : i32 to vector<16xi32>
        %parallel_loop3A_413 = tpu.vector_load_idx %arg14[%parallel_loop3A_325, %parallel_loop3A_412] : memref<400x16xf32, #tpu.memory_space<vmem>>[vector<16xi32>, vector<16xi32>], vector<16xf32>,
        %parallel_loop3A_414 = arith.constant 5 : i32
        %parallel_loop3A_415 = vector.broadcast %parallel_loop3A_414 : i32 to vector<16xi32>
        %parallel_loop3A_416 = arith.mulf %parallel_loop3A_410, %parallel_loop3A_413 : vector<16xf32>
        tpu.vector_store_idx %arg8[%parallel_loop3A_415, %parallel_loop3A_344], %parallel_loop3A_416 masked %parallel_loop3A_336 {add = true} : memref<9x10000xf32, #tpu.memory_space<vmem>>[vector<16xi32>, vector<16xi32>], vector<16xf32>, vector<16xi1>
        %parallel_loop3A_417 = arith.constant 16 : i32
        %parallel_loop3A_418 = arith.muli %parallel_loop3A_321, %parallel_loop3A_417 : i32
        %parallel_loop3A_419 = arith.constant 6 : i32
        %parallel_loop3A_420 = arith.index_cast %parallel_loop3A_419 : i32 to index
        %parallel_loop3A_421 = arith.index_cast %parallel_loop3A_418 : i32 to index
        %parallel_loop3A_422 = tpu.vector_load %arg11[%parallel_loop3A_420, %parallel_loop3A_421] {strides = array<i32>} : memref<9x400xf32, #tpu.memory_space<vmem>>, vector<16xf32>,
        %parallel_loop3A_423 = arith.constant 6 : i32
        %parallel_loop3A_424 = vector.broadcast %parallel_loop3A_423 : i32 to vector<16xi32>
        %parallel_loop3A_425 = tpu.vector_load_idx %arg14[%parallel_loop3A_325, %parallel_loop3A_424] : memref<400x16xf32, #tpu.memory_space<vmem>>[vector<16xi32>, vector<16xi32>], vector<16xf32>,
        %parallel_loop3A_426 = arith.constant 6 : i32
        %parallel_loop3A_427 = vector.broadcast %parallel_loop3A_426 : i32 to vector<16xi32>
        %parallel_loop3A_428 = arith.mulf %parallel_loop3A_422, %parallel_loop3A_425 : vector<16xf32>
        tpu.vector_store_idx %arg8[%parallel_loop3A_427, %parallel_loop3A_344], %parallel_loop3A_428 masked %parallel_loop3A_336 {add = true} : memref<9x10000xf32, #tpu.memory_space<vmem>>[vector<16xi32>, vector<16xi32>], vector<16xf32>, vector<16xi1>
        %parallel_loop3A_429 = arith.constant 16 : i32
        %parallel_loop3A_430 = arith.muli %parallel_loop3A_321, %parallel_loop3A_429 : i32
        %parallel_loop3A_431 = arith.constant 7 : i32
        %parallel_loop3A_432 = arith.index_cast %parallel_loop3A_431 : i32 to index
        %parallel_loop3A_433 = arith.index_cast %parallel_loop3A_430 : i32 to index
        %parallel_loop3A_434 = tpu.vector_load %arg11[%parallel_loop3A_432, %parallel_loop3A_433] {strides = array<i32>} : memref<9x400xf32, #tpu.memory_space<vmem>>, vector<16xf32>,
        %parallel_loop3A_435 = arith.constant 7 : i32
        %parallel_loop3A_436 = vector.broadcast %parallel_loop3A_435 : i32 to vector<16xi32>
        %parallel_loop3A_437 = tpu.vector_load_idx %arg14[%parallel_loop3A_325, %parallel_loop3A_436] : memref<400x16xf32, #tpu.memory_space<vmem>>[vector<16xi32>, vector<16xi32>], vector<16xf32>,
        %parallel_loop3A_438 = arith.constant 7 : i32
        %parallel_loop3A_439 = vector.broadcast %parallel_loop3A_438 : i32 to vector<16xi32>
        %parallel_loop3A_440 = arith.mulf %parallel_loop3A_434, %parallel_loop3A_437 : vector<16xf32>
        tpu.vector_store_idx %arg8[%parallel_loop3A_439, %parallel_loop3A_344], %parallel_loop3A_440 masked %parallel_loop3A_336 {add = true} : memref<9x10000xf32, #tpu.memory_space<vmem>>[vector<16xi32>, vector<16xi32>], vector<16xf32>, vector<16xi1>
        %parallel_loop3A_441 = arith.constant 16 : i32
        %parallel_loop3A_442 = arith.muli %parallel_loop3A_321, %parallel_loop3A_441 : i32
        %parallel_loop3A_443 = arith.constant 8 : i32
        %parallel_loop3A_444 = arith.index_cast %parallel_loop3A_443 : i32 to index
        %parallel_loop3A_445 = arith.index_cast %parallel_loop3A_442 : i32 to index
        %parallel_loop3A_446 = tpu.vector_load %arg11[%parallel_loop3A_444, %parallel_loop3A_445] {strides = array<i32>} : memref<9x400xf32, #tpu.memory_space<vmem>>, vector<16xf32>,
        %parallel_loop3A_447 = arith.constant 8 : i32
        %parallel_loop3A_448 = vector.broadcast %parallel_loop3A_447 : i32 to vector<16xi32>
        %parallel_loop3A_449 = tpu.vector_load_idx %arg14[%parallel_loop3A_325, %parallel_loop3A_448] : memref<400x16xf32, #tpu.memory_space<vmem>>[vector<16xi32>, vector<16xi32>], vector<16xf32>,
        %parallel_loop3A_450 = arith.constant 8 : i32
        %parallel_loop3A_451 = vector.broadcast %parallel_loop3A_450 : i32 to vector<16xi32>
        %parallel_loop3A_452 = arith.mulf %parallel_loop3A_446, %parallel_loop3A_449 : vector<16xf32>
        tpu.vector_store_idx %arg8[%parallel_loop3A_451, %parallel_loop3A_344], %parallel_loop3A_452 masked %parallel_loop3A_336 {add = true} : memref<9x10000xf32, #tpu.memory_space<vmem>>[vector<16xi32>, vector<16xi32>], vector<16xf32>, vector<16xi1>
      } {sc.loop_unroll_factor = 5 : i64, sc.parallel_access}
      %while3A_320 = arith.constant 0 : i32
      scf.yield %while3A_320 : i32
    }
    %dma_wait3A_170 = arith.constant 0 : i32
    %dma_wait3A_171 = arith.constant 0 : i32
    %dma_wait3A_172 = tpu.memref_slice %arg5[%dma_wait3A_170, %dma_wait3A_171] : memref<320000x16xf32, #tpu.memory_space<hbm>> -> memref<320000x16xf32, #tpu.memory_space<hbm>>
    tpu.wait_indirect_dma semaphore(%arg25 : memref<!tpu.dma_semaphore, #tpu.memory_space<semaphore_mem>>) src(%dma_wait3A_172 : memref<320000x16xf32, #tpu.memory_space<hbm>>) dst(%arg12 : memref<400x16xf32, #tpu.memory_space<vmem>>)
    %mul3A_173 = arith.constant 3 : i32
    %mul3A_174 = arith.muli %mul3A_173, %select_n3A_120 : i32
    %add3A_175 = arith.addi %select_n3A, %mul3A_174 : i32
    %add3A_176 = arith.constant 1 : i32
    %add3A_177 = arith.addi %add3A_175, %add3A_176 : i32
    %min3A_178 = arith.constant 7999 : i32
    %min3A_179 = arith.minsi %add3A_177, %min3A_178 : i32
    %mul3A_180 = arith.constant 400 : i32
    %mul3A_181 = arith.muli %min3A_179, %mul3A_180 : i32
    %dma_wait3A_182 = tpu.memref_slice %arg3[%mul3A_181] : memref<3200000xi32, #tpu.memory_space<hbm>> -> memref<400xi32, #tpu.memory_space<hbm>>
    %dma_wait3A_183 = tpu.memref_slice %arg3[%mul3A_181] : memref<3200000xi32, #tpu.memory_space<hbm>> -> memref<400xi32, #tpu.memory_space<hbm>>
    tpu.wait_dma2 semaphore(%arg23 : memref<!tpu.dma_semaphore, #tpu.memory_space<semaphore_mem>>) src(%dma_wait3A_183 : memref<400xi32, #tpu.memory_space<hbm>>) dst(%arg16 : memref<400xi32, #tpu.memory_space<vmem>>)
    %dma_wait3A_184 = tpu.memref_slice %arg4[%mul3A_181] : memref<3200000xi32, #tpu.memory_space<hbm>> -> memref<400xi32, #tpu.memory_space<hbm>>
    %dma_wait3A_185 = tpu.memref_slice %arg4[%mul3A_181] : memref<3200000xi32, #tpu.memory_space<hbm>> -> memref<400xi32, #tpu.memory_space<hbm>>
    tpu.wait_dma2 semaphore(%arg23 : memref<!tpu.dma_semaphore, #tpu.memory_space<semaphore_mem>>) src(%dma_wait3A_185 : memref<400xi32, #tpu.memory_space<hbm>>) dst(%arg19 : memref<400xi32, #tpu.memory_space<vmem>>)
    %dma_wait3A_186 = arith.constant 0 : i32
    %dma_wait3A_187 = tpu.memref_slice %arg2[%dma_wait3A_186, %mul3A_181] : memref<9x3200000xf32, #tpu.memory_space<hbm>> -> memref<9x400xf32, #tpu.memory_space<hbm>>
    %dma_wait3A_188 = arith.constant 0 : i32
    %dma_wait3A_189 = tpu.memref_slice %arg2[%dma_wait3A_188, %mul3A_181] : memref<9x3200000xf32, #tpu.memory_space<hbm>> -> memref<9x400xf32, #tpu.memory_space<hbm>>
    tpu.wait_dma2 semaphore(%arg23 : memref<!tpu.dma_semaphore, #tpu.memory_space<semaphore_mem>>) src(%dma_wait3A_189 : memref<9x400xf32, #tpu.memory_space<hbm>>) dst(%arg10 : memref<9x400xf32, #tpu.memory_space<vmem>>)
    %mul3A_190 = arith.constant 10000 : i32
    %mul3A_191 = arith.muli %add3A, %mul3A_190 : i32
    "tpu.region"() ({
      %run_scoped3A = tpu.sem_alloc : memref<!tpu.dma_semaphore, #tpu.memory_space<semaphore_mem>>
      %dma_start3A_192 = arith.constant 0 : i32
      %dma_start3A_193 = tpu.memref_slice %arg7[%dma_start3A_192, %mul3A_191] : memref<9x320000xf32, #tpu.memory_space<hbm>> -> memref<9x10000xf32, #tpu.memory_space<hbm>>
      %dma_start3A_194 = arith.constant 0 : i32
      %dma_start3A_195 = tpu.memref_slice %arg7[%dma_start3A_194, %mul3A_191] : memref<9x320000xf32, #tpu.memory_space<hbm>> -> memref<9x10000xf32, #tpu.memory_space<hbm>>
      tpu.enqueue_dma source(%arg8 : memref<9x10000xf32, #tpu.memory_space<vmem>>) target(%dma_start3A_195 : memref<9x10000xf32, #tpu.memory_space<hbm>>) target_semaphore(%run_scoped3A : memref<!tpu.dma_semaphore, #tpu.memory_space<semaphore_mem>>)
      %dma_wait3A_196 = arith.constant 0 : i32
      %dma_wait3A_197 = tpu.memref_slice %arg7[%dma_wait3A_196, %mul3A_191] : memref<9x320000xf32, #tpu.memory_space<hbm>> -> memref<9x10000xf32, #tpu.memory_space<hbm>>
      %dma_wait3A_198 = arith.constant 0 : i32
      %dma_wait3A_199 = tpu.memref_slice %arg7[%dma_wait3A_198, %mul3A_191] : memref<9x320000xf32, #tpu.memory_space<hbm>> -> memref<9x10000xf32, #tpu.memory_space<hbm>>
      tpu.wait_dma2 semaphore(%run_scoped3A : memref<!tpu.dma_semaphore, #tpu.memory_space<semaphore_mem>>) src(%arg8 : memref<9x10000xf32, #tpu.memory_space<vmem>>) dst(%dma_wait3A_199 : memref<9x10000xf32, #tpu.memory_space<hbm>>)
      tpu.yield
    }) : () -> ()
    return
  }
}

#map = affine_map<(d0, d1) -> (0, 0)>
#map1 = affine_map<(d0, d1) -> (0)>
module attributes {stable_mosaic.version = 14 : i64} {
  func.func @_edge_gather_body(%arg0: i32, %arg1: i32, %arg2: memref<10000x16xf32, #tpu.memory_space<hbm>>, %arg3: memref<320000xi32, #tpu.memory_space<hbm>>, %arg4: memref<320000x16xf32, #tpu.memory_space<hbm>>, %arg5: memref<1000xi32, #tpu.memory_space<vmem>>, %arg6: memref<1000x16xf32, #tpu.memory_space<vmem>>, %arg7: memref<!tpu.dma_semaphore, #tpu.memory_space<semaphore_mem>>) attributes {dimension_semantics = [#tpu.dimension_semantics<core_parallel>, #tpu.dimension_semantics<subcore_parallel>], iteration_bounds = array<i64: 2, 16>, scalar_prefetch = 0 : i64, scratch_operands = 3 : i64, tpu.core_type = #tpu.core_type<sc_vector_subcore>, window_params = [{transform_indices = #map}, {transform_indices = #map1}, {transform_indices = #map}]} {
    %mul3A = arith.constant 2 : i32
    %mul3A_0 = arith.muli %arg1, %mul3A : i32
    %add3A = arith.addi %mul3A_0, %arg0 : i32
    %mul3A_1 = arith.constant 10000 : i32
    %mul3A_2 = arith.muli %add3A, %mul3A_1 : i32
    %add3A_3 = arith.constant 0 : i32
    %add3A_4 = arith.addi %mul3A_2, %add3A_3 : i32
    "tpu.region"() ({
      %run_scoped3A = tpu.sem_alloc : memref<!tpu.dma_semaphore, #tpu.memory_space<semaphore_mem>>
      %dma_start3A_81 = tpu.memref_slice %arg3[%add3A_4] : memref<320000xi32, #tpu.memory_space<hbm>> -> memref<1000xi32, #tpu.memory_space<hbm>>
      %dma_start3A_82 = tpu.memref_slice %arg3[%add3A_4] : memref<320000xi32, #tpu.memory_space<hbm>> -> memref<1000xi32, #tpu.memory_space<hbm>>
      tpu.enqueue_dma source(%dma_start3A_82 : memref<1000xi32, #tpu.memory_space<hbm>>) target(%arg5 : memref<1000xi32, #tpu.memory_space<vmem>>) target_semaphore(%run_scoped3A : memref<!tpu.dma_semaphore, #tpu.memory_space<semaphore_mem>>)
      %dma_wait3A_83 = tpu.memref_slice %arg3[%add3A_4] : memref<320000xi32, #tpu.memory_space<hbm>> -> memref<1000xi32, #tpu.memory_space<hbm>>
      %dma_wait3A_84 = tpu.memref_slice %arg3[%add3A_4] : memref<320000xi32, #tpu.memory_space<hbm>> -> memref<1000xi32, #tpu.memory_space<hbm>>
      tpu.wait_dma2 semaphore(%run_scoped3A : memref<!tpu.dma_semaphore, #tpu.memory_space<semaphore_mem>>) src(%dma_wait3A_84 : memref<1000xi32, #tpu.memory_space<hbm>>) dst(%arg5 : memref<1000xi32, #tpu.memory_space<vmem>>)
      tpu.yield
    }) : () -> ()
    %dma_start3A = arith.constant 0 : i32
    %dma_start3A_5 = arith.constant 0 : i32
    %dma_start3A_6 = tpu.memref_slice %arg2[%dma_start3A, %dma_start3A_5] : memref<10000x16xf32, #tpu.memory_space<hbm>> -> memref<10000x16xf32, #tpu.memory_space<hbm>>
    tpu.enqueue_indirect_dma source(%dma_start3A_6 : memref<10000x16xf32, #tpu.memory_space<hbm>>) target(%arg6 : memref<1000x16xf32, #tpu.memory_space<vmem>>) offsets(%arg5 : memref<1000xi32, #tpu.memory_space<vmem>>) semaphore(%arg7 : memref<!tpu.dma_semaphore, #tpu.memory_space<semaphore_mem>>)
    %dma_wait3A = arith.constant 0 : i32
    %dma_wait3A_7 = arith.constant 0 : i32
    %dma_wait3A_8 = tpu.memref_slice %arg2[%dma_wait3A, %dma_wait3A_7] : memref<10000x16xf32, #tpu.memory_space<hbm>> -> memref<10000x16xf32, #tpu.memory_space<hbm>>
    tpu.wait_indirect_dma semaphore(%arg7 : memref<!tpu.dma_semaphore, #tpu.memory_space<semaphore_mem>>) src(%dma_wait3A_8 : memref<10000x16xf32, #tpu.memory_space<hbm>>) dst(%arg6 : memref<1000x16xf32, #tpu.memory_space<vmem>>)
    "tpu.region"() ({
      %run_scoped3A = tpu.sem_alloc : memref<!tpu.dma_semaphore, #tpu.memory_space<semaphore_mem>>
      %dma_start3A_81 = arith.constant 0 : i32
      %dma_start3A_82 = tpu.memref_slice %arg4[%add3A_4, %dma_start3A_81] : memref<320000x16xf32, #tpu.memory_space<hbm>> -> memref<1000x16xf32, #tpu.memory_space<hbm>>
      %dma_start3A_83 = arith.constant 0 : i32
      %dma_start3A_84 = tpu.memref_slice %arg4[%add3A_4, %dma_start3A_83] : memref<320000x16xf32, #tpu.memory_space<hbm>> -> memref<1000x16xf32, #tpu.memory_space<hbm>>
      tpu.enqueue_dma source(%arg6 : memref<1000x16xf32, #tpu.memory_space<vmem>>) target(%dma_start3A_84 : memref<1000x16xf32, #tpu.memory_space<hbm>>) target_semaphore(%run_scoped3A : memref<!tpu.dma_semaphore, #tpu.memory_space<semaphore_mem>>)
      %dma_wait3A_85 = arith.constant 0 : i32
      %dma_wait3A_86 = tpu.memref_slice %arg4[%add3A_4, %dma_wait3A_85] : memref<320000x16xf32, #tpu.memory_space<hbm>> -> memref<1000x16xf32, #tpu.memory_space<hbm>>
      %dma_wait3A_87 = arith.constant 0 : i32
      %dma_wait3A_88 = tpu.memref_slice %arg4[%add3A_4, %dma_wait3A_87] : memref<320000x16xf32, #tpu.memory_space<hbm>> -> memref<1000x16xf32, #tpu.memory_space<hbm>>
      tpu.wait_dma2 semaphore(%run_scoped3A : memref<!tpu.dma_semaphore, #tpu.memory_space<semaphore_mem>>) src(%arg6 : memref<1000x16xf32, #tpu.memory_space<vmem>>) dst(%dma_wait3A_88 : memref<1000x16xf32, #tpu.memory_space<hbm>>)
      tpu.yield
    }) : () -> ()
    %add3A_9 = arith.constant 1000 : i32
    %add3A_10 = arith.addi %mul3A_2, %add3A_9 : i32
    "tpu.region"() ({
      %run_scoped3A = tpu.sem_alloc : memref<!tpu.dma_semaphore, #tpu.memory_space<semaphore_mem>>
      %dma_start3A_81 = tpu.memref_slice %arg3[%add3A_10] : memref<320000xi32, #tpu.memory_space<hbm>> -> memref<1000xi32, #tpu.memory_space<hbm>>
      %dma_start3A_82 = tpu.memref_slice %arg3[%add3A_10] : memref<320000xi32, #tpu.memory_space<hbm>> -> memref<1000xi32, #tpu.memory_space<hbm>>
      tpu.enqueue_dma source(%dma_start3A_82 : memref<1000xi32, #tpu.memory_space<hbm>>) target(%arg5 : memref<1000xi32, #tpu.memory_space<vmem>>) target_semaphore(%run_scoped3A : memref<!tpu.dma_semaphore, #tpu.memory_space<semaphore_mem>>)
      %dma_wait3A_83 = tpu.memref_slice %arg3[%add3A_10] : memref<320000xi32, #tpu.memory_space<hbm>> -> memref<1000xi32, #tpu.memory_space<hbm>>
      %dma_wait3A_84 = tpu.memref_slice %arg3[%add3A_10] : memref<320000xi32, #tpu.memory_space<hbm>> -> memref<1000xi32, #tpu.memory_space<hbm>>
      tpu.wait_dma2 semaphore(%run_scoped3A : memref<!tpu.dma_semaphore, #tpu.memory_space<semaphore_mem>>) src(%dma_wait3A_84 : memref<1000xi32, #tpu.memory_space<hbm>>) dst(%arg5 : memref<1000xi32, #tpu.memory_space<vmem>>)
      tpu.yield
    }) : () -> ()
    %dma_start3A_11 = arith.constant 0 : i32
    %dma_start3A_12 = arith.constant 0 : i32
    %dma_start3A_13 = tpu.memref_slice %arg2[%dma_start3A_11, %dma_start3A_12] : memref<10000x16xf32, #tpu.memory_space<hbm>> -> memref<10000x16xf32, #tpu.memory_space<hbm>>
    tpu.enqueue_indirect_dma source(%dma_start3A_13 : memref<10000x16xf32, #tpu.memory_space<hbm>>) target(%arg6 : memref<1000x16xf32, #tpu.memory_space<vmem>>) offsets(%arg5 : memref<1000xi32, #tpu.memory_space<vmem>>) semaphore(%arg7 : memref<!tpu.dma_semaphore, #tpu.memory_space<semaphore_mem>>)
    %dma_wait3A_14 = arith.constant 0 : i32
    %dma_wait3A_15 = arith.constant 0 : i32
    %dma_wait3A_16 = tpu.memref_slice %arg2[%dma_wait3A_14, %dma_wait3A_15] : memref<10000x16xf32, #tpu.memory_space<hbm>> -> memref<10000x16xf32, #tpu.memory_space<hbm>>
    tpu.wait_indirect_dma semaphore(%arg7 : memref<!tpu.dma_semaphore, #tpu.memory_space<semaphore_mem>>) src(%dma_wait3A_16 : memref<10000x16xf32, #tpu.memory_space<hbm>>) dst(%arg6 : memref<1000x16xf32, #tpu.memory_space<vmem>>)
    "tpu.region"() ({
      %run_scoped3A = tpu.sem_alloc : memref<!tpu.dma_semaphore, #tpu.memory_space<semaphore_mem>>
      %dma_start3A_81 = arith.constant 0 : i32
      %dma_start3A_82 = tpu.memref_slice %arg4[%add3A_10, %dma_start3A_81] : memref<320000x16xf32, #tpu.memory_space<hbm>> -> memref<1000x16xf32, #tpu.memory_space<hbm>>
      %dma_start3A_83 = arith.constant 0 : i32
      %dma_start3A_84 = tpu.memref_slice %arg4[%add3A_10, %dma_start3A_83] : memref<320000x16xf32, #tpu.memory_space<hbm>> -> memref<1000x16xf32, #tpu.memory_space<hbm>>
      tpu.enqueue_dma source(%arg6 : memref<1000x16xf32, #tpu.memory_space<vmem>>) target(%dma_start3A_84 : memref<1000x16xf32, #tpu.memory_space<hbm>>) target_semaphore(%run_scoped3A : memref<!tpu.dma_semaphore, #tpu.memory_space<semaphore_mem>>)
      %dma_wait3A_85 = arith.constant 0 : i32
      %dma_wait3A_86 = tpu.memref_slice %arg4[%add3A_10, %dma_wait3A_85] : memref<320000x16xf32, #tpu.memory_space<hbm>> -> memref<1000x16xf32, #tpu.memory_space<hbm>>
      %dma_wait3A_87 = arith.constant 0 : i32
      %dma_wait3A_88 = tpu.memref_slice %arg4[%add3A_10, %dma_wait3A_87] : memref<320000x16xf32, #tpu.memory_space<hbm>> -> memref<1000x16xf32, #tpu.memory_space<hbm>>
      tpu.wait_dma2 semaphore(%run_scoped3A : memref<!tpu.dma_semaphore, #tpu.memory_space<semaphore_mem>>) src(%arg6 : memref<1000x16xf32, #tpu.memory_space<vmem>>) dst(%dma_wait3A_88 : memref<1000x16xf32, #tpu.memory_space<hbm>>)
      tpu.yield
    }) : () -> ()
    %add3A_17 = arith.constant 2000 : i32
    %add3A_18 = arith.addi %mul3A_2, %add3A_17 : i32
    "tpu.region"() ({
      %run_scoped3A = tpu.sem_alloc : memref<!tpu.dma_semaphore, #tpu.memory_space<semaphore_mem>>
      %dma_start3A_81 = tpu.memref_slice %arg3[%add3A_18] : memref<320000xi32, #tpu.memory_space<hbm>> -> memref<1000xi32, #tpu.memory_space<hbm>>
      %dma_start3A_82 = tpu.memref_slice %arg3[%add3A_18] : memref<320000xi32, #tpu.memory_space<hbm>> -> memref<1000xi32, #tpu.memory_space<hbm>>
      tpu.enqueue_dma source(%dma_start3A_82 : memref<1000xi32, #tpu.memory_space<hbm>>) target(%arg5 : memref<1000xi32, #tpu.memory_space<vmem>>) target_semaphore(%run_scoped3A : memref<!tpu.dma_semaphore, #tpu.memory_space<semaphore_mem>>)
      %dma_wait3A_83 = tpu.memref_slice %arg3[%add3A_18] : memref<320000xi32, #tpu.memory_space<hbm>> -> memref<1000xi32, #tpu.memory_space<hbm>>
      %dma_wait3A_84 = tpu.memref_slice %arg3[%add3A_18] : memref<320000xi32, #tpu.memory_space<hbm>> -> memref<1000xi32, #tpu.memory_space<hbm>>
      tpu.wait_dma2 semaphore(%run_scoped3A : memref<!tpu.dma_semaphore, #tpu.memory_space<semaphore_mem>>) src(%dma_wait3A_84 : memref<1000xi32, #tpu.memory_space<hbm>>) dst(%arg5 : memref<1000xi32, #tpu.memory_space<vmem>>)
      tpu.yield
    }) : () -> ()
    %dma_start3A_19 = arith.constant 0 : i32
    %dma_start3A_20 = arith.constant 0 : i32
    %dma_start3A_21 = tpu.memref_slice %arg2[%dma_start3A_19, %dma_start3A_20] : memref<10000x16xf32, #tpu.memory_space<hbm>> -> memref<10000x16xf32, #tpu.memory_space<hbm>>
    tpu.enqueue_indirect_dma source(%dma_start3A_21 : memref<10000x16xf32, #tpu.memory_space<hbm>>) target(%arg6 : memref<1000x16xf32, #tpu.memory_space<vmem>>) offsets(%arg5 : memref<1000xi32, #tpu.memory_space<vmem>>) semaphore(%arg7 : memref<!tpu.dma_semaphore, #tpu.memory_space<semaphore_mem>>)
    %dma_wait3A_22 = arith.constant 0 : i32
    %dma_wait3A_23 = arith.constant 0 : i32
    %dma_wait3A_24 = tpu.memref_slice %arg2[%dma_wait3A_22, %dma_wait3A_23] : memref<10000x16xf32, #tpu.memory_space<hbm>> -> memref<10000x16xf32, #tpu.memory_space<hbm>>
    tpu.wait_indirect_dma semaphore(%arg7 : memref<!tpu.dma_semaphore, #tpu.memory_space<semaphore_mem>>) src(%dma_wait3A_24 : memref<10000x16xf32, #tpu.memory_space<hbm>>) dst(%arg6 : memref<1000x16xf32, #tpu.memory_space<vmem>>)
    "tpu.region"() ({
      %run_scoped3A = tpu.sem_alloc : memref<!tpu.dma_semaphore, #tpu.memory_space<semaphore_mem>>
      %dma_start3A_81 = arith.constant 0 : i32
      %dma_start3A_82 = tpu.memref_slice %arg4[%add3A_18, %dma_start3A_81] : memref<320000x16xf32, #tpu.memory_space<hbm>> -> memref<1000x16xf32, #tpu.memory_space<hbm>>
      %dma_start3A_83 = arith.constant 0 : i32
      %dma_start3A_84 = tpu.memref_slice %arg4[%add3A_18, %dma_start3A_83] : memref<320000x16xf32, #tpu.memory_space<hbm>> -> memref<1000x16xf32, #tpu.memory_space<hbm>>
      tpu.enqueue_dma source(%arg6 : memref<1000x16xf32, #tpu.memory_space<vmem>>) target(%dma_start3A_84 : memref<1000x16xf32, #tpu.memory_space<hbm>>) target_semaphore(%run_scoped3A : memref<!tpu.dma_semaphore, #tpu.memory_space<semaphore_mem>>)
      %dma_wait3A_85 = arith.constant 0 : i32
      %dma_wait3A_86 = tpu.memref_slice %arg4[%add3A_18, %dma_wait3A_85] : memref<320000x16xf32, #tpu.memory_space<hbm>> -> memref<1000x16xf32, #tpu.memory_space<hbm>>
      %dma_wait3A_87 = arith.constant 0 : i32
      %dma_wait3A_88 = tpu.memref_slice %arg4[%add3A_18, %dma_wait3A_87] : memref<320000x16xf32, #tpu.memory_space<hbm>> -> memref<1000x16xf32, #tpu.memory_space<hbm>>
      tpu.wait_dma2 semaphore(%run_scoped3A : memref<!tpu.dma_semaphore, #tpu.memory_space<semaphore_mem>>) src(%arg6 : memref<1000x16xf32, #tpu.memory_space<vmem>>) dst(%dma_wait3A_88 : memref<1000x16xf32, #tpu.memory_space<hbm>>)
      tpu.yield
    }) : () -> ()
    %add3A_25 = arith.constant 3000 : i32
    %add3A_26 = arith.addi %mul3A_2, %add3A_25 : i32
    "tpu.region"() ({
      %run_scoped3A = tpu.sem_alloc : memref<!tpu.dma_semaphore, #tpu.memory_space<semaphore_mem>>
      %dma_start3A_81 = tpu.memref_slice %arg3[%add3A_26] : memref<320000xi32, #tpu.memory_space<hbm>> -> memref<1000xi32, #tpu.memory_space<hbm>>
      %dma_start3A_82 = tpu.memref_slice %arg3[%add3A_26] : memref<320000xi32, #tpu.memory_space<hbm>> -> memref<1000xi32, #tpu.memory_space<hbm>>
      tpu.enqueue_dma source(%dma_start3A_82 : memref<1000xi32, #tpu.memory_space<hbm>>) target(%arg5 : memref<1000xi32, #tpu.memory_space<vmem>>) target_semaphore(%run_scoped3A : memref<!tpu.dma_semaphore, #tpu.memory_space<semaphore_mem>>)
      %dma_wait3A_83 = tpu.memref_slice %arg3[%add3A_26] : memref<320000xi32, #tpu.memory_space<hbm>> -> memref<1000xi32, #tpu.memory_space<hbm>>
      %dma_wait3A_84 = tpu.memref_slice %arg3[%add3A_26] : memref<320000xi32, #tpu.memory_space<hbm>> -> memref<1000xi32, #tpu.memory_space<hbm>>
      tpu.wait_dma2 semaphore(%run_scoped3A : memref<!tpu.dma_semaphore, #tpu.memory_space<semaphore_mem>>) src(%dma_wait3A_84 : memref<1000xi32, #tpu.memory_space<hbm>>) dst(%arg5 : memref<1000xi32, #tpu.memory_space<vmem>>)
      tpu.yield
    }) : () -> ()
    %dma_start3A_27 = arith.constant 0 : i32
    %dma_start3A_28 = arith.constant 0 : i32
    %dma_start3A_29 = tpu.memref_slice %arg2[%dma_start3A_27, %dma_start3A_28] : memref<10000x16xf32, #tpu.memory_space<hbm>> -> memref<10000x16xf32, #tpu.memory_space<hbm>>
    tpu.enqueue_indirect_dma source(%dma_start3A_29 : memref<10000x16xf32, #tpu.memory_space<hbm>>) target(%arg6 : memref<1000x16xf32, #tpu.memory_space<vmem>>) offsets(%arg5 : memref<1000xi32, #tpu.memory_space<vmem>>) semaphore(%arg7 : memref<!tpu.dma_semaphore, #tpu.memory_space<semaphore_mem>>)
    %dma_wait3A_30 = arith.constant 0 : i32
    %dma_wait3A_31 = arith.constant 0 : i32
    %dma_wait3A_32 = tpu.memref_slice %arg2[%dma_wait3A_30, %dma_wait3A_31] : memref<10000x16xf32, #tpu.memory_space<hbm>> -> memref<10000x16xf32, #tpu.memory_space<hbm>>
    tpu.wait_indirect_dma semaphore(%arg7 : memref<!tpu.dma_semaphore, #tpu.memory_space<semaphore_mem>>) src(%dma_wait3A_32 : memref<10000x16xf32, #tpu.memory_space<hbm>>) dst(%arg6 : memref<1000x16xf32, #tpu.memory_space<vmem>>)
    "tpu.region"() ({
      %run_scoped3A = tpu.sem_alloc : memref<!tpu.dma_semaphore, #tpu.memory_space<semaphore_mem>>
      %dma_start3A_81 = arith.constant 0 : i32
      %dma_start3A_82 = tpu.memref_slice %arg4[%add3A_26, %dma_start3A_81] : memref<320000x16xf32, #tpu.memory_space<hbm>> -> memref<1000x16xf32, #tpu.memory_space<hbm>>
      %dma_start3A_83 = arith.constant 0 : i32
      %dma_start3A_84 = tpu.memref_slice %arg4[%add3A_26, %dma_start3A_83] : memref<320000x16xf32, #tpu.memory_space<hbm>> -> memref<1000x16xf32, #tpu.memory_space<hbm>>
      tpu.enqueue_dma source(%arg6 : memref<1000x16xf32, #tpu.memory_space<vmem>>) target(%dma_start3A_84 : memref<1000x16xf32, #tpu.memory_space<hbm>>) target_semaphore(%run_scoped3A : memref<!tpu.dma_semaphore, #tpu.memory_space<semaphore_mem>>)
      %dma_wait3A_85 = arith.constant 0 : i32
      %dma_wait3A_86 = tpu.memref_slice %arg4[%add3A_26, %dma_wait3A_85] : memref<320000x16xf32, #tpu.memory_space<hbm>> -> memref<1000x16xf32, #tpu.memory_space<hbm>>
      %dma_wait3A_87 = arith.constant 0 : i32
      %dma_wait3A_88 = tpu.memref_slice %arg4[%add3A_26, %dma_wait3A_87] : memref<320000x16xf32, #tpu.memory_space<hbm>> -> memref<1000x16xf32, #tpu.memory_space<hbm>>
      tpu.wait_dma2 semaphore(%run_scoped3A : memref<!tpu.dma_semaphore, #tpu.memory_space<semaphore_mem>>) src(%arg6 : memref<1000x16xf32, #tpu.memory_space<vmem>>) dst(%dma_wait3A_88 : memref<1000x16xf32, #tpu.memory_space<hbm>>)
      tpu.yield
    }) : () -> ()
    %add3A_33 = arith.constant 4000 : i32
    %add3A_34 = arith.addi %mul3A_2, %add3A_33 : i32
    "tpu.region"() ({
      %run_scoped3A = tpu.sem_alloc : memref<!tpu.dma_semaphore, #tpu.memory_space<semaphore_mem>>
      %dma_start3A_81 = tpu.memref_slice %arg3[%add3A_34] : memref<320000xi32, #tpu.memory_space<hbm>> -> memref<1000xi32, #tpu.memory_space<hbm>>
      %dma_start3A_82 = tpu.memref_slice %arg3[%add3A_34] : memref<320000xi32, #tpu.memory_space<hbm>> -> memref<1000xi32, #tpu.memory_space<hbm>>
      tpu.enqueue_dma source(%dma_start3A_82 : memref<1000xi32, #tpu.memory_space<hbm>>) target(%arg5 : memref<1000xi32, #tpu.memory_space<vmem>>) target_semaphore(%run_scoped3A : memref<!tpu.dma_semaphore, #tpu.memory_space<semaphore_mem>>)
      %dma_wait3A_83 = tpu.memref_slice %arg3[%add3A_34] : memref<320000xi32, #tpu.memory_space<hbm>> -> memref<1000xi32, #tpu.memory_space<hbm>>
      %dma_wait3A_84 = tpu.memref_slice %arg3[%add3A_34] : memref<320000xi32, #tpu.memory_space<hbm>> -> memref<1000xi32, #tpu.memory_space<hbm>>
      tpu.wait_dma2 semaphore(%run_scoped3A : memref<!tpu.dma_semaphore, #tpu.memory_space<semaphore_mem>>) src(%dma_wait3A_84 : memref<1000xi32, #tpu.memory_space<hbm>>) dst(%arg5 : memref<1000xi32, #tpu.memory_space<vmem>>)
      tpu.yield
    }) : () -> ()
    %dma_start3A_35 = arith.constant 0 : i32
    %dma_start3A_36 = arith.constant 0 : i32
    %dma_start3A_37 = tpu.memref_slice %arg2[%dma_start3A_35, %dma_start3A_36] : memref<10000x16xf32, #tpu.memory_space<hbm>> -> memref<10000x16xf32, #tpu.memory_space<hbm>>
    tpu.enqueue_indirect_dma source(%dma_start3A_37 : memref<10000x16xf32, #tpu.memory_space<hbm>>) target(%arg6 : memref<1000x16xf32, #tpu.memory_space<vmem>>) offsets(%arg5 : memref<1000xi32, #tpu.memory_space<vmem>>) semaphore(%arg7 : memref<!tpu.dma_semaphore, #tpu.memory_space<semaphore_mem>>)
    %dma_wait3A_38 = arith.constant 0 : i32
    %dma_wait3A_39 = arith.constant 0 : i32
    %dma_wait3A_40 = tpu.memref_slice %arg2[%dma_wait3A_38, %dma_wait3A_39] : memref<10000x16xf32, #tpu.memory_space<hbm>> -> memref<10000x16xf32, #tpu.memory_space<hbm>>
    tpu.wait_indirect_dma semaphore(%arg7 : memref<!tpu.dma_semaphore, #tpu.memory_space<semaphore_mem>>) src(%dma_wait3A_40 : memref<10000x16xf32, #tpu.memory_space<hbm>>) dst(%arg6 : memref<1000x16xf32, #tpu.memory_space<vmem>>)
    "tpu.region"() ({
      %run_scoped3A = tpu.sem_alloc : memref<!tpu.dma_semaphore, #tpu.memory_space<semaphore_mem>>
      %dma_start3A_81 = arith.constant 0 : i32
      %dma_start3A_82 = tpu.memref_slice %arg4[%add3A_34, %dma_start3A_81] : memref<320000x16xf32, #tpu.memory_space<hbm>> -> memref<1000x16xf32, #tpu.memory_space<hbm>>
      %dma_start3A_83 = arith.constant 0 : i32
      %dma_start3A_84 = tpu.memref_slice %arg4[%add3A_34, %dma_start3A_83] : memref<320000x16xf32, #tpu.memory_space<hbm>> -> memref<1000x16xf32, #tpu.memory_space<hbm>>
      tpu.enqueue_dma source(%arg6 : memref<1000x16xf32, #tpu.memory_space<vmem>>) target(%dma_start3A_84 : memref<1000x16xf32, #tpu.memory_space<hbm>>) target_semaphore(%run_scoped3A : memref<!tpu.dma_semaphore, #tpu.memory_space<semaphore_mem>>)
      %dma_wait3A_85 = arith.constant 0 : i32
      %dma_wait3A_86 = tpu.memref_slice %arg4[%add3A_34, %dma_wait3A_85] : memref<320000x16xf32, #tpu.memory_space<hbm>> -> memref<1000x16xf32, #tpu.memory_space<hbm>>
      %dma_wait3A_87 = arith.constant 0 : i32
      %dma_wait3A_88 = tpu.memref_slice %arg4[%add3A_34, %dma_wait3A_87] : memref<320000x16xf32, #tpu.memory_space<hbm>> -> memref<1000x16xf32, #tpu.memory_space<hbm>>
      tpu.wait_dma2 semaphore(%run_scoped3A : memref<!tpu.dma_semaphore, #tpu.memory_space<semaphore_mem>>) src(%arg6 : memref<1000x16xf32, #tpu.memory_space<vmem>>) dst(%dma_wait3A_88 : memref<1000x16xf32, #tpu.memory_space<hbm>>)
      tpu.yield
    }) : () -> ()
    %add3A_41 = arith.constant 5000 : i32
    %add3A_42 = arith.addi %mul3A_2, %add3A_41 : i32
    "tpu.region"() ({
      %run_scoped3A = tpu.sem_alloc : memref<!tpu.dma_semaphore, #tpu.memory_space<semaphore_mem>>
      %dma_start3A_81 = tpu.memref_slice %arg3[%add3A_42] : memref<320000xi32, #tpu.memory_space<hbm>> -> memref<1000xi32, #tpu.memory_space<hbm>>
      %dma_start3A_82 = tpu.memref_slice %arg3[%add3A_42] : memref<320000xi32, #tpu.memory_space<hbm>> -> memref<1000xi32, #tpu.memory_space<hbm>>
      tpu.enqueue_dma source(%dma_start3A_82 : memref<1000xi32, #tpu.memory_space<hbm>>) target(%arg5 : memref<1000xi32, #tpu.memory_space<vmem>>) target_semaphore(%run_scoped3A : memref<!tpu.dma_semaphore, #tpu.memory_space<semaphore_mem>>)
      %dma_wait3A_83 = tpu.memref_slice %arg3[%add3A_42] : memref<320000xi32, #tpu.memory_space<hbm>> -> memref<1000xi32, #tpu.memory_space<hbm>>
      %dma_wait3A_84 = tpu.memref_slice %arg3[%add3A_42] : memref<320000xi32, #tpu.memory_space<hbm>> -> memref<1000xi32, #tpu.memory_space<hbm>>
      tpu.wait_dma2 semaphore(%run_scoped3A : memref<!tpu.dma_semaphore, #tpu.memory_space<semaphore_mem>>) src(%dma_wait3A_84 : memref<1000xi32, #tpu.memory_space<hbm>>) dst(%arg5 : memref<1000xi32, #tpu.memory_space<vmem>>)
      tpu.yield
    }) : () -> ()
    %dma_start3A_43 = arith.constant 0 : i32
    %dma_start3A_44 = arith.constant 0 : i32
    %dma_start3A_45 = tpu.memref_slice %arg2[%dma_start3A_43, %dma_start3A_44] : memref<10000x16xf32, #tpu.memory_space<hbm>> -> memref<10000x16xf32, #tpu.memory_space<hbm>>
    tpu.enqueue_indirect_dma source(%dma_start3A_45 : memref<10000x16xf32, #tpu.memory_space<hbm>>) target(%arg6 : memref<1000x16xf32, #tpu.memory_space<vmem>>) offsets(%arg5 : memref<1000xi32, #tpu.memory_space<vmem>>) semaphore(%arg7 : memref<!tpu.dma_semaphore, #tpu.memory_space<semaphore_mem>>)
    %dma_wait3A_46 = arith.constant 0 : i32
    %dma_wait3A_47 = arith.constant 0 : i32
    %dma_wait3A_48 = tpu.memref_slice %arg2[%dma_wait3A_46, %dma_wait3A_47] : memref<10000x16xf32, #tpu.memory_space<hbm>> -> memref<10000x16xf32, #tpu.memory_space<hbm>>
    tpu.wait_indirect_dma semaphore(%arg7 : memref<!tpu.dma_semaphore, #tpu.memory_space<semaphore_mem>>) src(%dma_wait3A_48 : memref<10000x16xf32, #tpu.memory_space<hbm>>) dst(%arg6 : memref<1000x16xf32, #tpu.memory_space<vmem>>)
    "tpu.region"() ({
      %run_scoped3A = tpu.sem_alloc : memref<!tpu.dma_semaphore, #tpu.memory_space<semaphore_mem>>
      %dma_start3A_81 = arith.constant 0 : i32
      %dma_start3A_82 = tpu.memref_slice %arg4[%add3A_42, %dma_start3A_81] : memref<320000x16xf32, #tpu.memory_space<hbm>> -> memref<1000x16xf32, #tpu.memory_space<hbm>>
      %dma_start3A_83 = arith.constant 0 : i32
      %dma_start3A_84 = tpu.memref_slice %arg4[%add3A_42, %dma_start3A_83] : memref<320000x16xf32, #tpu.memory_space<hbm>> -> memref<1000x16xf32, #tpu.memory_space<hbm>>
      tpu.enqueue_dma source(%arg6 : memref<1000x16xf32, #tpu.memory_space<vmem>>) target(%dma_start3A_84 : memref<1000x16xf32, #tpu.memory_space<hbm>>) target_semaphore(%run_scoped3A : memref<!tpu.dma_semaphore, #tpu.memory_space<semaphore_mem>>)
      %dma_wait3A_85 = arith.constant 0 : i32
      %dma_wait3A_86 = tpu.memref_slice %arg4[%add3A_42, %dma_wait3A_85] : memref<320000x16xf32, #tpu.memory_space<hbm>> -> memref<1000x16xf32, #tpu.memory_space<hbm>>
      %dma_wait3A_87 = arith.constant 0 : i32
      %dma_wait3A_88 = tpu.memref_slice %arg4[%add3A_42, %dma_wait3A_87] : memref<320000x16xf32, #tpu.memory_space<hbm>> -> memref<1000x16xf32, #tpu.memory_space<hbm>>
      tpu.wait_dma2 semaphore(%run_scoped3A : memref<!tpu.dma_semaphore, #tpu.memory_space<semaphore_mem>>) src(%arg6 : memref<1000x16xf32, #tpu.memory_space<vmem>>) dst(%dma_wait3A_88 : memref<1000x16xf32, #tpu.memory_space<hbm>>)
      tpu.yield
    }) : () -> ()
    %add3A_49 = arith.constant 6000 : i32
    %add3A_50 = arith.addi %mul3A_2, %add3A_49 : i32
    "tpu.region"() ({
      %run_scoped3A = tpu.sem_alloc : memref<!tpu.dma_semaphore, #tpu.memory_space<semaphore_mem>>
      %dma_start3A_81 = tpu.memref_slice %arg3[%add3A_50] : memref<320000xi32, #tpu.memory_space<hbm>> -> memref<1000xi32, #tpu.memory_space<hbm>>
      %dma_start3A_82 = tpu.memref_slice %arg3[%add3A_50] : memref<320000xi32, #tpu.memory_space<hbm>> -> memref<1000xi32, #tpu.memory_space<hbm>>
      tpu.enqueue_dma source(%dma_start3A_82 : memref<1000xi32, #tpu.memory_space<hbm>>) target(%arg5 : memref<1000xi32, #tpu.memory_space<vmem>>) target_semaphore(%run_scoped3A : memref<!tpu.dma_semaphore, #tpu.memory_space<semaphore_mem>>)
      %dma_wait3A_83 = tpu.memref_slice %arg3[%add3A_50] : memref<320000xi32, #tpu.memory_space<hbm>> -> memref<1000xi32, #tpu.memory_space<hbm>>
      %dma_wait3A_84 = tpu.memref_slice %arg3[%add3A_50] : memref<320000xi32, #tpu.memory_space<hbm>> -> memref<1000xi32, #tpu.memory_space<hbm>>
      tpu.wait_dma2 semaphore(%run_scoped3A : memref<!tpu.dma_semaphore, #tpu.memory_space<semaphore_mem>>) src(%dma_wait3A_84 : memref<1000xi32, #tpu.memory_space<hbm>>) dst(%arg5 : memref<1000xi32, #tpu.memory_space<vmem>>)
      tpu.yield
    }) : () -> ()
    %dma_start3A_51 = arith.constant 0 : i32
    %dma_start3A_52 = arith.constant 0 : i32
    %dma_start3A_53 = tpu.memref_slice %arg2[%dma_start3A_51, %dma_start3A_52] : memref<10000x16xf32, #tpu.memory_space<hbm>> -> memref<10000x16xf32, #tpu.memory_space<hbm>>
    tpu.enqueue_indirect_dma source(%dma_start3A_53 : memref<10000x16xf32, #tpu.memory_space<hbm>>) target(%arg6 : memref<1000x16xf32, #tpu.memory_space<vmem>>) offsets(%arg5 : memref<1000xi32, #tpu.memory_space<vmem>>) semaphore(%arg7 : memref<!tpu.dma_semaphore, #tpu.memory_space<semaphore_mem>>)
    %dma_wait3A_54 = arith.constant 0 : i32
    %dma_wait3A_55 = arith.constant 0 : i32
    %dma_wait3A_56 = tpu.memref_slice %arg2[%dma_wait3A_54, %dma_wait3A_55] : memref<10000x16xf32, #tpu.memory_space<hbm>> -> memref<10000x16xf32, #tpu.memory_space<hbm>>
    tpu.wait_indirect_dma semaphore(%arg7 : memref<!tpu.dma_semaphore, #tpu.memory_space<semaphore_mem>>) src(%dma_wait3A_56 : memref<10000x16xf32, #tpu.memory_space<hbm>>) dst(%arg6 : memref<1000x16xf32, #tpu.memory_space<vmem>>)
    "tpu.region"() ({
      %run_scoped3A = tpu.sem_alloc : memref<!tpu.dma_semaphore, #tpu.memory_space<semaphore_mem>>
      %dma_start3A_81 = arith.constant 0 : i32
      %dma_start3A_82 = tpu.memref_slice %arg4[%add3A_50, %dma_start3A_81] : memref<320000x16xf32, #tpu.memory_space<hbm>> -> memref<1000x16xf32, #tpu.memory_space<hbm>>
      %dma_start3A_83 = arith.constant 0 : i32
      %dma_start3A_84 = tpu.memref_slice %arg4[%add3A_50, %dma_start3A_83] : memref<320000x16xf32, #tpu.memory_space<hbm>> -> memref<1000x16xf32, #tpu.memory_space<hbm>>
      tpu.enqueue_dma source(%arg6 : memref<1000x16xf32, #tpu.memory_space<vmem>>) target(%dma_start3A_84 : memref<1000x16xf32, #tpu.memory_space<hbm>>) target_semaphore(%run_scoped3A : memref<!tpu.dma_semaphore, #tpu.memory_space<semaphore_mem>>)
      %dma_wait3A_85 = arith.constant 0 : i32
      %dma_wait3A_86 = tpu.memref_slice %arg4[%add3A_50, %dma_wait3A_85] : memref<320000x16xf32, #tpu.memory_space<hbm>> -> memref<1000x16xf32, #tpu.memory_space<hbm>>
      %dma_wait3A_87 = arith.constant 0 : i32
      %dma_wait3A_88 = tpu.memref_slice %arg4[%add3A_50, %dma_wait3A_87] : memref<320000x16xf32, #tpu.memory_space<hbm>> -> memref<1000x16xf32, #tpu.memory_space<hbm>>
      tpu.wait_dma2 semaphore(%run_scoped3A : memref<!tpu.dma_semaphore, #tpu.memory_space<semaphore_mem>>) src(%arg6 : memref<1000x16xf32, #tpu.memory_space<vmem>>) dst(%dma_wait3A_88 : memref<1000x16xf32, #tpu.memory_space<hbm>>)
      tpu.yield
    }) : () -> ()
    %add3A_57 = arith.constant 7000 : i32
    %add3A_58 = arith.addi %mul3A_2, %add3A_57 : i32
    "tpu.region"() ({
      %run_scoped3A = tpu.sem_alloc : memref<!tpu.dma_semaphore, #tpu.memory_space<semaphore_mem>>
      %dma_start3A_81 = tpu.memref_slice %arg3[%add3A_58] : memref<320000xi32, #tpu.memory_space<hbm>> -> memref<1000xi32, #tpu.memory_space<hbm>>
      %dma_start3A_82 = tpu.memref_slice %arg3[%add3A_58] : memref<320000xi32, #tpu.memory_space<hbm>> -> memref<1000xi32, #tpu.memory_space<hbm>>
      tpu.enqueue_dma source(%dma_start3A_82 : memref<1000xi32, #tpu.memory_space<hbm>>) target(%arg5 : memref<1000xi32, #tpu.memory_space<vmem>>) target_semaphore(%run_scoped3A : memref<!tpu.dma_semaphore, #tpu.memory_space<semaphore_mem>>)
      %dma_wait3A_83 = tpu.memref_slice %arg3[%add3A_58] : memref<320000xi32, #tpu.memory_space<hbm>> -> memref<1000xi32, #tpu.memory_space<hbm>>
      %dma_wait3A_84 = tpu.memref_slice %arg3[%add3A_58] : memref<320000xi32, #tpu.memory_space<hbm>> -> memref<1000xi32, #tpu.memory_space<hbm>>
      tpu.wait_dma2 semaphore(%run_scoped3A : memref<!tpu.dma_semaphore, #tpu.memory_space<semaphore_mem>>) src(%dma_wait3A_84 : memref<1000xi32, #tpu.memory_space<hbm>>) dst(%arg5 : memref<1000xi32, #tpu.memory_space<vmem>>)
      tpu.yield
    }) : () -> ()
    %dma_start3A_59 = arith.constant 0 : i32
    %dma_start3A_60 = arith.constant 0 : i32
    %dma_start3A_61 = tpu.memref_slice %arg2[%dma_start3A_59, %dma_start3A_60] : memref<10000x16xf32, #tpu.memory_space<hbm>> -> memref<10000x16xf32, #tpu.memory_space<hbm>>
    tpu.enqueue_indirect_dma source(%dma_start3A_61 : memref<10000x16xf32, #tpu.memory_space<hbm>>) target(%arg6 : memref<1000x16xf32, #tpu.memory_space<vmem>>) offsets(%arg5 : memref<1000xi32, #tpu.memory_space<vmem>>) semaphore(%arg7 : memref<!tpu.dma_semaphore, #tpu.memory_space<semaphore_mem>>)
    %dma_wait3A_62 = arith.constant 0 : i32
    %dma_wait3A_63 = arith.constant 0 : i32
    %dma_wait3A_64 = tpu.memref_slice %arg2[%dma_wait3A_62, %dma_wait3A_63] : memref<10000x16xf32, #tpu.memory_space<hbm>> -> memref<10000x16xf32, #tpu.memory_space<hbm>>
    tpu.wait_indirect_dma semaphore(%arg7 : memref<!tpu.dma_semaphore, #tpu.memory_space<semaphore_mem>>) src(%dma_wait3A_64 : memref<10000x16xf32, #tpu.memory_space<hbm>>) dst(%arg6 : memref<1000x16xf32, #tpu.memory_space<vmem>>)
    "tpu.region"() ({
      %run_scoped3A = tpu.sem_alloc : memref<!tpu.dma_semaphore, #tpu.memory_space<semaphore_mem>>
      %dma_start3A_81 = arith.constant 0 : i32
      %dma_start3A_82 = tpu.memref_slice %arg4[%add3A_58, %dma_start3A_81] : memref<320000x16xf32, #tpu.memory_space<hbm>> -> memref<1000x16xf32, #tpu.memory_space<hbm>>
      %dma_start3A_83 = arith.constant 0 : i32
      %dma_start3A_84 = tpu.memref_slice %arg4[%add3A_58, %dma_start3A_83] : memref<320000x16xf32, #tpu.memory_space<hbm>> -> memref<1000x16xf32, #tpu.memory_space<hbm>>
      tpu.enqueue_dma source(%arg6 : memref<1000x16xf32, #tpu.memory_space<vmem>>) target(%dma_start3A_84 : memref<1000x16xf32, #tpu.memory_space<hbm>>) target_semaphore(%run_scoped3A : memref<!tpu.dma_semaphore, #tpu.memory_space<semaphore_mem>>)
      %dma_wait3A_85 = arith.constant 0 : i32
      %dma_wait3A_86 = tpu.memref_slice %arg4[%add3A_58, %dma_wait3A_85] : memref<320000x16xf32, #tpu.memory_space<hbm>> -> memref<1000x16xf32, #tpu.memory_space<hbm>>
      %dma_wait3A_87 = arith.constant 0 : i32
      %dma_wait3A_88 = tpu.memref_slice %arg4[%add3A_58, %dma_wait3A_87] : memref<320000x16xf32, #tpu.memory_space<hbm>> -> memref<1000x16xf32, #tpu.memory_space<hbm>>
      tpu.wait_dma2 semaphore(%run_scoped3A : memref<!tpu.dma_semaphore, #tpu.memory_space<semaphore_mem>>) src(%arg6 : memref<1000x16xf32, #tpu.memory_space<vmem>>) dst(%dma_wait3A_88 : memref<1000x16xf32, #tpu.memory_space<hbm>>)
      tpu.yield
    }) : () -> ()
    %add3A_65 = arith.constant 8000 : i32
    %add3A_66 = arith.addi %mul3A_2, %add3A_65 : i32
    "tpu.region"() ({
      %run_scoped3A = tpu.sem_alloc : memref<!tpu.dma_semaphore, #tpu.memory_space<semaphore_mem>>
      %dma_start3A_81 = tpu.memref_slice %arg3[%add3A_66] : memref<320000xi32, #tpu.memory_space<hbm>> -> memref<1000xi32, #tpu.memory_space<hbm>>
      %dma_start3A_82 = tpu.memref_slice %arg3[%add3A_66] : memref<320000xi32, #tpu.memory_space<hbm>> -> memref<1000xi32, #tpu.memory_space<hbm>>
      tpu.enqueue_dma source(%dma_start3A_82 : memref<1000xi32, #tpu.memory_space<hbm>>) target(%arg5 : memref<1000xi32, #tpu.memory_space<vmem>>) target_semaphore(%run_scoped3A : memref<!tpu.dma_semaphore, #tpu.memory_space<semaphore_mem>>)
      %dma_wait3A_83 = tpu.memref_slice %arg3[%add3A_66] : memref<320000xi32, #tpu.memory_space<hbm>> -> memref<1000xi32, #tpu.memory_space<hbm>>
      %dma_wait3A_84 = tpu.memref_slice %arg3[%add3A_66] : memref<320000xi32, #tpu.memory_space<hbm>> -> memref<1000xi32, #tpu.memory_space<hbm>>
      tpu.wait_dma2 semaphore(%run_scoped3A : memref<!tpu.dma_semaphore, #tpu.memory_space<semaphore_mem>>) src(%dma_wait3A_84 : memref<1000xi32, #tpu.memory_space<hbm>>) dst(%arg5 : memref<1000xi32, #tpu.memory_space<vmem>>)
      tpu.yield
    }) : () -> ()
    %dma_start3A_67 = arith.constant 0 : i32
    %dma_start3A_68 = arith.constant 0 : i32
    %dma_start3A_69 = tpu.memref_slice %arg2[%dma_start3A_67, %dma_start3A_68] : memref<10000x16xf32, #tpu.memory_space<hbm>> -> memref<10000x16xf32, #tpu.memory_space<hbm>>
    tpu.enqueue_indirect_dma source(%dma_start3A_69 : memref<10000x16xf32, #tpu.memory_space<hbm>>) target(%arg6 : memref<1000x16xf32, #tpu.memory_space<vmem>>) offsets(%arg5 : memref<1000xi32, #tpu.memory_space<vmem>>) semaphore(%arg7 : memref<!tpu.dma_semaphore, #tpu.memory_space<semaphore_mem>>)
    %dma_wait3A_70 = arith.constant 0 : i32
    %dma_wait3A_71 = arith.constant 0 : i32
    %dma_wait3A_72 = tpu.memref_slice %arg2[%dma_wait3A_70, %dma_wait3A_71] : memref<10000x16xf32, #tpu.memory_space<hbm>> -> memref<10000x16xf32, #tpu.memory_space<hbm>>
    tpu.wait_indirect_dma semaphore(%arg7 : memref<!tpu.dma_semaphore, #tpu.memory_space<semaphore_mem>>) src(%dma_wait3A_72 : memref<10000x16xf32, #tpu.memory_space<hbm>>) dst(%arg6 : memref<1000x16xf32, #tpu.memory_space<vmem>>)
    "tpu.region"() ({
      %run_scoped3A = tpu.sem_alloc : memref<!tpu.dma_semaphore, #tpu.memory_space<semaphore_mem>>
      %dma_start3A_81 = arith.constant 0 : i32
      %dma_start3A_82 = tpu.memref_slice %arg4[%add3A_66, %dma_start3A_81] : memref<320000x16xf32, #tpu.memory_space<hbm>> -> memref<1000x16xf32, #tpu.memory_space<hbm>>
      %dma_start3A_83 = arith.constant 0 : i32
      %dma_start3A_84 = tpu.memref_slice %arg4[%add3A_66, %dma_start3A_83] : memref<320000x16xf32, #tpu.memory_space<hbm>> -> memref<1000x16xf32, #tpu.memory_space<hbm>>
      tpu.enqueue_dma source(%arg6 : memref<1000x16xf32, #tpu.memory_space<vmem>>) target(%dma_start3A_84 : memref<1000x16xf32, #tpu.memory_space<hbm>>) target_semaphore(%run_scoped3A : memref<!tpu.dma_semaphore, #tpu.memory_space<semaphore_mem>>)
      %dma_wait3A_85 = arith.constant 0 : i32
      %dma_wait3A_86 = tpu.memref_slice %arg4[%add3A_66, %dma_wait3A_85] : memref<320000x16xf32, #tpu.memory_space<hbm>> -> memref<1000x16xf32, #tpu.memory_space<hbm>>
      %dma_wait3A_87 = arith.constant 0 : i32
      %dma_wait3A_88 = tpu.memref_slice %arg4[%add3A_66, %dma_wait3A_87] : memref<320000x16xf32, #tpu.memory_space<hbm>> -> memref<1000x16xf32, #tpu.memory_space<hbm>>
      tpu.wait_dma2 semaphore(%run_scoped3A : memref<!tpu.dma_semaphore, #tpu.memory_space<semaphore_mem>>) src(%arg6 : memref<1000x16xf32, #tpu.memory_space<vmem>>) dst(%dma_wait3A_88 : memref<1000x16xf32, #tpu.memory_space<hbm>>)
      tpu.yield
    }) : () -> ()
    %add3A_73 = arith.constant 9000 : i32
    %add3A_74 = arith.addi %mul3A_2, %add3A_73 : i32
    "tpu.region"() ({
      %run_scoped3A = tpu.sem_alloc : memref<!tpu.dma_semaphore, #tpu.memory_space<semaphore_mem>>
      %dma_start3A_81 = tpu.memref_slice %arg3[%add3A_74] : memref<320000xi32, #tpu.memory_space<hbm>> -> memref<1000xi32, #tpu.memory_space<hbm>>
      %dma_start3A_82 = tpu.memref_slice %arg3[%add3A_74] : memref<320000xi32, #tpu.memory_space<hbm>> -> memref<1000xi32, #tpu.memory_space<hbm>>
      tpu.enqueue_dma source(%dma_start3A_82 : memref<1000xi32, #tpu.memory_space<hbm>>) target(%arg5 : memref<1000xi32, #tpu.memory_space<vmem>>) target_semaphore(%run_scoped3A : memref<!tpu.dma_semaphore, #tpu.memory_space<semaphore_mem>>)
      %dma_wait3A_83 = tpu.memref_slice %arg3[%add3A_74] : memref<320000xi32, #tpu.memory_space<hbm>> -> memref<1000xi32, #tpu.memory_space<hbm>>
      %dma_wait3A_84 = tpu.memref_slice %arg3[%add3A_74] : memref<320000xi32, #tpu.memory_space<hbm>> -> memref<1000xi32, #tpu.memory_space<hbm>>
      tpu.wait_dma2 semaphore(%run_scoped3A : memref<!tpu.dma_semaphore, #tpu.memory_space<semaphore_mem>>) src(%dma_wait3A_84 : memref<1000xi32, #tpu.memory_space<hbm>>) dst(%arg5 : memref<1000xi32, #tpu.memory_space<vmem>>)
      tpu.yield
    }) : () -> ()
    %dma_start3A_75 = arith.constant 0 : i32
    %dma_start3A_76 = arith.constant 0 : i32
    %dma_start3A_77 = tpu.memref_slice %arg2[%dma_start3A_75, %dma_start3A_76] : memref<10000x16xf32, #tpu.memory_space<hbm>> -> memref<10000x16xf32, #tpu.memory_space<hbm>>
    tpu.enqueue_indirect_dma source(%dma_start3A_77 : memref<10000x16xf32, #tpu.memory_space<hbm>>) target(%arg6 : memref<1000x16xf32, #tpu.memory_space<vmem>>) offsets(%arg5 : memref<1000xi32, #tpu.memory_space<vmem>>) semaphore(%arg7 : memref<!tpu.dma_semaphore, #tpu.memory_space<semaphore_mem>>)
    %dma_wait3A_78 = arith.constant 0 : i32
    %dma_wait3A_79 = arith.constant 0 : i32
    %dma_wait3A_80 = tpu.memref_slice %arg2[%dma_wait3A_78, %dma_wait3A_79] : memref<10000x16xf32, #tpu.memory_space<hbm>> -> memref<10000x16xf32, #tpu.memory_space<hbm>>
    tpu.wait_indirect_dma semaphore(%arg7 : memref<!tpu.dma_semaphore, #tpu.memory_space<semaphore_mem>>) src(%dma_wait3A_80 : memref<10000x16xf32, #tpu.memory_space<hbm>>) dst(%arg6 : memref<1000x16xf32, #tpu.memory_space<vmem>>)
    "tpu.region"() ({
      %run_scoped3A = tpu.sem_alloc : memref<!tpu.dma_semaphore, #tpu.memory_space<semaphore_mem>>
      %dma_start3A_81 = arith.constant 0 : i32
      %dma_start3A_82 = tpu.memref_slice %arg4[%add3A_74, %dma_start3A_81] : memref<320000x16xf32, #tpu.memory_space<hbm>> -> memref<1000x16xf32, #tpu.memory_space<hbm>>
      %dma_start3A_83 = arith.constant 0 : i32
      %dma_start3A_84 = tpu.memref_slice %arg4[%add3A_74, %dma_start3A_83] : memref<320000x16xf32, #tpu.memory_space<hbm>> -> memref<1000x16xf32, #tpu.memory_space<hbm>>
      tpu.enqueue_dma source(%arg6 : memref<1000x16xf32, #tpu.memory_space<vmem>>) target(%dma_start3A_84 : memref<1000x16xf32, #tpu.memory_space<hbm>>) target_semaphore(%run_scoped3A : memref<!tpu.dma_semaphore, #tpu.memory_space<semaphore_mem>>)
      %dma_wait3A_85 = arith.constant 0 : i32
      %dma_wait3A_86 = tpu.memref_slice %arg4[%add3A_74, %dma_wait3A_85] : memref<320000x16xf32, #tpu.memory_space<hbm>> -> memref<1000x16xf32, #tpu.memory_space<hbm>>
      %dma_wait3A_87 = arith.constant 0 : i32
      %dma_wait3A_88 = tpu.memref_slice %arg4[%add3A_74, %dma_wait3A_87] : memref<320000x16xf32, #tpu.memory_space<hbm>> -> memref<1000x16xf32, #tpu.memory_space<hbm>>
      tpu.wait_dma2 semaphore(%run_scoped3A : memref<!tpu.dma_semaphore, #tpu.memory_space<semaphore_mem>>) src(%arg6 : memref<1000x16xf32, #tpu.memory_space<vmem>>) dst(%dma_wait3A_88 : memref<1000x16xf32, #tpu.memory_space<hbm>>)
      tpu.yield
    }) : () -> ()
    return
  }
}

module attributes {stable_mosaic.version = 14 : i64} {
  func.func @_atoms_body(%arg0: i32, %arg1: memref<1000x128xf32, #tpu.memory_space<vmem>>, %arg2: memref<128x16xf32, #tpu.memory_space<vmem>>, %arg3: memref<8x16xf32, #tpu.memory_space<vmem>>, %arg4: memref<1000x16xf32, #tpu.memory_space<vmem>>) attributes {dimension_semantics = [#tpu.dimension_semantics<arbitrary>], iteration_bounds = array<i64: 10>, scalar_prefetch = 0 : i64, scratch_operands = 0 : i64, tpu.core_type = #tpu.core_type<tc>, window_params = [{transform_indices = @transform_0, window_bounds = array<i64: 1000, 128>}, {pipeline_mode = #tpu.pipeline_mode<synchronous>, transform_indices = @transform_1, window_bounds = array<i64: 128, 16>}, {pipeline_mode = #tpu.pipeline_mode<synchronous>, transform_indices = @transform_2, window_bounds = array<i64: 8, 16>}, {transform_indices = @transform_3, window_bounds = array<i64: 1000, 16>}]} {
    %get3A = arith.constant 0 : index
    %get3A_0 = arith.constant 0 : index
    %get3A_1 = vector.load %arg1[%get3A, %get3A_0] : memref<1000x128xf32, #tpu.memory_space<vmem>>, vector<1000x128xf32>
    %get3A_2 = arith.constant 0 : index
    %get3A_3 = arith.constant 0 : index
    %get3A_4 = vector.load %arg2[%get3A_2, %get3A_3] : memref<128x16xf32, #tpu.memory_space<vmem>>, vector<128x16xf32>
    %dot_general3A = arith.constant dense<0.000000e+00> : vector<1000x16xf32>
    %dot_general3A_5 = tpu.matmul %get3A_1, %get3A_4, %dot_general3A {dimension_numbers = #tpu.dot_dimension_numbers<[1], [0], [0], [1], [0, 0, 1, 1], [], []>, transpose_lhs_hint = false} : vector<1000x128xf32>, vector<128x16xf32>, vector<1000x16xf32> -> vector<1000x16xf32>
    %get3A_6 = arith.constant 0 : index
    %get3A_7 = arith.constant 0 : index
    %get3A_8 = vector.load %arg3[%get3A_6, %get3A_7] : memref<8x16xf32, #tpu.memory_space<vmem>>, vector<8x16xf32>
    %slice3A = vector.extract_strided_slice %get3A_8 {offsets = [0, 0], sizes = [1, 16], strides = [1, 1]} : vector<8x16xf32> to vector<1x16xf32>
    %add3A = vector.broadcast %slice3A : vector<1x16xf32> to vector<1000x16xf32>
    %add3A_9 = arith.addf %dot_general3A_5, %add3A : vector<1000x16xf32>
    %logistic3A = arith.negf %add3A_9 : vector<1000x16xf32>
    %logistic3A_10 = math.exp %logistic3A : vector<1000x16xf32>
    %logistic3A_11 = arith.constant 1.000000e+00 : f32
    %logistic3A_12 = vector.broadcast %logistic3A_11 : f32 to vector<1000x16xf32>
    %logistic3A_13 = arith.addf %logistic3A_12, %logistic3A_10 : vector<1000x16xf32>
    %logistic3A_14 = arith.divf %logistic3A_12, %logistic3A_13 : vector<1000x16xf32>
    %swap3A = arith.constant 0 : index
    %swap3A_15 = arith.constant 0 : index
    %swap3A_16 = vector.load %arg4[%swap3A, %swap3A_15] : memref<1000x16xf32, #tpu.memory_space<vmem>>, vector<1000x16xf32>
    tpu.vector_store %arg4[%swap3A, %swap3A_15], %logistic3A_14 {strides = array<i32>} : memref<1000x16xf32, #tpu.memory_space<vmem>>, vector<1000x16xf32>,
    return
  }
  func.func @transform_0(%arg0: i32) -> (i32, i32) {
    %c0_i32 = arith.constant 0 : i32
    %c0_i32_0 = arith.constant 0 : i32
    return %arg0, %c0_i32 : i32, i32
  }
  func.func @transform_1(%arg0: i32) -> (i32, i32) {
    %c0_i32 = arith.constant 0 : i32
    %c0_i32_0 = arith.constant 0 : i32
    %c0_i32_1 = arith.constant 0 : i32
    return %c0_i32, %c0_i32_0 : i32, i32
  }
  func.func @transform_2(%arg0: i32) -> (i32, i32) {
    %c0_i32 = arith.constant 0 : i32
    %c0_i32_0 = arith.constant 0 : i32
    %c0_i32_1 = arith.constant 0 : i32
    return %c0_i32, %c0_i32_0 : i32, i32
  }
  func.func @transform_3(%arg0: i32) -> (i32, i32) {
    %c0_i32 = arith.constant 0 : i32
    %c0_i32_0 = arith.constant 0 : i32
    return %arg0, %c0_i32 : i32, i32
  }
}

module attributes {stable_mosaic.version = 14 : i64} {
  func.func @_tbt_body(%arg0: i32, %arg1: i32, %arg2: memref<1x1x128000xf32, #tpu.memory_space<vmem>>, %arg3: memref<128000xf32, #tpu.memory_space<vmem>>) attributes {dimension_semantics = [#tpu.dimension_semantics<arbitrary>, #tpu.dimension_semantics<arbitrary>], iteration_bounds = array<i64: 9, 25>, scalar_prefetch = 0 : i64, scratch_operands = 0 : i64, tpu.core_type = #tpu.core_type<tc>, window_params = [{transform_indices = @transform_0, window_bounds = array<i64: 1, 1, 128000>}, {transform_indices = @transform_1, window_bounds = array<i64: 128000>}]} {
    %get3A = arith.constant 0 : index
    %get3A_0 = arith.constant 0 : index
    %get3A_1 = arith.constant 0 : index
    %get3A_2 = vector.load %arg2[%get3A, %get3A_0, %get3A_1] : memref<1x1x128000xf32, #tpu.memory_space<vmem>>, vector<1x1x128000xf32>
    %reshape3A = vector.shape_cast %get3A_2 : vector<1x1x128000xf32> to vector<128000xf32>
    %swap3A = arith.constant 0 : index
    %swap3A_3 = vector.load %arg3[%swap3A] : memref<128000xf32, #tpu.memory_space<vmem>>, vector<128000xf32>
    tpu.vector_store %arg3[%swap3A], %reshape3A {strides = array<i32>} : memref<128000xf32, #tpu.memory_space<vmem>>, vector<128000xf32>,
    return
  }
  func.func @transform_0(%arg0: i32, %arg1: i32) -> (i32, i32, i32) {
    %c0_i32 = arith.constant 0 : i32
    %c0_i32_0 = arith.constant 0 : i32
    return %arg0, %c0_i32, %arg1 : i32, i32, i32
  }
  func.func @transform_1(%arg0: i32, %arg1: i32) -> i32 {
    %mul3A = arith.constant 25 : i32
    %mul3A_0 = arith.muli %arg0, %mul3A : i32
    %add3A = arith.addi %mul3A_0, %arg1 : i32
    %c0_i32 = arith.constant 0 : i32
    return %add3A : i32
  }
}

module attributes {stable_mosaic.version = 14 : i64} {
  func.func @_mlp_body(%arg0: i32, %arg1: memref<9x2560xf32, #tpu.memory_space<vmem>>, %arg2: memref<2560x128xf32, #tpu.memory_space<vmem>>, %arg3: memref<9x128xf32, #tpu.memory_space<vmem>>, %arg4: memref<8x128xf32, #tpu.memory_space<vmem>>, %arg5: memref<9x128xf32, #tpu.memory_space<vmem>>, %arg6: memref<8x128xf32, #tpu.memory_space<vmem>>, %arg7: memref<2560x128xf32, #tpu.memory_space<vmem>>) attributes {dimension_semantics = [#tpu.dimension_semantics<arbitrary>], iteration_bounds = array<i64: 125>, scalar_prefetch = 0 : i64, scratch_operands = 0 : i64, tpu.core_type = #tpu.core_type<tc>, window_params = [{transform_indices = @transform_0, window_bounds = array<i64: 9, 2560>}, {transform_indices = @transform_1, window_bounds = array<i64: 2560, 128>}, {pipeline_mode = #tpu.pipeline_mode<synchronous>, transform_indices = @transform_2, window_bounds = array<i64: 9, 128>}, {pipeline_mode = #tpu.pipeline_mode<synchronous>, transform_indices = @transform_3, window_bounds = array<i64: 8, 128>}, {pipeline_mode = #tpu.pipeline_mode<synchronous>, transform_indices = @transform_4, window_bounds = array<i64: 9, 128>}, {pipeline_mode = #tpu.pipeline_mode<synchronous>, transform_indices = @transform_5, window_bounds = array<i64: 8, 128>}, {transform_indices = @transform_6, window_bounds = array<i64: 2560, 128>}]} {
    %get3A = arith.constant 0 : index
    %get3A_0 = arith.constant 0 : index
    %get3A_1 = vector.load %arg1[%get3A, %get3A_0] : memref<9x2560xf32, #tpu.memory_space<vmem>>, vector<9x2560xf32>
    %get3A_2 = arith.constant 0 : index
    %get3A_3 = arith.constant 0 : index
    %get3A_4 = vector.load %arg3[%get3A_2, %get3A_3] : memref<9x128xf32, #tpu.memory_space<vmem>>, vector<9x128xf32>
    %dot_general3A = arith.constant dense<0.000000e+00> : vector<2560x128xf32>
    %dot_general3A_5 = tpu.matmul %get3A_1, %get3A_4, %dot_general3A {dimension_numbers = #tpu.dot_dimension_numbers<[0], [0], [1], [1], [0, 1, 1, 1], [], []>, transpose_lhs_hint = false} : vector<9x2560xf32>, vector<9x128xf32>, vector<2560x128xf32> -> vector<2560x128xf32>
    %get3A_6 = arith.constant 0 : index
    %get3A_7 = arith.constant 0 : index
    %get3A_8 = vector.load %arg4[%get3A_6, %get3A_7] : memref<8x128xf32, #tpu.memory_space<vmem>>, vector<8x128xf32>
    %slice3A = vector.extract_strided_slice %get3A_8 {offsets = [0, 0], sizes = [1, 128], strides = [1, 1]} : vector<8x128xf32> to vector<1x128xf32>
    %add3A = vector.broadcast %slice3A : vector<1x128xf32> to vector<2560x128xf32>
    %add3A_9 = arith.addf %dot_general3A_5, %add3A : vector<2560x128xf32>
    %get3A_10 = arith.constant 0 : index
    %get3A_11 = arith.constant 0 : index
    %get3A_12 = vector.load %arg5[%get3A_10, %get3A_11] : memref<9x128xf32, #tpu.memory_space<vmem>>, vector<9x128xf32>
    %dot_general3A_13 = arith.constant dense<0.000000e+00> : vector<2560x128xf32>
    %dot_general3A_14 = tpu.matmul %get3A_1, %get3A_12, %dot_general3A_13 {dimension_numbers = #tpu.dot_dimension_numbers<[0], [0], [1], [1], [0, 1, 1, 1], [], []>, transpose_lhs_hint = false} : vector<9x2560xf32>, vector<9x128xf32>, vector<2560x128xf32> -> vector<2560x128xf32>
    %get3A_15 = arith.constant 0 : index
    %get3A_16 = arith.constant 0 : index
    %get3A_17 = vector.load %arg6[%get3A_15, %get3A_16] : memref<8x128xf32, #tpu.memory_space<vmem>>, vector<8x128xf32>
    %slice3A_18 = vector.extract_strided_slice %get3A_17 {offsets = [0, 0], sizes = [1, 128], strides = [1, 1]} : vector<8x128xf32> to vector<1x128xf32>
    %add3A_19 = vector.broadcast %slice3A_18 : vector<1x128xf32> to vector<2560x128xf32>
    %add3A_20 = arith.addf %dot_general3A_14, %add3A_19 : vector<2560x128xf32>
    %get3A_21 = arith.constant 0 : index
    %get3A_22 = arith.constant 0 : index
    %get3A_23 = vector.load %arg2[%get3A_21, %get3A_22] : memref<2560x128xf32, #tpu.memory_space<vmem>>, vector<2560x128xf32>
    %logistic3A = arith.negf %add3A_9 : vector<2560x128xf32>
    %logistic3A_24 = math.exp %logistic3A : vector<2560x128xf32>
    %logistic3A_25 = arith.constant 1.000000e+00 : f32
    %logistic3A_26 = vector.broadcast %logistic3A_25 : f32 to vector<2560x128xf32>
    %logistic3A_27 = arith.addf %logistic3A_26, %logistic3A_24 : vector<2560x128xf32>
    %logistic3A_28 = arith.divf %logistic3A_26, %logistic3A_27 : vector<2560x128xf32>
    %mul3A = arith.mulf %add3A_9, %logistic3A_28 : vector<2560x128xf32>
    %logistic3A_29 = arith.negf %add3A_20 : vector<2560x128xf32>
    %logistic3A_30 = math.exp %logistic3A_29 : vector<2560x128xf32>
    %logistic3A_31 = arith.constant 1.000000e+00 : f32
    %logistic3A_32 = vector.broadcast %logistic3A_31 : f32 to vector<2560x128xf32>
    %logistic3A_33 = arith.addf %logistic3A_32, %logistic3A_30 : vector<2560x128xf32>
    %logistic3A_34 = arith.divf %logistic3A_32, %logistic3A_33 : vector<2560x128xf32>
    %mul3A_35 = arith.mulf %mul3A, %logistic3A_34 : vector<2560x128xf32>
    %add3A_36 = arith.addf %get3A_23, %mul3A_35 : vector<2560x128xf32>
    %swap3A = arith.constant 0 : index
    %swap3A_37 = arith.constant 0 : index
    %swap3A_38 = vector.load %arg7[%swap3A, %swap3A_37] : memref<2560x128xf32, #tpu.memory_space<vmem>>, vector<2560x128xf32>
    tpu.vector_store %arg7[%swap3A, %swap3A_37], %add3A_36 {strides = array<i32>} : memref<2560x128xf32, #tpu.memory_space<vmem>>, vector<2560x128xf32>,
    return
  }
  func.func @transform_0(%arg0: i32) -> (i32, i32) {
    %c0_i32 = arith.constant 0 : i32
    %c0_i32_0 = arith.constant 0 : i32
    return %c0_i32, %arg0 : i32, i32
  }
  func.func @transform_1(%arg0: i32) -> (i32, i32) {
    %c0_i32 = arith.constant 0 : i32
    %c0_i32_0 = arith.constant 0 : i32
    return %arg0, %c0_i32 : i32, i32
  }
  func.func @transform_2(%arg0: i32) -> (i32, i32) {
    %c0_i32 = arith.constant 0 : i32
    %c0_i32_0 = arith.constant 0 : i32
    %c0_i32_1 = arith.constant 0 : i32
    return %c0_i32, %c0_i32_0 : i32, i32
  }
  func.func @transform_3(%arg0: i32) -> (i32, i32) {
    %c0_i32 = arith.constant 0 : i32
    %c0_i32_0 = arith.constant 0 : i32
    %c0_i32_1 = arith.constant 0 : i32
    return %c0_i32, %c0_i32_0 : i32, i32
  }
  func.func @transform_4(%arg0: i32) -> (i32, i32) {
    %c0_i32 = arith.constant 0 : i32
    %c0_i32_0 = arith.constant 0 : i32
    %c0_i32_1 = arith.constant 0 : i32
    return %c0_i32, %c0_i32_0 : i32, i32
  }
  func.func @transform_5(%arg0: i32) -> (i32, i32) {
    %c0_i32 = arith.constant 0 : i32
    %c0_i32_0 = arith.constant 0 : i32
    %c0_i32_1 = arith.constant 0 : i32
    return %c0_i32, %c0_i32_0 : i32, i32
  }
  func.func @transform_6(%arg0: i32) -> (i32, i32) {
    %c0_i32 = arith.constant 0 : i32
    %c0_i32_0 = arith.constant 0 : i32
    return %arg0, %c0_i32 : i32, i32
  }
}

</mosaic_0001>

<sc_bundles>
// kernel: kernel.10.cloned.1.call-start
scs
__scs_entry_jumppad:
0x0: {  	(pc) =	sbr.rel $0x88, $3  }
0x1: {  	(tag) =	ssettag $0x0;
	lr =	simm.s32 $0x1  }
0x2: {  	[smem:$0x3F95] =	sst lr;
	_ =	strace $0xD0000000  }
0x3: {  	_ = 	snop  }
0x4: {  	_ = 	snop  }
0x5: {  	_ = 	snop  }
0x6: {  	_ = 	snop  }
0x7: {  	_ = 	snop  }
__scs_overlays_trampoline_lowered:
0x8: {  	[smem:$0x3FA4] =	sst s0  }
0x9: {  	[smem:$0x3FA5] =	sst s1  }
0xa: {  	[smem:$0x3FA6] =	sst s2  }
0xb: {  	[smem:$0x3FA7] =	sst s3  }
0xc: {  	[smem:$0x3FA8] =	sst s4  }
0xd: {  	[smem:$0x3FA9] =	sst s5  }
0xe: {  	[smem:$0x3FAA] =	sst s6  }
0xf: {  	[smem:$0x3FAB] =	sst s7  }
0x10: {  	[smem:$0x3FAC] =	sst s8  }
0x11: {  	[smem:$0x3FAD] =	sst s9;
	s0 =	simm.s32 @!p0 $0x0  }
0x12: {  	s1 =	sld [smem:$0x3F93];
	s0 =	simm.s32 @p0 $0x1  }
0x13: {  	[smem:$0x3FAE] =	sst s0;
	s0 =	simm.s32 @!p1 $0x0  }
0x14: {  	s2 =	sld [smem:$0x3F92];
	s0 =	simm.s32 @p1 $0x1  }
0x15: {  	[smem:$0x3FAF] =	sst s0;
	s0 =	simm.s32 @!p2 $0x0  }
0x16: {  	s3 =	sld [smem:$0x3FDB];
	s0 =	simm.s32 @p2 $0x1  }
0x17: {  	s4 =	simm.s32 $0x1BF5;
	[smem:$0x3FB1] =	sst s0  }
0x18: {  	s0 =	sld [smem:$0x3F94];
	_ =	swait.ge [sflag:s4], $0x0  }
0x19: {  	s7 =	sld [smem:$0x3F95]  }
0x1a: {  	s8 =	sadd.s32 $0xFFFFE003, lr  }
0x1b: {  	s9 =	sadd.s32 $0xFFFFFEF7, lr;
	s5 =	simm.s32 $0xFFFFFFFF;
	p2 =	slt.u32 s8, $0xFFFFF086  }
0x1c: {  	p1 =	slt.u32 s9, $0xF7A;
	s5 =	simm.s32 @!p2 $0x0  }
0x1d: {  	s5 =	simm.s32 @p1 $0x1;
	p0 =	seq.s32 s7, s2  }
0x1e: {  	s7 =	smul.u32 @!p0 $0xF7A, s2;
	p2 =	seq.s32 @!p0 s5, $0x0  }
0x1f: {  	s9 =	smul.u32 $0xF7A, s1;
	s8 =	simm.s32 @!p0 $0x1BF5;
	p2 =	por !p2, p0  }
0x20: {  	[sflag:s8] =	ssyncset.s32 @!p0 $0xFFFFF086;
	s6 =	sadd.s32 @!p0 s3, s7;
	s7 =	simm.s32 @!p0 $0x108  }
0x21: {  	s3 =	sadd.s32 s3, s9;
	s6 =	sadd.s32 @!p0 $0x88, s6;
	s7 =	simm.s32 @p2 $0x1082  }
0x22: {  	[simem:s7], [sflag:s8] =	dma.local @!p0 [hbm:s6], $0xF7A  }
0x23: {  	s9 =	sor.u32 $0xD0000000, s2;
	s6 =	simm.s32 $0x108;
	_ =	swait.ge @!p0 [sflag:s8], $0x0  }
0x24: {  	s3 =	sadd.s32 $0x88, s3;
	s6 =	simm.s32 @!p1 $0x1082;
	[sflag:s4] =	ssyncset.s32 $0xFFFFF086  }
0x25: {  	[simem:s6], [sflag:s4] =	dma.local [hbm:s3], $0xF7A  }
0x26: {  	[smem:$0x3F95] =	sst s1;
	(tag) =	ssettag s2;
	_ =	strace s9  }
0x27: {  	s1 =	sld [smem:$0x3FA5]  }
0x28: {  	s2 =	sld [smem:$0x3FA6]  }
0x29: {  	s4 =	sld [smem:$0x3FA8]  }
0x2a: {  	p0 =	seq.s32 s5, $0x0;
	s5 =	sld [smem:$0x3FA9]  }
0x2b: {  	s6 =	sld [smem:$0x3FAA]  }
0x2c: {  	s7 =	sld [smem:$0x3FAB]  }
0x2d: {  	s3 =	simm.s32 $0x108;
	s8 =	sld [smem:$0x3FAC]  }
0x2e: {  	s3 =	simm.s32 @!p0 $0x1082;
	s9 =	sld [smem:$0x3FAD]  }
0x2f: {  	lr =	sadd.s32 s0, s3;
	s0 =	sld [smem:$0x3FA4]  }
0x30: {  	s3 =	sld [smem:$0x3FA7]  }
0x31: {  	[smem:$0x3FB0] =	sst s10  }
0x32: {  	s10 =	sld [smem:$0x3FAE];
	_ =	sdelay $0x3  }
0x33: {  	p0 =	seq.s32 s10, $0x1;
	s10 =	sld [smem:$0x3FB0];
	_ =	sdelay $0x3  }
0x34: {  	[smem:$0x3FB0] =	sst s10  }
0x35: {  	s10 =	sld [smem:$0x3FAF];
	_ =	sdelay $0x3  }
0x36: {  	p1 =	seq.s32 s10, $0x1;
	s10 =	sld [smem:$0x3FB0];
	_ =	sdelay $0x3  }
0x37: {  	[smem:$0x3FB0] =	sst s10  }
0x38: {  	s10 =	sld [smem:$0x3FB1]  }
0x39: {  	_ = 	snop;
	(pc) =	sbr.ind lr, $3  }
0x3a: {  	_ = 	snop  }
0x3b: {  	_ = 	snop  }
0x3c: {  	p2 =	seq.s32 s10, $0x1;
	s10 =	sld [smem:$0x3FB0]  }
0x3d: {  	_ =	shalt  }
0x3e: {  	_ =	shalt  }
0x3f: {  	_ =	shalt  }
0x40: {  	_ =	shalt  }
0x41: {  	_ =	shalt  }
0x42: {  	_ =	shalt  }
0x43: {  	_ =	shalt  }
0x44: {  	_ =	shalt  }
0x45: {  	_ =	shalt  }
0x46: {  	_ =	shalt  }
0x47: {  	_ =	shalt  }
0x48: {  	_ =	shalt  }
0x49: {  	_ =	shalt  }
0x4a: {  	_ =	shalt  }
0x4b: {  	_ =	shalt  }
0x4c: {  	_ =	shalt  }
0x4d: {  	_ =	shalt  }
0x4e: {  	_ =	shalt  }
0x4f: {  	_ =	shalt  }
0x50: {  	_ =	shalt  }
0x51: {  	_ =	shalt  }
0x52: {  	_ =	shalt  }
0x53: {  	_ =	shalt  }
0x54: {  	_ =	shalt  }
0x55: {  	_ =	shalt  }
0x56: {  	_ =	shalt  }
0x57: {  	_ =	shalt  }
0x58: {  	_ =	shalt  }
0x59: {  	_ =	shalt  }
0x5a: {  	_ =	shalt  }
0x5b: {  	_ =	shalt  }
0x5c: {  	_ =	shalt  }
0x5d: {  	_ =	shalt  }
0x5e: {  	_ =	shalt  }
0x5f: {  	_ =	shalt  }
0x60: {  	_ =	shalt  }
0x61: {  	_ =	shalt  }
0x62: {  	_ =	shalt  }
0x63: {  	_ =	shalt  }
0x64: {  	_ =	shalt  }
0x65: {  	_ =	shalt  }
0x66: {  	_ =	shalt  }
0x67: {  	_ =	shalt  }
0x68: {  	_ =	shalt  }
0x69: {  	_ =	shalt  }
0x6a: {  	_ =	shalt  }
0x6b: {  	_ =	shalt  }
0x6c: {  	_ =	shalt  }
0x6d: {  	_ =	shalt  }
0x6e: {  	_ =	shalt  }
0x6f: {  	_ =	shalt  }
0x70: {  	_ =	shalt  }
0x71: {  	_ =	shalt  }
0x72: {  	_ =	shalt  }
0x73: {  	_ =	shalt  }
0x74: {  	_ =	shalt  }
0x75: {  	_ =	shalt  }
0x76: {  	_ =	shalt  }
0x77: {  	_ =	shalt  }
0x78: {  	_ =	shalt  }
0x79: {  	_ =	shalt  }
0x7a: {  	_ =	shalt  }
0x7b: {  	_ =	shalt  }
0x7c: {  	_ =	shalt  }
0x7d: {  	_ =	shalt  }
0x7e: {  	_ =	shalt  }
0x7f: {  	_ =	shalt  }
0x80: {  	_ =	shalt  }
0x81: {  	_ =	shalt  }
0x82: {  	_ =	shalt  }
0x83: {  	_ =	shalt  }
0x84: {  	_ =	shalt  }
0x85: {  	_ =	shalt  }
0x86: {  	_ =	shalt  }
0x87: {  	_ =	shalt  }
.Lfunc_end0:
.L_simem_size_0:
called_computation.1_lowered:
.L_overlay_start_0:
0x88: {  	s2 =	sld [smem:$0x3FD9]  }
0x89: {  	s3 =	sld [smem:$0x3FFE];
	_ =	sdelay $0x1  }
0x8a: {  	s1 =	srdreg.scid  }
0x8b: {  	s0 =	sand.u32 $0x1, s1  }
0x8c: {  	s17 =	sshll.u32 s0, $0xA;
	s2 =	sadd.s32 s3, s2  }
0x8d: {  	s2 =	sadd.s32 s2, s17  }
0x8e: {  	[smem:$0x3FBC] =	sst s2  }
0x8f: {  	_ = 	snop  }
0x90: {  	s2 =	sld [smem:$0x3FC6]  }
0x91: {  	s18 =	sld [smem:$0x3FC4]  }
0x92: {  	s4 =	sld [smem:$0x3FD0];
	(tm) =	ssettm $0x1  }
0x93: {  	s5 =	sld [smem:$0x3FFB];
	_ =	sdelay $0x3  }
0x94: {  	_ =	strace s5  }
0x95: {  	s5 =	sld [smem:$0x3FFC];
	_ =	sdelay $0x3  }
0x96: {  	_ =	strace s5  }
0x97: {  	s5 =	sld [smem:$0x3FFD];
	_ =	sdelay $0x3  }
0x98: {  	_ =	strace s5  }
0x99: {  	_ =	strace $0x8FFFFFFF  }
0x9a: {  	s19 =	sld [smem:$0x3FDB];
	_ =	sdelay $0x1  }
0x9b: {  	s6 =	simm.s32 $_scs_section_size  }
0x9c: {  	s7 =	simm.s32 $_size__tile_overlayer_lowered;
	s8 =	simm.s32 $_tile_overlayer_lowered  }
0x9d: {  	s22 =	simm.s32 $0x1BFF;
	s21 =	sshll.u32 s8, $0x1;
	s5 =	sadd.s32 s6, s19  }
0x9e: {  	s9 =	simm.s32 $0x0;
	s20 =	sshll.u32 s7, $0x1;
	s7 =	sadd.s32 s21, s5  }
0x9f: {  	[timem:s9], [sflag:s22] =	dma.local [hbm:s7], s20  }
0xa0: {  	_ =	swait.ge [sflag:s22], s20  }
0xa1: {  	s6 =	ssub.s32 $0x0, s20;
	[sflag:s22] =	ssyncset.done $0x0  }
0xa2: {  	[sflag:s22] =	ssyncadd.s32 s6;
	_ =	sdelay $0x1  }
0xa3: {  	s23 =	simm.s32 $0x1B8B  }
0xa4: {  	_ =	swait.ge [sflag:s23], $0x1  }
0xa5: {  	[sflag:s23] =	ssyncset.done $0x0  }
0xa6: {  	s25 =	simm.s32 $0x1B8E;
	s24 =	sld [smem:$0x3FFE];
	[sflag:s23] =	ssyncadd.s32 $0xFFFFFFFF  }
0xa7: {  	s26 =	simm.s32 $execute0_lowered;
	[smem:$0x3FD2] =	sst s25  }
0xa8: {  	s7 =	sshll.u32 s26, $0x1;
	_ =	strace $0x80000049;
	[dreg:$0x1] =	wrdreg $0xFFFFFFFF  }
0xa9: {  	s28 =	simm.s32 $_size_execute0_lowered;
	s5 =	sadd.s32 s5, s7;
	[dreg:$0x0] =	wrdreg $0x0  }
0xaa: {  	s7 =	sshll.u32 s28, $0x1;
	[dreg:$0x2] =	wrdreg s5  }
0xab: {  	[dreg:$0x3] =	wrdreg s7  }
0xac: {  	[dreg:$0x4] =	wrdreg $0xC0  }
0xad: {  	_ =	task [dreg:s9], $0x5FFFF  }
0xae: {  	[dreg:$0x1] =	wrdreg $0xFFFFFFFF  }
0xaf: {  	[dreg:$0x0] =	wrdreg $0x60  }
0xb0: {  	[dreg:$0x2] =	wrdreg s24  }
0xb1: {  	[dreg:$0x3] =	wrdreg s2  }
0xb2: {  	[dreg:$0x4] =	wrdreg s18  }
0xb3: {  	[dreg:$0x5] =	wrdreg s4  }
0xb4: {  	[dreg:$0x6] =	wrdreg $0x9  }
0xb5: {  	_ =	task.clear_ibuf [dreg:s9], $0x7FFFF;
	_ =	strace $0x90000049  }
0xb6: {  	s29 =	simm.s32 $0x9;
	_ =	strace $0x8000004B  }
0xb7: {  	_ =	swait.ge [sflag:s29], $0x1  }
0xb8: {  	[sflag:s29] =	ssyncadd.s32 $0xFFFFFFFF  }
0xb9: {  	_ =	strace $0x9000004B  }
0xba: {  	_ =	sfence  }
0xbb: {  	s30 =	sld [smem:$0x0];
	_ =	sdelay $0x2  }
0xbc: {  	s31 =	sshll.u32 s1, $0xD;
	s1 =	sshrl.u32 s1, $0x2  }
0xbd: {  	s3 =	sand.u32 $0x4000, s31;
	s1 =	sadd.s32 s1, s30  }
0xbe: {  	s0 =	sor.u32 s3, s0;
	s1 =	sshll.u32 s1, $0x11  }
0xbf: {  	s0 =	sor.u32 s1, s0  }
0xc0: {  	s0 =	sadd.s32 $0x8F2B, s0  }
0xc1: {  	[sflag:s0] =	ssyncadd.remote.s32 $0x1  }
0xc2: {  	_ =	sfence.sel $0xFFFF  }
0xc3: {  	[dreg:$0x0] =	wrdreg $0xFFFFFFFF;
	(pc) =	sbr.abs _section_cstart, $3  }
0xc4: {  	[dreg:$0x1] =	wrdreg $0xFFFFFFFF  }
0xc5: {  	_ =	task.clear_ibuf [dreg:s9], $0x2FFFF;
	_ =	strace $0x9FFFFFFF  }
0xc6: {  	(tm) =	ssettm $0x7FFFFFFF  }
0xc7: {  	_ =	shalt  }
tec
execute0_lowered:
.L_overlay_start_1:
0x0: {  	(tag) =	ssettag $0x1  }
0x1: {  	s0 =	rddreg [dreg:$0x0]  }
0x2: {  	s1 =	rddreg [dreg:$0x1]  }
0x3: {  	s2 =	rddreg [dreg:$0x2]  }
0x4: {  	s3 =	rddreg [dreg:$0x3]  }
0x5: {  	s4 =	simm.s32 $0x0;
	s5 =	srdreg.scid;
	s7 =	stileid.u32  }
0x6: {  	s12 =	simm.s32 $0x1;
	s13 =	simm.s32 $0x1D4C0;
	s15 =	simm.s32 $0x190  }
0x7: {  	s16 =	simm.s32 $0x30D400;
	s21 =	simm.s32 $0x189C0;
	s22 =	simm.s32 $0x2  }
0x8: {  	s26 =	simm.s32 $0x1D7E0;
	s28 =	simm.s32 $0x4;
	s29 =	simm.s32 $0x3  }
0x9: {  	s30 =	simm.s32 $0x1BBC0;
	s31 =	simm.s32 $0x5;
	[smem:$0x7FF] =	sst s4  }
0xa: {  	s6 =	sand.u32 $0x1, s5;
	s23 =	sshll.u32 s7, $0x1;
	s5 =	sadd.s32 $0xA3200, s0  }
0xb: {  	_ =	strace $0x8000004A;
	s7 =	sor.u32 s6, s23;
	s8 =	ssub.s32 $0x2, s6  }
0xc: {  	s6 =	sadd.s32 $0x6A00, s0;
	s0 =	sadd.s32 $0xA2E00, s0;
	s9 =	smul.u32 $0x2710, s7  }
.Ltmp0:
0xd: {  	s23 =	simm.s32 $0x1A2C0;
	s24 =	sshrl.u32 s8, $0x1;
	(pc) =	sbr.rel .LBB2_1-.Ltmp0, $4  }
0xe: {  	[dreg:$0x5] =	wrdreg s0;
	s25 =	sadd.s32 $0x1, s7;
	v0 =	vmov s7;
	s0 =	ssub.s32 s8, s24  }
0xf: {  	s7 =	simm.s32 $0x0;
	[tilespmem:$0x1FFD0] =	vst v0;
	v0 =	vmov s25;
	s10 =	sshrl.u32 s9, $0x3;
	s0 =	smax.u32 s0, $0x1  }
0x10: {  	s24 =	simm.s32 $0x1D650;
	[tilespmem:$0x1FFE0] =	vst v0;
	v34 =	vmov s9;
	s3 =	sadd.s32 s3, s10;
	[dreg:$0x7] =	wrdreg s0  }
0x11: {  	v1 =	vimm.f32 $0.0e+00;
	v35 =	vlaneseq.u32;
	s10 =	simm.s32 $0x7;
	s0 =	simm.s32 $0x6;
	[tilespmem:$0x1FFF0] =	vst v34;
	[dreg:$0x6] =	wrdreg s3  }
.LBB2_28:
0x12: {  	_ =	swait.ge [sflag:s28], $0x1900  }
0x13: {  	[sflag:s28] =	ssyncset.done $0x0  }
0x14: {  	[sflag:s28] =	ssyncadd.s32 $0xFFFFE700  }
0x15: {  	_ =	swait.ge [sflag:s22], $0x190  }
0x16: {  	[sflag:s22] =	ssyncset.done $0x0  }
0x17: {  	[sflag:s22] =	ssyncadd.s32 $0xFFFFFE70  }
0x18: {  	_ =	swait.ge [sflag:s22], $0x190  }
0x19: {  	[sflag:s22] =	ssyncset.done $0x0  }
0x1a: {  	[sflag:s22] =	ssyncadd.s32 $0xFFFFFE70  }
0x1b: {  	_ =	swait.ge [sflag:s22], $0xE10  }
0x1c: {  	s7 =	simm.s32 $0x2710;
	s8 =	simm.s32 $0x4E200;
	[sflag:s22] =	ssyncset.done $0x0  }
0x1d: {  	s10 =	simm.s32 $0x7;
	s3 =	rddreg [dreg:$0x6];
	[sflag:s22] =	ssyncadd.s32 $0xFFFFF1F0  }
0x1e: {  	[hbm4b:s3+s7] =	stream.strided.scatter [tilespmem:s4], [sflag:$0x7], $0x15F90, s8, s7, $0x38;
	[tilespmem:$0x1DE48] =	vst v63  }
0x1f: {  	_ =	swait.ge [sflag:s10], $0x15F90  }
0x20: {  	s20 =	rddreg [dreg:$0x8]  }
0x21: {  	s25 =	rddreg [dreg:$0x7];
	s7 =	sadd.s32 $0x1, s20  }
0x22: {  	p0 =	sne.s32 s7, s25  }
.Ltmp1:
0x23: {  	_ = 	snop;
	(pc) =	sbr.rel @!p0 .LBB2_29-.Ltmp1, $3  }
0x24: {  	_ =	sdelay $0x1  }
0x25: {  	[sflag:s10] =	ssyncset.done $0x0  }
0x26: {  	v1 =	vimm.f32 $0.0e+00;
	[sflag:s10] =	ssyncadd.s32 $0xFFFEA070  }
.LBB2_1:
0x27: {  	[dreg:$0x8] =	wrdreg s7  }
0x28: {  	s3 =	rddreg [dreg:$0x5];
	s25 =	simm.s32 $0x1DE20  }
0x29: {  	[tilespmem:s25], [sflag:$0x7] =	stream.linear.gather [hbm4b:s3+s4], $0x28, $0x38;
	[tilespmem:$0x1DE48] =	vst v63  }
0x2a: {  	_ =	swait.ge [sflag:s10], $0x28  }
0x2b: {  	v0 =	vld [tilespmem:$0x1FFD0];
	_ =	sdelay $0x5  }
0x2c: {  	[sflag:s10] =	ssyncset.done $0x0  }
0x2d: {  	[sflag:s10] =	ssyncadd.s32 $0xFFFFFFD8  }
0x2e: {  	v6 =	vld.idx.msk [tilespmem:v0+s25+$0x0], $0xffff  }
0x2f: {  	v0 =	vld [tilespmem:$0x1FFE0];
	_ =	sdelay $0x6  }
0x30: {  	s3 =	simm.s32 $0x40  }
0x31: {  	v5 =	vld.idx.msk [tilespmem:v0+s25+$0x0], $0xffff;
	[tilespmem:s3+$0xFFFFFFC0] =	vst v1  }
0x32: {  	[tilespmem:s3+$0x30] =	vst v1  }
0x33: {  	[tilespmem:s3+$0x20] =	vst v1  }
0x34: {  	[tilespmem:s3+$0x10] =	vst v1  }
0x35: {  	[tilespmem:s3+$0x0] =	vst v1  }
0x36: {  	[tilespmem:s3+$0xFFFFFFF0] =	vst v1  }
0x37: {  	s7 =	simm.s32 $0x0;
	[tilespmem:s3+$0xFFFFFFE0] =	vst v1  }
.LBB2_2:
0x38: {  	s7 =	sadd.s32 $0x8, s7;
	[tilespmem:s3+$0xFFFFFFD0] =	vst v1;
	s3 =	sadd.s32 $0x80, s3  }
0x39: {  	[tilespmem:s3+$0xFFFFFFC0] =	vst v1;
	p0 =	slt.u32 s7, $0x268  }
0x3a: {  	[tilespmem:s3+$0x30] =	vst v1  }
.Ltmp2:
0x3b: {  	[tilespmem:s3+$0x20] =	vst v1;
	(pc) =	sbr.rel @p0 .LBB2_2-.Ltmp2, $4  }
0x3c: {  	[tilespmem:s3+$0x10] =	vst v1  }
0x3d: {  	[tilespmem:s3+$0x0] =	vst v1  }
0x3e: {  	[tilespmem:s3+$0xFFFFFFF0] =	vst v1  }
0x3f: {  	[tilespmem:s3+$0xFFFFFFE0] =	vst v1  }
0x40: {  	[tilespmem:s3+$0xFFFFFFD0] =	vst v1  }
0x41: {  	s3 =	simm.s32 $0x2780;
	[tilespmem:$0x2700] =	vst v1  }
0x42: {  	[tilespmem:s3+$0xFFFFFF90] =	vst v1  }
0x43: {  	[tilespmem:s3+$0x0] =	vst v1  }
0x44: {  	[tilespmem:s3+$0xFFFFFFF0] =	vst v1  }
0x45: {  	[tilespmem:s3+$0xFFFFFFE0] =	vst v1  }
0x46: {  	[tilespmem:s3+$0xFFFFFFD0] =	vst v1  }
0x47: {  	[tilespmem:s3+$0xFFFFFFC0] =	vst v1  }
0x48: {  	s7 =	simm.s32 $0x0;
	[tilespmem:s3+$0xFFFFFFB0] =	vst v1  }
.LBB2_4:
0x49: {  	s7 =	sadd.s32 $0x8, s7;
	[tilespmem:s3+$0xFFFFFFA0] =	vst v1;
	s3 =	sadd.s32 $0x80, s3  }
0x4a: {  	[tilespmem:s3+$0xFFFFFF90] =	vst v1;
	p0 =	slt.u32 s7, $0x268  }
0x4b: {  	[tilespmem:s3+$0x0] =	vst v1  }
.Ltmp3:
0x4c: {  	[tilespmem:s3+$0xFFFFFFF0] =	vst v1;
	(pc) =	sbr.rel @p0 .LBB2_4-.Ltmp3, $4  }
0x4d: {  	[tilespmem:s3+$0xFFFFFFE0] =	vst v1  }
0x4e: {  	[tilespmem:s3+$0xFFFFFFD0] =	vst v1  }
0x4f: {  	[tilespmem:s3+$0xFFFFFFC0] =	vst v1  }
0x50: {  	[tilespmem:s3+$0xFFFFFFB0] =	vst v1  }
0x51: {  	[tilespmem:s3+$0xFFFFFFA0] =	vst v1  }
0x52: {  	s3 =	simm.s32 $0x4E90;
	[tilespmem:$0x4E10] =	vst v1  }
0x53: {  	[tilespmem:s3+$0xFFFFFF90] =	vst v1  }
0x54: {  	[tilespmem:s3+$0x0] =	vst v1  }
0x55: {  	[tilespmem:s3+$0xFFFFFFF0] =	vst v1  }
0x56: {  	[tilespmem:s3+$0xFFFFFFE0] =	vst v1  }
0x57: {  	[tilespmem:s3+$0xFFFFFFD0] =	vst v1  }
0x58: {  	[tilespmem:s3+$0xFFFFFFC0] =	vst v1  }
0x59: {  	s7 =	simm.s32 $0x0;
	[tilespmem:s3+$0xFFFFFFB0] =	vst v1  }
.LBB2_6:
0x5a: {  	s7 =	sadd.s32 $0x8, s7;
	[tilespmem:s3+$0xFFFFFFA0] =	vst v1;
	s3 =	sadd.s32 $0x80, s3  }
0x5b: {  	[tilespmem:s3+$0xFFFFFF90] =	vst v1;
	p0 =	slt.u32 s7, $0x268  }
0x5c: {  	[tilespmem:s3+$0x0] =	vst v1  }
.Ltmp4:
0x5d: {  	[tilespmem:s3+$0xFFFFFFF0] =	vst v1;
	(pc) =	sbr.rel @p0 .LBB2_6-.Ltmp4, $4  }
0x5e: {  	[tilespmem:s3+$0xFFFFFFE0] =	vst v1  }
0x5f: {  	[tilespmem:s3+$0xFFFFFFD0] =	vst v1  }
0x60: {  	[tilespmem:s3+$0xFFFFFFC0] =	vst v1  }
0x61: {  	[tilespmem:s3+$0xFFFFFFB0] =	vst v1  }
0x62: {  	[tilespmem:s3+$0xFFFFFFA0] =	vst v1  }
0x63: {  	s3 =	simm.s32 $0x75A0;
	[tilespmem:$0x7520] =	vst v1  }
0x64: {  	[tilespmem:s3+$0xFFFFFF90] =	vst v1  }
0x65: {  	[tilespmem:s3+$0x0] =	vst v1  }
0x66: {  	[tilespmem:s3+$0xFFFFFFF0] =	vst v1  }
0x67: {  	[tilespmem:s3+$0xFFFFFFE0] =	vst v1  }
0x68: {  	[tilespmem:s3+$0xFFFFFFD0] =	vst v1  }
0x69: {  	[tilespmem:s3+$0xFFFFFFC0] =	vst v1  }
0x6a: {  	s7 =	simm.s32 $0x0;
	[tilespmem:s3+$0xFFFFFFB0] =	vst v1  }
.LBB2_8:
0x6b: {  	s7 =	sadd.s32 $0x8, s7;
	[tilespmem:s3+$0xFFFFFFA0] =	vst v1;
	s3 =	sadd.s32 $0x80, s3  }
0x6c: {  	[tilespmem:s3+$0xFFFFFF90] =	vst v1;
	p0 =	slt.u32 s7, $0x268  }
0x6d: {  	[tilespmem:s3+$0x0] =	vst v1  }
.Ltmp5:
0x6e: {  	[tilespmem:s3+$0xFFFFFFF0] =	vst v1;
	(pc) =	sbr.rel @p0 .LBB2_8-.Ltmp5, $4  }
0x6f: {  	[tilespmem:s3+$0xFFFFFFE0] =	vst v1  }
0x70: {  	[tilespmem:s3+$0xFFFFFFD0] =	vst v1  }
0x71: {  	[tilespmem:s3+$0xFFFFFFC0] =	vst v1  }
0x72: {  	[tilespmem:s3+$0xFFFFFFB0] =	vst v1  }
0x73: {  	[tilespmem:s3+$0xFFFFFFA0] =	vst v1  }
0x74: {  	s3 =	simm.s32 $0x9CB0;
	[tilespmem:$0x9C30] =	vst v1  }
0x75: {  	[tilespmem:s3+$0xFFFFFF90] =	vst v1  }
0x76: {  	[tilespmem:s3+$0x0] =	vst v1  }
0x77: {  	[tilespmem:s3+$0xFFFFFFF0] =	vst v1  }
0x78: {  	[tilespmem:s3+$0xFFFFFFE0] =	vst v1  }
0x79: {  	[tilespmem:s3+$0xFFFFFFD0] =	vst v1  }
0x7a: {  	[tilespmem:s3+$0xFFFFFFC0] =	vst v1  }
0x7b: {  	s7 =	simm.s32 $0x0;
	[tilespmem:s3+$0xFFFFFFB0] =	vst v1  }
.LBB2_10:
0x7c: {  	s7 =	sadd.s32 $0x8, s7;
	[tilespmem:s3+$0xFFFFFFA0] =	vst v1;
	s3 =	sadd.s32 $0x80, s3  }
0x7d: {  	[tilespmem:s3+$0xFFFFFF90] =	vst v1;
	p0 =	slt.u32 s7, $0x268  }
0x7e: {  	[tilespmem:s3+$0x0] =	vst v1  }
.Ltmp6:
0x7f: {  	[tilespmem:s3+$0xFFFFFFF0] =	vst v1;
	(pc) =	sbr.rel @p0 .LBB2_10-.Ltmp6, $4  }
0x80: {  	[tilespmem:s3+$0xFFFFFFE0] =	vst v1  }
0x81: {  	[tilespmem:s3+$0xFFFFFFD0] =	vst v1  }
0x82: {  	[tilespmem:s3+$0xFFFFFFC0] =	vst v1  }
0x83: {  	[tilespmem:s3+$0xFFFFFFB0] =	vst v1  }
0x84: {  	[tilespmem:s3+$0xFFFFFFA0] =	vst v1  }
0x85: {  	s3 =	simm.s32 $0xC3C0;
	[tilespmem:$0xC340] =	vst v1  }
0x86: {  	[tilespmem:s3+$0xFFFFFF90] =	vst v1  }
0x87: {  	[tilespmem:s3+$0x0] =	vst v1  }
0x88: {  	[tilespmem:s3+$0xFFFFFFF0] =	vst v1  }
0x89: {  	[tilespmem:s3+$0xFFFFFFE0] =	vst v1  }
0x8a: {  	[tilespmem:s3+$0xFFFFFFD0] =	vst v1  }
0x8b: {  	[tilespmem:s3+$0xFFFFFFC0] =	vst v1  }
0x8c: {  	s7 =	simm.s32 $0x0;
	[tilespmem:s3+$0xFFFFFFB0] =	vst v1  }
.LBB2_12:
0x8d: {  	s7 =	sadd.s32 $0x8, s7;
	[tilespmem:s3+$0xFFFFFFA0] =	vst v1;
	s3 =	sadd.s32 $0x80, s3  }
0x8e: {  	[tilespmem:s3+$0xFFFFFF90] =	vst v1;
	p0 =	slt.u32 s7, $0x268  }
0x8f: {  	[tilespmem:s3+$0x0] =	vst v1  }
.Ltmp7:
0x90: {  	[tilespmem:s3+$0xFFFFFFF0] =	vst v1;
	(pc) =	sbr.rel @p0 .LBB2_12-.Ltmp7, $4  }
0x91: {  	[tilespmem:s3+$0xFFFFFFE0] =	vst v1  }
0x92: {  	[tilespmem:s3+$0xFFFFFFD0] =	vst v1  }
0x93: {  	[tilespmem:s3+$0xFFFFFFC0] =	vst v1  }
0x94: {  	[tilespmem:s3+$0xFFFFFFB0] =	vst v1  }
0x95: {  	[tilespmem:s3+$0xFFFFFFA0] =	vst v1  }
0x96: {  	s3 =	simm.s32 $0xEAD0;
	[tilespmem:$0xEA50] =	vst v1  }
0x97: {  	[tilespmem:s3+$0xFFFFFF90] =	vst v1  }
0x98: {  	[tilespmem:s3+$0x0] =	vst v1  }
0x99: {  	[tilespmem:s3+$0xFFFFFFF0] =	vst v1  }
0x9a: {  	[tilespmem:s3+$0xFFFFFFE0] =	vst v1  }
0x9b: {  	[tilespmem:s3+$0xFFFFFFD0] =	vst v1  }
0x9c: {  	[tilespmem:s3+$0xFFFFFFC0] =	vst v1  }
0x9d: {  	s7 =	simm.s32 $0x0;
	[tilespmem:s3+$0xFFFFFFB0] =	vst v1  }
.LBB2_14:
0x9e: {  	s7 =	sadd.s32 $0x8, s7;
	[tilespmem:s3+$0xFFFFFFA0] =	vst v1;
	s3 =	sadd.s32 $0x80, s3  }
0x9f: {  	[tilespmem:s3+$0xFFFFFF90] =	vst v1;
	p0 =	slt.u32 s7, $0x268  }
0xa0: {  	[tilespmem:s3+$0x0] =	vst v1  }
.Ltmp8:
0xa1: {  	[tilespmem:s3+$0xFFFFFFF0] =	vst v1;
	(pc) =	sbr.rel @p0 .LBB2_14-.Ltmp8, $4  }
0xa2: {  	[tilespmem:s3+$0xFFFFFFE0] =	vst v1  }
0xa3: {  	[tilespmem:s3+$0xFFFFFFD0] =	vst v1  }
0xa4: {  	[tilespmem:s3+$0xFFFFFFC0] =	vst v1  }
0xa5: {  	[tilespmem:s3+$0xFFFFFFB0] =	vst v1  }
0xa6: {  	[tilespmem:s3+$0xFFFFFFA0] =	vst v1  }
0xa7: {  	s3 =	simm.s32 $0x111E0;
	[tilespmem:$0x11160] =	vst v1  }
0xa8: {  	[tilespmem:s3+$0xFFFFFF90] =	vst v1  }
0xa9: {  	[tilespmem:s3+$0x0] =	vst v1  }
0xaa: {  	[tilespmem:s3+$0xFFFFFFF0] =	vst v1  }
0xab: {  	[tilespmem:s3+$0xFFFFFFE0] =	vst v1  }
0xac: {  	[tilespmem:s3+$0xFFFFFFD0] =	vst v1  }
0xad: {  	[tilespmem:s3+$0xFFFFFFC0] =	vst v1  }
0xae: {  	s7 =	simm.s32 $0x0;
	[tilespmem:s3+$0xFFFFFFB0] =	vst v1  }
.LBB2_16:
0xaf: {  	s7 =	sadd.s32 $0x8, s7;
	[tilespmem:s3+$0xFFFFFFA0] =	vst v1;
	s3 =	sadd.s32 $0x80, s3  }
0xb0: {  	[tilespmem:s3+$0xFFFFFF90] =	vst v1;
	p0 =	slt.u32 s7, $0x268  }
0xb1: {  	[tilespmem:s3+$0x0] =	vst v1  }
.Ltmp9:
0xb2: {  	[tilespmem:s3+$0xFFFFFFF0] =	vst v1;
	(pc) =	sbr.rel @p0 .LBB2_16-.Ltmp9, $4  }
0xb3: {  	[tilespmem:s3+$0xFFFFFFE0] =	vst v1  }
0xb4: {  	[tilespmem:s3+$0xFFFFFFD0] =	vst v1  }
0xb5: {  	[tilespmem:s3+$0xFFFFFFC0] =	vst v1  }
0xb6: {  	[tilespmem:s3+$0xFFFFFFB0] =	vst v1  }
0xb7: {  	[tilespmem:s3+$0xFFFFFFA0] =	vst v1  }
0xb8: {  	s8 =	simm.s32 $0x138F0;
	[tilespmem:$0x13870] =	vst v1  }
0xb9: {  	[tilespmem:s8+$0xFFFFFF90] =	vst v1  }
0xba: {  	[tilespmem:s8+$0x0] =	vst v1  }
0xbb: {  	[tilespmem:s8+$0xFFFFFFF0] =	vst v1  }
0xbc: {  	[tilespmem:s8+$0xFFFFFFE0] =	vst v1  }
0xbd: {  	[tilespmem:s8+$0xFFFFFFD0] =	vst v1  }
0xbe: {  	[tilespmem:s8+$0xFFFFFFC0] =	vst v1  }
0xbf: {  	s3 =	simm.s32 $0x0;
	[tilespmem:s8+$0xFFFFFFB0] =	vst v1  }
.LBB2_18:
0xc0: {  	s3 =	sadd.s32 $0x8, s3;
	[tilespmem:s8+$0xFFFFFFA0] =	vst v1;
	s8 =	sadd.s32 $0x80, s8  }
0xc1: {  	[tilespmem:s8+$0xFFFFFF90] =	vst v1;
	p0 =	slt.u32 s3, $0x268  }
0xc2: {  	[tilespmem:s8+$0x0] =	vst v1  }
.Ltmp10:
0xc3: {  	[tilespmem:s8+$0xFFFFFFF0] =	vst v1;
	(pc) =	sbr.rel @p0 .LBB2_18-.Ltmp10, $4  }
0xc4: {  	[tilespmem:s8+$0xFFFFFFE0] =	vst v1  }
0xc5: {  	[tilespmem:s8+$0xFFFFFFD0] =	vst v1  }
0xc6: {  	[tilespmem:s8+$0xFFFFFFC0] =	vst v1  }
0xc7: {  	[tilespmem:s8+$0xFFFFFFB0] =	vst v1  }
0xc8: {  	v0 =	vxor.u32 $0x80000000, v6  }
0xc9: {  	(xrf0) =	vmax.scan.msk.u32 $0xffff, v0;
	_ =	sdelay $0x5  }
0xca: {  	v0, _, _ =	vpop (xrf0)  }
0xcb: {  	(v2sf) =	vpush v0, $0xF;
	_ =	sdelay $0x1  }
0xcc: {  	v63 =	vxor.u32 $0x80000000, v5  }
0xcd: {  	(xrf0) =	vmax.scan.msk.u32 $0xffff, v63;
	_ =	sdelay $0x5  }
0xce: {  	v0, _, _ =	vpop (xrf0)  }
0xcf: {  	(v2sf) =	vpush v0, $0xF;
	_ =	sdelay $0x4  }
0xd0: {  	s7 =	spop (v2sf)  }
0xd1: {  	s3 =	sxor.u32 $0x80000000, s7  }
0xd2: {  	s9 =	smulhi.u32 $0x51EB851F, s3;
	s10 =	sshra.s32 s3, $0x1F  }
0xd3: {  	s10 =	smul.u32 $0x51EB851F, s10;
	_ =	sdelay $0x1  }
0xd4: {  	s9 =	sadd.s32 s10, s9  }
0xd5: {  	s10 =	sshrl.u32 s9, $0x1F;
	s9 =	sshra.s32 s9, $0x7  }
0xd6: {  	s10 =	sadd.s32 s10, s9  }
0xd7: {  	s9 =	smul.u32 $0xFFFFFE70, s10  }
0xd8: {  	p1 =	sgt.s32 s7, $0xFFFFFFFF;
	p0 =	slt.s32 s3, $0x1;
	s19 =	ssub.s32 $0x0, s3  }
0xd9: {  	p0 =	por p1, p0;
	p2 =	sne.s32 s9, s19;
	s9 =	spop (v2sf)  }
0xda: {  	s7 =	simm.s32 $0x1;
	p0 =	por !p0, !p2;
	s11 =	sadd.s32 $0x8000018F, s9  }
0xdb: {  	p0 =	por !p0, !p0;
	s14 =	smulhi.u32 $0x51EB851F, s11;
	s17 =	sshra.s32 s11, $0x1F  }
0xdc: {  	s7 =	simm.s32 @!p0 $0x0;
	s17 =	smul.u32 $0x51EB851F, s17  }
0xdd: {  	s7 =	ssub.s32 s10, s7  }
0xde: {  	s20 =	sadd.s32 s17, s14;
	p0 =	slt.s32 s7, $0x1F3F;
	s14 =	smov.u32 s7  }
0xdf: {  	s17 =	sshrl.u32 s20, $0x1F;
	s10 =	sshra.s32 s20, $0x7;
	s14 =	simm.s32 @!p0 $0x1F3F  }
0xe0: {  	s10 =	sadd.s32 s17, s10;
	s14 =	smul.u32 $0x190, s14  }
0xe1: {  	[tilespmem:s8+$0xFFFFFFA0] =	vst v1;
	s8 =	simm.s32 $0x1;
	s17 =	smul.u32 $0xFFFFFE70, s10  }
0xe2: {  	s19 =	simm.s32 $0x1D970;
	s25 =	ssub.s32 $0x7FFFFE71, s9;
	s14 =	sshrl.u32 s14, $0x3  }
0xe3: {  	[tilespmem:$0x15F80] =	vst v1;
	p3 =	slt.s32 s11, $0x1;
	p4 =	sne.s32 s17, s25;
	s17 =	sadd.s32 s1, s14  }
0xe4: {  	[tilespmem:s13], [sflag:$0x1] =	stream.linear.gather [hbm4b:s17+s4], $0x190, $0x38;
	[tilespmem:$0x1DE48] =	vst v63  }
0xe5: {  	p1 =	slt.s32 s7, $0x1F3E;
	s11 =	smov.u32 s7;
	p0 =	por !p3, !p4  }
0xe6: {  	s11 =	simm.s32 @!p1 $0x1F3E;
	s18 =	sadd.s32 s2, s14;
	p0 =	por !p0, !p0  }
0xe7: {  	[tilespmem:s19], [sflag:$0x1] =	stream.linear.gather [hbm4b:s18+s4], $0x190, $0x38;
	[tilespmem:$0x1DE48] =	vst v63  }
0xe8: {  	s11 =	smul.u32 $0x190, s11;
	s8 =	simm.s32 @!p0 $0x0  }
0xe9: {  	s20 =	sadd.s32 s5, s14;
	s25 =	simm.s32 $0x15F90;
	s8 =	ssub.s32 s10, s8  }
0xea: {  	[tilespmem:s25], [sflag:$0x1] =	stream.strided.gather [hbm4b:s20+s15], $0xE10, s16, s15, $0x38;
	[tilespmem:$0x1DE48] =	vst v63  }
0xeb: {  	s17 =	sadd.s32 $0x190, s11;
	s8 =	ssub.s32 s8, s7  }
0xec: {  	s10 =	sshrl.u32 s17, $0x3;
	s18 =	sadd.s32 $0x2, s8  }
0xed: {  	s20 =	sadd.s32 s1, s10;
	s19 =	smulhi.u32 $0x55555556, s18;
	s11 =	sshra.s32 s18, $0x1F  }
0xee: {  	[tilespmem:s24], [sflag:$0x2] =	stream.linear.gather [hbm4b:s20+s4], $0x190, $0x38;
	[tilespmem:$0x1DE48] =	vst v63  }
0xef: {  	s25 =	sadd.s32 s2, s10;
	s18 =	simm.s32 $0x1DB00;
	s11 =	smul.u32 $0x55555556, s11  }
0xf0: {  	[tilespmem:s18], [sflag:$0x2] =	stream.linear.gather [hbm4b:s25+s4], $0x190, $0x38;
	[tilespmem:$0x1DE48] =	vst v63  }
0xf1: {  	s10 =	sadd.s32 s5, s10;
	s11 =	sadd.s32 s11, s19;
	s19 =	simm.s32 $0x16DA0  }
0xf2: {  	[tilespmem:s19], [sflag:$0x2] =	stream.strided.gather [hbm4b:s10+s15], $0xE10, s16, s15, $0x38;
	[tilespmem:$0x1DE48] =	vst v63  }
0xf3: {  	s20 =	sshrl.u32 s11, $0x1F  }
0xf4: {  	s10 =	sadd.s32 s20, s11  }
0xf5: {  	s11 =	smul.u32 $0xFFFFFFFD, s10  }
0xf6: {  	s25 =	ssub.s32 $0xFFFFFFFE, s8  }
0xf7: {  	p5 =	slt.s32 s8, $0xFFFFFFFF;
	p6 =	sne.s32 s11, s25  }
0xf8: {  	_ =	swait.ge [sflag:s12], $0x190;
	p0 =	por !p5, !p6  }
0xf9: {  	s8 =	simm.s32 $0x1;
	[sflag:s12] =	ssyncset.done $0x0;
	p0 =	por !p0, !p0  }
0xfa: {  	[sflag:s12] =	ssyncadd.s32 $0xFFFFFE70;
	s8 =	simm.s32 @!p0 $0x0  }
0xfb: {  	_ =	swait.ge [sflag:s12], $0x190;
	s8 =	ssub.s32 s10, s8  }
0xfc: {  	[sflag:s12] =	ssyncset.done $0x0;
	p0 =	slt.s32 s8, $0x1  }
.Ltmp11:
0xfd: {  	[sflag:s12] =	ssyncadd.s32 $0xFFFFFE70;
	(pc) =	sbr.rel @p0 .LBB2_28-.Ltmp11, $4  }
0xfe: {  	_ =	swait.ge [sflag:s12], $0xE10  }
0xff: {  	[sflag:s12] =	ssyncset.done $0x0  }
0x100: {  	[sflag:s12] =	ssyncadd.s32 $0xFFFFF1F0  }
0x101: {  	[tilespmem:s21], [sflag:$0x4] =	stream.indirect.gather [hbm4b:s6+s15], $0x10, s13, s15, $0xb8;
	[tilespmem:$0x1DE48] =	vst v63  }
0x102: {  	s9 =	sxor.u32 $0x80000000, s9;
	v36 =	vmov s3  }
0x103: {  	v39 =	vmov s9;
	[tilespmem:$0x1FFB0] =	vst v36  }
0x104: {  	s10 =	simm.s32 $0x0;
	s9 =	simm.s32 $0x0;
	[tilespmem:$0x1FFC0] =	vst v39  }
.LBB2_21:
0x105: {  	_ =	swait.ge [sflag:s22], $0x190;
	s3 =	smul.u32 $0x3, s10  }
0x106: {  	[sflag:s22] =	ssyncset.done $0x0  }
0x107: {  	[sflag:s22] =	ssyncadd.s32 $0xFFFFFE70;
	s3 =	sadd.s32 s7, s3  }
0x108: {  	_ =	swait.ge [sflag:s22], $0x190;
	s11 =	sadd.s32 $0x2, s3  }
0x109: {  	[sflag:s22] =	ssyncset.done $0x0;
	p0 =	slt.s32 s11, $0x1F3F;
	s14 =	smov.u32 s11  }
0x10a: {  	[sflag:s22] =	ssyncadd.s32 $0xFFFFFE70;
	s14 =	simm.s32 @!p0 $0x1F3F  }
0x10b: {  	_ =	swait.ge [sflag:s22], $0xE10;
	s14 =	smul.u32 $0x190, s14  }
0x10c: {  	[sflag:s22] =	ssyncset.done $0x0  }
0x10d: {  	[sflag:s22] =	ssyncadd.s32 $0xFFFFF1F0;
	s14 =	sshrl.u32 s14, $0x3  }
0x10e: {  	[tilespmem:s23], [sflag:$0x5] =	stream.indirect.gather [hbm4b:s6+s15], $0x10, s24, s15, $0xb8;
	[tilespmem:$0x1DE48] =	vst v63  }
0x10f: {  	s17 =	sadd.s32 s1, s14  }
0x110: {  	[tilespmem:s26], [sflag:$0x3] =	stream.linear.gather [hbm4b:s17+s9], $0x190, $0x38;
	[tilespmem:$0x1DE48] =	vst v63  }
0x111: {  	s18 =	simm.s32 $0x1DC90;
	s26 =	sadd.s32 s2, s14  }
0x112: {  	[tilespmem:s18], [sflag:$0x3] =	stream.linear.gather [hbm4b:s26+s9], $0x190, $0x38;
	[tilespmem:$0x1DE48] =	vst v63  }
0x113: {  	s19 =	simm.s32 $0x17BB0;
	s14 =	sadd.s32 s5, s14  }
0x114: {  	[tilespmem:s19], [sflag:$0x3] =	stream.strided.gather [hbm4b:s14+s15], $0xE10, s16, s15, $0x38;
	[tilespmem:$0x1DE48] =	vst v63  }
0x115: {  	s20 =	simm.s32 $0x40;
	_ =	swait.ge [sflag:s28], $0x1900  }
0x116: {  	v0 =	vor.u32 s20, v35;
	[sflag:s28] =	ssyncset.done $0x0  }
0x117: {  	v17 =	vshll.u32 v0, $0x4;
	s19 =	simm.s32 $0x1D990;
	[sflag:s28] =	ssyncadd.s32 $0xFFFFE700  }
0x118: {  	s25 =	smul.u32 $0x190, s3;
	v1 =	vld [tilespmem:s19+$0x20];
	_ =	sdelay $0x1  }
0x119: {  	v32 =	vmov s25  }
0x11a: {  	v0 =	vadd.s32 v32, v0;
	s24 =	simm.s32 $0x10  }
0x11b: {  	vm0 =	vge.s32 v0, v36;
	v2 =	vor.u32 s24, v35;
	s17 =	simm.s32 $0x165F0;
	v4 =	vld.idx.msk [tilespmem:v17+s21+$0x0], $0xffff  }
0x11c: {  	vm1 =	vlt.s32 v0, v39;
	v12 =	vshll.u32 v2, $0x4;
	v0 =	vld [tilespmem:s17+$0xFFFFF9E0];
	v1 =	vsub.s32 v1, v34  }
0x11d: {  	v5 =	vld [tilespmem:s19+$0xFFFFFFE0];
	vm2 =	vgt.s32 v1, $0x0  }
0x11e: {  	vm1 =	vmand vm0, vm1;
	v6 =	vld [tilespmem:s19+$0xFFFFFFF0];
	v1 =	vnsel vm2, $0x0, v1  }
0x11f: {  	v7 =	vld [tilespmem:s19+$0x0];
	v16 =	vmin.u32 v1, $0x270F  }
0x120: {  	v8 =	vor.u32 $0x1, v17;
	v2 =	vadd.s32 v32, v2;
	v13 =	vld [tilespmem:s19+$0x10]  }
0x121: {  	v22 =	vor.u32 $0x2, v17;
	vm0 =	vge.s32 v2, v36;
	s26 =	simm.s32 $0x20;
	v18 =	vld.idx.msk [tilespmem:v12+s21+$0x0], $0xffff  }
0x122: {  	vm3 =	vlt.s32 v2, v39;
	s18 =	simm.s32 $0x30;
	v3 =	vor.u32 s26, v35;
	v21 =	vld [tilespmem:s17+$0xFFFFF9B0];
	v0 =	vmul.f32 v4, v0  }
0x123: {  	v11 =	vor.u32 s18, v35;
	v9 =	vshll.u32 v3, $0x4;
	v3 =	vadd.s32 v32, v3;
	v23 =	vld [tilespmem:s17+$0xFFFFF9A0]  }
0x124: {  	v14 =	vshll.u32 v11, $0x4;
	vm5 =	vge.s32 v3, v36;
	v1 =	vor.u32 s9, v35;
	[tilespmem:v16+s4+$0x0] =	vst.idx.add.f32.msk vm1, v0  }
0x125: {  	vm6 =	vlt.s32 v3, v39;
	v4 =	vadd.s32 v32, v11;
	v10 =	vshll.u32 v1, $0x4;
	v0 =	vld.idx.msk [tilespmem:v8+s21+$0x0], $0xffff  }
0x126: {  	s26 =	simm.s32 $0x1D9E0;
	v2 =	vsub.s32 v5, v34;
	v3 =	vsub.s32 v6, v34;
	v38 =	vsub.s32 v13, v34;
	v5 =	vld [tilespmem:s17+$0xFFFFFB70]  }
0x127: {  	v26 =	vld [tilespmem:s26+$0xFFFFFFF0];
	vm7 =	vlt.s32 v4, v39;
	vm4 =	vgt.s32 v2, $0x0;
	vm8 =	vgt.s32 v3, $0x0  }
0x128: {  	v19 =	vld.idx.msk [tilespmem:v9+s21+$0x0], $0xffff;
	vm2 =	vge.s32 v4, v36;
	v4 =	vsub.s32 v7, v34;
	v11 =	vadd.s32 $0x2710, v16  }
0x129: {  	v40 =	vld.idx.msk [tilespmem:v14+s21+$0x0], $0xffff;
	v2 =	vnsel vm4, $0x0, v2;
	v3 =	vnsel vm8, $0x0, v3;
	v1 =	vadd.s32 v32, v1  }
0x12a: {  	vm4 =	vmand vm0, vm3;
	vm13 =	vge.s32 v1, v36;
	vm11 =	vlt.s32 v1, v39;
	v20 =	vld.idx.msk [tilespmem:v10+s21+$0x0], $0xffff  }
0x12b: {  	v15 =	vmin.u32 v3, $0x270F;
	v1 =	vld [tilespmem:s17+$0xFFFFF9C0];
	vm3 =	vmand vm13, vm11;
	v0 =	vmul.f32 v0, v5  }
0x12c: {  	vm10 =	vgt.s32 v38, $0x0;
	vm9 =	vgt.s32 v4, $0x0;
	v8 =	vmin.u32 v2, $0x270F;
	v2 =	vld [tilespmem:s17+$0xFFFFF9D0]  }
0x12d: {  	vm0 =	vmand vm5, vm6;
	v3 =	vnsel vm9, $0x0, v4;
	v5 =	vor.u32 $0x1, v12;
	[tilespmem:v11+s4+$0x0] =	vst.idx.add.f32.msk vm1, v0  }
0x12e: {  	v4 =	vnsel vm10, $0x0, v38;
	v13 =	vmin.u32 v3, $0x270F;
	v0 =	vmul.f32 v18, v21;
	v3 =	vld.idx.msk [tilespmem:v22+s21+$0x0], $0xffff  }
0x12f: {  	vm2 =	vmand vm2, vm7;
	v11 =	vmin.u32 v4, $0x270F;
	v4 =	vmul.f32 v20, v23;
	v41 =	vld [tilespmem:s17+$0xFFFFFD00]  }
0x130: {  	[tilespmem:v15+s4+$0x0] =	vst.idx.add.f32.msk vm4, v0  }
0x131: {  	v18 =	vor.u32 $0x1, v9;
	[tilespmem:v8+s4+$0x0] =	vst.idx.add.f32.msk vm3, v4  }
0x132: {  	v0 =	vmul.f32 v19, v1;
	v4 =	vld.idx.msk [tilespmem:v5+s21+$0x0], $0xffff  }
0x133: {  	v1 =	vmul.f32 v40, v2;
	v2 =	vadd.s32 $0x4E20, v16;
	v43 =	vld [tilespmem:s17+$0xFFFFFB40]  }
0x134: {  	[tilespmem:v13+s4+$0x0] =	vst.idx.add.f32.msk vm0, v0;
	v0 =	vor.u32 $0x3, v17  }
0x135: {  	[tilespmem:v11+s4+$0x0] =	vst.idx.add.f32.msk vm2, v1  }
0x136: {  	v42 =	vld.idx.msk [tilespmem:v18+s21+$0x0], $0xffff;
	v3 =	vmul.f32 v3, v41  }
0x137: {  	v5 =	vor.u32 $0x1, v10;
	v19 =	vld [tilespmem:s17+$0xFFFFFB50]  }
0x138: {  	v1 =	vor.u32 $0x1, v14;
	[tilespmem:v2+s4+$0x0] =	vst.idx.add.f32.msk vm1, v3  }
0x139: {  	v0 =	vld.idx.msk [tilespmem:v0+s21+$0x0], $0xffff  }
0x13a: {  	v20 =	vadd.s32 $0x2710, v15;
	v2 =	vld [tilespmem:s17+$0xFFFFFE90]  }
0x13b: {  	v21 =	vld [tilespmem:s17+$0xFFFFFB60]  }
0x13c: {  	v3 =	vld.idx.msk [tilespmem:v5+s21+$0x0], $0xffff;
	v5 =	vadd.s32 $0x7530, v16  }
0x13d: {  	v18 =	vor.u32 $0x4, v17;
	v4 =	vmul.f32 v4, v43;
	v1 =	vld.idx.msk [tilespmem:v1+s21+$0x0], $0xffff  }
0x13e: {  	v22 =	vld [tilespmem:s17+$0xFFFFFB30]  }
0x13f: {  	v23 =	vadd.s32 $0x2710, v11;
	[tilespmem:v20+s4+$0x0] =	vst.idx.add.f32.msk vm4, v4;
	v0 =	vmul.f32 v0, v2  }
0x140: {  	v46 =	vld [tilespmem:s17+$0xFFFFFCD0];
	v2 =	vadd.s32 $0x2710, v13  }
0x141: {  	v6 =	vmul.f32 v42, v19;
	v19 =	vor.u32 $0x2, v9;
	[tilespmem:v5+s4+$0x0] =	vst.idx.add.f32.msk vm1, v0  }
0x142: {  	v1 =	vmul.f32 v1, v21;
	v5 =	vld.idx.msk [tilespmem:v18+s21+$0x0], $0xffff  }
0x143: {  	v0 =	vadd.s32 $0x2710, v8;
	v18 =	vld [tilespmem:s17+$0x20]  }
0x144: {  	v4 =	vor.u32 $0x2, v14;
	[tilespmem:v23+s4+$0x0] =	vst.idx.add.f32.msk vm2, v1  }
0x145: {  	v44 =	vor.u32 $0x2, v12;
	[tilespmem:v2+s4+$0x0] =	vst.idx.add.f32.msk vm0, v6  }
0x146: {  	v3 =	vmul.f32 v3, v22;
	v1 =	vld.idx.msk [tilespmem:v19+s21+$0x0], $0xffff  }
0x147: {  	v19 =	vld [tilespmem:s17+$0xFFFFFCE0]  }
0x148: {  	v2 =	vor.u32 $0x2, v10;
	[tilespmem:v0+s4+$0x0] =	vst.idx.add.f32.msk vm3, v3  }
0x149: {  	v3 =	vld.idx.msk [tilespmem:v4+s21+$0x0], $0xffff;
	v4 =	vadd.s32 $0x9C40, v16  }
0x14a: {  	v45 =	vor.u32 $0x5, v17;
	v0 =	vld.idx.msk [tilespmem:v44+s21+$0x0], $0xffff  }
0x14b: {  	v5 =	vmul.f32 v5, v18;
	v18 =	vld [tilespmem:s17+$0xFFFFFCF0]  }
0x14c: {  	v21 =	vadd.s32 $0x4E20, v13;
	v22 =	vld [tilespmem:s17+$0xFFFFFCC0]  }
0x14d: {  	v20 =	vadd.s32 $0x4E20, v15;
	v2 =	vld.idx.msk [tilespmem:v2+s21+$0x0], $0xffff  }
0x14e: {  	[tilespmem:v4+s4+$0x0] =	vst.idx.add.f32.msk vm1, v5  }
0x14f: {  	v23 =	vadd.s32 $0x4E20, v11;
	v1 =	vmul.f32 v1, v19;
	v5 =	vld.idx.msk [tilespmem:v45+s21+$0x0], $0xffff  }
0x150: {  	v47 =	vor.u32 $0x3, v12;
	vm3 =	vmmov vm3;
	v0 =	vmul.f32 v0, v46;
	v48 =	vld [tilespmem:s17+$0x1B0]  }
0x151: {  	v4 =	vadd.s32 $0x4E20, v8;
	[tilespmem:v21+s4+$0x0] =	vst.idx.add.f32.msk vm0, v1  }
0x152: {  	v19 =	vor.u32 $0x3, v9;
	[tilespmem:v20+s4+$0x0] =	vst.idx.add.f32.msk vm4, v0;
	v0 =	vmul.f32 v3, v18  }
0x153: {  	v18 =	vld [tilespmem:s17+$0xFFFFFE60]  }
0x154: {  	v2 =	vmul.f32 v2, v22;
	[tilespmem:v23+s4+$0x0] =	vst.idx.add.f32.msk vm2, v0  }
0x155: {  	v1 =	vor.u32 $0x3, v10;
	v0 =	vld.idx.msk [tilespmem:v47+s21+$0x0], $0xffff  }
0x156: {  	[tilespmem:v4+s4+$0x0] =	vst.idx.add.f32.msk vm3, v2  }
0x157: {  	v3 =	vor.u32 $0x3, v14;
	v2 =	vld.idx.msk [tilespmem:v19+s21+$0x0], $0xffff  }
0x158: {  	v4 =	vadd.s32 $0xC350, v16;
	v19 =	vld [tilespmem:s17+$0xFFFFFE70]  }
0x159: {  	v49 =	vor.u32 $0x6, v17;
	v50 =	vld [tilespmem:s17+$0xFFFFFE80]  }
0x15a: {  	v1 =	vld.idx.msk [tilespmem:v1+s21+$0x0], $0xffff  }
0x15b: {  	v20 =	vadd.s32 $0x7530, v15;
	v5 =	vmul.f32 v5, v48;
	v22 =	vld [tilespmem:s17+$0xFFFFFE50]  }
0x15c: {  	v21 =	vadd.s32 $0x7530, v13;
	v3 =	vld.idx.msk [tilespmem:v3+s21+$0x0], $0xffff  }
0x15d: {  	[tilespmem:v4+s4+$0x0] =	vst.idx.add.f32.msk vm1, v5  }
0x15e: {  	v23 =	vadd.s32 $0x7530, v11;
	v0 =	vmul.f32 v0, v18;
	v5 =	vld.idx.msk [tilespmem:v49+s21+$0x0], $0xffff  }
0x15f: {  	v51 =	vor.u32 $0x4, v12;
	v2 =	vmul.f32 v2, v19;
	v18 =	vld [tilespmem:s17+$0x340]  }
0x160: {  	v4 =	vadd.s32 $0x7530, v8;
	[tilespmem:v20+s4+$0x0] =	vst.idx.add.f32.msk vm4, v0  }
0x161: {  	v19 =	vor.u32 $0x4, v9;
	v0 =	vmul.f32 v3, v50;
	[tilespmem:v21+s4+$0x0] =	vst.idx.add.f32.msk vm0, v2  }
0x162: {  	v53 =	vld [tilespmem:s17+$0xFFFFFFF0]  }
0x163: {  	v1 =	vmul.f32 v1, v22;
	[tilespmem:v23+s4+$0x0] =	vst.idx.add.f32.msk vm2, v0  }
0x164: {  	v0 =	vld.idx.msk [tilespmem:v51+s21+$0x0], $0xffff  }
0x165: {  	v3 =	vor.u32 $0x4, v14;
	[tilespmem:v4+s4+$0x0] =	vst.idx.add.f32.msk vm3, v1  }
0x166: {  	v2 =	vor.u32 $0x4, v10;
	v1 =	vld.idx.msk [tilespmem:v19+s21+$0x0], $0xffff  }
0x167: {  	v4 =	vadd.s32 $0xEA60, v16;
	v19 =	vld [tilespmem:s17+$0x0]  }
0x168: {  	v52 =	vor.u32 $0x7, v17;
	v5 =	vmul.f32 v5, v18;
	v18 =	vld [tilespmem:s17+$0x10]  }
0x169: {  	v22 =	vld [tilespmem:s17+$0xFFFFFFE0]  }
0x16a: {  	v20 =	vadd.s32 $0x9C40, v15;
	v3 =	vld.idx.msk [tilespmem:v3+s21+$0x0], $0xffff  }
0x16b: {  	v21 =	vadd.s32 $0x9C40, v13;
	v2 =	vld.idx.msk [tilespmem:v2+s21+$0x0], $0xffff  }
0x16c: {  	[tilespmem:v4+s4+$0x0] =	vst.idx.add.f32.msk vm1, v5  }
0x16d: {  	v0 =	vmul.f32 v0, v53;
	v5 =	vld.idx.msk [tilespmem:v52+s21+$0x0], $0xffff  }
0x16e: {  	v23 =	vadd.s32 $0x9C40, v11;
	v1 =	vmul.f32 v1, v19;
	v55 =	vld [tilespmem:s17+$0x4D0]  }
0x16f: {  	v54 =	vor.u32 $0x5, v12;
	[tilespmem:v20+s4+$0x0] =	vst.idx.add.f32.msk vm4, v0  }
0x170: {  	v4 =	vadd.s32 $0x9C40, v8;
	[tilespmem:v21+s4+$0x0] =	vst.idx.add.f32.msk vm0, v1  }
0x171: {  	v56 =	vor.u32 $0x8, v17;
	v19 =	vor.u32 $0x5, v9;
	v0 =	vmul.f32 v3, v18;
	v17 =	vld [tilespmem:s17+$0x180]  }
0x172: {  	v18 =	vld [tilespmem:s17+$0x190]  }
0x173: {  	v2 =	vmul.f32 v2, v22;
	[tilespmem:v23+s4+$0x0] =	vst.idx.add.f32.msk vm2, v0  }
0x174: {  	v3 =	vor.u32 $0x5, v14;
	v0 =	vld.idx.msk [tilespmem:v54+s21+$0x0], $0xffff  }
0x175: {  	v1 =	vor.u32 $0x5, v10;
	[tilespmem:v4+s4+$0x0] =	vst.idx.add.f32.msk vm3, v2  }
0x176: {  	v2 =	vld.idx.msk [tilespmem:v19+s21+$0x0], $0xffff;
	v4 =	vadd.s32 $0x11170, v16  }
0x177: {  	v57 =	vld [tilespmem:s17+$0x1A0]  }
0x178: {  	v21 =	vld [tilespmem:s17+$0x170]  }
0x179: {  	v19 =	vadd.s32 $0xC350, v15;
	v5 =	vmul.f32 v5, v55;
	v3 =	vld.idx.msk [tilespmem:v3+s21+$0x0], $0xffff  }
0x17a: {  	v20 =	vadd.s32 $0xC350, v13;
	v1 =	vld.idx.msk [tilespmem:v1+s21+$0x0], $0xffff  }
0x17b: {  	[tilespmem:v4+s4+$0x0] =	vst.idx.add.f32.msk vm1, v5  }
0x17c: {  	v22 =	vadd.s32 $0xC350, v11;
	v0 =	vmul.f32 v0, v17;
	v5 =	vld.idx.msk [tilespmem:v56+s21+$0x0], $0xffff  }
0x17d: {  	v58 =	vor.u32 $0x6, v12;
	v2 =	vmul.f32 v2, v18;
	v17 =	vld [tilespmem:s17+$0x660]  }
0x17e: {  	v4 =	vadd.s32 $0xC350, v8;
	[tilespmem:v19+s4+$0x0] =	vst.idx.add.f32.msk vm4, v0  }
0x17f: {  	v18 =	vor.u32 $0x6, v9;
	v0 =	vmul.f32 v3, v57;
	[tilespmem:v20+s4+$0x0] =	vst.idx.add.f32.msk vm0, v2  }
0x180: {  	v60 =	vld [tilespmem:s17+$0x320]  }
0x181: {  	v1 =	vmul.f32 v1, v21;
	[tilespmem:v22+s4+$0x0] =	vst.idx.add.f32.msk vm2, v0  }
0x182: {  	v3 =	vor.u32 $0x6, v14;
	v0 =	vld.idx.msk [tilespmem:v58+s21+$0x0], $0xffff  }
0x183: {  	[tilespmem:v4+s4+$0x0] =	vst.idx.add.f32.msk vm3, v1  }
0x184: {  	v2 =	vor.u32 $0x6, v10;
	v1 =	vld.idx.msk [tilespmem:v18+s21+$0x0], $0xffff  }
0x185: {  	v4 =	vld [tilespmem:s17+$0x310]  }
0x186: {  	v18 =	vld [tilespmem:s17+$0x330]  }
0x187: {  	v59 =	vadd.s32 $0x13880, v16;
	v16 =	vadd.s32 $0xEA60, v15;
	v3 =	vld.idx.msk [tilespmem:v3+s21+$0x0], $0xffff  }
0x188: {  	v19 =	vadd.s32 $0xEA60, v13;
	v20 =	vld [tilespmem:s17+$0x300]  }
0x189: {  	v2 =	vld.idx.msk [tilespmem:v2+s21+$0x0], $0xffff  }
0x18a: {  	v29 =	vld [tilespmem:s26+$0x0];
	v21 =	vadd.s32 $0xEA60, v11;
	v0 =	vmul.f32 v0, v4  }
0x18b: {  	v23 =	vld [tilespmem:s26+$0xFFFFFFE0];
	v5 =	vmul.f32 v5, v17;
	v17 =	vadd.s32 $0xEA60, v8;
	v1 =	vmul.f32 v1, v60  }
0x18c: {  	[tilespmem:v16+s4+$0x0] =	vst.idx.add.f32.msk vm4, v0;
	v0 =	vmul.f32 v3, v18;
	v3 =	vor.u32 $0x7, v14  }
0x18d: {  	[tilespmem:v19+s4+$0x0] =	vst.idx.add.f32.msk vm0, v1;
	v1 =	vor.u32 $0x7, v10  }
0x18e: {  	[tilespmem:v59+s4+$0x0] =	vst.idx.add.f32.msk vm1, v5;
	v2 =	vmul.f32 v2, v20  }
0x18f: {  	v5 =	vor.u32 $0x7, v9;
	[tilespmem:v21+s4+$0x0] =	vst.idx.add.f32.msk vm2, v0  }
0x190: {  	v4 =	vor.u32 $0x7, v12;
	[tilespmem:v17+s4+$0x0] =	vst.idx.add.f32.msk vm3, v2  }
0x191: {  	v19 =	vld.idx.msk [tilespmem:v3+s21+$0x0], $0xffff  }
0x192: {  	s20 =	simm.s32 $0x90;
	v18 =	vld.idx.msk [tilespmem:v1+s21+$0x0], $0xffff  }
0x193: {  	s24 =	simm.s32 $0x60;
	v1 =	vor.u32 s20, v35;
	v3 =	vld [tilespmem:s26+$0x20]  }
0x194: {  	v62 =	vor.u32 s24, v35;
	v2 =	vld.idx.msk [tilespmem:v5+s21+$0x0], $0xffff;
	v25 =	vshll.u32 v1, $0x4  }
0x195: {  	s18 =	simm.s32 $0x70;
	v16 =	vshll.u32 v62, $0x4;
	v0 =	vld.idx.msk [tilespmem:v4+s21+$0x0], $0xffff  }
0x196: {  	vm7 =	vmmov vm4;
	v22 =	vor.u32 s18, v35;
	v4 =	vld [tilespmem:s17+$0x4A0]  }
0x197: {  	s14 =	simm.s32 $0x16640;
	v61 =	vadd.s32 $0x11170, v15;
	v5 =	vld [tilespmem:s17+$0x4B0];
	v17 =	vshll.u32 v22, $0x4;
	v1 =	vadd.s32 v32, v1  }
0x198: {  	s24 =	simm.s32 $0x50;
	vm1 =	vge.s32 v1, v36;
	vm5 =	vlt.s32 v1, v39;
	v1 =	vld [tilespmem:s14+$0xFFFFF9E0];
	v3 =	vsub.s32 v3, v34  }
0x199: {  	v30 =	vor.u32 s24, v35;
	v28 =	vld.idx.msk [tilespmem:v25+s21+$0x0], $0xffff;
	vm6 =	vgt.s32 v3, $0x0  }
0x19a: {  	v21 =	vshll.u32 v30, $0x4;
	v63 =	vld.idx.msk [tilespmem:v16+s21+$0x0], $0xffff;
	vm9 =	vmand vm1, vm5;
	v3 =	vnsel vm6, $0x0, v3  }
0x19b: {  	v22 =	vadd.s32 v32, v22;
	s20 =	simm.s32 $0x80;
	v0 =	vmul.f32 v0, v4;
	v4 =	vld [tilespmem:s26+$0x10];
	[tilespmem:$0x1FF90] =	vst v32;
	v27 =	vmin.u32 v3, $0x270F  }
0x19c: {  	v30 =	vadd.s32 v32, v30;
	v24 =	vor.u32 s20, v35;
	v31 =	vor.u32 $0x1, v25;
	v37 =	vld.idx.msk [tilespmem:v17+s21+$0x0], $0xffff  }
0x19d: {  	vm10 =	vlt.s32 v22, v39;
	v20 =	vshll.u32 v24, $0x4;
	vm6 =	vge.s32 v22, v36;
	[tilespmem:v61+s4+$0x0] =	vst.idx.add.f32.msk vm7, v0  }
0x19e: {  	v22 =	vsub.s32 v26, v34;
	v33 =	vld [tilespmem:s14+$0xFFFFF9C0];
	v3 =	vadd.s32 v32, v62;
	v1 =	vmul.f32 v28, v1  }
0x19f: {  	vm11 =	vgt.s32 v22, $0x0;
	vm4 =	vge.s32 v3, v36;
	vm5 =	vlt.s32 v3, v39;
	v28 =	vld [tilespmem:s14+$0xFFFFF9B0]  }
0x1a0: {  	v24 =	vadd.s32 v32, v24;
	v22 =	vnsel vm11, $0x0, v22;
	vm4 =	vmand vm4, vm5;
	[tilespmem:v27+s4+$0x0] =	vst.idx.add.f32.msk vm9, v1  }
0x1a1: {  	vm1 =	vge.s32 v24, v36;
	vm8 =	vlt.s32 v24, v39;
	v22 =	vmin.u32 v22, $0x270F;
	v24 =	vld.idx.msk [tilespmem:v31+s21+$0x0], $0xffff  }
0x1a2: {  	v40 =	vor.u32 $0x1, v16;
	vm11 =	vge.s32 v30, v36;
	v26 =	vld [tilespmem:s14+$0xFFFFFB70]  }
0x1a3: {  	v3 =	vld.idx.msk [tilespmem:v20+s21+$0x0], $0xffff;
	v38 =	vadd.s32 $0x2710, v27;
	v1 =	vsub.s32 v23, v34;
	v23 =	vsub.s32 v29, v34  }
0x1a4: {  	v29 =	vld.idx.msk [tilespmem:v21+s21+$0x0], $0xffff;
	vm12 =	vgt.s32 v1, $0x0;
	vm5 =	vgt.s32 v23, $0x0;
	v7 =	vmul.f32 v63, v28  }
0x1a5: {  	v31 =	vor.u32 $0x2, v25;
	v1 =	vnsel vm12, $0x0, v1;
	vm12 =	vlt.s32 v30, v39;
	v30 =	vld [tilespmem:s14+$0xFFFFF9A0]  }
0x1a6: {  	v4 =	vsub.s32 v4, v34;
	vm6 =	vmand vm6, vm10;
	v0 =	vnsel vm5, $0x0, v23;
	[tilespmem:v22+s4+$0x0] =	vst.idx.add.f32.msk vm4, v7  }
0x1a7: {  	vm5 =	vmand vm11, vm12;
	v0 =	vmin.u32 v0, $0x270F;
	v24 =	vmul.f32 v24, v26;
	v26 =	vld [tilespmem:s14+$0xFFFFF9D0]  }
0x1a8: {  	vm14 =	vgt.s32 v4, $0x0;
	v23 =	vmin.u32 v1, $0x270F;
	v6 =	vld.idx.msk [tilespmem:v40+s21+$0x0], $0xffff  }
0x1a9: {  	vm1 =	vmand vm1, vm8;
	v1 =	vnsel vm14, $0x0, v4;
	[tilespmem:v38+s4+$0x0] =	vst.idx.add.f32.msk vm9, v24  }
0x1aa: {  	v28 =	vmul.f32 v37, v33;
	v1 =	vmin.u32 v1, $0x270F;
	v41 =	vld.idx.msk [tilespmem:v31+s21+$0x0], $0xffff  }
0x1ab: {  	v4 =	vmul.f32 v29, v30;
	v24 =	vor.u32 $0x1, v17;
	v29 =	vld [tilespmem:s14+$0xFFFFFD00]  }
0x1ac: {  	[tilespmem:v0+s4+$0x0] =	vst.idx.add.f32.msk vm6, v28  }
0x1ad: {  	[tilespmem:v23+s4+$0x0] =	vst.idx.add.f32.msk vm5, v4;
	v4 =	vadd.s32 $0x4E20, v27;
	v3 =	vmul.f32 v3, v26  }
0x1ae: {  	v31 =	vld [tilespmem:s14+$0xFFFFFB50]  }
0x1af: {  	[tilespmem:v1+s4+$0x0] =	vst.idx.add.f32.msk vm1, v3;
	v3 =	vor.u32 $0x3, v25  }
0x1b0: {  	v30 =	vor.u32 $0x1, v20;
	v24 =	vld.idx.msk [tilespmem:v24+s21+$0x0], $0xffff;
	v7 =	vmul.f32 v41, v29  }
0x1b1: {  	v29 =	vld [tilespmem:s14+$0xFFFFFB40]  }
0x1b2: {  	v26 =	vor.u32 $0x1, v21;
	[tilespmem:v4+s4+$0x0] =	vst.idx.add.f32.msk vm9, v7  }
0x1b3: {  	v4 =	vadd.s32 $0x11170, v13;
	v7 =	vld [tilespmem:s14+$0xFFFFFE90]  }
0x1b4: {  	v3 =	vld.idx.msk [tilespmem:v3+s21+$0x0], $0xffff  }
0x1b5: {  	v43 =	vadd.s32 $0x2710, v22;
	v28 =	vld.idx.msk [tilespmem:v30+s21+$0x0], $0xffff  }
0x1b6: {  	v2 =	vmul.f32 v2, v5;
	v30 =	vadd.s32 $0x7530, v27;
	v5 =	vld [tilespmem:s14+$0xFFFFFB60]  }
0x1b7: {  	v42 =	vor.u32 $0x4, v25;
	v26 =	vld.idx.msk [tilespmem:v26+s21+$0x0], $0xffff  }
0x1b8: {  	v6 =	vmul.f32 v6, v29;
	[tilespmem:v4+s4+$0x0] =	vst.idx.add.f32.msk vm0, v2  }
0x1b9: {  	v2 =	vadd.s32 $0x2710, v0;
	v4 =	vld [tilespmem:s14+$0xFFFFFB30];
	v3 =	vmul.f32 v3, v7  }
0x1ba: {  	[tilespmem:v43+s4+$0x0] =	vst.idx.add.f32.msk vm4, v6  }
0x1bb: {  	[tilespmem:v30+s4+$0x0] =	vst.idx.add.f32.msk vm9, v3;
	v3 =	vadd.s32 $0x2710, v1  }
0x1bc: {  	v24 =	vmul.f32 v24, v31;
	v5 =	vmul.f32 v28, v5;
	v28 =	vor.u32 $0x2, v17;
	v29 =	vld.idx.msk [tilespmem:v42+s21+$0x0], $0xffff  }
0x1bd: {  	v30 =	vadd.s32 $0x2710, v23;
	v31 =	vld [tilespmem:s14+$0x20]  }
0x1be: {  	v44 =	vor.u32 $0x2, v16;
	[tilespmem:v2+s4+$0x0] =	vst.idx.add.f32.msk vm6, v24  }
0x1bf: {  	v4 =	vmul.f32 v26, v4;
	v2 =	vadd.s32 $0x9C40, v27;
	v26 =	vld [tilespmem:s14+$0xFFFFFCD0]  }
0x1c0: {  	[tilespmem:v3+s4+$0x0] =	vst.idx.add.f32.msk vm1, v5;
	v3 =	vor.u32 $0x5, v25  }
0x1c1: {  	v24 =	vld.idx.msk [tilespmem:v28+s21+$0x0], $0xffff  }
0x1c2: {  	v46 =	vor.u32 $0x2, v21;
	[tilespmem:v30+s4+$0x0] =	vst.idx.add.f32.msk vm5, v4;
	v45 =	vmul.f32 v29, v31  }
0x1c3: {  	v5 =	vld.idx.msk [tilespmem:v44+s21+$0x0], $0xffff  }
0x1c4: {  	[tilespmem:v2+s4+$0x0] =	vst.idx.add.f32.msk vm9, v45  }
0x1c5: {  	v4 =	vor.u32 $0x2, v20;
	v2 =	vld.idx.msk [tilespmem:v3+s21+$0x0], $0xffff  }
0x1c6: {  	v30 =	vadd.s32 $0x4E20, v22;
	v3 =	vld [tilespmem:s14+$0x1B0]  }
0x1c7: {  	v47 =	vld.idx.msk [tilespmem:v46+s21+$0x0], $0xffff  }
0x1c8: {  	v48 =	vadd.s32 $0xC350, v27;
	v29 =	vld [tilespmem:s14+$0xFFFFFCE0]  }
0x1c9: {  	v31 =	vld [tilespmem:s14+$0xFFFFFCF0];
	v5 =	vmul.f32 v5, v26  }
0x1ca: {  	v49 =	vadd.s32 $0x4E20, v0;
	v4 =	vld.idx.msk [tilespmem:v4+s21+$0x0], $0xffff  }
0x1cb: {  	v28 =	vor.u32 $0x6, v25;
	[tilespmem:v30+s4+$0x0] =	vst.idx.add.f32.msk vm4, v5;
	v2 =	vmul.f32 v2, v3  }
0x1cc: {  	v3 =	vld [tilespmem:s14+$0xFFFFFCC0]  }
0x1cd: {  	v24 =	vmul.f32 v24, v29;
	[tilespmem:v48+s4+$0x0] =	vst.idx.add.f32.msk vm9, v2;
	v2 =	vadd.s32 $0x4E20, v1  }
0x1ce: {  	v26 =	vadd.s32 $0x4E20, v23;
	v5 =	vld [tilespmem:s17+$0x4C0]  }
0x1cf: {  	v29 =	vor.u32 $0x3, v16;
	[tilespmem:v49+s4+$0x0] =	vst.idx.add.f32.msk vm6, v24  }
0x1d0: {  	v30 =	vor.u32 $0x3, v17;
	v4 =	vmul.f32 v4, v31;
	v7 =	vld.idx.msk [tilespmem:v28+s21+$0x0], $0xffff  }
0x1d1: {  	v28 =	vld [tilespmem:s14+$0x340];
	v3 =	vmul.f32 v47, v3  }
0x1d2: {  	[tilespmem:v2+s4+$0x0] =	vst.idx.add.f32.msk vm1, v4  }
0x1d3: {  	v50 =	vadd.s32 $0xEA60, v27;
	[tilespmem:v26+s4+$0x0] =	vst.idx.add.f32.msk vm5, v3  }
0x1d4: {  	v4 =	vld.idx.msk [tilespmem:v29+s21+$0x0], $0xffff  }
0x1d5: {  	v2 =	vor.u32 $0x7, v25;
	v26 =	vld.idx.msk [tilespmem:v30+s21+$0x0], $0xffff  }
0x1d6: {  	v24 =	vor.u32 $0x3, v21;
	v29 =	vld [tilespmem:s14+$0xFFFFFE70];
	v7 =	vmul.f32 v7, v28  }
0x1d7: {  	v28 =	vld [tilespmem:s14+$0xFFFFFE60]  }
0x1d8: {  	[tilespmem:v50+s4+$0x0] =	vst.idx.add.f32.msk vm9, v7  }
0x1d9: {  	v3 =	vor.u32 $0x3, v20;
	v6 =	vld [tilespmem:s14+$0x4D0]  }
0x1da: {  	v53 =	vadd.s32 $0x7530, v0;
	v2 =	vld.idx.msk [tilespmem:v2+s21+$0x0], $0xffff  }
0x1db: {  	v30 =	vadd.s32 $0x7530, v22;
	v51 =	vld.idx.msk [tilespmem:v24+s21+$0x0], $0xffff  }
0x1dc: {  	v24 =	vadd.s32 $0x11170, v27;
	v52 =	vld [tilespmem:s14+$0xFFFFFE50]  }
0x1dd: {  	vm15 =	vmmov vm0;
	vm0 =	vmmov vm5;
	v31 =	vld [tilespmem:s14+$0xFFFFFE80];
	v26 =	vmul.f32 v26, v29  }
0x1de: {  	vm2 =	vmmov vm2;
	v3 =	vld.idx.msk [tilespmem:v3+s21+$0x0], $0xffff;
	v4 =	vmul.f32 v4, v28;
	v28 =	vadd.s32 $0x7530, v23  }
0x1df: {  	[tilespmem:v53+s4+$0x0] =	vst.idx.add.f32.msk vm6, v26;
	v26 =	vadd.s32 $0x11170, v11;
	v2 =	vmul.f32 v2, v6  }
0x1e0: {  	v25 =	vor.u32 $0x8, v25;
	[tilespmem:v30+s4+$0x0] =	vst.idx.add.f32.msk vm4, v4  }
0x1e1: {  	v6 =	vmul.f32 v51, v52;
	[tilespmem:v24+s4+$0x0] =	vst.idx.add.f32.msk vm9, v2  }
0x1e2: {  	v5 =	vmul.f32 v19, v5;
	v4 =	vor.u32 $0x4, v17;
	v2 =	vld [tilespmem:s17+$0x490]  }
0x1e3: {  	v54 =	vor.u32 $0x4, v21;
	[tilespmem:v28+s4+$0x0] =	vst.idx.add.f32.msk vm0, v6  }
0x1e4: {  	[tilespmem:v26+s4+$0x0] =	vst.idx.add.f32.msk vm2, v5  }
0x1e5: {  	v24 =	vadd.s32 $0x7530, v1;
	v25 =	vld.idx.msk [tilespmem:v25+s21+$0x0], $0xffff  }
0x1e6: {  	v29 =	vor.u32 $0x4, v16;
	v30 =	vld [tilespmem:s14+$0x660]  }
0x1e7: {  	v4 =	vld.idx.msk [tilespmem:v4+s21+$0x0], $0xffff  }
0x1e8: {  	v3 =	vmul.f32 v3, v31;
	v7 =	vld.idx.msk [tilespmem:v54+s21+$0x0], $0xffff  }
0x1e9: {  	v31 =	vor.u32 $0x4, v20;
	v19 =	vld [tilespmem:s14+$0xFFFFFFE0]  }
0x1ea: {  	[tilespmem:v24+s4+$0x0] =	vst.idx.add.f32.msk vm1, v3  }
0x1eb: {  	v3 =	vld.idx.msk [tilespmem:v29+s21+$0x0], $0xffff  }
0x1ec: {  	v28 =	vadd.s32 $0x11170, v8;
	v24 =	vadd.s32 $0x13880, v27;
	v27 =	vld [tilespmem:s14+$0xFFFFFFF0]  }
0x1ed: {  	v5 =	vadd.s32 $0x9C40, v23;
	v29 =	vld [tilespmem:s14+$0x0]  }
0x1ee: {  	v55 =	vld.idx.msk [tilespmem:v31+s21+$0x0], $0xffff;
	v31 =	vadd.s32 $0x9C40, v22  }
0x1ef: {  	v56 =	vadd.s32 $0x9C40, v0;
	v2 =	vmul.f32 v18, v2  }
0x1f0: {  	v25 =	vmul.f32 v25, v30;
	v30 =	vld [tilespmem:s14+$0x10];
	v57 =	vmul.f32 v7, v19  }
0x1f1: {  	v58 =	vor.u32 $0x5, v17;
	[tilespmem:v28+s4+$0x0] =	vst.idx.add.f32.msk vm3, v2;
	v3 =	vmul.f32 v3, v27  }
0x1f2: {  	v18 =	vadd.s32 $0x9C40, v1;
	[tilespmem:v5+s4+$0x0] =	vst.idx.add.f32.msk vm0, v57;
	v2 =	vmul.f32 v4, v29  }
0x1f3: {  	[tilespmem:v31+s4+$0x0] =	vst.idx.add.f32.msk vm4, v3  }
0x1f4: {  	v4 =	vor.u32 $0x5, v16;
	[tilespmem:v56+s4+$0x0] =	vst.idx.add.f32.msk vm6, v2  }
0x1f5: {  	v60 =	vor.u32 $0x8, v9;
	v3 =	vmul.f32 v55, v30;
	v59 =	vld [tilespmem:s14+$0x180]  }
0x1f6: {  	v7 =	vld.idx.msk [tilespmem:v58+s21+$0x0], $0xffff  }
0x1f7: {  	v5 =	vor.u32 $0x5, v21;
	[tilespmem:v18+s4+$0x0] =	vst.idx.add.f32.msk vm1, v3  }
0x1f8: {  	v18 =	vld [tilespmem:s14+$0x190]  }
0x1f9: {  	v3 =	vor.u32 $0x5, v20;
	v4 =	vld.idx.msk [tilespmem:v4+s21+$0x0], $0xffff  }
0x1fa: {  	v6 =	vld.idx.msk [tilespmem:v60+s21+$0x0], $0xffff;
	v19 =	vadd.s32 $0xC350, v0  }
0x1fb: {  	[tilespmem:v24+s4+$0x0] =	vst.idx.add.f32.msk vm9, v25;
	v2 =	vor.u32 $0x8, v12;
	v12 =	vadd.s32 $0xC350, v22  }
0x1fc: {  	v5 =	vld.idx.msk [tilespmem:v5+s21+$0x0], $0xffff  }
0x1fd: {  	v14 =	vor.u32 $0x8, v14;
	v9 =	vld [tilespmem:s14+$0x1A0];
	v7 =	vmul.f32 v7, v18  }
0x1fe: {  	v3 =	vld.idx.msk [tilespmem:v3+s21+$0x0], $0xffff;
	v4 =	vmul.f32 v4, v59  }
0x1ff: {  	[tilespmem:v19+s4+$0x0] =	vst.idx.add.f32.msk vm6, v7  }
0x200: {  	v19 =	vor.u32 $0x6, v16;
	[tilespmem:v12+s4+$0x0] =	vst.idx.add.f32.msk vm4, v4  }
0x201: {  	v4 =	vadd.s32 $0xC350, v1;
	v12 =	vld [tilespmem:s14+$0x170]  }
0x202: {  	v10 =	vor.u32 $0x8, v10;
	v24 =	vld.idx.msk [tilespmem:v14+s21+$0x0], $0xffff  }
0x203: {  	v61 =	vadd.s32 $0xC350, v23;
	v2 =	vld.idx.msk [tilespmem:v2+s21+$0x0], $0xffff  }
0x204: {  	v18 =	vld [tilespmem:s17+$0x630];
	v3 =	vmul.f32 v3, v9  }
0x205: {  	v9 =	vor.u32 $0x6, v17;
	v62 =	vld.idx.msk [tilespmem:v19+s21+$0x0], $0xffff  }
0x206: {  	v5 =	vmul.f32 v5, v12;
	[tilespmem:v4+s4+$0x0] =	vst.idx.add.f32.msk vm1, v3  }
0x207: {  	v3 =	vor.u32 $0x6, v20;
	v4 =	vld.idx.msk [tilespmem:v10+s21+$0x0], $0xffff  }
0x208: {  	[tilespmem:v61+s4+$0x0] =	vst.idx.add.f32.msk vm0, v5;
	v5 =	vadd.s32 $0x13880, v15  }
0x209: {  	v12 =	vld [tilespmem:s14+$0x310]  }
0x20a: {  	v9 =	vld.idx.msk [tilespmem:v9+s21+$0x0], $0xffff  }
0x20b: {  	v2 =	vmul.f32 v2, v18;
	v10 =	vor.u32 $0x6, v21;
	v15 =	vld [tilespmem:s14+$0x320]  }
0x20c: {  	v3 =	vld.idx.msk [tilespmem:v3+s21+$0x0], $0xffff  }
0x20d: {  	v14 =	vadd.s32 $0xEA60, v22;
	[tilespmem:v5+s4+$0x0] =	vst.idx.add.f32.msk vm7, v2  }
0x20e: {  	v5 =	vld [tilespmem:s14+$0x330]  }
0x20f: {  	v18 =	vld [tilespmem:s14+$0x300];
	v2 =	vadd.s32 $0xEA60, v0  }
0x210: {  	v10 =	vld.idx.msk [tilespmem:v10+s21+$0x0], $0xffff;
	v7 =	vmul.f32 v62, v12;
	v12 =	vadd.s32 $0xEA60, v1  }
0x211: {  	v26 =	vld [tilespmem:s17+$0x650]  }
0x212: {  	v63 =	vadd.s32 $0xEA60, v23;
	v9 =	vmul.f32 v9, v15;
	[tilespmem:v14+s4+$0x0] =	vst.idx.add.f32.msk vm4, v7  }
0x213: {  	v14 =	vld [tilespmem:s17+$0x640];
	v3 =	vmul.f32 v3, v5;
	v5 =	vor.u32 $0x7, v16  }
0x214: {  	[tilespmem:v2+s4+$0x0] =	vst.idx.add.f32.msk vm6, v9;
	v9 =	vor.u32 $0x7, v17  }
0x215: {  	v2 =	vmul.f32 v10, v18;
	[tilespmem:v12+s4+$0x0] =	vst.idx.add.f32.msk vm1, v3;
	v3 =	vor.u32 $0x7, v21  }
0x216: {  	v29 =	vld [tilespmem:s17+$0x620];
	v10 =	vor.u32 $0x7, v20  }
0x217: {  	v12 =	vadd.s32 $0x13880, v13;
	[tilespmem:v63+s4+$0x0] =	vst.idx.add.f32.msk vm0, v2  }
0x218: {  	v2 =	vld.idx.msk [tilespmem:v5+s21+$0x0], $0xffff  }
0x219: {  	v25 =	vld.idx.msk [tilespmem:v9+s21+$0x0], $0xffff  }
0x21a: {  	v5 =	vmul.f32 v6, v14;
	v28 =	vld.idx.msk [tilespmem:v3+s21+$0x0], $0xffff;
	v3 =	vadd.s32 $0x11170, v0  }
0x21b: {  	v48 =	vadd.s32 $0x11170, v22;
	vm5 =	vmmov vm3;
	v11 =	vadd.s32 $0x13880, v11;
	v27 =	vld.idx.msk [tilespmem:v10+s21+$0x0], $0xffff;
	[tilespmem:$0x1FFA0] =	vst v3  }
0x21c: {  	vm3 =	vmmov vm4;
	v19 =	vor.u32 $0x8, v16;
	v15 =	vor.u32 $0x8, v17;
	[tilespmem:v12+s4+$0x0] =	vst.idx.add.f32.msk vm15, v5  }
0x21d: {  	vm4 =	vmmov vm6;
	v18 =	vadd.s32 $0x11170, v1;
	v16 =	vor.u32 $0x8, v20;
	v3 =	vld [tilespmem:s14+$0x4A0]  }
0x21e: {  	v17 =	vor.u32 $0x8, v21;
	v20 =	vadd.s32 $0x13880, v23;
	v13 =	vadd.s32 $0x11170, v23;
	v38 =	vld [tilespmem:s14+$0x4B0]  }
0x21f: {  	v10 =	vadd.s32 $0x13880, v8;
	v14 =	vadd.s32 $0x13880, v22;
	v22 =	vadd.s32 $0x13880, v1;
	v42 =	vld [tilespmem:s14+$0x4C0]  }
0x220: {  	s19 =	simm.s32 $0x5;
	s20 =	simm.s32 $0xA0;
	s17 =	simm.s32 $0x16640;
	v1 =	vmul.f32 v24, v26;
	v12 =	vadd.s32 $0x13880, v0;
	v0 =	vmul.f32 v4, v29;
	v43 =	vld [tilespmem:s14+$0x490]  }
.LBB2_22:
0x221: {  	s26 =	sadd.s32 $0x50, s26  }
0x222: {  	v5 =	vld [tilespmem:s26+$0x20]  }
0x223: {  	v8 =	vld [tilespmem:s26+$0xFFFFFFF0]  }
0x224: {  	[tilespmem:v11+s4+$0x0] =	vst.idx.add.f32.msk vm2, v1  }
0x225: {  	v4 =	vor.u32 s20, v35;
	s18 =	sadd.s32 $0x40, s20;
	[tilespmem:v10+s4+$0x0] =	vst.idx.add.f32.msk vm5, v0  }
0x226: {  	s24 =	sadd.s32 $0x10, s20;
	s14 =	sadd.s32 $0x50, s14;
	v2 =	vmul.f32 v2, v3;
	v1 =	vmovc v22;
	v22 =	vshll.u32 v4, $0x4;
	v3 =	vor.u32 s18, v35;
	v10 =	vld [tilespmem:$0x1FF90]  }
0x227: {  	v50 =	vld [tilespmem:s14+$0xFFFFF9B0];
	vm2 =	vmmov vm1;
	v0 =	vmovc v20;
	[tilespmem:$0x1FF20] =	vst v1;
	v1 =	vor.u32 s24, v35;
	s24 =	sadd.s32 $0x20, s20;
	v21 =	vshll.u32 v3, $0x4  }
0x228: {  	[tilespmem:$0x1FEF0] =	vst v0;
	v6 =	vld [tilespmem:s26+$0xFFFFFFE0];
	v20 =	vshll.u32 v1, $0x4;
	v0 =	vor.u32 s24, v35;
	s24 =	sadd.s32 $0x30, s20;
	v5 =	vsub.s32 v5, v34  }
0x229: {  	v32 =	vld [tilespmem:s14+$0xFFFFF9A0];
	v8 =	vsub.s32 v8, v34;
	v7 =	vor.u32 s24, v35;
	vm12 =	vgt.s32 v5, $0x0  }
0x22a: {  	v63 =	vld [tilespmem:s14+$0xFFFFF9D0];
	v37 =	vshll.u32 v0, $0x4;
	v56 =	vshll.u32 v7, $0x4;
	v5 =	vnsel vm12, $0x0, v5  }
0x22b: {  	vm12 =	vgt.s32 v8, $0x0;
	v1 =	vadd.s32 v10, v1;
	v0 =	vadd.s32 v10, v0;
	v11 =	vld.idx.msk [tilespmem:v22+s21+$0x0], $0xffff  }
0x22c: {  	v9 =	vadd.s32 v10, v7;
	vm1 =	vge.s32 v0, v36;
	vm5 =	vlt.s32 v0, v39;
	v0 =	vld [tilespmem:s26+$0x10]  }
0x22d: {  	v4 =	vadd.s32 v10, v4;
	v3 =	vadd.s32 v10, v3;
	v23 =	vmin.u32 v5, $0x270F;
	v49 =	vld.idx.msk [tilespmem:v21+s21+$0x0], $0xffff  }
0x22e: {  	v10 =	vor.u32 $0x1, v21;
	vm8 =	vge.s32 v3, v36;
	vm9 =	vlt.s32 v3, v39;
	v3 =	vld [tilespmem:s14+$0xFFFFF9E0]  }
0x22f: {  	vm6 =	vge.s32 v1, v36;
	vm7 =	vlt.s32 v1, v39;
	v1 =	vld [tilespmem:s26+$0x0];
	vm8 =	vmand vm8, vm9  }
0x230: {  	vm10 =	vge.s32 v9, v36;
	vm11 =	vlt.s32 v9, v39;
	v6 =	vsub.s32 v6, v34;
	v9 =	vld.idx.msk [tilespmem:v20+s21+$0x0], $0xffff  }
0x231: {  	v8 =	vnsel vm12, $0x0, v8;
	vm12 =	vlt.s32 v4, v39;
	vm9 =	vgt.s32 v6, $0x0;
	[tilespmem:v48+s4+$0x0] =	vst.idx.add.f32.msk vm3, v2  }
0x232: {  	v24 =	vmin.u32 v8, $0x270F;
	vm7 =	vmand vm6, vm7;
	v31 =	vld.idx.msk [tilespmem:v37+s21+$0x0], $0xffff;
	v6 =	vnsel vm9, $0x0, v6  }
0x233: {  	vm9 =	vge.s32 v4, v36;
	v4 =	vld [tilespmem:s14+$0xFFFFF9C0];
	v0 =	vsub.s32 v0, v34;
	v3 =	vmul.f32 v49, v3  }
0x234: {  	[tilespmem:$0x1FE50] =	vst v16;
	vm6 =	vmand vm1, vm5;
	v5 =	vld.idx.msk [tilespmem:v56+s21+$0x0], $0xffff;
	v1 =	vsub.s32 v1, v34;
	vm14 =	vgt.s32 v0, $0x0  }
0x235: {  	vm9 =	vmand vm9, vm12;
	vm13 =	vgt.s32 v1, $0x0;
	v0 =	vnsel vm14, $0x0, v0;
	[tilespmem:v23+s4+$0x0] =	vst.idx.add.f32.msk vm8, v3  }
0x236: {  	[tilespmem:$0x1FE10] =	vst v18;
	v29 =	vmin.u32 v6, $0x270F;
	v1 =	vnsel vm13, $0x0, v1;
	v26 =	vmin.u32 v0, $0x270F;
	v0 =	vld.idx.msk [tilespmem:v10+s21+$0x0], $0xffff  }
0x237: {  	[tilespmem:$0x1FE30] =	vst v15;
	vm1 =	vmand vm10, vm11;
	v62 =	vmul.f32 v9, v50;
	v30 =	vmin.u32 v1, $0x270F;
	v1 =	vld [tilespmem:s14+$0xFFFFFB70]  }
0x238: {  	[tilespmem:$0x1FF80] =	vst v12;
	v15 =	vld.idx.msk [tilespmem:v19+s21+$0x0], $0xffff;
	v49 =	vadd.s32 $0x2710, v23  }
0x239: {  	v3 =	vmul.f32 v11, v32;
	v18 =	vmul.f32 v31, v4;
	v4 =	vor.u32 $0x7, v56;
	[tilespmem:v24+s4+$0x0] =	vst.idx.add.f32.msk vm7, v62  }
0x23a: {  	v40 =	vor.u32 $0x2, v21;
	[tilespmem:$0x1FF60] =	vst v4  }
0x23b: {  	v19 =	vmul.f32 v5, v63;
	[tilespmem:v29+s4+$0x0] =	vst.idx.add.f32.msk vm9, v3  }
0x23c: {  	v0 =	vmul.f32 v0, v1;
	[tilespmem:v30+s4+$0x0] =	vst.idx.add.f32.msk vm6, v18  }
0x23d: {  	[tilespmem:v26+s4+$0x0] =	vst.idx.add.f32.msk vm1, v19  }
0x23e: {  	v8 =	vor.u32 $0x1, v20;
	v2 =	vadd.s32 $0xEA60, v26;
	[tilespmem:v49+s4+$0x0] =	vst.idx.add.f32.msk vm8, v0  }
0x23f: {  	v3 =	vor.u32 $0x7, v37;
	[tilespmem:$0x1FF10] =	vst v2;
	v31 =	vld.idx.msk [tilespmem:v40+s21+$0x0], $0xffff  }
0x240: {  	[tilespmem:$0x1FF50] =	vst v3;
	v0 =	vadd.s32 $0x9C40, v29;
	v36 =	vld [tilespmem:s14+$0xFFFFFD00]  }
0x241: {  	v51 =	vor.u32 $0x1, v37;
	[tilespmem:$0x1FE40] =	vst v0;
	v0 =	vadd.s32 $0xC350, v29  }
0x242: {  	v18 =	vadd.s32 $0x4E20, v23;
	[tilespmem:$0x1FE80] =	vst v0;
	v0 =	vor.u32 $0x6, v20  }
0x243: {  	v19 =	vld.idx.msk [tilespmem:v8+s21+$0x0], $0xffff;
	v8 =	vor.u32 $0x3, v21;
	[tilespmem:$0x1FE90] =	vst v0;
	v0 =	vadd.s32 $0xC350, v30  }
0x244: {  	[tilespmem:$0x1FE60] =	vst v0;
	v0 =	vadd.s32 $0xC350, v26  }
0x245: {  	v5 =	vld [tilespmem:s14+$0xFFFFFB30];
	[tilespmem:$0x1FE70] =	vst v0;
	v0 =	vor.u32 $0x6, v22;
	v31 =	vmul.f32 v31, v36  }
0x246: {  	v35 =	vor.u32 $0x1, v56;
	v32 =	vld.idx.msk [tilespmem:v51+s21+$0x0], $0xffff;
	[tilespmem:$0x1FEC0] =	vst v0  }
0x247: {  	v0 =	vor.u32 $0x6, v37;
	[tilespmem:v18+s4+$0x0] =	vst.idx.add.f32.msk vm8, v31  }
0x248: {  	[tilespmem:$0x1FEA0] =	vst v0;
	v0 =	vor.u32 $0x6, v56;
	v18 =	vld.idx.msk [tilespmem:v8+s21+$0x0], $0xffff  }
0x249: {  	v50 =	vor.u32 $0x1, v22;
	[tilespmem:$0x1FEB0] =	vst v0;
	v0 =	vadd.s32 $0xEA60, v29;
	v31 =	vld [tilespmem:s14+$0xFFFFFE90]  }
0x24a: {  	v1 =	vadd.s32 $0xEA60, v24;
	[tilespmem:$0x1FF30] =	vst v0;
	v0 =	vld [tilespmem:s14+$0xFFFFFB40]  }
0x24b: {  	v16 =	vld.idx.msk [tilespmem:v35+s21+$0x0], $0xffff;
	[tilespmem:$0x1FEE0] =	vst v1;
	v1 =	vadd.s32 $0xEA60, v30  }
0x24c: {  	v2 =	vadd.s32 $0x7530, v23;
	v3 =	vld [tilespmem:s14+$0xFFFFFB60];
	[tilespmem:$0x1FF00] =	vst v1;
	v1 =	vor.u32 $0x7, v20  }
0x24d: {  	v12 =	vadd.s32 $0x2710, v24;
	[tilespmem:$0x1FF40] =	vst v1;
	v1 =	vld [tilespmem:s14+$0xFFFFFB50];
	v8 =	vor.u32 $0x7, v22  }
0x24e: {  	v4 =	vor.u32 $0x4, v21;
	v36 =	vmov v17;
	v17 =	vld.idx.msk [tilespmem:v50+s21+$0x0], $0xffff;
	[tilespmem:$0x1FF70] =	vst v8;
	v8 =	vmul.f32 v27, v42  }
0x24f: {  	v27 =	vmul.f32 v18, v31;
	v0 =	vmul.f32 v19, v0;
	v19 =	vld [tilespmem:$0x1FFA0]  }
0x250: {  	[tilespmem:$0x1FED0] =	vst v14;
	v14 =	vadd.s32 $0x2710, v26;
	v18 =	vld [tilespmem:s17+$0x630]  }
0x251: {  	v11 =	vor.u32 $0x2, v20;
	[tilespmem:v2+s4+$0x0] =	vst.idx.add.f32.msk vm8, v27  }
0x252: {  	[tilespmem:v12+s4+$0x0] =	vst.idx.add.f32.msk vm7, v0  }
0x253: {  	[tilespmem:$0x1FE20] =	vst v13;
	v13 =	vadd.s32 $0x2710, v30;
	v2 =	vmul.f32 v16, v3;
	v3 =	vld.idx.msk [tilespmem:v4+s21+$0x0], $0xffff  }
0x254: {  	v33 =	vadd.s32 $0x2710, v29;
	v4 =	vmul.f32 v17, v5;
	v5 =	vld [tilespmem:s14+$0x20]  }
0x255: {  	v25 =	vmul.f32 v25, v38;
	v10 =	vor.u32 $0x2, v37;
	[tilespmem:v14+s4+$0x0] =	vst.idx.add.f32.msk vm1, v2  }
0x256: {  	v1 =	vmul.f32 v32, v1;
	v0 =	vadd.s32 $0x9C40, v23;
	v2 =	vld.idx.msk [tilespmem:v11+s21+$0x0], $0xffff  }
0x257: {  	[tilespmem:v19+s4+$0x0] =	vst.idx.add.f32.msk vm4, v25  }
0x258: {  	[tilespmem:v13+s4+$0x0] =	vst.idx.add.f32.msk vm6, v1;
	v1 =	vor.u32 $0x5, v21  }
0x259: {  	[tilespmem:v33+s4+$0x0] =	vst.idx.add.f32.msk vm9, v4;
	v3 =	vmul.f32 v3, v5  }
0x25a: {  	v34 =	vor.u32 $0x2, v22;
	v4 =	vld.idx.msk [tilespmem:v10+s21+$0x0], $0xffff  }
0x25b: {  	v9 =	vor.u32 $0x2, v56;
	[tilespmem:v0+s4+$0x0] =	vst.idx.add.f32.msk vm8, v3  }
0x25c: {  	v12 =	vld [tilespmem:s14+$0xFFFFFCE0]  }
0x25d: {  	v0 =	vld.idx.msk [tilespmem:v1+s21+$0x0], $0xffff  }
0x25e: {  	v7 =	vadd.s32 $0x4E20, v30;
	v1 =	vld [tilespmem:s14+$0x1B0]  }
0x25f: {  	v5 =	vld.idx.msk [tilespmem:v34+s21+$0x0], $0xffff  }
0x260: {  	v3 =	vld.idx.msk [tilespmem:v9+s21+$0x0], $0xffff;
	v9 =	vadd.s32 $0xC350, v23  }
0x261: {  	v11 =	vor.u32 $0x6, v21;
	v10 =	vld [tilespmem:s14+$0xFFFFFCD0];
	v4 =	vmul.f32 v4, v12  }
0x262: {  	v13 =	vld [tilespmem:s14+$0xFFFFFCF0]  }
0x263: {  	v6 =	vadd.s32 $0x4E20, v24;
	[tilespmem:v7+s4+$0x0] =	vst.idx.add.f32.msk vm6, v4;
	v0 =	vmul.f32 v0, v1  }
0x264: {  	v40 =	vor.u32 $0x3, v37;
	v1 =	vld [tilespmem:s14+$0xFFFFFCC0]  }
0x265: {  	v41 =	vadd.s32 $0x4E20, v26;
	[tilespmem:v9+s4+$0x0] =	vst.idx.add.f32.msk vm8, v0  }
0x266: {  	v0 =	vmul.f32 v2, v10;
	v2 =	vld.idx.msk [tilespmem:v11+s21+$0x0], $0xffff  }
0x267: {  	v45 =	vadd.s32 $0x4E20, v29;
	v9 =	vld [tilespmem:s14+$0x340]  }
0x268: {  	v44 =	vor.u32 $0x3, v20;
	[tilespmem:v6+s4+$0x0] =	vst.idx.add.f32.msk vm7, v0;
	v0 =	vmul.f32 v3, v13  }
0x269: {  	v4 =	vld.idx.msk [tilespmem:v40+s21+$0x0], $0xffff;
	v3 =	vadd.s32 $0xEA60, v23  }
0x26a: {  	v1 =	vmul.f32 v5, v1;
	[tilespmem:v41+s4+$0x0] =	vst.idx.add.f32.msk vm1, v0;
	v0 =	vor.u32 $0x7, v21  }
0x26b: {  	v10 =	vld [tilespmem:s14+$0xFFFFFE70]  }
0x26c: {  	[tilespmem:v45+s4+$0x0] =	vst.idx.add.f32.msk vm9, v1;
	v2 =	vmul.f32 v2, v9  }
0x26d: {  	v46 =	vor.u32 $0x3, v56;
	v1 =	vld.idx.msk [tilespmem:v44+s21+$0x0], $0xffff  }
0x26e: {  	[tilespmem:v3+s4+$0x0] =	vst.idx.add.f32.msk vm8, v2  }
0x26f: {  	v47 =	vor.u32 $0x3, v22;
	v0 =	vld.idx.msk [tilespmem:v0+s21+$0x0], $0xffff  }
0x270: {  	v61 =	vadd.s32 $0x7530, v30;
	v2 =	vld [tilespmem:s14+$0x4D0]  }
0x271: {  	v11 =	vld [tilespmem:s14+$0xFFFFFE80]  }
0x272: {  	v45 =	vadd.s32 $0x11170, v23;
	v3 =	vld.idx.msk [tilespmem:v46+s21+$0x0], $0xffff  }
0x273: {  	v4 =	vmul.f32 v4, v10;
	v9 =	vor.u32 $0x8, v21;
	v46 =	vld [tilespmem:s14+$0xFFFFFE60]  }
0x274: {  	v5 =	vld.idx.msk [tilespmem:v47+s21+$0x0], $0xffff  }
0x275: {  	[tilespmem:v61+s4+$0x0] =	vst.idx.add.f32.msk vm6, v4;
	v0 =	vmul.f32 v0, v2  }
0x276: {  	v63 =	vadd.s32 $0x7530, v24;
	v2 =	vld [tilespmem:s14+$0xFFFFFE50]  }
0x277: {  	[tilespmem:v45+s4+$0x0] =	vst.idx.add.f32.msk vm8, v0  }
0x278: {  	v0 =	vmul.f32 v1, v46;
	v1 =	vld.idx.msk [tilespmem:v9+s21+$0x0], $0xffff  }
0x279: {  	v62 =	vadd.s32 $0x7530, v26;
	v6 =	vld [tilespmem:s14+$0x660]  }
0x27a: {  	v57 =	vor.u32 $0x4, v20;
	v9 =	vld [tilespmem:$0x1FE10]  }
0x27b: {  	[tilespmem:v63+s4+$0x0] =	vst.idx.add.f32.msk vm7, v0  }
0x27c: {  	v58 =	vor.u32 $0x4, v56;
	v0 =	vmul.f32 v3, v11;
	v3 =	vadd.s32 $0x13880, v23;
	v4 =	vld [tilespmem:s14+$0xFFFFFFF0]  }
0x27d: {  	vm5 =	vmmov vm0;
	vm0 =	vmmov vm9;
	v2 =	vmul.f32 v5, v2;
	v5 =	vld [tilespmem:s14+$0x0]  }
0x27e: {  	v55 =	vadd.s32 $0x7530, v29;
	[tilespmem:v62+s4+$0x0] =	vst.idx.add.f32.msk vm1, v0  }
0x27f: {  	v60 =	vor.u32 $0x4, v37;
	v0 =	vld.idx.msk [tilespmem:v57+s21+$0x0], $0xffff;
	v1 =	vmul.f32 v1, v6  }
0x280: {  	v47 =	vld [tilespmem:s14+$0x10]  }
0x281: {  	[tilespmem:v3+s4+$0x0] =	vst.idx.add.f32.msk vm8, v1  }
0x282: {  	v54 =	vadd.s32 $0x9C40, v24;
	v1 =	vld.idx.msk [tilespmem:v58+s21+$0x0], $0xffff  }
0x283: {  	[tilespmem:v55+s4+$0x0] =	vst.idx.add.f32.msk vm0, v2  }
0x284: {  	v53 =	vadd.s32 $0x9C40, v26;
	v2 =	vld.idx.msk [tilespmem:v60+s21+$0x0], $0xffff  }
0x285: {  	v0 =	vmul.f32 v0, v4;
	v4 =	vld [tilespmem:$0x1FE20]  }
0x286: {  	v59 =	vor.u32 $0x4, v22;
	v55 =	vld [tilespmem:s14+$0xFFFFFFE0]  }
0x287: {  	[tilespmem:v54+s4+$0x0] =	vst.idx.add.f32.msk vm7, v0;
	v0 =	vmul.f32 v1, v47  }
0x288: {  	[tilespmem:v9+s4+$0x0] =	vst.idx.add.f32.msk vm2, v8  }
0x289: {  	[tilespmem:v53+s4+$0x0] =	vst.idx.add.f32.msk vm1, v0  }
0x28a: {  	v0 =	vld [tilespmem:$0x1FE40]  }
0x28b: {  	v43 =	vmul.f32 v28, v43;
	v3 =	vld.idx.msk [tilespmem:v59+s21+$0x0], $0xffff;
	_ =	sdelay $0x1  }
0x28c: {  	[tilespmem:v4+s4+$0x0] =	vst.idx.add.f32.msk vm5, v43  }
0x28d: {  	v51 =	vor.u32 $0x5, v20;
	v4 =	vld [tilespmem:$0x1FE30]  }
0x28e: {  	v35 =	vor.u32 $0x5, v22  }
0x28f: {  	v2 =	vmul.f32 v2, v5;
	v5 =	vld [tilespmem:s14+$0x180];
	v1 =	vmul.f32 v3, v55  }
0x290: {  	v57 =	vld [tilespmem:s14+$0x1A0]  }
0x291: {  	v52 =	vadd.s32 $0x9C40, v30;
	[tilespmem:v0+s4+$0x0] =	vst.idx.add.f32.msk vm0, v1  }
0x292: {  	v49 =	vor.u32 $0x5, v56;
	v0 =	vld.idx.msk [tilespmem:v51+s21+$0x0], $0xffff  }
0x293: {  	v3 =	vld.idx.msk [tilespmem:v35+s21+$0x0], $0xffff  }
0x294: {  	v8 =	vld [tilespmem:s14+$0x170]  }
0x295: {  	v50 =	vor.u32 $0x5, v37;
	v4 =	vld.idx.msk [tilespmem:v4+s21+$0x0], $0xffff  }
0x296: {  	v39 =	vadd.s32 $0xC350, v24;
	[tilespmem:v52+s4+$0x0] =	vst.idx.add.f32.msk vm6, v2  }
0x297: {  	v2 =	vld.idx.msk [tilespmem:v49+s21+$0x0], $0xffff;
	_ =	sdelay $0x1  }
0x298: {  	v0 =	vmul.f32 v0, v5  }
0x299: {  	v1 =	vld.idx.msk [tilespmem:v50+s21+$0x0], $0xffff  }
0x29a: {  	[tilespmem:v39+s4+$0x0] =	vst.idx.add.f32.msk vm7, v0  }
0x29b: {  	v0 =	vmul.f32 v2, v57;
	v2 =	vmul.f32 v3, v8;
	v3 =	vld [tilespmem:$0x1FE60]  }
0x29c: {  	v38 =	vor.u32 $0x8, v56;
	v56 =	vld [tilespmem:s14+$0x190];
	_ =	sdelay $0x4  }
0x29d: {  	v9 =	vld [tilespmem:$0x1FE50];
	v1 =	vmul.f32 v1, v56  }
0x29e: {  	v58 =	vld [tilespmem:s17+$0x640]  }
0x29f: {  	[tilespmem:v3+s4+$0x0] =	vst.idx.add.f32.msk vm6, v1  }
0x2a0: {  	v1 =	vld [tilespmem:$0x1FE70];
	_ =	sdelay $0x6  }
0x2a1: {  	v9 =	vld.idx.msk [tilespmem:v9+s21+$0x0], $0xffff  }
0x2a2: {  	[tilespmem:v1+s4+$0x0] =	vst.idx.add.f32.msk vm1, v0  }
0x2a3: {  	v0 =	vld [tilespmem:$0x1FE80];
	_ =	sdelay $0x6  }
0x2a4: {  	v5 =	vld.idx.msk [tilespmem:v36+s21+$0x0], $0xffff  }
0x2a5: {  	[tilespmem:v0+s4+$0x0] =	vst.idx.add.f32.msk vm0, v2  }
0x2a6: {  	v0 =	vld [tilespmem:$0x1FE90]  }
0x2a7: {  	v3 =	vld [tilespmem:$0x1FEC0]  }
0x2a8: {  	v63 =	vld [tilespmem:$0x1FEE0]  }
0x2a9: {  	v2 =	vld [tilespmem:$0x1FEB0]  }
0x2aa: {  	v62 =	vld [tilespmem:$0x1FED0]  }
0x2ab: {  	v59 =	vld [tilespmem:s14+$0x310]  }
0x2ac: {  	v1 =	vld [tilespmem:$0x1FEA0]  }
0x2ad: {  	v8 =	vld [tilespmem:s14+$0x330]  }
0x2ae: {  	v0 =	vld.idx.msk [tilespmem:v0+s21+$0x0], $0xffff  }
0x2af: {  	v3 =	vld.idx.msk [tilespmem:v3+s21+$0x0], $0xffff  }
0x2b0: {  	v10 =	vld [tilespmem:s14+$0x300]  }
0x2b1: {  	v2 =	vld.idx.msk [tilespmem:v2+s21+$0x0], $0xffff  }
0x2b2: {  	v27 =	vmul.f32 v15, v18  }
0x2b3: {  	v60 =	vld [tilespmem:s14+$0x320];
	v0 =	vmul.f32 v0, v59  }
0x2b4: {  	[tilespmem:v62+s4+$0x0] =	vst.idx.add.f32.msk vm3, v27  }
0x2b5: {  	[tilespmem:v63+s4+$0x0] =	vst.idx.add.f32.msk vm7, v0  }
0x2b6: {  	v0 =	vmul.f32 v2, v8;
	v2 =	vmul.f32 v3, v10;
	v3 =	vld [tilespmem:$0x1FF00]  }
0x2b7: {  	v1 =	vld.idx.msk [tilespmem:v1+s21+$0x0], $0xffff;
	_ =	sdelay $0x4  }
0x2b8: {  	v1 =	vmul.f32 v1, v60;
	_ =	sdelay $0x1  }
0x2b9: {  	[tilespmem:v3+s4+$0x0] =	vst.idx.add.f32.msk vm6, v1  }
0x2ba: {  	v1 =	vld [tilespmem:$0x1FF10];
	_ =	sdelay $0x1  }
0x2bb: {  	v3 =	vld [tilespmem:$0x1FF50];
	_ =	sdelay $0x4  }
0x2bc: {  	v11 =	vld [tilespmem:s17+$0x650]  }
0x2bd: {  	[tilespmem:v1+s4+$0x0] =	vst.idx.add.f32.msk vm1, v0  }
0x2be: {  	v25 =	vadd.s32 $0x13880, v24;
	v0 =	vld [tilespmem:$0x1FF30]  }
0x2bf: {  	v14 =	vmov v25;
	v25 =	vld.idx.msk [tilespmem:v3+s21+$0x0], $0xffff  }
0x2c0: {  	v3 =	vld [tilespmem:$0x1FF60];
	_ =	sdelay $0x1  }
0x2c1: {  	v34 =	vld [tilespmem:$0x1FFF0]  }
0x2c2: {  	v36 =	vld [tilespmem:$0x1FFB0]  }
0x2c3: {  	v39 =	vld [tilespmem:$0x1FFC0]  }
0x2c4: {  	v61 =	vld [tilespmem:s17+$0x620]  }
0x2c5: {  	[tilespmem:v0+s4+$0x0] =	vst.idx.add.f32.msk vm0, v2  }
0x2c6: {  	v2 =	vld [tilespmem:$0x1FF40]  }
0x2c7: {  	v27 =	vld.idx.msk [tilespmem:v3+s21+$0x0], $0xffff  }
0x2c8: {  	v3 =	vld [tilespmem:$0x1FF70]  }
0x2c9: {  	v10 =	vld [tilespmem:$0x1FEF0]  }
0x2ca: {  	v0 =	vmul.f32 v5, v61;
	v5 =	vld [tilespmem:$0x1FF80]  }
0x2cb: {  	v16 =	vmov v38;
	v38 =	vld [tilespmem:s14+$0x4B0]  }
0x2cc: {  	s19 =	sadd.s32 $0x5, s19;
	v42 =	vadd.s32 $0x11170, v29;
	v1 =	vmul.f32 v9, v11;
	v11 =	vld [tilespmem:$0x1FF20]  }
0x2cd: {  	p0 =	slt.u32 s19, $0x14;
	v13 =	vmov v42;
	v42 =	vld [tilespmem:s14+$0x4C0]  }
.Ltmp12:
0x2ce: {  	v28 =	vor.u32 $0x8, v22;
	v43 =	vld [tilespmem:s14+$0x490];
	(pc) =	sbr.rel @p0 .LBB2_22-.Ltmp12, $4  }
0x2cf: {  	v48 =	vadd.s32 $0x11170, v24;
	v32 =	vadd.s32 $0x11170, v26;
	v22 =	vadd.s32 $0x13880, v26;
	v2 =	vld.idx.msk [tilespmem:v2+s21+$0x0], $0xffff  }
0x2d0: {  	v31 =	vor.u32 $0x8, v37;
	v17 =	vmovc v28;
	v19 =	vadd.s32 $0x11170, v30;
	v4 =	vmul.f32 v4, v58;
	v28 =	vld.idx.msk [tilespmem:v3+s21+$0x0], $0xffff  }
0x2d1: {  	v37 =	vadd.s32 $0x13880, v30;
	v18 =	vmovc v32;
	[tilespmem:$0x1FFA0] =	vst v19;
	v19 =	vor.u32 $0x8, v20;
	v20 =	vadd.s32 $0x13880, v29;
	v3 =	vld [tilespmem:s14+$0x4A0]  }
0x2d2: {  	s20 =	sadd.s32 $0x50, s20;
	v15 =	vmovc v31;
	v12 =	vmovc v37;
	v35 =	vlaneseq.u32;
	s17 =	smov.u32 s14;
	vm3 =	vmmov vm7;
	[tilespmem:v5+s4+$0x0] =	vst.idx.add.f32.msk vm4, v4;
	vm4 =	vmmov vm6  }
0x2d3: {  	_ =	sdelay $0x2  }
0x2d4: {  	vm1 =	vmmov vm1;
	v2 =	vmul.f32 v2, v3  }
0x2d5: {  	vm0 =	vmmov vm0  }
0x2d6: {  	[tilespmem:v48+s4+$0x0] =	vst.idx.add.f32.msk vm3, v2  }
0x2d7: {  	v2 =	vld.idx.msk [tilespmem:v19+s21+$0x0], $0xffff  }
0x2d8: {  	v4 =	vmul.f32 v27, v42;
	v7 =	vld [tilespmem:$0x1FFA0]  }
0x2d9: {  	v6 =	vmul.f32 v28, v43;
	v5 =	vld [tilespmem:s17+$0x630]  }
0x2da: {  	[tilespmem:v18+s4+$0x0] =	vst.idx.add.f32.msk vm1, v4  }
0x2db: {  	[tilespmem:v13+s4+$0x0] =	vst.idx.add.f32.msk vm0, v6  }
0x2dc: {  	v4 =	vld.idx.msk [tilespmem:v16+s21+$0x0], $0xffff  }
0x2dd: {  	v6 =	vld.idx.msk [tilespmem:v17+s21+$0x0], $0xffff  }
0x2de: {  	v3 =	vmul.f32 v25, v38;
	v8 =	vld [tilespmem:s17+$0x650]  }
0x2df: {  	v9 =	vld [tilespmem:s17+$0x620]  }
0x2e0: {  	[tilespmem:v7+s4+$0x0] =	vst.idx.add.f32.msk vm4, v3  }
0x2e1: {  	v3 =	vld.idx.msk [tilespmem:v15+s21+$0x0], $0xffff  }
0x2e2: {  	v7 =	vld [tilespmem:s17+$0x640];
	_ =	sdelay $0x1  }
0x2e3: {  	[tilespmem:v11+s4+$0x0] =	vst.idx.add.f32.msk vm2, v1;
	v1 =	vmul.f32 v2, v5  }
0x2e4: {  	[tilespmem:v10+s4+$0x0] =	vst.idx.add.f32.msk vm5, v0;
	v2 =	vmul.f32 v6, v9  }
0x2e5: {  	[tilespmem:v14+s4+$0x0] =	vst.idx.add.f32.msk vm3, v1;
	v1 =	vmul.f32 v4, v8  }
0x2e6: {  	[tilespmem:v20+s4+$0x0] =	vst.idx.add.f32.msk vm0, v2;
	v0 =	vmul.f32 v3, v7  }
0x2e7: {  	[tilespmem:v22+s4+$0x0] =	vst.idx.add.f32.msk vm1, v1  }
0x2e8: {  	[tilespmem:v12+s4+$0x0] =	vst.idx.add.f32.msk vm4, v0  }
0x2e9: {  	_ =	swait.ge [sflag:s29], $0x190  }
0x2ea: {  	[sflag:s29] =	ssyncset.done $0x0  }
0x2eb: {  	[sflag:s29] =	ssyncadd.s32 $0xFFFFFE70  }
0x2ec: {  	p0 =	slt.s32 s3, $0x1F3C;
	s14 =	smov.u32 s3;
	_ =	swait.ge [sflag:s29], $0x190  }
0x2ed: {  	s14 =	simm.s32 @!p0 $0x1F3C;
	[sflag:s29] =	ssyncset.done $0x0  }
0x2ee: {  	s14 =	smul.u32 $0x190, s14;
	[sflag:s29] =	ssyncadd.s32 $0xFFFFFE70  }
0x2ef: {  	_ =	swait.ge [sflag:s29], $0xE10  }
0x2f0: {  	s14 =	sadd.s32 $0x4B0, s14;
	[sflag:s29] =	ssyncset.done $0x0  }
0x2f1: {  	s26 =	simm.s32 $0x1D7E0;
	s14 =	sshrl.u32 s14, $0x3;
	[sflag:s29] =	ssyncadd.s32 $0xFFFFF1F0  }
0x2f2: {  	[tilespmem:s30], [sflag:$0x6] =	stream.indirect.gather [hbm4b:s6+s15], $0x10, s26, s15, $0xb8;
	[tilespmem:$0x1DE48] =	vst v63  }
0x2f3: {  	s18 =	simm.s32 $0x0;
	s20 =	sadd.s32 s1, s14  }
0x2f4: {  	[tilespmem:s13], [sflag:$0x1] =	stream.linear.gather [hbm4b:s20+s18], $0x190, $0x38;
	[tilespmem:$0x1DE48] =	vst v63  }
0x2f5: {  	s19 =	simm.s32 $0x1D970;
	s24 =	sadd.s32 s2, s14  }
0x2f6: {  	[tilespmem:s19], [sflag:$0x1] =	stream.linear.gather [hbm4b:s24+s18], $0x190, $0x38;
	[tilespmem:$0x1DE48] =	vst v63  }
0x2f7: {  	s14 =	sadd.s32 s5, s14;
	s19 =	simm.s32 $0x15F90  }
0x2f8: {  	[tilespmem:s19], [sflag:$0x1] =	stream.strided.gather [hbm4b:s14+s15], $0xE10, s16, s15, $0x38;
	[tilespmem:$0x1DE48] =	vst v63  }
0x2f9: {  	_ =	swait.ge [sflag:s31], $0x1900  }
0x2fa: {  	s20 =	simm.s32 $0x40;
	[sflag:s31] =	ssyncset.done $0x0  }
0x2fb: {  	v0 =	vor.u32 s20, v35;
	s19 =	simm.s32 $0x1DB20;
	[sflag:s31] =	ssyncadd.s32 $0xFFFFE700  }
0x2fc: {  	v17 =	vshll.u32 v0, $0x4;
	v1 =	vld [tilespmem:s19+$0x20];
	_ =	sdelay $0x1  }
0x2fd: {  	s25 =	sadd.s32 $0x190, s25  }
0x2fe: {  	v32 =	vmov s25  }
0x2ff: {  	s20 =	simm.s32 $0x20;
	v0 =	vadd.s32 v32, v0  }
0x300: {  	s17 =	simm.s32 $0x17400;
	v3 =	vor.u32 s20, v35;
	vm0 =	vge.s32 v0, v36;
	v4 =	vld.idx.msk [tilespmem:v17+s23+$0x0], $0xffff;
	v1 =	vsub.s32 v1, v34  }
0x301: {  	vm1 =	vlt.s32 v0, v39;
	v9 =	vshll.u32 v3, $0x4;
	v0 =	vld [tilespmem:s17+$0xFFFFF9E0];
	vm2 =	vgt.s32 v1, $0x0  }
0x302: {  	vm1 =	vmand vm0, vm1;
	v5 =	vld [tilespmem:s19+$0xFFFFFFE0];
	v1 =	vnsel vm2, $0x0, v1  }
0x303: {  	v33 =	vld [tilespmem:s19+$0xFFFFFFF0];
	v16 =	vmin.u32 v1, $0x270F  }
0x304: {  	s24 =	simm.s32 $0x10;
	v8 =	vor.u32 $0x1, v17;
	v37 =	vld [tilespmem:s19+$0x0]  }
0x305: {  	v2 =	vor.u32 s24, v35;
	v3 =	vadd.s32 v32, v3;
	v22 =	vor.u32 $0x2, v17;
	v13 =	vld [tilespmem:s19+$0x10]  }
0x306: {  	s24 =	simm.s32 $0x30;
	v12 =	vshll.u32 v2, $0x4;
	v2 =	vadd.s32 v32, v2;
	v19 =	vld.idx.msk [tilespmem:v9+s23+$0x0], $0xffff;
	v0 =	vmul.f32 v4, v0  }
0x307: {  	v11 =	vor.u32 s24, v35;
	vm5 =	vge.s32 v3, v36;
	vm6 =	vlt.s32 v3, v39;
	v21 =	vld [tilespmem:s17+$0xFFFFF9B0]  }
0x308: {  	v14 =	vshll.u32 v11, $0x4;
	vm0 =	vge.s32 v2, v36;
	v1 =	vor.u32 s18, v35;
	[tilespmem:v16+s4+$0x0] =	vst.idx.add.f32.msk vm1, v0  }
0x309: {  	vm3 =	vlt.s32 v2, v39;
	v4 =	vadd.s32 v32, v11;
	v10 =	vshll.u32 v1, $0x4;
	v0 =	vld.idx.msk [tilespmem:v8+s23+$0x0], $0xffff  }
0x30a: {  	v2 =	vsub.s32 v5, v34;
	v3 =	vsub.s32 v33, v34;
	v38 =	vsub.s32 v13, v34;
	v5 =	vld [tilespmem:s17+$0xFFFFFB70]  }
0x30b: {  	v23 =	vld [tilespmem:s17+$0xFFFFF9A0];
	vm7 =	vlt.s32 v4, v39;
	vm4 =	vgt.s32 v2, $0x0;
	vm8 =	vgt.s32 v3, $0x0  }
0x30c: {  	v18 =	vld.idx.msk [tilespmem:v12+s23+$0x0], $0xffff;
	vm2 =	vge.s32 v4, v36;
	v4 =	vsub.s32 v37, v34;
	v11 =	vadd.s32 $0x2710, v16  }
0x30d: {  	v40 =	vld.idx.msk [tilespmem:v14+s23+$0x0], $0xffff;
	v2 =	vnsel vm4, $0x0, v2;
	v3 =	vnsel vm8, $0x0, v3;
	v1 =	vadd.s32 v32, v1  }
0x30e: {  	vm4 =	vmand vm0, vm3;
	vm13 =	vge.s32 v1, v36;
	vm11 =	vlt.s32 v1, v39;
	v20 =	vld.idx.msk [tilespmem:v10+s23+$0x0], $0xffff  }
0x30f: {  	v15 =	vmin.u32 v3, $0x270F;
	v1 =	vld [tilespmem:s17+$0xFFFFF9C0];
	vm3 =	vmand vm13, vm11;
	v0 =	vmul.f32 v0, v5  }
0x310: {  	vm10 =	vgt.s32 v38, $0x0;
	vm9 =	vgt.s32 v4, $0x0;
	v8 =	vmin.u32 v2, $0x270F;
	v2 =	vld [tilespmem:s17+$0xFFFFF9D0]  }
0x311: {  	vm0 =	vmand vm5, vm6;
	v3 =	vnsel vm9, $0x0, v4;
	v5 =	vor.u32 $0x1, v12;
	[tilespmem:v11+s4+$0x0] =	vst.idx.add.f32.msk vm1, v0  }
0x312: {  	v4 =	vnsel vm10, $0x0, v38;
	v13 =	vmin.u32 v3, $0x270F;
	v0 =	vmul.f32 v18, v21;
	v3 =	vld.idx.msk [tilespmem:v22+s23+$0x0], $0xffff  }
0x313: {  	vm2 =	vmand vm2, vm7;
	v11 =	vmin.u32 v4, $0x270F;
	v4 =	vmul.f32 v20, v23;
	v41 =	vld [tilespmem:s17+$0xFFFFFD00]  }
0x314: {  	[tilespmem:v15+s4+$0x0] =	vst.idx.add.f32.msk vm4, v0  }
0x315: {  	v18 =	vor.u32 $0x1, v9;
	[tilespmem:v8+s4+$0x0] =	vst.idx.add.f32.msk vm3, v4  }
0x316: {  	v0 =	vmul.f32 v19, v1;
	v4 =	vld.idx.msk [tilespmem:v5+s23+$0x0], $0xffff  }
0x317: {  	v1 =	vmul.f32 v40, v2;
	v2 =	vadd.s32 $0x4E20, v16;
	v43 =	vld [tilespmem:s17+$0xFFFFFB40]  }
0x318: {  	[tilespmem:v13+s4+$0x0] =	vst.idx.add.f32.msk vm0, v0;
	v0 =	vor.u32 $0x3, v17  }
0x319: {  	[tilespmem:v11+s4+$0x0] =	vst.idx.add.f32.msk vm2, v1  }
0x31a: {  	v42 =	vld.idx.msk [tilespmem:v18+s23+$0x0], $0xffff;
	v3 =	vmul.f32 v3, v41  }
0x31b: {  	v5 =	vor.u32 $0x1, v10;
	v19 =	vld [tilespmem:s17+$0xFFFFFB50]  }
0x31c: {  	v1 =	vor.u32 $0x1, v14;
	[tilespmem:v2+s4+$0x0] =	vst.idx.add.f32.msk vm1, v3  }
0x31d: {  	v0 =	vld.idx.msk [tilespmem:v0+s23+$0x0], $0xffff  }
0x31e: {  	v20 =	vadd.s32 $0x2710, v15;
	v2 =	vld [tilespmem:s17+$0xFFFFFE90]  }
0x31f: {  	v21 =	vld [tilespmem:s17+$0xFFFFFB60]  }
0x320: {  	v3 =	vld.idx.msk [tilespmem:v5+s23+$0x0], $0xffff;
	v5 =	vadd.s32 $0x7530, v16  }
0x321: {  	v18 =	vor.u32 $0x4, v17;
	v4 =	vmul.f32 v4, v43;
	v1 =	vld.idx.msk [tilespmem:v1+s23+$0x0], $0xffff  }
0x322: {  	v22 =	vld [tilespmem:s17+$0xFFFFFB30]  }
0x323: {  	v23 =	vadd.s32 $0x2710, v11;
	[tilespmem:v20+s4+$0x0] =	vst.idx.add.f32.msk vm4, v4;
	v0 =	vmul.f32 v0, v2  }
0x324: {  	v46 =	vld [tilespmem:s17+$0xFFFFFCD0];
	v2 =	vadd.s32 $0x2710, v13  }
0x325: {  	v6 =	vmul.f32 v42, v19;
	v19 =	vor.u32 $0x2, v9;
	[tilespmem:v5+s4+$0x0] =	vst.idx.add.f32.msk vm1, v0  }
0x326: {  	v1 =	vmul.f32 v1, v21;
	v5 =	vld.idx.msk [tilespmem:v18+s23+$0x0], $0xffff  }
0x327: {  	v0 =	vadd.s32 $0x2710, v8;
	v18 =	vld [tilespmem:s17+$0x20]  }
0x328: {  	v4 =	vor.u32 $0x2, v14;
	[tilespmem:v23+s4+$0x0] =	vst.idx.add.f32.msk vm2, v1  }
0x329: {  	v44 =	vor.u32 $0x2, v12;
	[tilespmem:v2+s4+$0x0] =	vst.idx.add.f32.msk vm0, v6  }
0x32a: {  	v3 =	vmul.f32 v3, v22;
	v1 =	vld.idx.msk [tilespmem:v19+s23+$0x0], $0xffff  }
0x32b: {  	v19 =	vld [tilespmem:s17+$0xFFFFFCE0]  }
0x32c: {  	v2 =	vor.u32 $0x2, v10;
	[tilespmem:v0+s4+$0x0] =	vst.idx.add.f32.msk vm3, v3  }
0x32d: {  	v3 =	vld.idx.msk [tilespmem:v4+s23+$0x0], $0xffff;
	v4 =	vadd.s32 $0x9C40, v16  }
0x32e: {  	v45 =	vor.u32 $0x5, v17;
	v0 =	vld.idx.msk [tilespmem:v44+s23+$0x0], $0xffff  }
0x32f: {  	v5 =	vmul.f32 v5, v18;
	v18 =	vld [tilespmem:s17+$0xFFFFFCF0]  }
0x330: {  	v21 =	vadd.s32 $0x4E20, v13;
	v22 =	vld [tilespmem:s17+$0xFFFFFCC0]  }
0x331: {  	v20 =	vadd.s32 $0x4E20, v15;
	v2 =	vld.idx.msk [tilespmem:v2+s23+$0x0], $0xffff  }
0x332: {  	[tilespmem:v4+s4+$0x0] =	vst.idx.add.f32.msk vm1, v5  }
0x333: {  	v23 =	vadd.s32 $0x4E20, v11;
	v1 =	vmul.f32 v1, v19;
	v5 =	vld.idx.msk [tilespmem:v45+s23+$0x0], $0xffff  }
0x334: {  	v47 =	vor.u32 $0x3, v12;
	vm3 =	vmmov vm3;
	v0 =	vmul.f32 v0, v46;
	v48 =	vld [tilespmem:s17+$0x1B0]  }
0x335: {  	v4 =	vadd.s32 $0x4E20, v8;
	[tilespmem:v21+s4+$0x0] =	vst.idx.add.f32.msk vm0, v1  }
0x336: {  	v19 =	vor.u32 $0x3, v9;
	[tilespmem:v20+s4+$0x0] =	vst.idx.add.f32.msk vm4, v0;
	v0 =	vmul.f32 v3, v18  }
0x337: {  	v18 =	vld [tilespmem:s17+$0xFFFFFE60]  }
0x338: {  	v2 =	vmul.f32 v2, v22;
	[tilespmem:v23+s4+$0x0] =	vst.idx.add.f32.msk vm2, v0  }
0x339: {  	v1 =	vor.u32 $0x3, v10;
	v0 =	vld.idx.msk [tilespmem:v47+s23+$0x0], $0xffff  }
0x33a: {  	[tilespmem:v4+s4+$0x0] =	vst.idx.add.f32.msk vm3, v2  }
0x33b: {  	v3 =	vor.u32 $0x3, v14;
	v2 =	vld.idx.msk [tilespmem:v19+s23+$0x0], $0xffff  }
0x33c: {  	v4 =	vadd.s32 $0xC350, v16;
	v19 =	vld [tilespmem:s17+$0xFFFFFE70]  }
0x33d: {  	v49 =	vor.u32 $0x6, v17;
	v50 =	vld [tilespmem:s17+$0xFFFFFE80]  }
0x33e: {  	v1 =	vld.idx.msk [tilespmem:v1+s23+$0x0], $0xffff  }
0x33f: {  	v20 =	vadd.s32 $0x7530, v15;
	v5 =	vmul.f32 v5, v48;
	v22 =	vld [tilespmem:s17+$0xFFFFFE50]  }
0x340: {  	v21 =	vadd.s32 $0x7530, v13;
	v3 =	vld.idx.msk [tilespmem:v3+s23+$0x0], $0xffff  }
0x341: {  	[tilespmem:v4+s4+$0x0] =	vst.idx.add.f32.msk vm1, v5  }
0x342: {  	v23 =	vadd.s32 $0x7530, v11;
	v0 =	vmul.f32 v0, v18;
	v5 =	vld.idx.msk [tilespmem:v49+s23+$0x0], $0xffff  }
0x343: {  	v51 =	vor.u32 $0x4, v12;
	v2 =	vmul.f32 v2, v19;
	v18 =	vld [tilespmem:s17+$0x340]  }
0x344: {  	v4 =	vadd.s32 $0x7530, v8;
	[tilespmem:v20+s4+$0x0] =	vst.idx.add.f32.msk vm4, v0  }
0x345: {  	v19 =	vor.u32 $0x4, v9;
	v0 =	vmul.f32 v3, v50;
	[tilespmem:v21+s4+$0x0] =	vst.idx.add.f32.msk vm0, v2  }
0x346: {  	v53 =	vld [tilespmem:s17+$0xFFFFFFF0]  }
0x347: {  	v1 =	vmul.f32 v1, v22;
	[tilespmem:v23+s4+$0x0] =	vst.idx.add.f32.msk vm2, v0  }
0x348: {  	v0 =	vld.idx.msk [tilespmem:v51+s23+$0x0], $0xffff  }
0x349: {  	v3 =	vor.u32 $0x4, v14;
	[tilespmem:v4+s4+$0x0] =	vst.idx.add.f32.msk vm3, v1  }
0x34a: {  	v2 =	vor.u32 $0x4, v10;
	v1 =	vld.idx.msk [tilespmem:v19+s23+$0x0], $0xffff  }
0x34b: {  	v4 =	vadd.s32 $0xEA60, v16;
	v19 =	vld [tilespmem:s17+$0x0]  }
0x34c: {  	v52 =	vor.u32 $0x7, v17;
	v5 =	vmul.f32 v5, v18;
	v18 =	vld [tilespmem:s17+$0x10]  }
0x34d: {  	v22 =	vld [tilespmem:s17+$0xFFFFFFE0]  }
0x34e: {  	v20 =	vadd.s32 $0x9C40, v15;
	v3 =	vld.idx.msk [tilespmem:v3+s23+$0x0], $0xffff  }
0x34f: {  	v21 =	vadd.s32 $0x9C40, v13;
	v2 =	vld.idx.msk [tilespmem:v2+s23+$0x0], $0xffff  }
0x350: {  	[tilespmem:v4+s4+$0x0] =	vst.idx.add.f32.msk vm1, v5  }
0x351: {  	v0 =	vmul.f32 v0, v53;
	v5 =	vld.idx.msk [tilespmem:v52+s23+$0x0], $0xffff  }
0x352: {  	v23 =	vadd.s32 $0x9C40, v11;
	v1 =	vmul.f32 v1, v19;
	v55 =	vld [tilespmem:s17+$0x4D0]  }
0x353: {  	v54 =	vor.u32 $0x5, v12;
	[tilespmem:v20+s4+$0x0] =	vst.idx.add.f32.msk vm4, v0  }
0x354: {  	v4 =	vadd.s32 $0x9C40, v8;
	[tilespmem:v21+s4+$0x0] =	vst.idx.add.f32.msk vm0, v1  }
0x355: {  	v56 =	vor.u32 $0x8, v17;
	v19 =	vor.u32 $0x5, v9;
	v0 =	vmul.f32 v3, v18;
	v17 =	vld [tilespmem:s17+$0x180]  }
0x356: {  	v18 =	vld [tilespmem:s17+$0x190]  }
0x357: {  	v2 =	vmul.f32 v2, v22;
	[tilespmem:v23+s4+$0x0] =	vst.idx.add.f32.msk vm2, v0  }
0x358: {  	v3 =	vor.u32 $0x5, v14;
	v0 =	vld.idx.msk [tilespmem:v54+s23+$0x0], $0xffff  }
0x359: {  	v1 =	vor.u32 $0x5, v10;
	[tilespmem:v4+s4+$0x0] =	vst.idx.add.f32.msk vm3, v2  }
0x35a: {  	v2 =	vld.idx.msk [tilespmem:v19+s23+$0x0], $0xffff;
	v4 =	vadd.s32 $0x11170, v16  }
0x35b: {  	v57 =	vld [tilespmem:s17+$0x1A0]  }
0x35c: {  	v21 =	vld [tilespmem:s17+$0x170]  }
0x35d: {  	v19 =	vadd.s32 $0xC350, v15;
	v5 =	vmul.f32 v5, v55;
	v3 =	vld.idx.msk [tilespmem:v3+s23+$0x0], $0xffff  }
0x35e: {  	v20 =	vadd.s32 $0xC350, v13;
	v1 =	vld.idx.msk [tilespmem:v1+s23+$0x0], $0xffff  }
0x35f: {  	[tilespmem:v4+s4+$0x0] =	vst.idx.add.f32.msk vm1, v5  }
0x360: {  	v22 =	vadd.s32 $0xC350, v11;
	v0 =	vmul.f32 v0, v17;
	v5 =	vld.idx.msk [tilespmem:v56+s23+$0x0], $0xffff  }
0x361: {  	v58 =	vor.u32 $0x6, v12;
	v2 =	vmul.f32 v2, v18;
	v17 =	vld [tilespmem:s17+$0x660]  }
0x362: {  	v4 =	vadd.s32 $0xC350, v8;
	[tilespmem:v19+s4+$0x0] =	vst.idx.add.f32.msk vm4, v0  }
0x363: {  	v18 =	vor.u32 $0x6, v9;
	v0 =	vmul.f32 v3, v57;
	[tilespmem:v20+s4+$0x0] =	vst.idx.add.f32.msk vm0, v2  }
0x364: {  	v60 =	vld [tilespmem:s17+$0x320]  }
0x365: {  	v1 =	vmul.f32 v1, v21;
	[tilespmem:v22+s4+$0x0] =	vst.idx.add.f32.msk vm2, v0  }
0x366: {  	v0 =	vld.idx.msk [tilespmem:v58+s23+$0x0], $0xffff  }
0x367: {  	v3 =	vor.u32 $0x6, v14;
	[tilespmem:v4+s4+$0x0] =	vst.idx.add.f32.msk vm3, v1  }
0x368: {  	v2 =	vor.u32 $0x6, v10;
	v1 =	vld.idx.msk [tilespmem:v18+s23+$0x0], $0xffff  }
0x369: {  	v4 =	vld [tilespmem:s17+$0x310]  }
0x36a: {  	v18 =	vld [tilespmem:s17+$0x330]  }
0x36b: {  	v59 =	vadd.s32 $0x13880, v16;
	v20 =	vld [tilespmem:s17+$0x300]  }
0x36c: {  	v16 =	vadd.s32 $0xEA60, v15;
	v3 =	vld.idx.msk [tilespmem:v3+s23+$0x0], $0xffff  }
0x36d: {  	v19 =	vadd.s32 $0xEA60, v13;
	v2 =	vld.idx.msk [tilespmem:v2+s23+$0x0], $0xffff  }
0x36e: {  	v21 =	vadd.s32 $0xEA60, v11;
	v5 =	vmul.f32 v5, v17  }
0x36f: {  	v17 =	vadd.s32 $0xEA60, v8;
	v0 =	vmul.f32 v0, v4  }
0x370: {  	[tilespmem:v59+s4+$0x0] =	vst.idx.add.f32.msk vm1, v5;
	v5 =	vor.u32 $0x7, v9;
	v1 =	vmul.f32 v1, v60  }
0x371: {  	[tilespmem:v16+s4+$0x0] =	vst.idx.add.f32.msk vm4, v0;
	v0 =	vmul.f32 v3, v18  }
0x372: {  	v4 =	vor.u32 $0x7, v12;
	v2 =	vmul.f32 v2, v20;
	[tilespmem:v19+s4+$0x0] =	vst.idx.add.f32.msk vm0, v1  }
0x373: {  	v3 =	vor.u32 $0x7, v14;
	[tilespmem:v21+s4+$0x0] =	vst.idx.add.f32.msk vm2, v0  }
0x374: {  	v1 =	vor.u32 $0x7, v10;
	[tilespmem:v17+s4+$0x0] =	vst.idx.add.f32.msk vm3, v2  }
0x375: {  	s18 =	simm.s32 $0x60;
	v2 =	vld.idx.msk [tilespmem:v5+s23+$0x0], $0xffff  }
0x376: {  	v62 =	vor.u32 s18, v35;
	v5 =	vld [tilespmem:s17+$0x4B0]  }
0x377: {  	v16 =	vshll.u32 v62, $0x4;
	v0 =	vld.idx.msk [tilespmem:v4+s23+$0x0], $0xffff  }
0x378: {  	s25 =	simm.s32 $0x90;
	v19 =	vld.idx.msk [tilespmem:v3+s23+$0x0], $0xffff  }
0x379: {  	v18 =	vld.idx.msk [tilespmem:v1+s23+$0x0], $0xffff;
	v1 =	vor.u32 s25, v35;
	s25 =	simm.s32 $0x1DB70  }
0x37a: {  	v3 =	vld [tilespmem:s25+$0x20]  }
0x37b: {  	v4 =	vld [tilespmem:s17+$0x4A0];
	v25 =	vshll.u32 v1, $0x4  }
0x37c: {  	s19 =	simm.s32 $0x70;
	v63 =	vld.idx.msk [tilespmem:v16+s23+$0x0], $0xffff  }
0x37d: {  	vm7 =	vmmov vm4;
	v22 =	vor.u32 s19, v35;
	v23 =	vld [tilespmem:s25+$0xFFFFFFE0]  }
0x37e: {  	s14 =	simm.s32 $0x17450;
	v61 =	vadd.s32 $0x11170, v15;
	v17 =	vshll.u32 v22, $0x4;
	v26 =	vld [tilespmem:s25+$0xFFFFFFF0];
	v1 =	vadd.s32 v32, v1  }
0x37f: {  	s20 =	simm.s32 $0x80;
	vm1 =	vge.s32 v1, v36;
	vm5 =	vlt.s32 v1, v39;
	v1 =	vld [tilespmem:s14+$0xFFFFF9E0];
	v3 =	vsub.s32 v3, v34  }
0x380: {  	v24 =	vor.u32 s20, v35;
	s24 =	simm.s32 $0x50;
	v28 =	vld.idx.msk [tilespmem:v25+s23+$0x0], $0xffff;
	vm6 =	vgt.s32 v3, $0x0  }
0x381: {  	v30 =	vor.u32 s24, v35;
	v29 =	vld [tilespmem:s25+$0x0];
	vm9 =	vmand vm1, vm5;
	v3 =	vnsel vm6, $0x0, v3  }
0x382: {  	v20 =	vshll.u32 v24, $0x4;
	v0 =	vmul.f32 v0, v4;
	v4 =	vld [tilespmem:s25+$0x10];
	[tilespmem:$0x1FDF0] =	vst v32;
	v27 =	vmin.u32 v3, $0x270F  }
0x383: {  	v24 =	vadd.s32 v32, v24;
	v22 =	vadd.s32 v32, v22;
	v31 =	vor.u32 $0x1, v25;
	v37 =	vld.idx.msk [tilespmem:v17+s23+$0x0], $0xffff  }
0x384: {  	v21 =	vshll.u32 v30, $0x4;
	vm10 =	vlt.s32 v22, v39;
	[tilespmem:v61+s4+$0x0] =	vst.idx.add.f32.msk vm7, v0;
	vm6 =	vge.s32 v22, v36  }
0x385: {  	v33 =	vld [tilespmem:s14+$0xFFFFF9C0];
	v22 =	vsub.s32 v26, v34;
	v3 =	vadd.s32 v32, v62;
	v1 =	vmul.f32 v28, v1  }
0x386: {  	vm11 =	vgt.s32 v22, $0x0;
	vm4 =	vge.s32 v3, v36;
	vm5 =	vlt.s32 v3, v39;
	v28 =	vld [tilespmem:s14+$0xFFFFF9B0]  }
0x387: {  	vm8 =	vlt.s32 v24, v39;
	v22 =	vnsel vm11, $0x0, v22;
	vm4 =	vmand vm4, vm5;
	[tilespmem:v27+s4+$0x0] =	vst.idx.add.f32.msk vm9, v1  }
0x388: {  	v30 =	vadd.s32 v32, v30;
	vm1 =	vge.s32 v24, v36;
	v22 =	vmin.u32 v22, $0x270F;
	v24 =	vld.idx.msk [tilespmem:v31+s23+$0x0], $0xffff  }
0x389: {  	v40 =	vor.u32 $0x1, v16;
	vm11 =	vge.s32 v30, v36;
	v26 =	vld [tilespmem:s14+$0xFFFFFB70]  }
0x38a: {  	v3 =	vld.idx.msk [tilespmem:v20+s23+$0x0], $0xffff;
	v38 =	vadd.s32 $0x2710, v27;
	v1 =	vsub.s32 v23, v34;
	v23 =	vsub.s32 v29, v34  }
0x38b: {  	v29 =	vld.idx.msk [tilespmem:v21+s23+$0x0], $0xffff;
	vm12 =	vgt.s32 v1, $0x0;
	vm5 =	vgt.s32 v23, $0x0;
	v7 =	vmul.f32 v63, v28  }
0x38c: {  	v31 =	vor.u32 $0x2, v25;
	v1 =	vnsel vm12, $0x0, v1;
	vm12 =	vlt.s32 v30, v39;
	v30 =	vld [tilespmem:s14+$0xFFFFF9A0]  }
0x38d: {  	v4 =	vsub.s32 v4, v34;
	vm6 =	vmand vm6, vm10;
	v0 =	vnsel vm5, $0x0, v23;
	[tilespmem:v22+s4+$0x0] =	vst.idx.add.f32.msk vm4, v7  }
0x38e: {  	vm5 =	vmand vm11, vm12;
	v0 =	vmin.u32 v0, $0x270F;
	v6 =	vld.idx.msk [tilespmem:v40+s23+$0x0], $0xffff;
	v24 =	vmul.f32 v24, v26  }
0x38f: {  	vm14 =	vgt.s32 v4, $0x0;
	v23 =	vmin.u32 v1, $0x270F;
	v26 =	vld [tilespmem:s14+$0xFFFFF9D0]  }
0x390: {  	vm1 =	vmand vm1, vm8;
	v1 =	vnsel vm14, $0x0, v4;
	[tilespmem:v38+s4+$0x0] =	vst.idx.add.f32.msk vm9, v24  }
0x391: {  	v28 =	vmul.f32 v37, v33;
	v1 =	vmin.u32 v1, $0x270F;
	v41 =	vld.idx.msk [tilespmem:v31+s23+$0x0], $0xffff  }
0x392: {  	v4 =	vmul.f32 v29, v30;
	v24 =	vor.u32 $0x1, v17;
	v29 =	vld [tilespmem:s14+$0xFFFFFD00]  }
0x393: {  	[tilespmem:v0+s4+$0x0] =	vst.idx.add.f32.msk vm6, v28  }
0x394: {  	[tilespmem:v23+s4+$0x0] =	vst.idx.add.f32.msk vm5, v4;
	v4 =	vadd.s32 $0x4E20, v27;
	v3 =	vmul.f32 v3, v26  }
0x395: {  	v31 =	vld [tilespmem:s14+$0xFFFFFB50]  }
0x396: {  	[tilespmem:v1+s4+$0x0] =	vst.idx.add.f32.msk vm1, v3;
	v3 =	vor.u32 $0x3, v25  }
0x397: {  	v30 =	vor.u32 $0x1, v20;
	v24 =	vld.idx.msk [tilespmem:v24+s23+$0x0], $0xffff;
	v7 =	vmul.f32 v41, v29  }
0x398: {  	v29 =	vld [tilespmem:s14+$0xFFFFFB40]  }
0x399: {  	v26 =	vor.u32 $0x1, v21;
	[tilespmem:v4+s4+$0x0] =	vst.idx.add.f32.msk vm9, v7  }
0x39a: {  	v4 =	vadd.s32 $0x11170, v13;
	v7 =	vld [tilespmem:s14+$0xFFFFFE90]  }
0x39b: {  	v3 =	vld.idx.msk [tilespmem:v3+s23+$0x0], $0xffff  }
0x39c: {  	v43 =	vadd.s32 $0x2710, v22;
	v28 =	vld.idx.msk [tilespmem:v30+s23+$0x0], $0xffff  }
0x39d: {  	v2 =	vmul.f32 v2, v5;
	v30 =	vadd.s32 $0x7530, v27;
	v5 =	vld [tilespmem:s14+$0xFFFFFB60]  }
0x39e: {  	v42 =	vor.u32 $0x4, v25;
	v26 =	vld.idx.msk [tilespmem:v26+s23+$0x0], $0xffff  }
0x39f: {  	v6 =	vmul.f32 v6, v29;
	[tilespmem:v4+s4+$0x0] =	vst.idx.add.f32.msk vm0, v2  }
0x3a0: {  	v2 =	vadd.s32 $0x2710, v0;
	v4 =	vld [tilespmem:s14+$0xFFFFFB30];
	v3 =	vmul.f32 v3, v7  }
0x3a1: {  	[tilespmem:v43+s4+$0x0] =	vst.idx.add.f32.msk vm4, v6  }
0x3a2: {  	[tilespmem:v30+s4+$0x0] =	vst.idx.add.f32.msk vm9, v3;
	v3 =	vadd.s32 $0x2710, v1  }
0x3a3: {  	v24 =	vmul.f32 v24, v31;
	v5 =	vmul.f32 v28, v5;
	v28 =	vor.u32 $0x2, v17;
	v29 =	vld.idx.msk [tilespmem:v42+s23+$0x0], $0xffff  }
0x3a4: {  	v30 =	vadd.s32 $0x2710, v23;
	v31 =	vld [tilespmem:s14+$0x20]  }
0x3a5: {  	v44 =	vor.u32 $0x2, v16;
	[tilespmem:v2+s4+$0x0] =	vst.idx.add.f32.msk vm6, v24  }
0x3a6: {  	v4 =	vmul.f32 v26, v4;
	v2 =	vadd.s32 $0x9C40, v27;
	v26 =	vld [tilespmem:s14+$0xFFFFFCD0]  }
0x3a7: {  	[tilespmem:v3+s4+$0x0] =	vst.idx.add.f32.msk vm1, v5;
	v3 =	vor.u32 $0x5, v25  }
0x3a8: {  	v24 =	vld.idx.msk [tilespmem:v28+s23+$0x0], $0xffff  }
0x3a9: {  	v46 =	vor.u32 $0x2, v21;
	[tilespmem:v30+s4+$0x0] =	vst.idx.add.f32.msk vm5, v4;
	v45 =	vmul.f32 v29, v31  }
0x3aa: {  	v5 =	vld.idx.msk [tilespmem:v44+s23+$0x0], $0xffff  }
0x3ab: {  	[tilespmem:v2+s4+$0x0] =	vst.idx.add.f32.msk vm9, v45  }
0x3ac: {  	v4 =	vor.u32 $0x2, v20;
	v2 =	vld.idx.msk [tilespmem:v3+s23+$0x0], $0xffff  }
0x3ad: {  	v30 =	vadd.s32 $0x4E20, v22;
	v3 =	vld [tilespmem:s14+$0x1B0]  }
0x3ae: {  	v47 =	vld.idx.msk [tilespmem:v46+s23+$0x0], $0xffff  }
0x3af: {  	v48 =	vadd.s32 $0xC350, v27;
	v29 =	vld [tilespmem:s14+$0xFFFFFCE0]  }
0x3b0: {  	v31 =	vld [tilespmem:s14+$0xFFFFFCF0];
	v5 =	vmul.f32 v5, v26  }
0x3b1: {  	v49 =	vadd.s32 $0x4E20, v0;
	v4 =	vld.idx.msk [tilespmem:v4+s23+$0x0], $0xffff  }
0x3b2: {  	v28 =	vor.u32 $0x6, v25;
	[tilespmem:v30+s4+$0x0] =	vst.idx.add.f32.msk vm4, v5;
	v2 =	vmul.f32 v2, v3  }
0x3b3: {  	v3 =	vld [tilespmem:s14+$0xFFFFFCC0]  }
0x3b4: {  	v24 =	vmul.f32 v24, v29;
	[tilespmem:v48+s4+$0x0] =	vst.idx.add.f32.msk vm9, v2;
	v2 =	vadd.s32 $0x4E20, v1  }
0x3b5: {  	v26 =	vadd.s32 $0x4E20, v23;
	v5 =	vld [tilespmem:s17+$0x4C0]  }
0x3b6: {  	v29 =	vor.u32 $0x3, v16;
	[tilespmem:v49+s4+$0x0] =	vst.idx.add.f32.msk vm6, v24  }
0x3b7: {  	v30 =	vor.u32 $0x3, v17;
	v4 =	vmul.f32 v4, v31;
	v7 =	vld.idx.msk [tilespmem:v28+s23+$0x0], $0xffff  }
0x3b8: {  	v28 =	vld [tilespmem:s14+$0x340];
	v3 =	vmul.f32 v47, v3  }
0x3b9: {  	[tilespmem:v2+s4+$0x0] =	vst.idx.add.f32.msk vm1, v4  }
0x3ba: {  	v50 =	vadd.s32 $0xEA60, v27;
	[tilespmem:v26+s4+$0x0] =	vst.idx.add.f32.msk vm5, v3  }
0x3bb: {  	v4 =	vld.idx.msk [tilespmem:v29+s23+$0x0], $0xffff  }
0x3bc: {  	v2 =	vor.u32 $0x7, v25;
	v26 =	vld.idx.msk [tilespmem:v30+s23+$0x0], $0xffff  }
0x3bd: {  	v24 =	vor.u32 $0x3, v21;
	v29 =	vld [tilespmem:s14+$0xFFFFFE70];
	v7 =	vmul.f32 v7, v28  }
0x3be: {  	v28 =	vld [tilespmem:s14+$0xFFFFFE60]  }
0x3bf: {  	[tilespmem:v50+s4+$0x0] =	vst.idx.add.f32.msk vm9, v7  }
0x3c0: {  	v3 =	vor.u32 $0x3, v20;
	v6 =	vld [tilespmem:s14+$0x4D0]  }
0x3c1: {  	v53 =	vadd.s32 $0x7530, v0;
	v2 =	vld.idx.msk [tilespmem:v2+s23+$0x0], $0xffff  }
0x3c2: {  	v30 =	vadd.s32 $0x7530, v22;
	v51 =	vld.idx.msk [tilespmem:v24+s23+$0x0], $0xffff  }
0x3c3: {  	v24 =	vadd.s32 $0x11170, v27;
	v52 =	vld [tilespmem:s14+$0xFFFFFE50]  }
0x3c4: {  	vm15 =	vmmov vm0;
	vm0 =	vmmov vm5;
	v31 =	vld [tilespmem:s14+$0xFFFFFE80];
	v26 =	vmul.f32 v26, v29  }
0x3c5: {  	vm2 =	vmmov vm2;
	v3 =	vld.idx.msk [tilespmem:v3+s23+$0x0], $0xffff;
	v4 =	vmul.f32 v4, v28;
	v28 =	vadd.s32 $0x7530, v23  }
0x3c6: {  	[tilespmem:v53+s4+$0x0] =	vst.idx.add.f32.msk vm6, v26;
	v26 =	vadd.s32 $0x11170, v11;
	v2 =	vmul.f32 v2, v6  }
0x3c7: {  	v25 =	vor.u32 $0x8, v25;
	[tilespmem:v30+s4+$0x0] =	vst.idx.add.f32.msk vm4, v4  }
0x3c8: {  	v6 =	vmul.f32 v51, v52;
	[tilespmem:v24+s4+$0x0] =	vst.idx.add.f32.msk vm9, v2  }
0x3c9: {  	v5 =	vmul.f32 v19, v5;
	v4 =	vor.u32 $0x4, v17;
	v2 =	vld [tilespmem:s17+$0x490]  }
0x3ca: {  	v54 =	vor.u32 $0x4, v21;
	[tilespmem:v28+s4+$0x0] =	vst.idx.add.f32.msk vm0, v6  }
0x3cb: {  	[tilespmem:v26+s4+$0x0] =	vst.idx.add.f32.msk vm2, v5  }
0x3cc: {  	v24 =	vadd.s32 $0x7530, v1;
	v25 =	vld.idx.msk [tilespmem:v25+s23+$0x0], $0xffff  }
0x3cd: {  	v29 =	vor.u32 $0x4, v16;
	v30 =	vld [tilespmem:s14+$0x660]  }
0x3ce: {  	v4 =	vld.idx.msk [tilespmem:v4+s23+$0x0], $0xffff  }
0x3cf: {  	v3 =	vmul.f32 v3, v31;
	v7 =	vld.idx.msk [tilespmem:v54+s23+$0x0], $0xffff  }
0x3d0: {  	v31 =	vor.u32 $0x4, v20;
	v19 =	vld [tilespmem:s14+$0xFFFFFFE0]  }
0x3d1: {  	[tilespmem:v24+s4+$0x0] =	vst.idx.add.f32.msk vm1, v3  }
0x3d2: {  	v3 =	vld.idx.msk [tilespmem:v29+s23+$0x0], $0xffff  }
0x3d3: {  	v28 =	vadd.s32 $0x11170, v8;
	v24 =	vadd.s32 $0x13880, v27;
	v27 =	vld [tilespmem:s14+$0xFFFFFFF0]  }
0x3d4: {  	v5 =	vadd.s32 $0x9C40, v23;
	v29 =	vld [tilespmem:s14+$0x0]  }
0x3d5: {  	v55 =	vld.idx.msk [tilespmem:v31+s23+$0x0], $0xffff;
	v31 =	vadd.s32 $0x9C40, v22  }
0x3d6: {  	v56 =	vadd.s32 $0x9C40, v0;
	v2 =	vmul.f32 v18, v2  }
0x3d7: {  	v25 =	vmul.f32 v25, v30;
	v30 =	vld [tilespmem:s14+$0x10];
	v57 =	vmul.f32 v7, v19  }
0x3d8: {  	v58 =	vor.u32 $0x5, v17;
	[tilespmem:v28+s4+$0x0] =	vst.idx.add.f32.msk vm3, v2;
	v3 =	vmul.f32 v3, v27  }
0x3d9: {  	v18 =	vadd.s32 $0x9C40, v1;
	[tilespmem:v5+s4+$0x0] =	vst.idx.add.f32.msk vm0, v57;
	v2 =	vmul.f32 v4, v29  }
0x3da: {  	[tilespmem:v31+s4+$0x0] =	vst.idx.add.f32.msk vm4, v3  }
0x3db: {  	v4 =	vor.u32 $0x5, v16;
	[tilespmem:v56+s4+$0x0] =	vst.idx.add.f32.msk vm6, v2  }
0x3dc: {  	v60 =	vor.u32 $0x8, v9;
	v3 =	vmul.f32 v55, v30;
	v59 =	vld [tilespmem:s14+$0x180]  }
0x3dd: {  	v7 =	vld.idx.msk [tilespmem:v58+s23+$0x0], $0xffff  }
0x3de: {  	v5 =	vor.u32 $0x5, v21;
	[tilespmem:v18+s4+$0x0] =	vst.idx.add.f32.msk vm1, v3  }
0x3df: {  	v18 =	vld [tilespmem:s14+$0x190]  }
0x3e0: {  	v3 =	vor.u32 $0x5, v20;
	v4 =	vld.idx.msk [tilespmem:v4+s23+$0x0], $0xffff  }
0x3e1: {  	v6 =	vld.idx.msk [tilespmem:v60+s23+$0x0], $0xffff;
	v19 =	vadd.s32 $0xC350, v0  }
0x3e2: {  	[tilespmem:v24+s4+$0x0] =	vst.idx.add.f32.msk vm9, v25;
	v2 =	vor.u32 $0x8, v12;
	v12 =	vadd.s32 $0xC350, v22  }
0x3e3: {  	v5 =	vld.idx.msk [tilespmem:v5+s23+$0x0], $0xffff  }
0x3e4: {  	v14 =	vor.u32 $0x8, v14;
	v9 =	vld [tilespmem:s14+$0x1A0];
	v7 =	vmul.f32 v7, v18  }
0x3e5: {  	v3 =	vld.idx.msk [tilespmem:v3+s23+$0x0], $0xffff;
	v4 =	vmul.f32 v4, v59  }
0x3e6: {  	[tilespmem:v19+s4+$0x0] =	vst.idx.add.f32.msk vm6, v7  }
0x3e7: {  	v19 =	vor.u32 $0x6, v16;
	[tilespmem:v12+s4+$0x0] =	vst.idx.add.f32.msk vm4, v4  }
0x3e8: {  	v4 =	vadd.s32 $0xC350, v1;
	v12 =	vld [tilespmem:s14+$0x170]  }
0x3e9: {  	v10 =	vor.u32 $0x8, v10;
	v24 =	vld.idx.msk [tilespmem:v14+s23+$0x0], $0xffff  }
0x3ea: {  	v61 =	vadd.s32 $0xC350, v23;
	v2 =	vld.idx.msk [tilespmem:v2+s23+$0x0], $0xffff  }
0x3eb: {  	v18 =	vld [tilespmem:s17+$0x630];
	v3 =	vmul.f32 v3, v9  }
0x3ec: {  	v9 =	vor.u32 $0x6, v17;
	v62 =	vld.idx.msk [tilespmem:v19+s23+$0x0], $0xffff  }
0x3ed: {  	v5 =	vmul.f32 v5, v12;
	[tilespmem:v4+s4+$0x0] =	vst.idx.add.f32.msk vm1, v3  }
0x3ee: {  	v3 =	vor.u32 $0x6, v20;
	v4 =	vld.idx.msk [tilespmem:v10+s23+$0x0], $0xffff  }
0x3ef: {  	[tilespmem:v61+s4+$0x0] =	vst.idx.add.f32.msk vm0, v5;
	v5 =	vadd.s32 $0x13880, v15  }
0x3f0: {  	v12 =	vld [tilespmem:s14+$0x310]  }
0x3f1: {  	v9 =	vld.idx.msk [tilespmem:v9+s23+$0x0], $0xffff  }
0x3f2: {  	v2 =	vmul.f32 v2, v18;
	v10 =	vor.u32 $0x6, v21;
	v15 =	vld [tilespmem:s14+$0x320]  }
0x3f3: {  	v3 =	vld.idx.msk [tilespmem:v3+s23+$0x0], $0xffff  }
0x3f4: {  	v14 =	vadd.s32 $0xEA60, v22;
	[tilespmem:v5+s4+$0x0] =	vst.idx.add.f32.msk vm7, v2  }
0x3f5: {  	v5 =	vld [tilespmem:s14+$0x330]  }
0x3f6: {  	v18 =	vld [tilespmem:s14+$0x300];
	v2 =	vadd.s32 $0xEA60, v0  }
0x3f7: {  	v10 =	vld.idx.msk [tilespmem:v10+s23+$0x0], $0xffff;
	v7 =	vmul.f32 v62, v12;
	v12 =	vadd.s32 $0xEA60, v1  }
0x3f8: {  	v26 =	vld [tilespmem:s17+$0x650]  }
0x3f9: {  	v63 =	vadd.s32 $0xEA60, v23;
	v9 =	vmul.f32 v9, v15;
	[tilespmem:v14+s4+$0x0] =	vst.idx.add.f32.msk vm4, v7  }
0x3fa: {  	v14 =	vld [tilespmem:s17+$0x640];
	v3 =	vmul.f32 v3, v5;
	v5 =	vor.u32 $0x7, v16  }
0x3fb: {  	[tilespmem:v2+s4+$0x0] =	vst.idx.add.f32.msk vm6, v9;
	v9 =	vor.u32 $0x7, v17  }
0x3fc: {  	v2 =	vmul.f32 v10, v18;
	[tilespmem:v12+s4+$0x0] =	vst.idx.add.f32.msk vm1, v3;
	v3 =	vor.u32 $0x7, v21  }
0x3fd: {  	v29 =	vld [tilespmem:s17+$0x620];
	v10 =	vor.u32 $0x7, v20  }
0x3fe: {  	v12 =	vadd.s32 $0x13880, v13;
	[tilespmem:v63+s4+$0x0] =	vst.idx.add.f32.msk vm0, v2  }
0x3ff: {  	v2 =	vld.idx.msk [tilespmem:v5+s23+$0x0], $0xffff  }
0x400: {  	v25 =	vld.idx.msk [tilespmem:v9+s23+$0x0], $0xffff  }
0x401: {  	v5 =	vmul.f32 v6, v14;
	v28 =	vld.idx.msk [tilespmem:v3+s23+$0x0], $0xffff;
	v3 =	vadd.s32 $0x11170, v0  }
0x402: {  	v48 =	vadd.s32 $0x11170, v22;
	vm5 =	vmmov vm3;
	v11 =	vadd.s32 $0x13880, v11;
	v27 =	vld.idx.msk [tilespmem:v10+s23+$0x0], $0xffff;
	[tilespmem:$0x1FE00] =	vst v3  }
0x403: {  	vm3 =	vmmov vm4;
	v19 =	vor.u32 $0x8, v16;
	v15 =	vor.u32 $0x8, v17;
	[tilespmem:v12+s4+$0x0] =	vst.idx.add.f32.msk vm15, v5  }
0x404: {  	vm4 =	vmmov vm6;
	v18 =	vadd.s32 $0x11170, v1;
	v16 =	vor.u32 $0x8, v20;
	v3 =	vld [tilespmem:s14+$0x4A0]  }
0x405: {  	v17 =	vor.u32 $0x8, v21;
	v20 =	vadd.s32 $0x13880, v23;
	v13 =	vadd.s32 $0x11170, v23;
	v38 =	vld [tilespmem:s14+$0x4B0]  }
0x406: {  	v10 =	vadd.s32 $0x13880, v8;
	v14 =	vadd.s32 $0x13880, v22;
	v22 =	vadd.s32 $0x13880, v1;
	v42 =	vld [tilespmem:s14+$0x4C0]  }
0x407: {  	s20 =	simm.s32 $0xA0;
	s19 =	simm.s32 $0x5;
	s17 =	simm.s32 $0x17450;
	v1 =	vmul.f32 v24, v26;
	v12 =	vadd.s32 $0x13880, v0;
	v0 =	vmul.f32 v4, v29;
	v43 =	vld [tilespmem:s14+$0x490]  }
.LBB2_24:
0x408: {  	s25 =	sadd.s32 $0x50, s25  }
0x409: {  	v5 =	vld [tilespmem:s25+$0x20]  }
0x40a: {  	v8 =	vld [tilespmem:s25+$0xFFFFFFF0]  }
0x40b: {  	[tilespmem:v11+s4+$0x0] =	vst.idx.add.f32.msk vm2, v1  }
0x40c: {  	v4 =	vor.u32 s20, v35;
	s24 =	sadd.s32 $0x40, s20;
	[tilespmem:v10+s4+$0x0] =	vst.idx.add.f32.msk vm5, v0  }
0x40d: {  	s18 =	sadd.s32 $0x10, s20;
	s14 =	sadd.s32 $0x50, s14;
	v2 =	vmul.f32 v2, v3;
	v1 =	vmovc v22;
	v22 =	vshll.u32 v4, $0x4;
	v3 =	vor.u32 s24, v35;
	v10 =	vld [tilespmem:$0x1FDF0]  }
0x40e: {  	v50 =	vld [tilespmem:s14+$0xFFFFF9B0];
	vm2 =	vmmov vm1;
	s24 =	sadd.s32 $0x30, s20;
	[tilespmem:$0x1FD80] =	vst v1;
	v1 =	vor.u32 s18, v35;
	v21 =	vshll.u32 v3, $0x4  }
0x40f: {  	v0 =	vmovc v20;
	s18 =	sadd.s32 $0x20, s20;
	v6 =	vld [tilespmem:s25+$0xFFFFFFE0];
	v7 =	vor.u32 s24, v35;
	v20 =	vshll.u32 v1, $0x4;
	v5 =	vsub.s32 v5, v34  }
0x410: {  	[tilespmem:$0x1FD50] =	vst v0;
	v32 =	vld [tilespmem:s14+$0xFFFFF9A0];
	v0 =	vor.u32 s18, v35;
	v56 =	vshll.u32 v7, $0x4;
	vm12 =	vgt.s32 v5, $0x0  }
0x411: {  	v63 =	vld [tilespmem:s14+$0xFFFFF9D0];
	v8 =	vsub.s32 v8, v34;
	v37 =	vshll.u32 v0, $0x4;
	v5 =	vnsel vm12, $0x0, v5  }
0x412: {  	vm12 =	vgt.s32 v8, $0x0;
	v1 =	vadd.s32 v10, v1;
	v0 =	vadd.s32 v10, v0;
	v11 =	vld.idx.msk [tilespmem:v22+s23+$0x0], $0xffff  }
0x413: {  	v9 =	vadd.s32 v10, v7;
	vm1 =	vge.s32 v0, v36;
	vm5 =	vlt.s32 v0, v39;
	v0 =	vld [tilespmem:s25+$0x10]  }
0x414: {  	v4 =	vadd.s32 v10, v4;
	v3 =	vadd.s32 v10, v3;
	v23 =	vmin.u32 v5, $0x270F;
	v49 =	vld.idx.msk [tilespmem:v21+s23+$0x0], $0xffff  }
0x415: {  	v10 =	vor.u32 $0x1, v21;
	vm8 =	vge.s32 v3, v36;
	vm9 =	vlt.s32 v3, v39;
	v3 =	vld [tilespmem:s14+$0xFFFFF9E0]  }
0x416: {  	vm6 =	vge.s32 v1, v36;
	vm7 =	vlt.s32 v1, v39;
	v1 =	vld [tilespmem:s25+$0x0];
	vm8 =	vmand vm8, vm9  }
0x417: {  	v8 =	vnsel vm12, $0x0, v8;
	vm10 =	vge.s32 v9, v36;
	vm11 =	vlt.s32 v9, v39;
	v9 =	vld.idx.msk [tilespmem:v20+s23+$0x0], $0xffff  }
0x418: {  	v6 =	vsub.s32 v6, v34;
	vm12 =	vlt.s32 v4, v39;
	v24 =	vmin.u32 v8, $0x270F;
	v5 =	vld.idx.msk [tilespmem:v56+s23+$0x0], $0xffff  }
0x419: {  	vm9 =	vgt.s32 v6, $0x0;
	vm7 =	vmand vm6, vm7;
	vm6 =	vmand vm1, vm5;
	[tilespmem:v48+s4+$0x0] =	vst.idx.add.f32.msk vm3, v2  }
0x41a: {  	v31 =	vld.idx.msk [tilespmem:v37+s23+$0x0], $0xffff;
	v6 =	vnsel vm9, $0x0, v6;
	v0 =	vsub.s32 v0, v34;
	v3 =	vmul.f32 v49, v3  }
0x41b: {  	[tilespmem:$0x1FCB0] =	vst v16;
	vm9 =	vge.s32 v4, v36;
	v4 =	vld [tilespmem:s14+$0xFFFFF9C0];
	v1 =	vsub.s32 v1, v34;
	vm14 =	vgt.s32 v0, $0x0  }
0x41c: {  	vm9 =	vmand vm9, vm12;
	vm13 =	vgt.s32 v1, $0x0;
	v0 =	vnsel vm14, $0x0, v0;
	[tilespmem:v23+s4+$0x0] =	vst.idx.add.f32.msk vm8, v3  }
0x41d: {  	[tilespmem:$0x1FC70] =	vst v18;
	v29 =	vmin.u32 v6, $0x270F;
	v1 =	vnsel vm13, $0x0, v1;
	v26 =	vmin.u32 v0, $0x270F;
	v0 =	vld.idx.msk [tilespmem:v10+s23+$0x0], $0xffff  }
0x41e: {  	[tilespmem:$0x1FC90] =	vst v15;
	vm1 =	vmand vm10, vm11;
	v62 =	vmul.f32 v9, v50;
	v30 =	vmin.u32 v1, $0x270F;
	v1 =	vld [tilespmem:s14+$0xFFFFFB70]  }
0x41f: {  	[tilespmem:$0x1FDE0] =	vst v12;
	v15 =	vld.idx.msk [tilespmem:v19+s23+$0x0], $0xffff;
	v49 =	vadd.s32 $0x2710, v23  }
0x420: {  	v3 =	vmul.f32 v11, v32;
	v18 =	vmul.f32 v31, v4;
	v4 =	vor.u32 $0x7, v56;
	[tilespmem:v24+s4+$0x0] =	vst.idx.add.f32.msk vm7, v62  }
0x421: {  	v40 =	vor.u32 $0x2, v21;
	[tilespmem:$0x1FDC0] =	vst v4  }
0x422: {  	v19 =	vmul.f32 v5, v63;
	[tilespmem:v29+s4+$0x0] =	vst.idx.add.f32.msk vm9, v3  }
0x423: {  	v0 =	vmul.f32 v0, v1;
	[tilespmem:v30+s4+$0x0] =	vst.idx.add.f32.msk vm6, v18  }
0x424: {  	[tilespmem:v26+s4+$0x0] =	vst.idx.add.f32.msk vm1, v19  }
0x425: {  	v8 =	vor.u32 $0x1, v20;
	v2 =	vadd.s32 $0xEA60, v26;
	[tilespmem:v49+s4+$0x0] =	vst.idx.add.f32.msk vm8, v0  }
0x426: {  	v3 =	vor.u32 $0x7, v37;
	[tilespmem:$0x1FD70] =	vst v2;
	v31 =	vld.idx.msk [tilespmem:v40+s23+$0x0], $0xffff  }
0x427: {  	[tilespmem:$0x1FDB0] =	vst v3;
	v0 =	vadd.s32 $0x9C40, v29;
	v36 =	vld [tilespmem:s14+$0xFFFFFD00]  }
0x428: {  	v51 =	vor.u32 $0x1, v37;
	[tilespmem:$0x1FCA0] =	vst v0;
	v0 =	vadd.s32 $0xC350, v29  }
0x429: {  	v18 =	vadd.s32 $0x4E20, v23;
	[tilespmem:$0x1FCE0] =	vst v0;
	v0 =	vor.u32 $0x6, v20  }
0x42a: {  	v19 =	vld.idx.msk [tilespmem:v8+s23+$0x0], $0xffff;
	v8 =	vor.u32 $0x3, v21;
	[tilespmem:$0x1FCF0] =	vst v0;
	v0 =	vadd.s32 $0xC350, v30  }
0x42b: {  	[tilespmem:$0x1FCC0] =	vst v0;
	v0 =	vadd.s32 $0xC350, v26  }
0x42c: {  	v5 =	vld [tilespmem:s14+$0xFFFFFB30];
	[tilespmem:$0x1FCD0] =	vst v0;
	v0 =	vor.u32 $0x6, v22;
	v31 =	vmul.f32 v31, v36  }
0x42d: {  	v35 =	vor.u32 $0x1, v56;
	v32 =	vld.idx.msk [tilespmem:v51+s23+$0x0], $0xffff;
	[tilespmem:$0x1FD20] =	vst v0  }
0x42e: {  	v0 =	vor.u32 $0x6, v37;
	[tilespmem:v18+s4+$0x0] =	vst.idx.add.f32.msk vm8, v31  }
0x42f: {  	[tilespmem:$0x1FD00] =	vst v0;
	v0 =	vor.u32 $0x6, v56;
	v18 =	vld.idx.msk [tilespmem:v8+s23+$0x0], $0xffff  }
0x430: {  	v50 =	vor.u32 $0x1, v22;
	[tilespmem:$0x1FD10] =	vst v0;
	v0 =	vadd.s32 $0xEA60, v29;
	v31 =	vld [tilespmem:s14+$0xFFFFFE90]  }
0x431: {  	v1 =	vadd.s32 $0xEA60, v24;
	[tilespmem:$0x1FD90] =	vst v0;
	v0 =	vld [tilespmem:s14+$0xFFFFFB40]  }
0x432: {  	v16 =	vld.idx.msk [tilespmem:v35+s23+$0x0], $0xffff;
	[tilespmem:$0x1FD40] =	vst v1;
	v1 =	vadd.s32 $0xEA60, v30  }
0x433: {  	v2 =	vadd.s32 $0x7530, v23;
	v3 =	vld [tilespmem:s14+$0xFFFFFB60];
	[tilespmem:$0x1FD60] =	vst v1;
	v1 =	vor.u32 $0x7, v20  }
0x434: {  	v12 =	vadd.s32 $0x2710, v24;
	[tilespmem:$0x1FDA0] =	vst v1;
	v1 =	vld [tilespmem:s14+$0xFFFFFB50];
	v8 =	vor.u32 $0x7, v22  }
0x435: {  	v4 =	vor.u32 $0x4, v21;
	v36 =	vmov v17;
	v17 =	vld.idx.msk [tilespmem:v50+s23+$0x0], $0xffff;
	[tilespmem:$0x1FDD0] =	vst v8;
	v8 =	vmul.f32 v27, v42  }
0x436: {  	v27 =	vmul.f32 v18, v31;
	v0 =	vmul.f32 v19, v0;
	v19 =	vld [tilespmem:$0x1FE00]  }
0x437: {  	[tilespmem:$0x1FD30] =	vst v14;
	v14 =	vadd.s32 $0x2710, v26;
	v18 =	vld [tilespmem:s17+$0x630]  }
0x438: {  	v11 =	vor.u32 $0x2, v20;
	[tilespmem:v2+s4+$0x0] =	vst.idx.add.f32.msk vm8, v27  }
0x439: {  	[tilespmem:v12+s4+$0x0] =	vst.idx.add.f32.msk vm7, v0  }
0x43a: {  	[tilespmem:$0x1FC80] =	vst v13;
	v13 =	vadd.s32 $0x2710, v30;
	v2 =	vmul.f32 v16, v3;
	v3 =	vld.idx.msk [tilespmem:v4+s23+$0x0], $0xffff  }
0x43b: {  	v33 =	vadd.s32 $0x2710, v29;
	v4 =	vmul.f32 v17, v5;
	v5 =	vld [tilespmem:s14+$0x20]  }
0x43c: {  	v25 =	vmul.f32 v25, v38;
	v10 =	vor.u32 $0x2, v37;
	[tilespmem:v14+s4+$0x0] =	vst.idx.add.f32.msk vm1, v2  }
0x43d: {  	v1 =	vmul.f32 v32, v1;
	v0 =	vadd.s32 $0x9C40, v23;
	v2 =	vld.idx.msk [tilespmem:v11+s23+$0x0], $0xffff  }
0x43e: {  	[tilespmem:v19+s4+$0x0] =	vst.idx.add.f32.msk vm4, v25  }
0x43f: {  	[tilespmem:v13+s4+$0x0] =	vst.idx.add.f32.msk vm6, v1;
	v1 =	vor.u32 $0x5, v21  }
0x440: {  	[tilespmem:v33+s4+$0x0] =	vst.idx.add.f32.msk vm9, v4;
	v3 =	vmul.f32 v3, v5  }
0x441: {  	v34 =	vor.u32 $0x2, v22;
	v4 =	vld.idx.msk [tilespmem:v10+s23+$0x0], $0xffff  }
0x442: {  	v9 =	vor.u32 $0x2, v56;
	[tilespmem:v0+s4+$0x0] =	vst.idx.add.f32.msk vm8, v3  }
0x443: {  	v12 =	vld [tilespmem:s14+$0xFFFFFCE0]  }
0x444: {  	v0 =	vld.idx.msk [tilespmem:v1+s23+$0x0], $0xffff  }
0x445: {  	v7 =	vadd.s32 $0x4E20, v30;
	v1 =	vld [tilespmem:s14+$0x1B0]  }
0x446: {  	v5 =	vld.idx.msk [tilespmem:v34+s23+$0x0], $0xffff  }
0x447: {  	v3 =	vld.idx.msk [tilespmem:v9+s23+$0x0], $0xffff;
	v9 =	vadd.s32 $0xC350, v23  }
0x448: {  	v11 =	vor.u32 $0x6, v21;
	v10 =	vld [tilespmem:s14+$0xFFFFFCD0];
	v4 =	vmul.f32 v4, v12  }
0x449: {  	v13 =	vld [tilespmem:s14+$0xFFFFFCF0]  }
0x44a: {  	v6 =	vadd.s32 $0x4E20, v24;
	[tilespmem:v7+s4+$0x0] =	vst.idx.add.f32.msk vm6, v4;
	v0 =	vmul.f32 v0, v1  }
0x44b: {  	v40 =	vor.u32 $0x3, v37;
	v1 =	vld [tilespmem:s14+$0xFFFFFCC0]  }
0x44c: {  	v41 =	vadd.s32 $0x4E20, v26;
	[tilespmem:v9+s4+$0x0] =	vst.idx.add.f32.msk vm8, v0  }
0x44d: {  	v0 =	vmul.f32 v2, v10;
	v2 =	vld.idx.msk [tilespmem:v11+s23+$0x0], $0xffff  }
0x44e: {  	v45 =	vadd.s32 $0x4E20, v29;
	v9 =	vld [tilespmem:s14+$0x340]  }
0x44f: {  	v44 =	vor.u32 $0x3, v20;
	[tilespmem:v6+s4+$0x0] =	vst.idx.add.f32.msk vm7, v0;
	v0 =	vmul.f32 v3, v13  }
0x450: {  	v4 =	vld.idx.msk [tilespmem:v40+s23+$0x0], $0xffff;
	v3 =	vadd.s32 $0xEA60, v23  }
0x451: {  	v1 =	vmul.f32 v5, v1;
	[tilespmem:v41+s4+$0x0] =	vst.idx.add.f32.msk vm1, v0;
	v0 =	vor.u32 $0x7, v21  }
0x452: {  	v10 =	vld [tilespmem:s14+$0xFFFFFE70]  }
0x453: {  	[tilespmem:v45+s4+$0x0] =	vst.idx.add.f32.msk vm9, v1;
	v2 =	vmul.f32 v2, v9  }
0x454: {  	v46 =	vor.u32 $0x3, v56;
	v1 =	vld.idx.msk [tilespmem:v44+s23+$0x0], $0xffff  }
0x455: {  	[tilespmem:v3+s4+$0x0] =	vst.idx.add.f32.msk vm8, v2  }
0x456: {  	v47 =	vor.u32 $0x3, v22;
	v0 =	vld.idx.msk [tilespmem:v0+s23+$0x0], $0xffff  }
0x457: {  	v61 =	vadd.s32 $0x7530, v30;
	v2 =	vld [tilespmem:s14+$0x4D0]  }
0x458: {  	v11 =	vld [tilespmem:s14+$0xFFFFFE80]  }
0x459: {  	v45 =	vadd.s32 $0x11170, v23;
	v3 =	vld.idx.msk [tilespmem:v46+s23+$0x0], $0xffff  }
0x45a: {  	v4 =	vmul.f32 v4, v10;
	v9 =	vor.u32 $0x8, v21;
	v46 =	vld [tilespmem:s14+$0xFFFFFE60]  }
0x45b: {  	v5 =	vld.idx.msk [tilespmem:v47+s23+$0x0], $0xffff  }
0x45c: {  	[tilespmem:v61+s4+$0x0] =	vst.idx.add.f32.msk vm6, v4;
	v0 =	vmul.f32 v0, v2  }
0x45d: {  	v63 =	vadd.s32 $0x7530, v24;
	v2 =	vld [tilespmem:s14+$0xFFFFFE50]  }
0x45e: {  	[tilespmem:v45+s4+$0x0] =	vst.idx.add.f32.msk vm8, v0  }
0x45f: {  	v0 =	vmul.f32 v1, v46;
	v1 =	vld.idx.msk [tilespmem:v9+s23+$0x0], $0xffff  }
0x460: {  	v62 =	vadd.s32 $0x7530, v26;
	v6 =	vld [tilespmem:s14+$0x660]  }
0x461: {  	v57 =	vor.u32 $0x4, v20;
	v9 =	vld [tilespmem:$0x1FC70]  }
0x462: {  	[tilespmem:v63+s4+$0x0] =	vst.idx.add.f32.msk vm7, v0  }
0x463: {  	v58 =	vor.u32 $0x4, v56;
	v0 =	vmul.f32 v3, v11;
	v3 =	vadd.s32 $0x13880, v23;
	v4 =	vld [tilespmem:s14+$0xFFFFFFF0]  }
0x464: {  	vm5 =	vmmov vm0;
	vm0 =	vmmov vm9;
	v2 =	vmul.f32 v5, v2;
	v5 =	vld [tilespmem:s14+$0x0]  }
0x465: {  	v55 =	vadd.s32 $0x7530, v29;
	[tilespmem:v62+s4+$0x0] =	vst.idx.add.f32.msk vm1, v0  }
0x466: {  	v60 =	vor.u32 $0x4, v37;
	v0 =	vld.idx.msk [tilespmem:v57+s23+$0x0], $0xffff;
	v1 =	vmul.f32 v1, v6  }
0x467: {  	v47 =	vld [tilespmem:s14+$0x10]  }
0x468: {  	[tilespmem:v3+s4+$0x0] =	vst.idx.add.f32.msk vm8, v1  }
0x469: {  	v54 =	vadd.s32 $0x9C40, v24;
	v1 =	vld.idx.msk [tilespmem:v58+s23+$0x0], $0xffff  }
0x46a: {  	[tilespmem:v55+s4+$0x0] =	vst.idx.add.f32.msk vm0, v2  }
0x46b: {  	v53 =	vadd.s32 $0x9C40, v26;
	v2 =	vld.idx.msk [tilespmem:v60+s23+$0x0], $0xffff  }
0x46c: {  	v0 =	vmul.f32 v0, v4;
	v4 =	vld [tilespmem:$0x1FC80]  }
0x46d: {  	v59 =	vor.u32 $0x4, v22;
	v55 =	vld [tilespmem:s14+$0xFFFFFFE0]  }
0x46e: {  	[tilespmem:v54+s4+$0x0] =	vst.idx.add.f32.msk vm7, v0;
	v0 =	vmul.f32 v1, v47  }
0x46f: {  	[tilespmem:v9+s4+$0x0] =	vst.idx.add.f32.msk vm2, v8  }
0x470: {  	[tilespmem:v53+s4+$0x0] =	vst.idx.add.f32.msk vm1, v0  }
0x471: {  	v0 =	vld [tilespmem:$0x1FCA0]  }
0x472: {  	v43 =	vmul.f32 v28, v43;
	v3 =	vld.idx.msk [tilespmem:v59+s23+$0x0], $0xffff;
	_ =	sdelay $0x1  }
0x473: {  	[tilespmem:v4+s4+$0x0] =	vst.idx.add.f32.msk vm5, v43  }
0x474: {  	v51 =	vor.u32 $0x5, v20;
	v4 =	vld [tilespmem:$0x1FC90]  }
0x475: {  	v35 =	vor.u32 $0x5, v22  }
0x476: {  	v2 =	vmul.f32 v2, v5;
	v5 =	vld [tilespmem:s14+$0x180];
	v1 =	vmul.f32 v3, v55  }
0x477: {  	v57 =	vld [tilespmem:s14+$0x1A0]  }
0x478: {  	v52 =	vadd.s32 $0x9C40, v30;
	[tilespmem:v0+s4+$0x0] =	vst.idx.add.f32.msk vm0, v1  }
0x479: {  	v49 =	vor.u32 $0x5, v56;
	v0 =	vld.idx.msk [tilespmem:v51+s23+$0x0], $0xffff  }
0x47a: {  	v3 =	vld.idx.msk [tilespmem:v35+s23+$0x0], $0xffff  }
0x47b: {  	v8 =	vld [tilespmem:s14+$0x170]  }
0x47c: {  	v50 =	vor.u32 $0x5, v37;
	v4 =	vld.idx.msk [tilespmem:v4+s23+$0x0], $0xffff  }
0x47d: {  	v39 =	vadd.s32 $0xC350, v24;
	[tilespmem:v52+s4+$0x0] =	vst.idx.add.f32.msk vm6, v2  }
0x47e: {  	v2 =	vld.idx.msk [tilespmem:v49+s23+$0x0], $0xffff;
	_ =	sdelay $0x1  }
0x47f: {  	v0 =	vmul.f32 v0, v5  }
0x480: {  	v1 =	vld.idx.msk [tilespmem:v50+s23+$0x0], $0xffff  }
0x481: {  	[tilespmem:v39+s4+$0x0] =	vst.idx.add.f32.msk vm7, v0  }
0x482: {  	v0 =	vmul.f32 v2, v57;
	v2 =	vmul.f32 v3, v8;
	v3 =	vld [tilespmem:$0x1FCC0]  }
0x483: {  	v38 =	vor.u32 $0x8, v56;
	v56 =	vld [tilespmem:s14+$0x190];
	_ =	sdelay $0x4  }
0x484: {  	v9 =	vld [tilespmem:$0x1FCB0];
	v1 =	vmul.f32 v1, v56  }
0x485: {  	v58 =	vld [tilespmem:s17+$0x640]  }
0x486: {  	[tilespmem:v3+s4+$0x0] =	vst.idx.add.f32.msk vm6, v1  }
0x487: {  	v1 =	vld [tilespmem:$0x1FCD0];
	_ =	sdelay $0x6  }
0x488: {  	v9 =	vld.idx.msk [tilespmem:v9+s23+$0x0], $0xffff  }
0x489: {  	[tilespmem:v1+s4+$0x0] =	vst.idx.add.f32.msk vm1, v0  }
0x48a: {  	v0 =	vld [tilespmem:$0x1FCE0];
	_ =	sdelay $0x6  }
0x48b: {  	v5 =	vld.idx.msk [tilespmem:v36+s23+$0x0], $0xffff  }
0x48c: {  	[tilespmem:v0+s4+$0x0] =	vst.idx.add.f32.msk vm0, v2  }
0x48d: {  	v0 =	vld [tilespmem:$0x1FCF0]  }
0x48e: {  	v3 =	vld [tilespmem:$0x1FD20]  }
0x48f: {  	v63 =	vld [tilespmem:$0x1FD40]  }
0x490: {  	v2 =	vld [tilespmem:$0x1FD10]  }
0x491: {  	v62 =	vld [tilespmem:$0x1FD30]  }
0x492: {  	v59 =	vld [tilespmem:s14+$0x310]  }
0x493: {  	v1 =	vld [tilespmem:$0x1FD00]  }
0x494: {  	v8 =	vld [tilespmem:s14+$0x330]  }
0x495: {  	v0 =	vld.idx.msk [tilespmem:v0+s23+$0x0], $0xffff  }
0x496: {  	v3 =	vld.idx.msk [tilespmem:v3+s23+$0x0], $0xffff  }
0x497: {  	v10 =	vld [tilespmem:s14+$0x300]  }
0x498: {  	v2 =	vld.idx.msk [tilespmem:v2+s23+$0x0], $0xffff  }
0x499: {  	v27 =	vmul.f32 v15, v18  }
0x49a: {  	v60 =	vld [tilespmem:s14+$0x320];
	v0 =	vmul.f32 v0, v59  }
0x49b: {  	[tilespmem:v62+s4+$0x0] =	vst.idx.add.f32.msk vm3, v27  }
0x49c: {  	[tilespmem:v63+s4+$0x0] =	vst.idx.add.f32.msk vm7, v0  }
0x49d: {  	v0 =	vmul.f32 v2, v8;
	v2 =	vmul.f32 v3, v10;
	v3 =	vld [tilespmem:$0x1FD60]  }
0x49e: {  	v1 =	vld.idx.msk [tilespmem:v1+s23+$0x0], $0xffff;
	_ =	sdelay $0x4  }
0x49f: {  	v1 =	vmul.f32 v1, v60;
	_ =	sdelay $0x1  }
0x4a0: {  	[tilespmem:v3+s4+$0x0] =	vst.idx.add.f32.msk vm6, v1  }
0x4a1: {  	v1 =	vld [tilespmem:$0x1FD70];
	_ =	sdelay $0x1  }
0x4a2: {  	v3 =	vld [tilespmem:$0x1FDB0];
	_ =	sdelay $0x4  }
0x4a3: {  	v11 =	vld [tilespmem:s17+$0x650]  }
0x4a4: {  	[tilespmem:v1+s4+$0x0] =	vst.idx.add.f32.msk vm1, v0  }
0x4a5: {  	v25 =	vadd.s32 $0x13880, v24;
	v0 =	vld [tilespmem:$0x1FD90]  }
0x4a6: {  	v14 =	vmov v25;
	v25 =	vld.idx.msk [tilespmem:v3+s23+$0x0], $0xffff  }
0x4a7: {  	v3 =	vld [tilespmem:$0x1FDC0];
	_ =	sdelay $0x1  }
0x4a8: {  	v34 =	vld [tilespmem:$0x1FFF0]  }
0x4a9: {  	v36 =	vld [tilespmem:$0x1FFB0]  }
0x4aa: {  	v39 =	vld [tilespmem:$0x1FFC0]  }
0x4ab: {  	v61 =	vld [tilespmem:s17+$0x620]  }
0x4ac: {  	[tilespmem:v0+s4+$0x0] =	vst.idx.add.f32.msk vm0, v2  }
0x4ad: {  	v2 =	vld [tilespmem:$0x1FDA0]  }
0x4ae: {  	v27 =	vld.idx.msk [tilespmem:v3+s23+$0x0], $0xffff  }
0x4af: {  	v3 =	vld [tilespmem:$0x1FDD0]  }
0x4b0: {  	v10 =	vld [tilespmem:$0x1FD50]  }
0x4b1: {  	v0 =	vmul.f32 v5, v61;
	v5 =	vld [tilespmem:$0x1FDE0]  }
0x4b2: {  	v16 =	vmov v38;
	v38 =	vld [tilespmem:s14+$0x4B0]  }
0x4b3: {  	s19 =	sadd.s32 $0x5, s19;
	v42 =	vadd.s32 $0x11170, v29;
	v1 =	vmul.f32 v9, v11;
	v11 =	vld [tilespmem:$0x1FD80]  }
0x4b4: {  	p0 =	slt.u32 s19, $0x14;
	v13 =	vmov v42;
	v42 =	vld [tilespmem:s14+$0x4C0]  }
.Ltmp13:
0x4b5: {  	v28 =	vor.u32 $0x8, v22;
	v43 =	vld [tilespmem:s14+$0x490];
	(pc) =	sbr.rel @p0 .LBB2_24-.Ltmp13, $4  }
0x4b6: {  	v48 =	vadd.s32 $0x11170, v24;
	v32 =	vadd.s32 $0x11170, v26;
	v22 =	vadd.s32 $0x13880, v26;
	v2 =	vld.idx.msk [tilespmem:v2+s23+$0x0], $0xffff  }
0x4b7: {  	v31 =	vor.u32 $0x8, v37;
	v17 =	vmovc v28;
	v19 =	vadd.s32 $0x11170, v30;
	v4 =	vmul.f32 v4, v58;
	v28 =	vld.idx.msk [tilespmem:v3+s23+$0x0], $0xffff  }
0x4b8: {  	v37 =	vadd.s32 $0x13880, v30;
	v18 =	vmovc v32;
	[tilespmem:$0x1FE00] =	vst v19;
	v19 =	vor.u32 $0x8, v20;
	v20 =	vadd.s32 $0x13880, v29;
	v3 =	vld [tilespmem:s14+$0x4A0]  }
0x4b9: {  	s20 =	sadd.s32 $0x50, s20;
	v15 =	vmovc v31;
	v12 =	vmovc v37;
	v35 =	vlaneseq.u32;
	s17 =	smov.u32 s14;
	vm3 =	vmmov vm7;
	[tilespmem:v5+s4+$0x0] =	vst.idx.add.f32.msk vm4, v4;
	vm4 =	vmmov vm6  }
0x4ba: {  	_ =	sdelay $0x2  }
0x4bb: {  	vm1 =	vmmov vm1;
	v2 =	vmul.f32 v2, v3  }
0x4bc: {  	vm0 =	vmmov vm0  }
0x4bd: {  	[tilespmem:v48+s4+$0x0] =	vst.idx.add.f32.msk vm3, v2  }
0x4be: {  	v2 =	vld.idx.msk [tilespmem:v19+s23+$0x0], $0xffff  }
0x4bf: {  	v4 =	vmul.f32 v27, v42;
	v7 =	vld [tilespmem:$0x1FE00]  }
0x4c0: {  	v6 =	vmul.f32 v28, v43;
	v5 =	vld [tilespmem:s17+$0x630]  }
0x4c1: {  	[tilespmem:v18+s4+$0x0] =	vst.idx.add.f32.msk vm1, v4  }
0x4c2: {  	[tilespmem:v13+s4+$0x0] =	vst.idx.add.f32.msk vm0, v6  }
0x4c3: {  	v4 =	vld.idx.msk [tilespmem:v16+s23+$0x0], $0xffff  }
0x4c4: {  	v6 =	vld.idx.msk [tilespmem:v17+s23+$0x0], $0xffff  }
0x4c5: {  	v3 =	vmul.f32 v25, v38;
	v8 =	vld [tilespmem:s17+$0x650]  }
0x4c6: {  	v9 =	vld [tilespmem:s17+$0x620]  }
0x4c7: {  	[tilespmem:v7+s4+$0x0] =	vst.idx.add.f32.msk vm4, v3  }
0x4c8: {  	v3 =	vld.idx.msk [tilespmem:v15+s23+$0x0], $0xffff  }
0x4c9: {  	v7 =	vld [tilespmem:s17+$0x640];
	_ =	sdelay $0x1  }
0x4ca: {  	[tilespmem:v11+s4+$0x0] =	vst.idx.add.f32.msk vm2, v1;
	v1 =	vmul.f32 v2, v5  }
0x4cb: {  	[tilespmem:v10+s4+$0x0] =	vst.idx.add.f32.msk vm5, v0;
	v2 =	vmul.f32 v6, v9  }
0x4cc: {  	[tilespmem:v14+s4+$0x0] =	vst.idx.add.f32.msk vm3, v1;
	v1 =	vmul.f32 v4, v8  }
0x4cd: {  	[tilespmem:v20+s4+$0x0] =	vst.idx.add.f32.msk vm0, v2;
	v0 =	vmul.f32 v3, v7  }
0x4ce: {  	[tilespmem:v22+s4+$0x0] =	vst.idx.add.f32.msk vm1, v1  }
0x4cf: {  	[tilespmem:v12+s4+$0x0] =	vst.idx.add.f32.msk vm4, v0  }
0x4d0: {  	_ =	swait.ge [sflag:s12], $0x190  }
0x4d1: {  	[sflag:s12] =	ssyncset.done $0x0  }
0x4d2: {  	[sflag:s12] =	ssyncadd.s32 $0xFFFFFE70  }
0x4d3: {  	p0 =	slt.s32 s3, $0x1F3B;
	_ =	swait.ge [sflag:s12], $0x190  }
0x4d4: {  	s3 =	simm.s32 @!p0 $0x1F3B;
	[sflag:s12] =	ssyncset.done $0x0  }
0x4d5: {  	s3 =	smul.u32 $0x190, s3;
	[sflag:s12] =	ssyncadd.s32 $0xFFFFFE70  }
0x4d6: {  	_ =	swait.ge [sflag:s12], $0xE10  }
0x4d7: {  	s3 =	sadd.s32 $0x640, s3;
	[sflag:s12] =	ssyncset.done $0x0  }
0x4d8: {  	s3 =	sshrl.u32 s3, $0x3;
	[sflag:s12] =	ssyncadd.s32 $0xFFFFF1F0  }
0x4d9: {  	[tilespmem:s21], [sflag:$0x4] =	stream.indirect.gather [hbm4b:s6+s15], $0x10, s13, s15, $0xb8;
	[tilespmem:$0x1DE48] =	vst v63  }
0x4da: {  	s24 =	simm.s32 $0x1D650;
	s14 =	sadd.s32 s1, s3;
	s17 =	simm.s32 $0x0  }
0x4db: {  	[tilespmem:s24], [sflag:$0x2] =	stream.linear.gather [hbm4b:s14+s17], $0x190, $0x38;
	[tilespmem:$0x1DE48] =	vst v63  }
0x4dc: {  	s18 =	simm.s32 $0x1DB00;
	s20 =	sadd.s32 s2, s3  }
0x4dd: {  	[tilespmem:s18], [sflag:$0x2] =	stream.linear.gather [hbm4b:s20+s17], $0x190, $0x38;
	[tilespmem:$0x1DE48] =	vst v63  }
0x4de: {  	s25 =	simm.s32 $0x16DA0;
	s3 =	sadd.s32 s5, s3  }
0x4df: {  	[tilespmem:s25], [sflag:$0x2] =	stream.strided.gather [hbm4b:s3+s15], $0xE10, s16, s15, $0x38;
	[tilespmem:$0x1DE48] =	vst v63  }
0x4e0: {  	s14 =	simm.s32 $0x40;
	_ =	swait.ge [sflag:s0], $0x1900  }
0x4e1: {  	v0 =	vor.u32 s14, v35;
	[sflag:s0] =	ssyncset.done $0x0  }
0x4e2: {  	s18 =	simm.s32 $0x1DCB0;
	v17 =	vshll.u32 v0, $0x4;
	[sflag:s0] =	ssyncadd.s32 $0xFFFFE700  }
0x4e3: {  	v1 =	vld [tilespmem:s18+$0x20]  }
0x4e4: {  	s19 =	smul.u32 $0x190, s11  }
0x4e5: {  	s11 =	simm.s32 $0x30  }
0x4e6: {  	v32 =	vmov s19;
	v11 =	vor.u32 s11, v35  }
0x4e7: {  	v14 =	vshll.u32 v11, $0x4;
	s14 =	simm.s32 $0x18210;
	v0 =	vadd.s32 v32, v0;
	v4 =	vld.idx.msk [tilespmem:v17+s30+$0x0], $0xffff  }
0x4e8: {  	vm0 =	vge.s32 v0, v36;
	vm1 =	vlt.s32 v0, v39;
	v0 =	vld [tilespmem:s14+$0xFFFFF9E0];
	v1 =	vsub.s32 v1, v34  }
0x4e9: {  	v5 =	vld [tilespmem:s18+$0xFFFFFFE0];
	vm2 =	vgt.s32 v1, $0x0  }
0x4ea: {  	vm1 =	vmand vm0, vm1;
	v33 =	vld [tilespmem:s18+$0xFFFFFFF0];
	v1 =	vnsel vm2, $0x0, v1  }
0x4eb: {  	s20 =	simm.s32 $0x10;
	v37 =	vld [tilespmem:s18+$0x0];
	v16 =	vmin.u32 v1, $0x270F  }
0x4ec: {  	v2 =	vor.u32 s20, v35;
	v8 =	vor.u32 $0x1, v17;
	v13 =	vld [tilespmem:s18+$0x10]  }
0x4ed: {  	v22 =	vor.u32 $0x2, v17;
	s25 =	simm.s32 $0x20;
	v12 =	vshll.u32 v2, $0x4;
	v40 =	vld.idx.msk [tilespmem:v14+s30+$0x0], $0xffff  }
0x4ee: {  	v2 =	vadd.s32 v32, v2;
	v3 =	vor.u32 s25, v35;
	v21 =	vld [tilespmem:s14+$0xFFFFF9B0];
	v0 =	vmul.f32 v4, v0  }
0x4ef: {  	vm0 =	vge.s32 v2, v36;
	v9 =	vshll.u32 v3, $0x4;
	v3 =	vadd.s32 v32, v3;
	v23 =	vld [tilespmem:s14+$0xFFFFF9A0]  }
0x4f0: {  	vm3 =	vlt.s32 v2, v39;
	vm5 =	vge.s32 v3, v36;
	v1 =	vor.u32 s17, v35;
	[tilespmem:v16+s4+$0x0] =	vst.idx.add.f32.msk vm1, v0  }
0x4f1: {  	vm6 =	vlt.s32 v3, v39;
	v4 =	vadd.s32 v32, v11;
	v10 =	vshll.u32 v1, $0x4;
	v0 =	vld.idx.msk [tilespmem:v8+s30+$0x0], $0xffff  }
0x4f2: {  	s3 =	simm.s32 $0x1DD00;
	v2 =	vsub.s32 v5, v34;
	v3 =	vsub.s32 v33, v34;
	v38 =	vsub.s32 v13, v34;
	v5 =	vld [tilespmem:s14+$0xFFFFFB70]  }
0x4f3: {  	v26 =	vld [tilespmem:s3+$0xFFFFFFF0];
	vm7 =	vlt.s32 v4, v39;
	vm4 =	vgt.s32 v2, $0x0;
	vm8 =	vgt.s32 v3, $0x0  }
0x4f4: {  	v18 =	vld.idx.msk [tilespmem:v12+s30+$0x0], $0xffff;
	vm2 =	vge.s32 v4, v36;
	v4 =	vsub.s32 v37, v34;
	v11 =	vadd.s32 $0x2710, v16  }
0x4f5: {  	v19 =	vld.idx.msk [tilespmem:v9+s30+$0x0], $0xffff;
	v2 =	vnsel vm4, $0x0, v2;
	v3 =	vnsel vm8, $0x0, v3;
	v1 =	vadd.s32 v32, v1  }
0x4f6: {  	vm4 =	vmand vm0, vm3;
	vm13 =	vge.s32 v1, v36;
	vm11 =	vlt.s32 v1, v39;
	v20 =	vld.idx.msk [tilespmem:v10+s30+$0x0], $0xffff  }
0x4f7: {  	v15 =	vmin.u32 v3, $0x270F;
	v1 =	vld [tilespmem:s14+$0xFFFFF9C0];
	vm3 =	vmand vm13, vm11;
	v0 =	vmul.f32 v0, v5  }
0x4f8: {  	vm10 =	vgt.s32 v38, $0x0;
	vm9 =	vgt.s32 v4, $0x0;
	v8 =	vmin.u32 v2, $0x270F;
	v2 =	vld [tilespmem:s14+$0xFFFFF9D0]  }
0x4f9: {  	vm0 =	vmand vm5, vm6;
	v3 =	vnsel vm9, $0x0, v4;
	v5 =	vor.u32 $0x1, v12;
	[tilespmem:v11+s4+$0x0] =	vst.idx.add.f32.msk vm1, v0  }
0x4fa: {  	v4 =	vnsel vm10, $0x0, v38;
	v13 =	vmin.u32 v3, $0x270F;
	v0 =	vmul.f32 v18, v21;
	v3 =	vld.idx.msk [tilespmem:v22+s30+$0x0], $0xffff  }
0x4fb: {  	vm2 =	vmand vm2, vm7;
	v11 =	vmin.u32 v4, $0x270F;
	v4 =	vmul.f32 v20, v23;
	v41 =	vld [tilespmem:s14+$0xFFFFFD00]  }
0x4fc: {  	[tilespmem:v15+s4+$0x0] =	vst.idx.add.f32.msk vm4, v0  }
0x4fd: {  	v18 =	vor.u32 $0x1, v9;
	[tilespmem:v8+s4+$0x0] =	vst.idx.add.f32.msk vm3, v4  }
0x4fe: {  	v0 =	vmul.f32 v19, v1;
	v4 =	vld.idx.msk [tilespmem:v5+s30+$0x0], $0xffff  }
0x4ff: {  	v1 =	vmul.f32 v40, v2;
	v2 =	vadd.s32 $0x4E20, v16;
	v43 =	vld [tilespmem:s14+$0xFFFFFB40]  }
0x500: {  	[tilespmem:v13+s4+$0x0] =	vst.idx.add.f32.msk vm0, v0;
	v0 =	vor.u32 $0x3, v17  }
0x501: {  	[tilespmem:v11+s4+$0x0] =	vst.idx.add.f32.msk vm2, v1  }
0x502: {  	v42 =	vld.idx.msk [tilespmem:v18+s30+$0x0], $0xffff;
	v3 =	vmul.f32 v3, v41  }
0x503: {  	v5 =	vor.u32 $0x1, v10;
	v19 =	vld [tilespmem:s14+$0xFFFFFB50]  }
0x504: {  	v1 =	vor.u32 $0x1, v14;
	[tilespmem:v2+s4+$0x0] =	vst.idx.add.f32.msk vm1, v3  }
0x505: {  	v0 =	vld.idx.msk [tilespmem:v0+s30+$0x0], $0xffff  }
0x506: {  	v20 =	vadd.s32 $0x2710, v15;
	v2 =	vld [tilespmem:s14+$0xFFFFFE90]  }
0x507: {  	v21 =	vld [tilespmem:s14+$0xFFFFFB60]  }
0x508: {  	v3 =	vld.idx.msk [tilespmem:v5+s30+$0x0], $0xffff;
	v5 =	vadd.s32 $0x7530, v16  }
0x509: {  	v18 =	vor.u32 $0x4, v17;
	v4 =	vmul.f32 v4, v43;
	v1 =	vld.idx.msk [tilespmem:v1+s30+$0x0], $0xffff  }
0x50a: {  	v22 =	vld [tilespmem:s14+$0xFFFFFB30]  }
0x50b: {  	v23 =	vadd.s32 $0x2710, v11;
	[tilespmem:v20+s4+$0x0] =	vst.idx.add.f32.msk vm4, v4;
	v0 =	vmul.f32 v0, v2  }
0x50c: {  	v46 =	vld [tilespmem:s14+$0xFFFFFCD0];
	v2 =	vadd.s32 $0x2710, v13  }
0x50d: {  	v6 =	vmul.f32 v42, v19;
	v19 =	vor.u32 $0x2, v9;
	[tilespmem:v5+s4+$0x0] =	vst.idx.add.f32.msk vm1, v0  }
0x50e: {  	v1 =	vmul.f32 v1, v21;
	v5 =	vld.idx.msk [tilespmem:v18+s30+$0x0], $0xffff  }
0x50f: {  	v0 =	vadd.s32 $0x2710, v8;
	v18 =	vld [tilespmem:s14+$0x20]  }
0x510: {  	v4 =	vor.u32 $0x2, v14;
	[tilespmem:v23+s4+$0x0] =	vst.idx.add.f32.msk vm2, v1  }
0x511: {  	v44 =	vor.u32 $0x2, v12;
	[tilespmem:v2+s4+$0x0] =	vst.idx.add.f32.msk vm0, v6  }
0x512: {  	v3 =	vmul.f32 v3, v22;
	v1 =	vld.idx.msk [tilespmem:v19+s30+$0x0], $0xffff  }
0x513: {  	v19 =	vld [tilespmem:s14+$0xFFFFFCE0]  }
0x514: {  	v2 =	vor.u32 $0x2, v10;
	[tilespmem:v0+s4+$0x0] =	vst.idx.add.f32.msk vm3, v3  }
0x515: {  	v3 =	vld.idx.msk [tilespmem:v4+s30+$0x0], $0xffff;
	v4 =	vadd.s32 $0x9C40, v16  }
0x516: {  	v45 =	vor.u32 $0x5, v17;
	v0 =	vld.idx.msk [tilespmem:v44+s30+$0x0], $0xffff  }
0x517: {  	v5 =	vmul.f32 v5, v18;
	v18 =	vld [tilespmem:s14+$0xFFFFFCF0]  }
0x518: {  	v21 =	vadd.s32 $0x4E20, v13;
	v22 =	vld [tilespmem:s14+$0xFFFFFCC0]  }
0x519: {  	v20 =	vadd.s32 $0x4E20, v15;
	v2 =	vld.idx.msk [tilespmem:v2+s30+$0x0], $0xffff  }
0x51a: {  	[tilespmem:v4+s4+$0x0] =	vst.idx.add.f32.msk vm1, v5  }
0x51b: {  	v23 =	vadd.s32 $0x4E20, v11;
	v1 =	vmul.f32 v1, v19;
	v5 =	vld.idx.msk [tilespmem:v45+s30+$0x0], $0xffff  }
0x51c: {  	v47 =	vor.u32 $0x3, v12;
	vm3 =	vmmov vm3;
	v0 =	vmul.f32 v0, v46;
	v48 =	vld [tilespmem:s14+$0x1B0]  }
0x51d: {  	v4 =	vadd.s32 $0x4E20, v8;
	[tilespmem:v21+s4+$0x0] =	vst.idx.add.f32.msk vm0, v1  }
0x51e: {  	v19 =	vor.u32 $0x3, v9;
	[tilespmem:v20+s4+$0x0] =	vst.idx.add.f32.msk vm4, v0;
	v0 =	vmul.f32 v3, v18  }
0x51f: {  	v18 =	vld [tilespmem:s14+$0xFFFFFE60]  }
0x520: {  	v2 =	vmul.f32 v2, v22;
	[tilespmem:v23+s4+$0x0] =	vst.idx.add.f32.msk vm2, v0  }
0x521: {  	v1 =	vor.u32 $0x3, v10;
	v0 =	vld.idx.msk [tilespmem:v47+s30+$0x0], $0xffff  }
0x522: {  	[tilespmem:v4+s4+$0x0] =	vst.idx.add.f32.msk vm3, v2  }
0x523: {  	v3 =	vor.u32 $0x3, v14;
	v2 =	vld.idx.msk [tilespmem:v19+s30+$0x0], $0xffff  }
0x524: {  	v4 =	vadd.s32 $0xC350, v16;
	v19 =	vld [tilespmem:s14+$0xFFFFFE70]  }
0x525: {  	v49 =	vor.u32 $0x6, v17;
	v50 =	vld [tilespmem:s14+$0xFFFFFE80]  }
0x526: {  	v1 =	vld.idx.msk [tilespmem:v1+s30+$0x0], $0xffff  }
0x527: {  	v20 =	vadd.s32 $0x7530, v15;
	v5 =	vmul.f32 v5, v48;
	v22 =	vld [tilespmem:s14+$0xFFFFFE50]  }
0x528: {  	v21 =	vadd.s32 $0x7530, v13;
	v3 =	vld.idx.msk [tilespmem:v3+s30+$0x0], $0xffff  }
0x529: {  	[tilespmem:v4+s4+$0x0] =	vst.idx.add.f32.msk vm1, v5  }
0x52a: {  	v23 =	vadd.s32 $0x7530, v11;
	v0 =	vmul.f32 v0, v18;
	v5 =	vld.idx.msk [tilespmem:v49+s30+$0x0], $0xffff  }
0x52b: {  	v51 =	vor.u32 $0x4, v12;
	v2 =	vmul.f32 v2, v19;
	v18 =	vld [tilespmem:s14+$0x340]  }
0x52c: {  	v4 =	vadd.s32 $0x7530, v8;
	[tilespmem:v20+s4+$0x0] =	vst.idx.add.f32.msk vm4, v0  }
0x52d: {  	v19 =	vor.u32 $0x4, v9;
	v0 =	vmul.f32 v3, v50;
	[tilespmem:v21+s4+$0x0] =	vst.idx.add.f32.msk vm0, v2  }
0x52e: {  	v53 =	vld [tilespmem:s14+$0xFFFFFFF0]  }
0x52f: {  	v1 =	vmul.f32 v1, v22;
	[tilespmem:v23+s4+$0x0] =	vst.idx.add.f32.msk vm2, v0  }
0x530: {  	v0 =	vld.idx.msk [tilespmem:v51+s30+$0x0], $0xffff  }
0x531: {  	v3 =	vor.u32 $0x4, v14;
	[tilespmem:v4+s4+$0x0] =	vst.idx.add.f32.msk vm3, v1  }
0x532: {  	v2 =	vor.u32 $0x4, v10;
	v1 =	vld.idx.msk [tilespmem:v19+s30+$0x0], $0xffff  }
0x533: {  	v4 =	vadd.s32 $0xEA60, v16;
	v19 =	vld [tilespmem:s14+$0x0]  }
0x534: {  	v52 =	vor.u32 $0x7, v17;
	v5 =	vmul.f32 v5, v18;
	v18 =	vld [tilespmem:s14+$0x10]  }
0x535: {  	v22 =	vld [tilespmem:s14+$0xFFFFFFE0]  }
0x536: {  	v20 =	vadd.s32 $0x9C40, v15;
	v3 =	vld.idx.msk [tilespmem:v3+s30+$0x0], $0xffff  }
0x537: {  	v21 =	vadd.s32 $0x9C40, v13;
	v2 =	vld.idx.msk [tilespmem:v2+s30+$0x0], $0xffff  }
0x538: {  	[tilespmem:v4+s4+$0x0] =	vst.idx.add.f32.msk vm1, v5  }
0x539: {  	v0 =	vmul.f32 v0, v53;
	v5 =	vld.idx.msk [tilespmem:v52+s30+$0x0], $0xffff  }
0x53a: {  	v23 =	vadd.s32 $0x9C40, v11;
	v1 =	vmul.f32 v1, v19;
	v55 =	vld [tilespmem:s14+$0x4D0]  }
0x53b: {  	v54 =	vor.u32 $0x5, v12;
	[tilespmem:v20+s4+$0x0] =	vst.idx.add.f32.msk vm4, v0  }
0x53c: {  	v4 =	vadd.s32 $0x9C40, v8;
	[tilespmem:v21+s4+$0x0] =	vst.idx.add.f32.msk vm0, v1  }
0x53d: {  	v56 =	vor.u32 $0x8, v17;
	v19 =	vor.u32 $0x5, v9;
	v0 =	vmul.f32 v3, v18;
	v17 =	vld [tilespmem:s14+$0x180]  }
0x53e: {  	v18 =	vld [tilespmem:s14+$0x190]  }
0x53f: {  	v2 =	vmul.f32 v2, v22;
	[tilespmem:v23+s4+$0x0] =	vst.idx.add.f32.msk vm2, v0  }
0x540: {  	v3 =	vor.u32 $0x5, v14;
	v0 =	vld.idx.msk [tilespmem:v54+s30+$0x0], $0xffff  }
0x541: {  	v1 =	vor.u32 $0x5, v10;
	[tilespmem:v4+s4+$0x0] =	vst.idx.add.f32.msk vm3, v2  }
0x542: {  	v2 =	vld.idx.msk [tilespmem:v19+s30+$0x0], $0xffff;
	v4 =	vadd.s32 $0x11170, v16  }
0x543: {  	v57 =	vld [tilespmem:s14+$0x1A0]  }
0x544: {  	v21 =	vld [tilespmem:s14+$0x170]  }
0x545: {  	v19 =	vadd.s32 $0xC350, v15;
	v5 =	vmul.f32 v5, v55;
	v3 =	vld.idx.msk [tilespmem:v3+s30+$0x0], $0xffff  }
0x546: {  	v20 =	vadd.s32 $0xC350, v13;
	v1 =	vld.idx.msk [tilespmem:v1+s30+$0x0], $0xffff  }
0x547: {  	[tilespmem:v4+s4+$0x0] =	vst.idx.add.f32.msk vm1, v5  }
0x548: {  	v22 =	vadd.s32 $0xC350, v11;
	v0 =	vmul.f32 v0, v17;
	v5 =	vld.idx.msk [tilespmem:v56+s30+$0x0], $0xffff  }
0x549: {  	v58 =	vor.u32 $0x6, v12;
	v2 =	vmul.f32 v2, v18;
	v17 =	vld [tilespmem:s14+$0x660]  }
0x54a: {  	v4 =	vadd.s32 $0xC350, v8;
	[tilespmem:v19+s4+$0x0] =	vst.idx.add.f32.msk vm4, v0  }
0x54b: {  	v18 =	vor.u32 $0x6, v9;
	v0 =	vmul.f32 v3, v57;
	[tilespmem:v20+s4+$0x0] =	vst.idx.add.f32.msk vm0, v2  }
0x54c: {  	v60 =	vld [tilespmem:s14+$0x320]  }
0x54d: {  	v1 =	vmul.f32 v1, v21;
	[tilespmem:v22+s4+$0x0] =	vst.idx.add.f32.msk vm2, v0  }
0x54e: {  	v3 =	vor.u32 $0x6, v14;
	v0 =	vld.idx.msk [tilespmem:v58+s30+$0x0], $0xffff  }
0x54f: {  	[tilespmem:v4+s4+$0x0] =	vst.idx.add.f32.msk vm3, v1  }
0x550: {  	v2 =	vor.u32 $0x6, v10;
	v1 =	vld.idx.msk [tilespmem:v18+s30+$0x0], $0xffff  }
0x551: {  	v4 =	vld [tilespmem:s14+$0x310]  }
0x552: {  	v18 =	vld [tilespmem:s14+$0x330]  }
0x553: {  	v59 =	vadd.s32 $0x13880, v16;
	v16 =	vadd.s32 $0xEA60, v15;
	v3 =	vld.idx.msk [tilespmem:v3+s30+$0x0], $0xffff  }
0x554: {  	v19 =	vadd.s32 $0xEA60, v13;
	v20 =	vld [tilespmem:s14+$0x300]  }
0x555: {  	v2 =	vld.idx.msk [tilespmem:v2+s30+$0x0], $0xffff  }
0x556: {  	v29 =	vld [tilespmem:s3+$0x0];
	v21 =	vadd.s32 $0xEA60, v11;
	v0 =	vmul.f32 v0, v4  }
0x557: {  	v23 =	vld [tilespmem:s3+$0xFFFFFFE0];
	v5 =	vmul.f32 v5, v17;
	v17 =	vadd.s32 $0xEA60, v8;
	v1 =	vmul.f32 v1, v60  }
0x558: {  	[tilespmem:v16+s4+$0x0] =	vst.idx.add.f32.msk vm4, v0;
	v0 =	vmul.f32 v3, v18;
	v3 =	vor.u32 $0x7, v14  }
0x559: {  	[tilespmem:v19+s4+$0x0] =	vst.idx.add.f32.msk vm0, v1;
	v1 =	vor.u32 $0x7, v10  }
0x55a: {  	[tilespmem:v59+s4+$0x0] =	vst.idx.add.f32.msk vm1, v5;
	v2 =	vmul.f32 v2, v20  }
0x55b: {  	v5 =	vor.u32 $0x7, v9;
	[tilespmem:v21+s4+$0x0] =	vst.idx.add.f32.msk vm2, v0  }
0x55c: {  	v4 =	vor.u32 $0x7, v12;
	[tilespmem:v17+s4+$0x0] =	vst.idx.add.f32.msk vm3, v2  }
0x55d: {  	v19 =	vld.idx.msk [tilespmem:v3+s30+$0x0], $0xffff  }
0x55e: {  	s17 =	simm.s32 $0x90;
	v18 =	vld.idx.msk [tilespmem:v1+s30+$0x0], $0xffff  }
0x55f: {  	s18 =	simm.s32 $0x60;
	v1 =	vor.u32 s17, v35;
	v3 =	vld [tilespmem:s3+$0x20]  }
0x560: {  	v62 =	vor.u32 s18, v35;
	v2 =	vld.idx.msk [tilespmem:v5+s30+$0x0], $0xffff;
	v25 =	vshll.u32 v1, $0x4  }
0x561: {  	s19 =	simm.s32 $0x70;
	v16 =	vshll.u32 v62, $0x4;
	v0 =	vld.idx.msk [tilespmem:v4+s30+$0x0], $0xffff  }
0x562: {  	vm7 =	vmmov vm4;
	v22 =	vor.u32 s19, v35;
	v4 =	vld [tilespmem:s14+$0x4A0]  }
0x563: {  	s11 =	simm.s32 $0x18260;
	v61 =	vadd.s32 $0x11170, v15;
	v5 =	vld [tilespmem:s14+$0x4B0];
	v17 =	vshll.u32 v22, $0x4;
	v1 =	vadd.s32 v32, v1  }
0x564: {  	s20 =	simm.s32 $0x80;
	vm1 =	vge.s32 v1, v36;
	vm5 =	vlt.s32 v1, v39;
	v1 =	vld [tilespmem:s11+$0xFFFFF9E0];
	v3 =	vsub.s32 v3, v34  }
0x565: {  	v24 =	vor.u32 s20, v35;
	s25 =	simm.s32 $0x50;
	v28 =	vld.idx.msk [tilespmem:v25+s30+$0x0], $0xffff;
	vm6 =	vgt.s32 v3, $0x0  }
0x566: {  	v30 =	vor.u32 s25, v35;
	v63 =	vld.idx.msk [tilespmem:v16+s30+$0x0], $0xffff;
	vm9 =	vmand vm1, vm5;
	v3 =	vnsel vm6, $0x0, v3  }
0x567: {  	v20 =	vshll.u32 v24, $0x4;
	v0 =	vmul.f32 v0, v4;
	v4 =	vld [tilespmem:s3+$0x10];
	[tilespmem:$0x1FC50] =	vst v32;
	v27 =	vmin.u32 v3, $0x270F  }
0x568: {  	v24 =	vadd.s32 v32, v24;
	v22 =	vadd.s32 v32, v22;
	v31 =	vor.u32 $0x1, v25;
	v37 =	vld.idx.msk [tilespmem:v17+s30+$0x0], $0xffff  }
0x569: {  	v21 =	vshll.u32 v30, $0x4;
	vm10 =	vlt.s32 v22, v39;
	vm6 =	vge.s32 v22, v36;
	[tilespmem:v61+s4+$0x0] =	vst.idx.add.f32.msk vm7, v0  }
0x56a: {  	v22 =	vsub.s32 v26, v34;
	v33 =	vld [tilespmem:s11+$0xFFFFF9C0];
	v3 =	vadd.s32 v32, v62;
	v1 =	vmul.f32 v28, v1  }
0x56b: {  	vm11 =	vgt.s32 v22, $0x0;
	vm4 =	vge.s32 v3, v36;
	vm5 =	vlt.s32 v3, v39;
	v28 =	vld [tilespmem:s11+$0xFFFFF9B0]  }
0x56c: {  	vm8 =	vlt.s32 v24, v39;
	v22 =	vnsel vm11, $0x0, v22;
	vm4 =	vmand vm4, vm5;
	[tilespmem:v27+s4+$0x0] =	vst.idx.add.f32.msk vm9, v1  }
0x56d: {  	v30 =	vadd.s32 v32, v30;
	vm1 =	vge.s32 v24, v36;
	v22 =	vmin.u32 v22, $0x270F;
	v24 =	vld.idx.msk [tilespmem:v31+s30+$0x0], $0xffff  }
0x56e: {  	v40 =	vor.u32 $0x1, v16;
	vm11 =	vge.s32 v30, v36;
	v26 =	vld [tilespmem:s11+$0xFFFFFB70]  }
0x56f: {  	v3 =	vld.idx.msk [tilespmem:v20+s30+$0x0], $0xffff;
	v38 =	vadd.s32 $0x2710, v27;
	v1 =	vsub.s32 v23, v34;
	v23 =	vsub.s32 v29, v34  }
0x570: {  	v29 =	vld.idx.msk [tilespmem:v21+s30+$0x0], $0xffff;
	vm12 =	vgt.s32 v1, $0x0;
	vm5 =	vgt.s32 v23, $0x0;
	v7 =	vmul.f32 v63, v28  }
0x571: {  	v31 =	vor.u32 $0x2, v25;
	v1 =	vnsel vm12, $0x0, v1;
	vm12 =	vlt.s32 v30, v39;
	v30 =	vld [tilespmem:s11+$0xFFFFF9A0]  }
0x572: {  	v4 =	vsub.s32 v4, v34;
	vm6 =	vmand vm6, vm10;
	v0 =	vnsel vm5, $0x0, v23;
	[tilespmem:v22+s4+$0x0] =	vst.idx.add.f32.msk vm4, v7  }
0x573: {  	vm5 =	vmand vm11, vm12;
	v0 =	vmin.u32 v0, $0x270F;
	v24 =	vmul.f32 v24, v26;
	v26 =	vld [tilespmem:s11+$0xFFFFF9D0]  }
0x574: {  	vm14 =	vgt.s32 v4, $0x0;
	v23 =	vmin.u32 v1, $0x270F;
	v6 =	vld.idx.msk [tilespmem:v40+s30+$0x0], $0xffff  }
0x575: {  	vm1 =	vmand vm1, vm8;
	v1 =	vnsel vm14, $0x0, v4;
	[tilespmem:v38+s4+$0x0] =	vst.idx.add.f32.msk vm9, v24  }
0x576: {  	v28 =	vmul.f32 v37, v33;
	v1 =	vmin.u32 v1, $0x270F;
	v41 =	vld.idx.msk [tilespmem:v31+s30+$0x0], $0xffff  }
0x577: {  	v4 =	vmul.f32 v29, v30;
	v24 =	vor.u32 $0x1, v17;
	v29 =	vld [tilespmem:s11+$0xFFFFFD00]  }
0x578: {  	[tilespmem:v0+s4+$0x0] =	vst.idx.add.f32.msk vm6, v28  }
0x579: {  	[tilespmem:v23+s4+$0x0] =	vst.idx.add.f32.msk vm5, v4;
	v4 =	vadd.s32 $0x4E20, v27;
	v3 =	vmul.f32 v3, v26  }
0x57a: {  	v31 =	vld [tilespmem:s11+$0xFFFFFB50]  }
0x57b: {  	[tilespmem:v1+s4+$0x0] =	vst.idx.add.f32.msk vm1, v3;
	v3 =	vor.u32 $0x3, v25  }
0x57c: {  	v30 =	vor.u32 $0x1, v20;
	v24 =	vld.idx.msk [tilespmem:v24+s30+$0x0], $0xffff;
	v7 =	vmul.f32 v41, v29  }
0x57d: {  	v29 =	vld [tilespmem:s11+$0xFFFFFB40]  }
0x57e: {  	v26 =	vor.u32 $0x1, v21;
	[tilespmem:v4+s4+$0x0] =	vst.idx.add.f32.msk vm9, v7  }
0x57f: {  	v4 =	vadd.s32 $0x11170, v13;
	v7 =	vld [tilespmem:s11+$0xFFFFFE90]  }
0x580: {  	v3 =	vld.idx.msk [tilespmem:v3+s30+$0x0], $0xffff  }
0x581: {  	v43 =	vadd.s32 $0x2710, v22;
	v28 =	vld.idx.msk [tilespmem:v30+s30+$0x0], $0xffff  }
0x582: {  	v2 =	vmul.f32 v2, v5;
	v30 =	vadd.s32 $0x7530, v27;
	v5 =	vld [tilespmem:s11+$0xFFFFFB60]  }
0x583: {  	v42 =	vor.u32 $0x4, v25;
	v26 =	vld.idx.msk [tilespmem:v26+s30+$0x0], $0xffff  }
0x584: {  	v6 =	vmul.f32 v6, v29;
	[tilespmem:v4+s4+$0x0] =	vst.idx.add.f32.msk vm0, v2  }
0x585: {  	v2 =	vadd.s32 $0x2710, v0;
	v4 =	vld [tilespmem:s11+$0xFFFFFB30];
	v3 =	vmul.f32 v3, v7  }
0x586: {  	[tilespmem:v43+s4+$0x0] =	vst.idx.add.f32.msk vm4, v6  }
0x587: {  	[tilespmem:v30+s4+$0x0] =	vst.idx.add.f32.msk vm9, v3;
	v3 =	vadd.s32 $0x2710, v1  }
0x588: {  	v24 =	vmul.f32 v24, v31;
	v5 =	vmul.f32 v28, v5;
	v28 =	vor.u32 $0x2, v17;
	v29 =	vld.idx.msk [tilespmem:v42+s30+$0x0], $0xffff  }
0x589: {  	v30 =	vadd.s32 $0x2710, v23;
	v31 =	vld [tilespmem:s11+$0x20]  }
0x58a: {  	v44 =	vor.u32 $0x2, v16;
	[tilespmem:v2+s4+$0x0] =	vst.idx.add.f32.msk vm6, v24  }
0x58b: {  	v4 =	vmul.f32 v26, v4;
	v2 =	vadd.s32 $0x9C40, v27;
	v26 =	vld [tilespmem:s11+$0xFFFFFCD0]  }
0x58c: {  	[tilespmem:v3+s4+$0x0] =	vst.idx.add.f32.msk vm1, v5;
	v3 =	vor.u32 $0x5, v25  }
0x58d: {  	v24 =	vld.idx.msk [tilespmem:v28+s30+$0x0], $0xffff  }
0x58e: {  	v46 =	vor.u32 $0x2, v21;
	[tilespmem:v30+s4+$0x0] =	vst.idx.add.f32.msk vm5, v4;
	v45 =	vmul.f32 v29, v31  }
0x58f: {  	v5 =	vld.idx.msk [tilespmem:v44+s30+$0x0], $0xffff  }
0x590: {  	[tilespmem:v2+s4+$0x0] =	vst.idx.add.f32.msk vm9, v45  }
0x591: {  	v4 =	vor.u32 $0x2, v20;
	v2 =	vld.idx.msk [tilespmem:v3+s30+$0x0], $0xffff  }
0x592: {  	v30 =	vadd.s32 $0x4E20, v22;
	v3 =	vld [tilespmem:s11+$0x1B0]  }
0x593: {  	v47 =	vld.idx.msk [tilespmem:v46+s30+$0x0], $0xffff  }
0x594: {  	v48 =	vadd.s32 $0xC350, v27;
	v29 =	vld [tilespmem:s11+$0xFFFFFCE0]  }
0x595: {  	v31 =	vld [tilespmem:s11+$0xFFFFFCF0];
	v5 =	vmul.f32 v5, v26  }
0x596: {  	v49 =	vadd.s32 $0x4E20, v0;
	v4 =	vld.idx.msk [tilespmem:v4+s30+$0x0], $0xffff  }
0x597: {  	v28 =	vor.u32 $0x6, v25;
	[tilespmem:v30+s4+$0x0] =	vst.idx.add.f32.msk vm4, v5;
	v2 =	vmul.f32 v2, v3  }
0x598: {  	v3 =	vld [tilespmem:s11+$0xFFFFFCC0]  }
0x599: {  	v24 =	vmul.f32 v24, v29;
	[tilespmem:v48+s4+$0x0] =	vst.idx.add.f32.msk vm9, v2;
	v2 =	vadd.s32 $0x4E20, v1  }
0x59a: {  	v26 =	vadd.s32 $0x4E20, v23;
	v5 =	vld [tilespmem:s14+$0x4C0]  }
0x59b: {  	v29 =	vor.u32 $0x3, v16;
	[tilespmem:v49+s4+$0x0] =	vst.idx.add.f32.msk vm6, v24  }
0x59c: {  	v30 =	vor.u32 $0x3, v17;
	v4 =	vmul.f32 v4, v31;
	v7 =	vld.idx.msk [tilespmem:v28+s30+$0x0], $0xffff  }
0x59d: {  	v28 =	vld [tilespmem:s11+$0x340];
	v3 =	vmul.f32 v47, v3  }
0x59e: {  	[tilespmem:v2+s4+$0x0] =	vst.idx.add.f32.msk vm1, v4  }
0x59f: {  	v50 =	vadd.s32 $0xEA60, v27;
	[tilespmem:v26+s4+$0x0] =	vst.idx.add.f32.msk vm5, v3  }
0x5a0: {  	v4 =	vld.idx.msk [tilespmem:v29+s30+$0x0], $0xffff  }
0x5a1: {  	v2 =	vor.u32 $0x7, v25;
	v26 =	vld.idx.msk [tilespmem:v30+s30+$0x0], $0xffff  }
0x5a2: {  	v24 =	vor.u32 $0x3, v21;
	v29 =	vld [tilespmem:s11+$0xFFFFFE70];
	v7 =	vmul.f32 v7, v28  }
0x5a3: {  	v28 =	vld [tilespmem:s11+$0xFFFFFE60]  }
0x5a4: {  	[tilespmem:v50+s4+$0x0] =	vst.idx.add.f32.msk vm9, v7  }
0x5a5: {  	v3 =	vor.u32 $0x3, v20;
	v6 =	vld [tilespmem:s11+$0x4D0]  }
0x5a6: {  	v53 =	vadd.s32 $0x7530, v0;
	v2 =	vld.idx.msk [tilespmem:v2+s30+$0x0], $0xffff  }
0x5a7: {  	v30 =	vadd.s32 $0x7530, v22;
	v51 =	vld.idx.msk [tilespmem:v24+s30+$0x0], $0xffff  }
0x5a8: {  	v24 =	vadd.s32 $0x11170, v27;
	v52 =	vld [tilespmem:s11+$0xFFFFFE50]  }
0x5a9: {  	vm15 =	vmmov vm0;
	vm0 =	vmmov vm5;
	v31 =	vld [tilespmem:s11+$0xFFFFFE80];
	v26 =	vmul.f32 v26, v29  }
0x5aa: {  	vm2 =	vmmov vm2;
	v3 =	vld.idx.msk [tilespmem:v3+s30+$0x0], $0xffff;
	v4 =	vmul.f32 v4, v28;
	v28 =	vadd.s32 $0x7530, v23  }
0x5ab: {  	[tilespmem:v53+s4+$0x0] =	vst.idx.add.f32.msk vm6, v26;
	v26 =	vadd.s32 $0x11170, v11;
	v2 =	vmul.f32 v2, v6  }
0x5ac: {  	v25 =	vor.u32 $0x8, v25;
	[tilespmem:v30+s4+$0x0] =	vst.idx.add.f32.msk vm4, v4  }
0x5ad: {  	v6 =	vmul.f32 v51, v52;
	[tilespmem:v24+s4+$0x0] =	vst.idx.add.f32.msk vm9, v2  }
0x5ae: {  	v5 =	vmul.f32 v19, v5;
	v4 =	vor.u32 $0x4, v17;
	v2 =	vld [tilespmem:s14+$0x490]  }
0x5af: {  	v54 =	vor.u32 $0x4, v21;
	[tilespmem:v28+s4+$0x0] =	vst.idx.add.f32.msk vm0, v6  }
0x5b0: {  	[tilespmem:v26+s4+$0x0] =	vst.idx.add.f32.msk vm2, v5  }
0x5b1: {  	v24 =	vadd.s32 $0x7530, v1;
	v25 =	vld.idx.msk [tilespmem:v25+s30+$0x0], $0xffff  }
0x5b2: {  	v29 =	vor.u32 $0x4, v16;
	v30 =	vld [tilespmem:s11+$0x660]  }
0x5b3: {  	v4 =	vld.idx.msk [tilespmem:v4+s30+$0x0], $0xffff  }
0x5b4: {  	v3 =	vmul.f32 v3, v31;
	v7 =	vld.idx.msk [tilespmem:v54+s30+$0x0], $0xffff  }
0x5b5: {  	v31 =	vor.u32 $0x4, v20;
	v19 =	vld [tilespmem:s11+$0xFFFFFFE0]  }
0x5b6: {  	[tilespmem:v24+s4+$0x0] =	vst.idx.add.f32.msk vm1, v3  }
0x5b7: {  	v3 =	vld.idx.msk [tilespmem:v29+s30+$0x0], $0xffff  }
0x5b8: {  	v28 =	vadd.s32 $0x11170, v8;
	v24 =	vadd.s32 $0x13880, v27;
	v27 =	vld [tilespmem:s11+$0xFFFFFFF0]  }
0x5b9: {  	v5 =	vadd.s32 $0x9C40, v23;
	v29 =	vld [tilespmem:s11+$0x0]  }
0x5ba: {  	v55 =	vld.idx.msk [tilespmem:v31+s30+$0x0], $0xffff;
	v31 =	vadd.s32 $0x9C40, v22  }
0x5bb: {  	v56 =	vadd.s32 $0x9C40, v0;
	v2 =	vmul.f32 v18, v2  }
0x5bc: {  	v25 =	vmul.f32 v25, v30;
	v30 =	vld [tilespmem:s11+$0x10];
	v57 =	vmul.f32 v7, v19  }
0x5bd: {  	v58 =	vor.u32 $0x5, v17;
	[tilespmem:v28+s4+$0x0] =	vst.idx.add.f32.msk vm3, v2;
	v3 =	vmul.f32 v3, v27  }
0x5be: {  	v18 =	vadd.s32 $0x9C40, v1;
	[tilespmem:v5+s4+$0x0] =	vst.idx.add.f32.msk vm0, v57;
	v2 =	vmul.f32 v4, v29  }
0x5bf: {  	[tilespmem:v31+s4+$0x0] =	vst.idx.add.f32.msk vm4, v3  }
0x5c0: {  	v4 =	vor.u32 $0x5, v16;
	[tilespmem:v56+s4+$0x0] =	vst.idx.add.f32.msk vm6, v2  }
0x5c1: {  	v60 =	vor.u32 $0x8, v9;
	v3 =	vmul.f32 v55, v30;
	v59 =	vld [tilespmem:s11+$0x180]  }
0x5c2: {  	v7 =	vld.idx.msk [tilespmem:v58+s30+$0x0], $0xffff  }
0x5c3: {  	v5 =	vor.u32 $0x5, v21;
	[tilespmem:v18+s4+$0x0] =	vst.idx.add.f32.msk vm1, v3  }
0x5c4: {  	v18 =	vld [tilespmem:s11+$0x190]  }
0x5c5: {  	v3 =	vor.u32 $0x5, v20;
	v4 =	vld.idx.msk [tilespmem:v4+s30+$0x0], $0xffff  }
0x5c6: {  	v6 =	vld.idx.msk [tilespmem:v60+s30+$0x0], $0xffff;
	v19 =	vadd.s32 $0xC350, v0  }
0x5c7: {  	[tilespmem:v24+s4+$0x0] =	vst.idx.add.f32.msk vm9, v25;
	v2 =	vor.u32 $0x8, v12;
	v12 =	vadd.s32 $0xC350, v22  }
0x5c8: {  	v5 =	vld.idx.msk [tilespmem:v5+s30+$0x0], $0xffff  }
0x5c9: {  	v14 =	vor.u32 $0x8, v14;
	v9 =	vld [tilespmem:s11+$0x1A0];
	v7 =	vmul.f32 v7, v18  }
0x5ca: {  	v3 =	vld.idx.msk [tilespmem:v3+s30+$0x0], $0xffff;
	v4 =	vmul.f32 v4, v59  }
0x5cb: {  	[tilespmem:v19+s4+$0x0] =	vst.idx.add.f32.msk vm6, v7  }
0x5cc: {  	v19 =	vor.u32 $0x6, v16;
	[tilespmem:v12+s4+$0x0] =	vst.idx.add.f32.msk vm4, v4  }
0x5cd: {  	v4 =	vadd.s32 $0xC350, v1;
	v12 =	vld [tilespmem:s11+$0x170]  }
0x5ce: {  	v10 =	vor.u32 $0x8, v10;
	v24 =	vld.idx.msk [tilespmem:v14+s30+$0x0], $0xffff  }
0x5cf: {  	v61 =	vadd.s32 $0xC350, v23;
	v2 =	vld.idx.msk [tilespmem:v2+s30+$0x0], $0xffff  }
0x5d0: {  	v18 =	vld [tilespmem:s14+$0x630];
	v3 =	vmul.f32 v3, v9  }
0x5d1: {  	v9 =	vor.u32 $0x6, v17;
	v62 =	vld.idx.msk [tilespmem:v19+s30+$0x0], $0xffff  }
0x5d2: {  	v5 =	vmul.f32 v5, v12;
	[tilespmem:v4+s4+$0x0] =	vst.idx.add.f32.msk vm1, v3  }
0x5d3: {  	v3 =	vor.u32 $0x6, v20;
	v4 =	vld.idx.msk [tilespmem:v10+s30+$0x0], $0xffff  }
0x5d4: {  	[tilespmem:v61+s4+$0x0] =	vst.idx.add.f32.msk vm0, v5;
	v5 =	vadd.s32 $0x13880, v15  }
0x5d5: {  	v12 =	vld [tilespmem:s11+$0x310]  }
0x5d6: {  	v9 =	vld.idx.msk [tilespmem:v9+s30+$0x0], $0xffff  }
0x5d7: {  	v2 =	vmul.f32 v2, v18;
	v10 =	vor.u32 $0x6, v21;
	v15 =	vld [tilespmem:s11+$0x320]  }
0x5d8: {  	v3 =	vld.idx.msk [tilespmem:v3+s30+$0x0], $0xffff  }
0x5d9: {  	v14 =	vadd.s32 $0xEA60, v22;
	[tilespmem:v5+s4+$0x0] =	vst.idx.add.f32.msk vm7, v2  }
0x5da: {  	v5 =	vld [tilespmem:s11+$0x330]  }
0x5db: {  	v18 =	vld [tilespmem:s11+$0x300];
	v2 =	vadd.s32 $0xEA60, v0  }
0x5dc: {  	v10 =	vld.idx.msk [tilespmem:v10+s30+$0x0], $0xffff;
	v7 =	vmul.f32 v62, v12;
	v12 =	vadd.s32 $0xEA60, v1  }
0x5dd: {  	v26 =	vld [tilespmem:s14+$0x650]  }
0x5de: {  	v63 =	vadd.s32 $0xEA60, v23;
	v9 =	vmul.f32 v9, v15;
	[tilespmem:v14+s4+$0x0] =	vst.idx.add.f32.msk vm4, v7  }
0x5df: {  	v14 =	vld [tilespmem:s14+$0x640];
	v3 =	vmul.f32 v3, v5;
	v5 =	vor.u32 $0x7, v16  }
0x5e0: {  	[tilespmem:v2+s4+$0x0] =	vst.idx.add.f32.msk vm6, v9;
	v9 =	vor.u32 $0x7, v17  }
0x5e1: {  	v2 =	vmul.f32 v10, v18;
	[tilespmem:v12+s4+$0x0] =	vst.idx.add.f32.msk vm1, v3;
	v3 =	vor.u32 $0x7, v21  }
0x5e2: {  	v29 =	vld [tilespmem:s14+$0x620];
	v10 =	vor.u32 $0x7, v20  }
0x5e3: {  	v12 =	vadd.s32 $0x13880, v13;
	[tilespmem:v63+s4+$0x0] =	vst.idx.add.f32.msk vm0, v2  }
0x5e4: {  	v2 =	vld.idx.msk [tilespmem:v5+s30+$0x0], $0xffff  }
0x5e5: {  	v25 =	vld.idx.msk [tilespmem:v9+s30+$0x0], $0xffff  }
0x5e6: {  	v5 =	vmul.f32 v6, v14;
	v28 =	vld.idx.msk [tilespmem:v3+s30+$0x0], $0xffff;
	v3 =	vadd.s32 $0x11170, v0  }
0x5e7: {  	v48 =	vadd.s32 $0x11170, v22;
	vm5 =	vmmov vm3;
	v11 =	vadd.s32 $0x13880, v11;
	v27 =	vld.idx.msk [tilespmem:v10+s30+$0x0], $0xffff;
	[tilespmem:$0x1FC60] =	vst v3  }
0x5e8: {  	vm3 =	vmmov vm4;
	v19 =	vor.u32 $0x8, v16;
	v15 =	vor.u32 $0x8, v17;
	[tilespmem:v12+s4+$0x0] =	vst.idx.add.f32.msk vm15, v5  }
0x5e9: {  	vm4 =	vmmov vm6;
	v18 =	vadd.s32 $0x11170, v1;
	v16 =	vor.u32 $0x8, v20;
	v3 =	vld [tilespmem:s11+$0x4A0]  }
0x5ea: {  	v17 =	vor.u32 $0x8, v21;
	v20 =	vadd.s32 $0x13880, v23;
	v13 =	vadd.s32 $0x11170, v23;
	v38 =	vld [tilespmem:s11+$0x4B0]  }
0x5eb: {  	v10 =	vadd.s32 $0x13880, v8;
	v14 =	vadd.s32 $0x13880, v22;
	v22 =	vadd.s32 $0x13880, v1;
	v42 =	vld [tilespmem:s11+$0x4C0]  }
0x5ec: {  	s19 =	simm.s32 $0xA0;
	s17 =	simm.s32 $0x5;
	s14 =	simm.s32 $0x18260;
	v1 =	vmul.f32 v24, v26;
	v12 =	vadd.s32 $0x13880, v0;
	v0 =	vmul.f32 v4, v29;
	v43 =	vld [tilespmem:s11+$0x490]  }
.LBB2_26:
0x5ed: {  	s3 =	sadd.s32 $0x50, s3  }
0x5ee: {  	v5 =	vld [tilespmem:s3+$0x20]  }
0x5ef: {  	v8 =	vld [tilespmem:s3+$0xFFFFFFF0]  }
0x5f0: {  	[tilespmem:v11+s4+$0x0] =	vst.idx.add.f32.msk vm2, v1  }
0x5f1: {  	v4 =	vor.u32 s19, v35;
	s18 =	sadd.s32 $0x10, s19;
	v1 =	vmov v22;
	[tilespmem:v10+s4+$0x0] =	vst.idx.add.f32.msk vm5, v0  }
0x5f2: {  	s20 =	sadd.s32 $0x40, s19;
	s25 =	sadd.s32 $0x20, s19;
	s11 =	sadd.s32 $0x50, s11;
	v2 =	vmul.f32 v2, v3;
	vm2 =	vmmov vm1;
	v22 =	vshll.u32 v4, $0x4;
	v0 =	vmovc v20;
	v10 =	vld [tilespmem:$0x1FC50];
	[tilespmem:$0x1FBE0] =	vst v1  }
0x5f3: {  	v50 =	vld [tilespmem:s11+$0xFFFFF9B0];
	v3 =	vor.u32 s20, v35;
	v1 =	vor.u32 s18, v35;
	[tilespmem:$0x1FBB0] =	vst v0;
	v0 =	vor.u32 s25, v35  }
0x5f4: {  	s25 =	sadd.s32 $0x30, s19;
	v21 =	vshll.u32 v3, $0x4;
	v6 =	vld [tilespmem:s3+$0xFFFFFFE0];
	v20 =	vshll.u32 v1, $0x4;
	v5 =	vsub.s32 v5, v34  }
0x5f5: {  	v32 =	vld [tilespmem:s11+$0xFFFFF9A0];
	v37 =	vshll.u32 v0, $0x4;
	v7 =	vor.u32 s25, v35;
	vm12 =	vgt.s32 v5, $0x0  }
0x5f6: {  	v63 =	vld [tilespmem:s11+$0xFFFFF9D0];
	v8 =	vsub.s32 v8, v34;
	v56 =	vshll.u32 v7, $0x4;
	v5 =	vnsel vm12, $0x0, v5  }
0x5f7: {  	vm12 =	vgt.s32 v8, $0x0;
	v1 =	vadd.s32 v10, v1;
	v0 =	vadd.s32 v10, v0;
	v11 =	vld.idx.msk [tilespmem:v22+s30+$0x0], $0xffff  }
0x5f8: {  	v9 =	vadd.s32 v10, v7;
	vm1 =	vge.s32 v0, v36;
	vm5 =	vlt.s32 v0, v39;
	v0 =	vld [tilespmem:s3+$0x10]  }
0x5f9: {  	v4 =	vadd.s32 v10, v4;
	v3 =	vadd.s32 v10, v3;
	v23 =	vmin.u32 v5, $0x270F;
	v49 =	vld.idx.msk [tilespmem:v21+s30+$0x0], $0xffff  }
0x5fa: {  	v10 =	vor.u32 $0x1, v21;
	vm8 =	vge.s32 v3, v36;
	vm9 =	vlt.s32 v3, v39;
	v3 =	vld [tilespmem:s11+$0xFFFFF9E0]  }
0x5fb: {  	vm6 =	vge.s32 v1, v36;
	vm7 =	vlt.s32 v1, v39;
	v1 =	vld [tilespmem:s3+$0x0];
	vm8 =	vmand vm8, vm9  }
0x5fc: {  	v8 =	vnsel vm12, $0x0, v8;
	vm10 =	vge.s32 v9, v36;
	vm11 =	vlt.s32 v9, v39;
	v9 =	vld.idx.msk [tilespmem:v20+s30+$0x0], $0xffff  }
0x5fd: {  	v6 =	vsub.s32 v6, v34;
	vm12 =	vlt.s32 v4, v39;
	v24 =	vmin.u32 v8, $0x270F;
	v31 =	vld.idx.msk [tilespmem:v37+s30+$0x0], $0xffff  }
0x5fe: {  	vm9 =	vgt.s32 v6, $0x0;
	vm7 =	vmand vm6, vm7;
	vm6 =	vmand vm1, vm5;
	[tilespmem:v48+s4+$0x0] =	vst.idx.add.f32.msk vm3, v2  }
0x5ff: {  	v5 =	vld.idx.msk [tilespmem:v56+s30+$0x0], $0xffff;
	v6 =	vnsel vm9, $0x0, v6;
	v0 =	vsub.s32 v0, v34;
	v3 =	vmul.f32 v49, v3  }
0x600: {  	[tilespmem:$0x1FB10] =	vst v16;
	vm9 =	vge.s32 v4, v36;
	v4 =	vld [tilespmem:s11+$0xFFFFF9C0];
	v1 =	vsub.s32 v1, v34;
	vm14 =	vgt.s32 v0, $0x0  }
0x601: {  	vm9 =	vmand vm9, vm12;
	vm13 =	vgt.s32 v1, $0x0;
	v0 =	vnsel vm14, $0x0, v0;
	[tilespmem:v23+s4+$0x0] =	vst.idx.add.f32.msk vm8, v3  }
0x602: {  	[tilespmem:$0x1FAD0] =	vst v18;
	v29 =	vmin.u32 v6, $0x270F;
	v1 =	vnsel vm13, $0x0, v1;
	v26 =	vmin.u32 v0, $0x270F;
	v0 =	vld.idx.msk [tilespmem:v10+s30+$0x0], $0xffff  }
0x603: {  	[tilespmem:$0x1FAF0] =	vst v15;
	vm1 =	vmand vm10, vm11;
	v62 =	vmul.f32 v9, v50;
	v30 =	vmin.u32 v1, $0x270F;
	v1 =	vld [tilespmem:s11+$0xFFFFFB70]  }
0x604: {  	[tilespmem:$0x1FC40] =	vst v12;
	v15 =	vld.idx.msk [tilespmem:v19+s30+$0x0], $0xffff;
	v49 =	vadd.s32 $0x2710, v23  }
0x605: {  	v3 =	vmul.f32 v11, v32;
	v18 =	vmul.f32 v31, v4;
	v4 =	vor.u32 $0x7, v56;
	[tilespmem:v24+s4+$0x0] =	vst.idx.add.f32.msk vm7, v62  }
0x606: {  	v40 =	vor.u32 $0x2, v21;
	[tilespmem:$0x1FC20] =	vst v4  }
0x607: {  	v19 =	vmul.f32 v5, v63;
	[tilespmem:v29+s4+$0x0] =	vst.idx.add.f32.msk vm9, v3  }
0x608: {  	v0 =	vmul.f32 v0, v1;
	[tilespmem:v30+s4+$0x0] =	vst.idx.add.f32.msk vm6, v18  }
0x609: {  	[tilespmem:v26+s4+$0x0] =	vst.idx.add.f32.msk vm1, v19  }
0x60a: {  	v8 =	vor.u32 $0x1, v20;
	v2 =	vadd.s32 $0xEA60, v26;
	[tilespmem:v49+s4+$0x0] =	vst.idx.add.f32.msk vm8, v0  }
0x60b: {  	v3 =	vor.u32 $0x7, v37;
	[tilespmem:$0x1FBD0] =	vst v2;
	v31 =	vld.idx.msk [tilespmem:v40+s30+$0x0], $0xffff  }
0x60c: {  	[tilespmem:$0x1FC10] =	vst v3;
	v0 =	vadd.s32 $0x9C40, v29;
	v36 =	vld [tilespmem:s11+$0xFFFFFD00]  }
0x60d: {  	v51 =	vor.u32 $0x1, v37;
	[tilespmem:$0x1FB00] =	vst v0;
	v0 =	vadd.s32 $0xC350, v29  }
0x60e: {  	v18 =	vadd.s32 $0x4E20, v23;
	[tilespmem:$0x1FB40] =	vst v0;
	v0 =	vor.u32 $0x6, v20  }
0x60f: {  	v19 =	vld.idx.msk [tilespmem:v8+s30+$0x0], $0xffff;
	v8 =	vor.u32 $0x3, v21;
	[tilespmem:$0x1FB50] =	vst v0;
	v0 =	vadd.s32 $0xC350, v30  }
0x610: {  	[tilespmem:$0x1FB20] =	vst v0;
	v0 =	vadd.s32 $0xC350, v26  }
0x611: {  	v5 =	vld [tilespmem:s11+$0xFFFFFB30];
	[tilespmem:$0x1FB30] =	vst v0;
	v0 =	vor.u32 $0x6, v22;
	v31 =	vmul.f32 v31, v36  }
0x612: {  	v35 =	vor.u32 $0x1, v56;
	v32 =	vld.idx.msk [tilespmem:v51+s30+$0x0], $0xffff;
	[tilespmem:$0x1FB80] =	vst v0  }
0x613: {  	v0 =	vor.u32 $0x6, v37;
	[tilespmem:v18+s4+$0x0] =	vst.idx.add.f32.msk vm8, v31  }
0x614: {  	[tilespmem:$0x1FB60] =	vst v0;
	v0 =	vor.u32 $0x6, v56;
	v18 =	vld.idx.msk [tilespmem:v8+s30+$0x0], $0xffff  }
0x615: {  	v50 =	vor.u32 $0x1, v22;
	[tilespmem:$0x1FB70] =	vst v0;
	v0 =	vadd.s32 $0xEA60, v29;
	v31 =	vld [tilespmem:s11+$0xFFFFFE90]  }
0x616: {  	v1 =	vadd.s32 $0xEA60, v24;
	[tilespmem:$0x1FBF0] =	vst v0;
	v0 =	vld [tilespmem:s11+$0xFFFFFB40]  }
0x617: {  	v16 =	vld.idx.msk [tilespmem:v35+s30+$0x0], $0xffff;
	[tilespmem:$0x1FBA0] =	vst v1;
	v1 =	vadd.s32 $0xEA60, v30  }
0x618: {  	v2 =	vadd.s32 $0x7530, v23;
	v3 =	vld [tilespmem:s11+$0xFFFFFB60];
	[tilespmem:$0x1FBC0] =	vst v1;
	v1 =	vor.u32 $0x7, v20  }
0x619: {  	v12 =	vadd.s32 $0x2710, v24;
	[tilespmem:$0x1FC00] =	vst v1;
	v1 =	vld [tilespmem:s11+$0xFFFFFB50];
	v8 =	vor.u32 $0x7, v22  }
0x61a: {  	v4 =	vor.u32 $0x4, v21;
	v36 =	vmov v17;
	v17 =	vld.idx.msk [tilespmem:v50+s30+$0x0], $0xffff;
	[tilespmem:$0x1FC30] =	vst v8;
	v8 =	vmul.f32 v27, v42  }
0x61b: {  	v27 =	vmul.f32 v18, v31;
	v0 =	vmul.f32 v19, v0;
	v19 =	vld [tilespmem:$0x1FC60]  }
0x61c: {  	[tilespmem:$0x1FB90] =	vst v14;
	v14 =	vadd.s32 $0x2710, v26;
	v18 =	vld [tilespmem:s14+$0x630]  }
0x61d: {  	v11 =	vor.u32 $0x2, v20;
	[tilespmem:v2+s4+$0x0] =	vst.idx.add.f32.msk vm8, v27  }
0x61e: {  	[tilespmem:v12+s4+$0x0] =	vst.idx.add.f32.msk vm7, v0  }
0x61f: {  	[tilespmem:$0x1FAE0] =	vst v13;
	v13 =	vadd.s32 $0x2710, v30;
	v2 =	vmul.f32 v16, v3;
	v3 =	vld.idx.msk [tilespmem:v4+s30+$0x0], $0xffff  }
0x620: {  	v33 =	vadd.s32 $0x2710, v29;
	v4 =	vmul.f32 v17, v5;
	v5 =	vld [tilespmem:s11+$0x20]  }
0x621: {  	v25 =	vmul.f32 v25, v38;
	v10 =	vor.u32 $0x2, v37;
	[tilespmem:v14+s4+$0x0] =	vst.idx.add.f32.msk vm1, v2  }
0x622: {  	v1 =	vmul.f32 v32, v1;
	v0 =	vadd.s32 $0x9C40, v23;
	v2 =	vld.idx.msk [tilespmem:v11+s30+$0x0], $0xffff  }
0x623: {  	[tilespmem:v19+s4+$0x0] =	vst.idx.add.f32.msk vm4, v25  }
0x624: {  	[tilespmem:v13+s4+$0x0] =	vst.idx.add.f32.msk vm6, v1;
	v1 =	vor.u32 $0x5, v21  }
0x625: {  	[tilespmem:v33+s4+$0x0] =	vst.idx.add.f32.msk vm9, v4;
	v3 =	vmul.f32 v3, v5  }
0x626: {  	v34 =	vor.u32 $0x2, v22;
	v4 =	vld.idx.msk [tilespmem:v10+s30+$0x0], $0xffff  }
0x627: {  	v9 =	vor.u32 $0x2, v56;
	[tilespmem:v0+s4+$0x0] =	vst.idx.add.f32.msk vm8, v3  }
0x628: {  	v12 =	vld [tilespmem:s11+$0xFFFFFCE0]  }
0x629: {  	v0 =	vld.idx.msk [tilespmem:v1+s30+$0x0], $0xffff  }
0x62a: {  	v7 =	vadd.s32 $0x4E20, v30;
	v1 =	vld [tilespmem:s11+$0x1B0]  }
0x62b: {  	v5 =	vld.idx.msk [tilespmem:v34+s30+$0x0], $0xffff  }
0x62c: {  	v3 =	vld.idx.msk [tilespmem:v9+s30+$0x0], $0xffff;
	v9 =	vadd.s32 $0xC350, v23  }
0x62d: {  	v11 =	vor.u32 $0x6, v21;
	v10 =	vld [tilespmem:s11+$0xFFFFFCD0];
	v4 =	vmul.f32 v4, v12  }
0x62e: {  	v13 =	vld [tilespmem:s11+$0xFFFFFCF0]  }
0x62f: {  	v6 =	vadd.s32 $0x4E20, v24;
	[tilespmem:v7+s4+$0x0] =	vst.idx.add.f32.msk vm6, v4;
	v0 =	vmul.f32 v0, v1  }
0x630: {  	v40 =	vor.u32 $0x3, v37;
	v1 =	vld [tilespmem:s11+$0xFFFFFCC0]  }
0x631: {  	v41 =	vadd.s32 $0x4E20, v26;
	[tilespmem:v9+s4+$0x0] =	vst.idx.add.f32.msk vm8, v0  }
0x632: {  	v0 =	vmul.f32 v2, v10;
	v2 =	vld.idx.msk [tilespmem:v11+s30+$0x0], $0xffff  }
0x633: {  	v45 =	vadd.s32 $0x4E20, v29;
	v9 =	vld [tilespmem:s11+$0x340]  }
0x634: {  	v44 =	vor.u32 $0x3, v20;
	[tilespmem:v6+s4+$0x0] =	vst.idx.add.f32.msk vm7, v0;
	v0 =	vmul.f32 v3, v13  }
0x635: {  	v4 =	vld.idx.msk [tilespmem:v40+s30+$0x0], $0xffff;
	v3 =	vadd.s32 $0xEA60, v23  }
0x636: {  	v1 =	vmul.f32 v5, v1;
	[tilespmem:v41+s4+$0x0] =	vst.idx.add.f32.msk vm1, v0;
	v0 =	vor.u32 $0x7, v21  }
0x637: {  	v10 =	vld [tilespmem:s11+$0xFFFFFE70]  }
0x638: {  	[tilespmem:v45+s4+$0x0] =	vst.idx.add.f32.msk vm9, v1;
	v2 =	vmul.f32 v2, v9  }
0x639: {  	v46 =	vor.u32 $0x3, v56;
	v1 =	vld.idx.msk [tilespmem:v44+s30+$0x0], $0xffff  }
0x63a: {  	[tilespmem:v3+s4+$0x0] =	vst.idx.add.f32.msk vm8, v2  }
0x63b: {  	v47 =	vor.u32 $0x3, v22;
	v0 =	vld.idx.msk [tilespmem:v0+s30+$0x0], $0xffff  }
0x63c: {  	v61 =	vadd.s32 $0x7530, v30;
	v2 =	vld [tilespmem:s11+$0x4D0]  }
0x63d: {  	v11 =	vld [tilespmem:s11+$0xFFFFFE80]  }
0x63e: {  	v45 =	vadd.s32 $0x11170, v23;
	v3 =	vld.idx.msk [tilespmem:v46+s30+$0x0], $0xffff  }
0x63f: {  	v4 =	vmul.f32 v4, v10;
	v9 =	vor.u32 $0x8, v21;
	v46 =	vld [tilespmem:s11+$0xFFFFFE60]  }
0x640: {  	v5 =	vld.idx.msk [tilespmem:v47+s30+$0x0], $0xffff  }
0x641: {  	[tilespmem:v61+s4+$0x0] =	vst.idx.add.f32.msk vm6, v4;
	v0 =	vmul.f32 v0, v2  }
0x642: {  	v63 =	vadd.s32 $0x7530, v24;
	v2 =	vld [tilespmem:s11+$0xFFFFFE50]  }
0x643: {  	[tilespmem:v45+s4+$0x0] =	vst.idx.add.f32.msk vm8, v0  }
0x644: {  	v0 =	vmul.f32 v1, v46;
	v1 =	vld.idx.msk [tilespmem:v9+s30+$0x0], $0xffff  }
0x645: {  	v62 =	vadd.s32 $0x7530, v26;
	v6 =	vld [tilespmem:s11+$0x660]  }
0x646: {  	v57 =	vor.u32 $0x4, v20;
	v9 =	vld [tilespmem:$0x1FAD0]  }
0x647: {  	[tilespmem:v63+s4+$0x0] =	vst.idx.add.f32.msk vm7, v0  }
0x648: {  	v58 =	vor.u32 $0x4, v56;
	v0 =	vmul.f32 v3, v11;
	v3 =	vadd.s32 $0x13880, v23;
	v4 =	vld [tilespmem:s11+$0xFFFFFFF0]  }
0x649: {  	vm5 =	vmmov vm0;
	vm0 =	vmmov vm9;
	v2 =	vmul.f32 v5, v2;
	v5 =	vld [tilespmem:s11+$0x0]  }
0x64a: {  	v55 =	vadd.s32 $0x7530, v29;
	[tilespmem:v62+s4+$0x0] =	vst.idx.add.f32.msk vm1, v0  }
0x64b: {  	v60 =	vor.u32 $0x4, v37;
	v0 =	vld.idx.msk [tilespmem:v57+s30+$0x0], $0xffff;
	v1 =	vmul.f32 v1, v6  }
0x64c: {  	v47 =	vld [tilespmem:s11+$0x10]  }
0x64d: {  	[tilespmem:v3+s4+$0x0] =	vst.idx.add.f32.msk vm8, v1  }
0x64e: {  	v54 =	vadd.s32 $0x9C40, v24;
	v1 =	vld.idx.msk [tilespmem:v58+s30+$0x0], $0xffff  }
0x64f: {  	[tilespmem:v55+s4+$0x0] =	vst.idx.add.f32.msk vm0, v2  }
0x650: {  	v53 =	vadd.s32 $0x9C40, v26;
	v2 =	vld.idx.msk [tilespmem:v60+s30+$0x0], $0xffff  }
0x651: {  	v0 =	vmul.f32 v0, v4;
	v4 =	vld [tilespmem:$0x1FAE0]  }
0x652: {  	v59 =	vor.u32 $0x4, v22;
	v55 =	vld [tilespmem:s11+$0xFFFFFFE0]  }
0x653: {  	[tilespmem:v54+s4+$0x0] =	vst.idx.add.f32.msk vm7, v0;
	v0 =	vmul.f32 v1, v47  }
0x654: {  	[tilespmem:v9+s4+$0x0] =	vst.idx.add.f32.msk vm2, v8  }
0x655: {  	[tilespmem:v53+s4+$0x0] =	vst.idx.add.f32.msk vm1, v0  }
0x656: {  	v0 =	vld [tilespmem:$0x1FB00]  }
0x657: {  	v43 =	vmul.f32 v28, v43;
	v3 =	vld.idx.msk [tilespmem:v59+s30+$0x0], $0xffff;
	_ =	sdelay $0x1  }
0x658: {  	[tilespmem:v4+s4+$0x0] =	vst.idx.add.f32.msk vm5, v43  }
0x659: {  	v51 =	vor.u32 $0x5, v20;
	v4 =	vld [tilespmem:$0x1FAF0]  }
0x65a: {  	v35 =	vor.u32 $0x5, v22  }
0x65b: {  	v2 =	vmul.f32 v2, v5;
	v5 =	vld [tilespmem:s11+$0x180];
	v1 =	vmul.f32 v3, v55  }
0x65c: {  	v57 =	vld [tilespmem:s11+$0x1A0]  }
0x65d: {  	v52 =	vadd.s32 $0x9C40, v30;
	[tilespmem:v0+s4+$0x0] =	vst.idx.add.f32.msk vm0, v1  }
0x65e: {  	v49 =	vor.u32 $0x5, v56;
	v0 =	vld.idx.msk [tilespmem:v51+s30+$0x0], $0xffff  }
0x65f: {  	v3 =	vld.idx.msk [tilespmem:v35+s30+$0x0], $0xffff  }
0x660: {  	v8 =	vld [tilespmem:s11+$0x170]  }
0x661: {  	v50 =	vor.u32 $0x5, v37;
	v4 =	vld.idx.msk [tilespmem:v4+s30+$0x0], $0xffff  }
0x662: {  	v39 =	vadd.s32 $0xC350, v24;
	[tilespmem:v52+s4+$0x0] =	vst.idx.add.f32.msk vm6, v2  }
0x663: {  	v2 =	vld.idx.msk [tilespmem:v49+s30+$0x0], $0xffff;
	_ =	sdelay $0x1  }
0x664: {  	v0 =	vmul.f32 v0, v5  }
0x665: {  	v1 =	vld.idx.msk [tilespmem:v50+s30+$0x0], $0xffff  }
0x666: {  	[tilespmem:v39+s4+$0x0] =	vst.idx.add.f32.msk vm7, v0  }
0x667: {  	v0 =	vmul.f32 v2, v57;
	v2 =	vmul.f32 v3, v8;
	v3 =	vld [tilespmem:$0x1FB20]  }
0x668: {  	v38 =	vor.u32 $0x8, v56;
	v56 =	vld [tilespmem:s11+$0x190];
	_ =	sdelay $0x4  }
0x669: {  	v9 =	vld [tilespmem:$0x1FB10];
	v1 =	vmul.f32 v1, v56  }
0x66a: {  	v58 =	vld [tilespmem:s14+$0x640]  }
0x66b: {  	[tilespmem:v3+s4+$0x0] =	vst.idx.add.f32.msk vm6, v1  }
0x66c: {  	v1 =	vld [tilespmem:$0x1FB30];
	_ =	sdelay $0x6  }
0x66d: {  	v9 =	vld.idx.msk [tilespmem:v9+s30+$0x0], $0xffff  }
0x66e: {  	[tilespmem:v1+s4+$0x0] =	vst.idx.add.f32.msk vm1, v0  }
0x66f: {  	v0 =	vld [tilespmem:$0x1FB40];
	_ =	sdelay $0x6  }
0x670: {  	v5 =	vld.idx.msk [tilespmem:v36+s30+$0x0], $0xffff  }
0x671: {  	[tilespmem:v0+s4+$0x0] =	vst.idx.add.f32.msk vm0, v2  }
0x672: {  	v0 =	vld [tilespmem:$0x1FB50]  }
0x673: {  	v3 =	vld [tilespmem:$0x1FB80]  }
0x674: {  	v63 =	vld [tilespmem:$0x1FBA0]  }
0x675: {  	v2 =	vld [tilespmem:$0x1FB70]  }
0x676: {  	v62 =	vld [tilespmem:$0x1FB90]  }
0x677: {  	v59 =	vld [tilespmem:s11+$0x310]  }
0x678: {  	v1 =	vld [tilespmem:$0x1FB60]  }
0x679: {  	v8 =	vld [tilespmem:s11+$0x330]  }
0x67a: {  	v0 =	vld.idx.msk [tilespmem:v0+s30+$0x0], $0xffff  }
0x67b: {  	v3 =	vld.idx.msk [tilespmem:v3+s30+$0x0], $0xffff  }
0x67c: {  	v10 =	vld [tilespmem:s11+$0x300]  }
0x67d: {  	v2 =	vld.idx.msk [tilespmem:v2+s30+$0x0], $0xffff  }
0x67e: {  	v27 =	vmul.f32 v15, v18  }
0x67f: {  	v60 =	vld [tilespmem:s11+$0x320];
	v0 =	vmul.f32 v0, v59  }
0x680: {  	[tilespmem:v62+s4+$0x0] =	vst.idx.add.f32.msk vm3, v27  }
0x681: {  	[tilespmem:v63+s4+$0x0] =	vst.idx.add.f32.msk vm7, v0  }
0x682: {  	v0 =	vmul.f32 v2, v8;
	v2 =	vmul.f32 v3, v10;
	v3 =	vld [tilespmem:$0x1FBC0]  }
0x683: {  	v1 =	vld.idx.msk [tilespmem:v1+s30+$0x0], $0xffff;
	_ =	sdelay $0x4  }
0x684: {  	v1 =	vmul.f32 v1, v60;
	_ =	sdelay $0x1  }
0x685: {  	[tilespmem:v3+s4+$0x0] =	vst.idx.add.f32.msk vm6, v1  }
0x686: {  	v1 =	vld [tilespmem:$0x1FBD0];
	_ =	sdelay $0x1  }
0x687: {  	v3 =	vld [tilespmem:$0x1FC10];
	_ =	sdelay $0x4  }
0x688: {  	v11 =	vld [tilespmem:s14+$0x650]  }
0x689: {  	[tilespmem:v1+s4+$0x0] =	vst.idx.add.f32.msk vm1, v0  }
0x68a: {  	v25 =	vadd.s32 $0x13880, v24;
	v0 =	vld [tilespmem:$0x1FBF0]  }
0x68b: {  	v14 =	vmov v25;
	v25 =	vld.idx.msk [tilespmem:v3+s30+$0x0], $0xffff  }
0x68c: {  	v3 =	vld [tilespmem:$0x1FC20];
	_ =	sdelay $0x1  }
0x68d: {  	v34 =	vld [tilespmem:$0x1FFF0]  }
0x68e: {  	v36 =	vld [tilespmem:$0x1FFB0]  }
0x68f: {  	v39 =	vld [tilespmem:$0x1FFC0]  }
0x690: {  	v61 =	vld [tilespmem:s14+$0x620]  }
0x691: {  	[tilespmem:v0+s4+$0x0] =	vst.idx.add.f32.msk vm0, v2  }
0x692: {  	v2 =	vld [tilespmem:$0x1FC00]  }
0x693: {  	v27 =	vld.idx.msk [tilespmem:v3+s30+$0x0], $0xffff  }
0x694: {  	v3 =	vld [tilespmem:$0x1FC30]  }
0x695: {  	v10 =	vld [tilespmem:$0x1FBB0]  }
0x696: {  	v0 =	vmul.f32 v5, v61;
	v5 =	vld [tilespmem:$0x1FC40]  }
0x697: {  	v16 =	vmov v38;
	v38 =	vld [tilespmem:s11+$0x4B0]  }
0x698: {  	s17 =	sadd.s32 $0x5, s17;
	v42 =	vadd.s32 $0x11170, v29;
	v1 =	vmul.f32 v9, v11;
	v11 =	vld [tilespmem:$0x1FBE0]  }
0x699: {  	p0 =	slt.u32 s17, $0x14;
	v13 =	vmov v42;
	v42 =	vld [tilespmem:s11+$0x4C0]  }
.Ltmp14:
0x69a: {  	v28 =	vor.u32 $0x8, v22;
	v43 =	vld [tilespmem:s11+$0x490];
	(pc) =	sbr.rel @p0 .LBB2_26-.Ltmp14, $4  }
0x69b: {  	v48 =	vadd.s32 $0x11170, v24;
	v32 =	vadd.s32 $0x11170, v26;
	v22 =	vadd.s32 $0x13880, v26;
	v2 =	vld.idx.msk [tilespmem:v2+s30+$0x0], $0xffff  }
0x69c: {  	v31 =	vor.u32 $0x8, v37;
	v17 =	vmovc v28;
	v19 =	vadd.s32 $0x11170, v30;
	v4 =	vmul.f32 v4, v58;
	v28 =	vld.idx.msk [tilespmem:v3+s30+$0x0], $0xffff  }
0x69d: {  	v37 =	vadd.s32 $0x13880, v30;
	v18 =	vmovc v32;
	[tilespmem:$0x1FC60] =	vst v19;
	v19 =	vor.u32 $0x8, v20;
	v20 =	vadd.s32 $0x13880, v29;
	v3 =	vld [tilespmem:s11+$0x4A0]  }
0x69e: {  	s19 =	sadd.s32 $0x50, s19;
	v15 =	vmovc v31;
	v12 =	vmovc v37;
	v35 =	vlaneseq.u32;
	s14 =	smov.u32 s11;
	vm3 =	vmmov vm7;
	[tilespmem:v5+s4+$0x0] =	vst.idx.add.f32.msk vm4, v4;
	vm4 =	vmmov vm6  }
0x69f: {  	_ =	sdelay $0x2  }
0x6a0: {  	vm1 =	vmmov vm1;
	v2 =	vmul.f32 v2, v3  }
0x6a1: {  	vm0 =	vmmov vm0  }
0x6a2: {  	[tilespmem:v48+s4+$0x0] =	vst.idx.add.f32.msk vm3, v2  }
0x6a3: {  	v2 =	vld.idx.msk [tilespmem:v19+s30+$0x0], $0xffff  }
0x6a4: {  	v4 =	vmul.f32 v27, v42;
	v7 =	vld [tilespmem:$0x1FC60]  }
0x6a5: {  	v6 =	vmul.f32 v28, v43;
	v5 =	vld [tilespmem:s14+$0x630]  }
0x6a6: {  	[tilespmem:v18+s4+$0x0] =	vst.idx.add.f32.msk vm1, v4  }
0x6a7: {  	[tilespmem:v13+s4+$0x0] =	vst.idx.add.f32.msk vm0, v6  }
0x6a8: {  	v4 =	vld.idx.msk [tilespmem:v16+s30+$0x0], $0xffff  }
0x6a9: {  	v6 =	vld.idx.msk [tilespmem:v17+s30+$0x0], $0xffff  }
0x6aa: {  	v59 =	vmul.f32 v25, v38;
	v8 =	vld [tilespmem:s14+$0x650]  }
0x6ab: {  	v9 =	vld [tilespmem:s14+$0x620]  }
0x6ac: {  	[tilespmem:v7+s4+$0x0] =	vst.idx.add.f32.msk vm4, v59  }
0x6ad: {  	v3 =	vld.idx.msk [tilespmem:v15+s30+$0x0], $0xffff  }
0x6ae: {  	v7 =	vld [tilespmem:s14+$0x640]  }
0x6af: {  	s10 =	sadd.s32 $0x1, s10  }
0x6b0: {  	p0 =	sne.s32 s10, s8;
	[tilespmem:v11+s4+$0x0] =	vst.idx.add.f32.msk vm2, v1;
	v60 =	vmul.f32 v2, v5  }
.Ltmp15:
0x6b1: {  	[tilespmem:v10+s4+$0x0] =	vst.idx.add.f32.msk vm5, v0;
	v62 =	vmul.f32 v4, v8;
	(pc) =	sbr.rel @p0 .LBB2_21-.Ltmp15, $4  }
.Ltmp16:
0x6b2: {  	v63 =	vmul.f32 v6, v9;
	[tilespmem:v14+s4+$0x0] =	vst.idx.add.f32.msk vm3, v60;
	(pc) =	sbr.rel @!p0 .LBB2_28-.Ltmp16, $4  }
0x6b3: {  	[tilespmem:v22+s4+$0x0] =	vst.idx.add.f32.msk vm1, v62;
	v61 =	vmul.f32 v3, v7  }
0x6b4: {  	[tilespmem:v20+s4+$0x0] =	vst.idx.add.f32.msk vm0, v63  }
0x6b5: {  	[tilespmem:v12+s4+$0x0] =	vst.idx.add.f32.msk vm4, v61  }
0x6b6: {  	_ = 	snop  }
.LBB2_29:
0x6b7: {  	_ =	sfence.sel $0x180000  }
0x6b8: {  	[bflag:$0x0] =	sbarrier.arrive $0xFFFF  }
0x6b9: {  	_ =	strace $0x9000004A  }
0x6ba: {  	s0 =	stileid.u32;
	[bflag:$0x2] =	sbarrier.arrive $0xFFFF  }
0x6bb: {  	p0 =	sne.s32 s0, $0x0;
	s0 =	rddreg [dreg:$0x4]  }
0x6bc: {  	s0 =	sadd.s32 @!p0 $0x100000, s0  }
0x6bd: {  	[sflag:s0] =	ssyncadd.tile.s32 @!p0 $0x1;
	_ =	shalt  }
.Lfunc_end2:
_tile_overlayer_lowered:
.L_overlay_start_2:
0x6be: {  	(tag) =	ssettag $0x2  }
0x6bf: {  	s0 =	rddreg [dreg:$0x0];
	s2 =	stileid.u32  }
0x6c0: {  	s1 =	rddreg [dreg:$0x1];
	p0 =	sne.s32 s2, $0x0  }
0x6c1: {  	s3 =	rddreg [dreg:$0x2];
	[bflag:$0x3] =	sbarrier.arrive $0xFFFF;
	s2 =	simm.s32 @!p0 $0x1C07  }
0x6c2: {  	[timem:s3], [sflag:s2] =	dma.local @!p0 [hbm:s0], s1  }
0x6c3: {  	s0 =	simm.s32 @!p0 $0x7  }
0x6c4: {  	_ =	swait.ge @!p0 [sflag:s0], s1  }
0x6c5: {  	s1 =	ssub.s32 @!p0 $0x0, s1;
	[sflag:s0] =	ssyncset.done @!p0 $0x0  }
0x6c6: {  	[sflag:s0] =	ssyncadd.s32 @!p0 s1  }
0x6c7: {  	[bflag:$0x3] =	sbarrier.arrive $0xFFFF  }
0x6c8: {  	_ =	shalt  }

// kernel: kernel.7.cloned.1.call-start
scs
__scs_entry_jumppad:
0x0: {  	(pc) =	sbr.rel $0x88, $3  }
0x1: {  	(tag) =	ssettag $0x0;
	lr =	simm.s32 $0x1  }
0x2: {  	[smem:$0x3F95] =	sst lr;
	_ =	strace $0xD0000000  }
0x3: {  	_ = 	snop  }
0x4: {  	_ = 	snop  }
0x5: {  	_ = 	snop  }
0x6: {  	_ = 	snop  }
0x7: {  	_ = 	snop  }
__scs_overlays_trampoline_lowered:
0x8: {  	[smem:$0x3FA4] =	sst s0  }
0x9: {  	[smem:$0x3FA5] =	sst s1  }
0xa: {  	[smem:$0x3FA6] =	sst s2  }
0xb: {  	[smem:$0x3FA7] =	sst s3  }
0xc: {  	[smem:$0x3FA8] =	sst s4  }
0xd: {  	[smem:$0x3FA9] =	sst s5  }
0xe: {  	[smem:$0x3FAA] =	sst s6  }
0xf: {  	[smem:$0x3FAB] =	sst s7  }
0x10: {  	[smem:$0x3FAC] =	sst s8  }
0x11: {  	[smem:$0x3FAD] =	sst s9;
	s0 =	simm.s32 @!p0 $0x0  }
0x12: {  	s1 =	sld [smem:$0x3F93];
	s0 =	simm.s32 @p0 $0x1  }
0x13: {  	[smem:$0x3FAE] =	sst s0;
	s0 =	simm.s32 @!p1 $0x0  }
0x14: {  	s2 =	sld [smem:$0x3F92];
	s0 =	simm.s32 @p1 $0x1  }
0x15: {  	[smem:$0x3FAF] =	sst s0;
	s0 =	simm.s32 @!p2 $0x0  }
0x16: {  	s3 =	sld [smem:$0x3FDB];
	s0 =	simm.s32 @p2 $0x1  }
0x17: {  	s4 =	simm.s32 $0x1BF5;
	[smem:$0x3FB1] =	sst s0  }
0x18: {  	s0 =	sld [smem:$0x3F94];
	_ =	swait.ge [sflag:s4], $0x0  }
0x19: {  	s7 =	sld [smem:$0x3F95]  }
0x1a: {  	s8 =	sadd.s32 $0xFFFFE003, lr  }
0x1b: {  	s9 =	sadd.s32 $0xFFFFFEF7, lr;
	s5 =	simm.s32 $0xFFFFFFFF;
	p2 =	slt.u32 s8, $0xFFFFF086  }
0x1c: {  	p1 =	slt.u32 s9, $0xF7A;
	s5 =	simm.s32 @!p2 $0x0  }
0x1d: {  	s5 =	simm.s32 @p1 $0x1;
	p0 =	seq.s32 s7, s2  }
0x1e: {  	s7 =	smul.u32 @!p0 $0xF7A, s2;
	p2 =	seq.s32 @!p0 s5, $0x0  }
0x1f: {  	s9 =	smul.u32 $0xF7A, s1;
	s8 =	simm.s32 @!p0 $0x1BF5;
	p2 =	por !p2, p0  }
0x20: {  	[sflag:s8] =	ssyncset.s32 @!p0 $0xFFFFF086;
	s6 =	sadd.s32 @!p0 s3, s7;
	s7 =	simm.s32 @!p0 $0x108  }
0x21: {  	s3 =	sadd.s32 s3, s9;
	s6 =	sadd.s32 @!p0 $0x88, s6;
	s7 =	simm.s32 @p2 $0x1082  }
0x22: {  	[simem:s7], [sflag:s8] =	dma.local @!p0 [hbm:s6], $0xF7A  }
0x23: {  	s9 =	sor.u32 $0xD0000000, s2;
	s6 =	simm.s32 $0x108;
	_ =	swait.ge @!p0 [sflag:s8], $0x0  }
0x24: {  	s3 =	sadd.s32 $0x88, s3;
	s6 =	simm.s32 @!p1 $0x1082;
	[sflag:s4] =	ssyncset.s32 $0xFFFFF086  }
0x25: {  	[simem:s6], [sflag:s4] =	dma.local [hbm:s3], $0xF7A  }
0x26: {  	[smem:$0x3F95] =	sst s1;
	(tag) =	ssettag s2;
	_ =	strace s9  }
0x27: {  	s1 =	sld [smem:$0x3FA5]  }
0x28: {  	s2 =	sld [smem:$0x3FA6]  }
0x29: {  	s4 =	sld [smem:$0x3FA8]  }
0x2a: {  	p0 =	seq.s32 s5, $0x0;
	s5 =	sld [smem:$0x3FA9]  }
0x2b: {  	s6 =	sld [smem:$0x3FAA]  }
0x2c: {  	s7 =	sld [smem:$0x3FAB]  }
0x2d: {  	s3 =	simm.s32 $0x108;
	s8 =	sld [smem:$0x3FAC]  }
0x2e: {  	s3 =	simm.s32 @!p0 $0x1082;
	s9 =	sld [smem:$0x3FAD]  }
0x2f: {  	lr =	sadd.s32 s0, s3;
	s0 =	sld [smem:$0x3FA4]  }
0x30: {  	s3 =	sld [smem:$0x3FA7]  }
0x31: {  	[smem:$0x3FB0] =	sst s10  }
0x32: {  	s10 =	sld [smem:$0x3FAE];
	_ =	sdelay $0x3  }
0x33: {  	p0 =	seq.s32 s10, $0x1;
	s10 =	sld [smem:$0x3FB0];
	_ =	sdelay $0x3  }
0x34: {  	[smem:$0x3FB0] =	sst s10  }
0x35: {  	s10 =	sld [smem:$0x3FAF];
	_ =	sdelay $0x3  }
0x36: {  	p1 =	seq.s32 s10, $0x1;
	s10 =	sld [smem:$0x3FB0];
	_ =	sdelay $0x3  }
0x37: {  	[smem:$0x3FB0] =	sst s10  }
0x38: {  	s10 =	sld [smem:$0x3FB1]  }
0x39: {  	_ = 	snop;
	(pc) =	sbr.ind lr, $3  }
0x3a: {  	_ = 	snop  }
0x3b: {  	_ = 	snop  }
0x3c: {  	p2 =	seq.s32 s10, $0x1;
	s10 =	sld [smem:$0x3FB0]  }
0x3d: {  	_ =	shalt  }
0x3e: {  	_ =	shalt  }
0x3f: {  	_ =	shalt  }
0x40: {  	_ =	shalt  }
0x41: {  	_ =	shalt  }
0x42: {  	_ =	shalt  }
0x43: {  	_ =	shalt  }
0x44: {  	_ =	shalt  }
0x45: {  	_ =	shalt  }
0x46: {  	_ =	shalt  }
0x47: {  	_ =	shalt  }
0x48: {  	_ =	shalt  }
0x49: {  	_ =	shalt  }
0x4a: {  	_ =	shalt  }
0x4b: {  	_ =	shalt  }
0x4c: {  	_ =	shalt  }
0x4d: {  	_ =	shalt  }
0x4e: {  	_ =	shalt  }
0x4f: {  	_ =	shalt  }
0x50: {  	_ =	shalt  }
0x51: {  	_ =	shalt  }
0x52: {  	_ =	shalt  }
0x53: {  	_ =	shalt  }
0x54: {  	_ =	shalt  }
0x55: {  	_ =	shalt  }
0x56: {  	_ =	shalt  }
0x57: {  	_ =	shalt  }
0x58: {  	_ =	shalt  }
0x59: {  	_ =	shalt  }
0x5a: {  	_ =	shalt  }
0x5b: {  	_ =	shalt  }
0x5c: {  	_ =	shalt  }
0x5d: {  	_ =	shalt  }
0x5e: {  	_ =	shalt  }
0x5f: {  	_ =	shalt  }
0x60: {  	_ =	shalt  }
0x61: {  	_ =	shalt  }
0x62: {  	_ =	shalt  }
0x63: {  	_ =	shalt  }
0x64: {  	_ =	shalt  }
0x65: {  	_ =	shalt  }
0x66: {  	_ =	shalt  }
0x67: {  	_ =	shalt  }
0x68: {  	_ =	shalt  }
0x69: {  	_ =	shalt  }
0x6a: {  	_ =	shalt  }
0x6b: {  	_ =	shalt  }
0x6c: {  	_ =	shalt  }
0x6d: {  	_ =	shalt  }
0x6e: {  	_ =	shalt  }
0x6f: {  	_ =	shalt  }
0x70: {  	_ =	shalt  }
0x71: {  	_ =	shalt  }
0x72: {  	_ =	shalt  }
0x73: {  	_ =	shalt  }
0x74: {  	_ =	shalt  }
0x75: {  	_ =	shalt  }
0x76: {  	_ =	shalt  }
0x77: {  	_ =	shalt  }
0x78: {  	_ =	shalt  }
0x79: {  	_ =	shalt  }
0x7a: {  	_ =	shalt  }
0x7b: {  	_ =	shalt  }
0x7c: {  	_ =	shalt  }
0x7d: {  	_ =	shalt  }
0x7e: {  	_ =	shalt  }
0x7f: {  	_ =	shalt  }
0x80: {  	_ =	shalt  }
0x81: {  	_ =	shalt  }
0x82: {  	_ =	shalt  }
0x83: {  	_ =	shalt  }
0x84: {  	_ =	shalt  }
0x85: {  	_ =	shalt  }
0x86: {  	_ =	shalt  }
0x87: {  	_ =	shalt  }
.Lfunc_end0:
.L_simem_size_0:
called_computation_lowered:
.L_overlay_start_0:
0x88: {  	s2 =	sld [smem:$0x3FD9]  }
0x89: {  	s3 =	sld [smem:$0x3FFE];
	_ =	sdelay $0x1  }
0x8a: {  	s1 =	srdreg.scid  }
0x8b: {  	s0 =	sand.u32 $0x1, s1  }
0x8c: {  	s17 =	sshll.u32 s0, $0xA;
	s2 =	sadd.s32 s3, s2  }
0x8d: {  	s2 =	sadd.s32 s2, s17  }
0x8e: {  	[smem:$0x3FBC] =	sst s2  }
0x8f: {  	_ = 	snop  }
0x90: {  	s2 =	sld [smem:$0x3FC7];
	(tm) =	ssettm $0x1  }
0x91: {  	s18 =	sld [smem:$0x3FFB];
	_ =	sdelay $0x3  }
0x92: {  	_ =	strace s18  }
0x93: {  	s3 =	sld [smem:$0x3FFC];
	_ =	sdelay $0x3  }
0x94: {  	_ =	strace s3  }
0x95: {  	s3 =	sld [smem:$0x3FFD];
	_ =	sdelay $0x3  }
0x96: {  	_ =	strace s3  }
0x97: {  	_ =	strace $0x8FFFFFFF  }
0x98: {  	s19 =	sld [smem:$0x3FDB];
	_ =	sdelay $0x1  }
0x99: {  	s4 =	simm.s32 $_scs_section_size  }
0x9a: {  	s5 =	simm.s32 $_size__tile_overlayer_lowered;
	s6 =	simm.s32 $_tile_overlayer_lowered  }
0x9b: {  	s22 =	simm.s32 $0x1BFF;
	s21 =	sshll.u32 s6, $0x1;
	s3 =	sadd.s32 s4, s19  }
0x9c: {  	s7 =	simm.s32 $0x0;
	s20 =	sshll.u32 s5, $0x1;
	s5 =	sadd.s32 s21, s3  }
0x9d: {  	[timem:s7], [sflag:s22] =	dma.local [hbm:s5], s20  }
0x9e: {  	_ =	swait.ge [sflag:s22], s20  }
0x9f: {  	s4 =	ssub.s32 $0x0, s20;
	[sflag:s22] =	ssyncset.done $0x0  }
0xa0: {  	[sflag:s22] =	ssyncadd.s32 s4;
	_ =	sdelay $0x1  }
0xa1: {  	s23 =	simm.s32 $0x1B8B  }
0xa2: {  	_ =	swait.ge [sflag:s23], $0x1  }
0xa3: {  	[sflag:s23] =	ssyncset.done $0x0  }
0xa4: {  	s25 =	simm.s32 $0x1B8E;
	s24 =	sld [smem:$0x3FFE];
	[sflag:s23] =	ssyncadd.s32 $0xFFFFFFFF  }
0xa5: {  	s26 =	simm.s32 $execute0_lowered;
	[smem:$0x3FD2] =	sst s25  }
0xa6: {  	s5 =	sshll.u32 s26, $0x1;
	_ =	strace $0x80000046;
	[dreg:$0x1] =	wrdreg $0xFFFFFFFF  }
0xa7: {  	s28 =	simm.s32 $_size_execute0_lowered;
	s3 =	sadd.s32 s3, s5;
	[dreg:$0x0] =	wrdreg $0x0  }
0xa8: {  	s5 =	sshll.u32 s28, $0x1;
	[dreg:$0x2] =	wrdreg s3  }
0xa9: {  	[dreg:$0x3] =	wrdreg s5  }
0xaa: {  	[dreg:$0x4] =	wrdreg $0xC0  }
0xab: {  	_ =	task [dreg:s7], $0x5FFFF  }
0xac: {  	[dreg:$0x1] =	wrdreg $0xFFFFFFFF  }
0xad: {  	[dreg:$0x0] =	wrdreg $0x60  }
0xae: {  	[dreg:$0x2] =	wrdreg s24  }
0xaf: {  	[dreg:$0x3] =	wrdreg s2  }
0xb0: {  	[dreg:$0x4] =	wrdreg $0x9  }
0xb1: {  	_ =	task.clear_ibuf [dreg:s7], $0x5FFFF;
	_ =	strace $0x90000046  }
0xb2: {  	s29 =	simm.s32 $0x9;
	_ =	strace $0x80000048  }
0xb3: {  	_ =	swait.ge [sflag:s29], $0x1  }
0xb4: {  	[sflag:s29] =	ssyncadd.s32 $0xFFFFFFFF  }
0xb5: {  	_ =	strace $0x90000048  }
0xb6: {  	_ =	sfence  }
0xb7: {  	s30 =	sld [smem:$0x0];
	_ =	sdelay $0x2  }
0xb8: {  	s31 =	sshll.u32 s1, $0xD;
	s1 =	sshrl.u32 s1, $0x2  }
0xb9: {  	s3 =	sand.u32 $0x4000, s31;
	s1 =	sadd.s32 s1, s30  }
0xba: {  	s0 =	sor.u32 s3, s0;
	s1 =	sshll.u32 s1, $0x11  }
0xbb: {  	s0 =	sor.u32 s1, s0  }
0xbc: {  	s0 =	sadd.s32 $0x8F2B, s0  }
0xbd: {  	[sflag:s0] =	ssyncadd.remote.s32 $0x1  }
0xbe: {  	_ =	sfence.sel $0xFFFF  }
0xbf: {  	[dreg:$0x0] =	wrdreg $0xFFFFFFFF;
	(pc) =	sbr.abs _section_cstart, $3  }
0xc0: {  	[dreg:$0x1] =	wrdreg $0xFFFFFFFF  }
0xc1: {  	_ =	task.clear_ibuf [dreg:s7], $0x2FFFF;
	_ =	strace $0x9FFFFFFF  }
0xc2: {  	(tm) =	ssettm $0x7FFFFFFF  }
0xc3: {  	_ =	shalt  }
tec
execute0_lowered:
.L_overlay_start_1:
0x0: {  	(tag) =	ssettag $0x1  }
0x1: {  	s1 =	srdreg.scid;
	s0 =	stileid.u32  }
0x2: {  	s26 =	sand.u32 $0x1, s1;
	s29 =	sshll.u32 s0, $0x1  }
0x3: {  	s8 =	rddreg [dreg:$0x0];
	s9 =	sor.u32 s26, s29  }
0x4: {  	s25 =	rddreg [dreg:$0x1];
	s28 =	smul.u32 $0x2710, s9  }
0x5: {  	s2 =	simm.s32 $0x0;
	s1 =	rddreg [dreg:$0x2]  }
0x6: {  	[smem:$0x7FF] =	sst s2;
	s3 =	sshrl.u32 s28, $0x3  }
0x7: {  	_ =	strace $0x80000047;
	s4 =	sadd.s32 s25, s3;
	s3 =	simm.s32 $0x2  }
0x8: {  	[tilespmem:s2], [sflag:$0x2] =	stream.linear.gather [hbm4b:s4+s2], $0x3E8, $0x38;
	[tilespmem:$0x4268] =	vst v63  }
0x9: {  	_ =	swait.ge [sflag:s3], $0x3E8  }
0xa: {  	s6 =	simm.s32 $0x3E8;
	[sflag:s3] =	ssyncset.done $0x0  }
0xb: {  	s7 =	simm.s32 $0x1;
	s5 =	sadd.s32 $0x1A00, s8;
	[sflag:s3] =	ssyncadd.s32 $0xFFFFFC18  }
0xc: {  	[tilespmem:s6], [sflag:$0x1] =	stream.indirect.gather [hbm4b:s5+s6], $0x10, s2, s6, $0xb8;
	[tilespmem:$0x4268] =	vst v63  }
0xd: {  	s9 =	smul.u32 $0x4E20, s9;
	_ =	swait.ge [sflag:s7], $0x3E80  }
0xe: {  	s29 =	sadd.s32 $0x6A00, s8;
	[sflag:s7] =	ssyncset.done $0x0  }
0xf: {  	s8 =	sadd.s32 s29, s9;
	[sflag:s7] =	ssyncadd.s32 $0xFFFFC180  }
0x10: {  	[hbm4b:s8+s2] =	stream.linear.scatter [tilespmem:s6], [sflag:$0x2], $0x3E80, $0x38;
	[tilespmem:$0x4268] =	vst v63  }
0x11: {  	s10 =	sadd.s32 $0x3E8, s28;
	_ =	swait.ge [sflag:s3], $0x3E80  }
0x12: {  	s30 =	sshrl.u32 s10, $0x3;
	[sflag:s3] =	ssyncset.done $0x0  }
0x13: {  	s9 =	sadd.s32 s25, s30;
	[sflag:s3] =	ssyncadd.s32 $0xFFFFC180  }
0x14: {  	[tilespmem:s2], [sflag:$0x2] =	stream.linear.gather [hbm4b:s9+s2], $0x3E8, $0x38;
	[tilespmem:$0x4268] =	vst v63  }
0x15: {  	_ =	swait.ge [sflag:s3], $0x3E8  }
0x16: {  	[sflag:s3] =	ssyncset.done $0x0  }
0x17: {  	[sflag:s3] =	ssyncadd.s32 $0xFFFFFC18  }
0x18: {  	[tilespmem:s6], [sflag:$0x1] =	stream.indirect.gather [hbm4b:s5+s6], $0x10, s2, s6, $0xb8;
	[tilespmem:$0x4268] =	vst v63  }
0x19: {  	_ =	swait.ge [sflag:s7], $0x3E80  }
0x1a: {  	s10 =	sshll.u32 s10, $0x1;
	[sflag:s7] =	ssyncset.done $0x0  }
0x1b: {  	s10 =	sadd.s32 s29, s10;
	[sflag:s7] =	ssyncadd.s32 $0xFFFFC180  }
0x1c: {  	[hbm4b:s10+s2] =	stream.linear.scatter [tilespmem:s6], [sflag:$0x2], $0x3E80, $0x38;
	[tilespmem:$0x4268] =	vst v63  }
0x1d: {  	s12 =	sadd.s32 $0x7D0, s28;
	_ =	swait.ge [sflag:s3], $0x3E80  }
0x1e: {  	s11 =	sshrl.u32 s12, $0x3;
	[sflag:s3] =	ssyncset.done $0x0  }
0x1f: {  	s11 =	sadd.s32 s25, s11;
	[sflag:s3] =	ssyncadd.s32 $0xFFFFC180  }
0x20: {  	[tilespmem:s2], [sflag:$0x2] =	stream.linear.gather [hbm4b:s11+s2], $0x3E8, $0x38;
	[tilespmem:$0x4268] =	vst v63  }
0x21: {  	_ =	swait.ge [sflag:s3], $0x3E8  }
0x22: {  	[sflag:s3] =	ssyncset.done $0x0  }
0x23: {  	[sflag:s3] =	ssyncadd.s32 $0xFFFFFC18  }
0x24: {  	[tilespmem:s6], [sflag:$0x1] =	stream.indirect.gather [hbm4b:s5+s6], $0x10, s2, s6, $0xb8;
	[tilespmem:$0x4268] =	vst v63  }
0x25: {  	_ =	swait.ge [sflag:s7], $0x3E80  }
0x26: {  	s12 =	sshll.u32 s12, $0x1;
	[sflag:s7] =	ssyncset.done $0x0  }
0x27: {  	s12 =	sadd.s32 s29, s12;
	[sflag:s7] =	ssyncadd.s32 $0xFFFFC180  }
0x28: {  	[hbm4b:s12+s2] =	stream.linear.scatter [tilespmem:s6], [sflag:$0x2], $0x3E80, $0x38;
	[tilespmem:$0x4268] =	vst v63  }
0x29: {  	s14 =	sadd.s32 $0xBB8, s28;
	_ =	swait.ge [sflag:s3], $0x3E80  }
0x2a: {  	s13 =	sshrl.u32 s14, $0x3;
	[sflag:s3] =	ssyncset.done $0x0  }
0x2b: {  	s13 =	sadd.s32 s25, s13;
	[sflag:s3] =	ssyncadd.s32 $0xFFFFC180  }
0x2c: {  	[tilespmem:s2], [sflag:$0x2] =	stream.linear.gather [hbm4b:s13+s2], $0x3E8, $0x38;
	[tilespmem:$0x4268] =	vst v63  }
0x2d: {  	_ =	swait.ge [sflag:s3], $0x3E8  }
0x2e: {  	[sflag:s3] =	ssyncset.done $0x0  }
0x2f: {  	[sflag:s3] =	ssyncadd.s32 $0xFFFFFC18  }
0x30: {  	[tilespmem:s6], [sflag:$0x1] =	stream.indirect.gather [hbm4b:s5+s6], $0x10, s2, s6, $0xb8;
	[tilespmem:$0x4268] =	vst v63  }
0x31: {  	_ =	swait.ge [sflag:s7], $0x3E80  }
0x32: {  	s14 =	sshll.u32 s14, $0x1;
	[sflag:s7] =	ssyncset.done $0x0  }
0x33: {  	s14 =	sadd.s32 s29, s14;
	[sflag:s7] =	ssyncadd.s32 $0xFFFFC180  }
0x34: {  	[hbm4b:s14+s2] =	stream.linear.scatter [tilespmem:s6], [sflag:$0x2], $0x3E80, $0x38;
	[tilespmem:$0x4268] =	vst v63  }
0x35: {  	s16 =	sadd.s32 $0xFA0, s28;
	_ =	swait.ge [sflag:s3], $0x3E80  }
0x36: {  	s15 =	sshrl.u32 s16, $0x3;
	[sflag:s3] =	ssyncset.done $0x0  }
0x37: {  	s15 =	sadd.s32 s25, s15;
	[sflag:s3] =	ssyncadd.s32 $0xFFFFC180  }
0x38: {  	[tilespmem:s2], [sflag:$0x2] =	stream.linear.gather [hbm4b:s15+s2], $0x3E8, $0x38;
	[tilespmem:$0x4268] =	vst v63  }
0x39: {  	_ =	swait.ge [sflag:s3], $0x3E8  }
0x3a: {  	[sflag:s3] =	ssyncset.done $0x0  }
0x3b: {  	[sflag:s3] =	ssyncadd.s32 $0xFFFFFC18  }
0x3c: {  	[tilespmem:s6], [sflag:$0x1] =	stream.indirect.gather [hbm4b:s5+s6], $0x10, s2, s6, $0xb8;
	[tilespmem:$0x4268] =	vst v63  }
0x3d: {  	_ =	swait.ge [sflag:s7], $0x3E80  }
0x3e: {  	s16 =	sshll.u32 s16, $0x1;
	[sflag:s7] =	ssyncset.done $0x0  }
0x3f: {  	s16 =	sadd.s32 s29, s16;
	[sflag:s7] =	ssyncadd.s32 $0xFFFFC180  }
0x40: {  	[hbm4b:s16+s2] =	stream.linear.scatter [tilespmem:s6], [sflag:$0x2], $0x3E80, $0x38;
	[tilespmem:$0x4268] =	vst v63  }
0x41: {  	s18 =	sadd.s32 $0x1388, s28;
	_ =	swait.ge [sflag:s3], $0x3E80  }
0x42: {  	s17 =	sshrl.u32 s18, $0x3;
	[sflag:s3] =	ssyncset.done $0x0  }
0x43: {  	s17 =	sadd.s32 s25, s17;
	[sflag:s3] =	ssyncadd.s32 $0xFFFFC180  }
0x44: {  	[tilespmem:s2], [sflag:$0x2] =	stream.linear.gather [hbm4b:s17+s2], $0x3E8, $0x38;
	[tilespmem:$0x4268] =	vst v63  }
0x45: {  	_ =	swait.ge [sflag:s3], $0x3E8  }
0x46: {  	[sflag:s3] =	ssyncset.done $0x0  }
0x47: {  	[sflag:s3] =	ssyncadd.s32 $0xFFFFFC18  }
0x48: {  	[tilespmem:s6], [sflag:$0x1] =	stream.indirect.gather [hbm4b:s5+s6], $0x10, s2, s6, $0xb8;
	[tilespmem:$0x4268] =	vst v63  }
0x49: {  	_ =	swait.ge [sflag:s7], $0x3E80  }
0x4a: {  	s18 =	sshll.u32 s18, $0x1;
	[sflag:s7] =	ssyncset.done $0x0  }
0x4b: {  	s18 =	sadd.s32 s29, s18;
	[sflag:s7] =	ssyncadd.s32 $0xFFFFC180  }
0x4c: {  	[hbm4b:s18+s2] =	stream.linear.scatter [tilespmem:s6], [sflag:$0x2], $0x3E80, $0x38;
	[tilespmem:$0x4268] =	vst v63  }
0x4d: {  	s20 =	sadd.s32 $0x1770, s28;
	_ =	swait.ge [sflag:s3], $0x3E80  }
0x4e: {  	s19 =	sshrl.u32 s20, $0x3;
	[sflag:s3] =	ssyncset.done $0x0  }
0x4f: {  	s19 =	sadd.s32 s25, s19;
	[sflag:s3] =	ssyncadd.s32 $0xFFFFC180  }
0x50: {  	[tilespmem:s2], [sflag:$0x2] =	stream.linear.gather [hbm4b:s19+s2], $0x3E8, $0x38;
	[tilespmem:$0x4268] =	vst v63  }
0x51: {  	_ =	swait.ge [sflag:s3], $0x3E8  }
0x52: {  	[sflag:s3] =	ssyncset.done $0x0  }
0x53: {  	[sflag:s3] =	ssyncadd.s32 $0xFFFFFC18  }
0x54: {  	[tilespmem:s6], [sflag:$0x1] =	stream.indirect.gather [hbm4b:s5+s6], $0x10, s2, s6, $0xb8;
	[tilespmem:$0x4268] =	vst v63  }
0x55: {  	_ =	swait.ge [sflag:s7], $0x3E80  }
0x56: {  	s20 =	sshll.u32 s20, $0x1;
	[sflag:s7] =	ssyncset.done $0x0  }
0x57: {  	s20 =	sadd.s32 s29, s20;
	[sflag:s7] =	ssyncadd.s32 $0xFFFFC180  }
0x58: {  	[hbm4b:s20+s2] =	stream.linear.scatter [tilespmem:s6], [sflag:$0x2], $0x3E80, $0x38;
	[tilespmem:$0x4268] =	vst v63  }
0x59: {  	s22 =	sadd.s32 $0x1B58, s28;
	_ =	swait.ge [sflag:s3], $0x3E80  }
0x5a: {  	s21 =	sshrl.u32 s22, $0x3;
	[sflag:s3] =	ssyncset.done $0x0  }
0x5b: {  	s21 =	sadd.s32 s25, s21;
	[sflag:s3] =	ssyncadd.s32 $0xFFFFC180  }
0x5c: {  	[tilespmem:s2], [sflag:$0x2] =	stream.linear.gather [hbm4b:s21+s2], $0x3E8, $0x38;
	[tilespmem:$0x4268] =	vst v63  }
0x5d: {  	_ =	swait.ge [sflag:s3], $0x3E8  }
0x5e: {  	[sflag:s3] =	ssyncset.done $0x0  }
0x5f: {  	[sflag:s3] =	ssyncadd.s32 $0xFFFFFC18  }
0x60: {  	[tilespmem:s6], [sflag:$0x1] =	stream.indirect.gather [hbm4b:s5+s6], $0x10, s2, s6, $0xb8;
	[tilespmem:$0x4268] =	vst v63  }
0x61: {  	_ =	swait.ge [sflag:s7], $0x3E80  }
0x62: {  	s22 =	sshll.u32 s22, $0x1;
	[sflag:s7] =	ssyncset.done $0x0  }
0x63: {  	s22 =	sadd.s32 s29, s22;
	[sflag:s7] =	ssyncadd.s32 $0xFFFFC180  }
0x64: {  	[hbm4b:s22+s2] =	stream.linear.scatter [tilespmem:s6], [sflag:$0x2], $0x3E80, $0x38;
	[tilespmem:$0x4268] =	vst v63  }
0x65: {  	s24 =	sadd.s32 $0x1F40, s28;
	_ =	swait.ge [sflag:s3], $0x3E80  }
0x66: {  	s23 =	sshrl.u32 s24, $0x3;
	[sflag:s3] =	ssyncset.done $0x0  }
0x67: {  	s23 =	sadd.s32 s25, s23;
	[sflag:s3] =	ssyncadd.s32 $0xFFFFC180  }
0x68: {  	[tilespmem:s2], [sflag:$0x2] =	stream.linear.gather [hbm4b:s23+s2], $0x3E8, $0x38;
	[tilespmem:$0x4268] =	vst v63  }
0x69: {  	_ =	swait.ge [sflag:s3], $0x3E8  }
0x6a: {  	[sflag:s3] =	ssyncset.done $0x0  }
0x6b: {  	[sflag:s3] =	ssyncadd.s32 $0xFFFFFC18  }
0x6c: {  	[tilespmem:s6], [sflag:$0x1] =	stream.indirect.gather [hbm4b:s5+s6], $0x10, s2, s6, $0xb8;
	[tilespmem:$0x4268] =	vst v63  }
0x6d: {  	_ =	swait.ge [sflag:s7], $0x3E80  }
0x6e: {  	s24 =	sshll.u32 s24, $0x1;
	[sflag:s7] =	ssyncset.done $0x0  }
0x6f: {  	s24 =	sadd.s32 s29, s24;
	[sflag:s7] =	ssyncadd.s32 $0xFFFFC180  }
0x70: {  	[hbm4b:s24+s2] =	stream.linear.scatter [tilespmem:s6], [sflag:$0x2], $0x3E80, $0x38;
	[tilespmem:$0x4268] =	vst v63  }
0x71: {  	s28 =	sadd.s32 $0x2328, s28;
	_ =	swait.ge [sflag:s3], $0x3E80  }
0x72: {  	s30 =	sshrl.u32 s28, $0x3;
	[sflag:s3] =	ssyncset.done $0x0  }
0x73: {  	s26 =	ssub.s32 $0x2, s26;
	s25 =	sadd.s32 s25, s30;
	[sflag:s3] =	ssyncadd.s32 $0xFFFFC180  }
0x74: {  	[tilespmem:s2], [sflag:$0x2] =	stream.linear.gather [hbm4b:s25+s2], $0x3E8, $0x38;
	[tilespmem:$0x4268] =	vst v63  }
0x75: {  	s31 =	sshrl.u32 s26, $0x1;
	_ =	swait.ge [sflag:s3], $0x3E8  }
0x76: {  	s30 =	ssub.s32 s26, s31;
	[sflag:s3] =	ssyncset.done $0x0  }
0x77: {  	s31 =	sshll.u32 s28, $0x1;
	s28 =	smax.u32 s30, $0x1;
	[sflag:s3] =	ssyncadd.s32 $0xFFFFFC18  }
0x78: {  	[tilespmem:s6], [sflag:$0x1] =	stream.indirect.gather [hbm4b:s5+s6], $0x10, s2, s6, $0xb8;
	[tilespmem:$0x4268] =	vst v63  }
0x79: {  	p0 =	sne.s32 s28, $0x1;
	_ =	swait.ge [sflag:s7], $0x3E80  }
.Ltmp0:
0x7a: {  	[sflag:s7] =	ssyncset.done $0x0;
	(pc) =	sbr.rel @!p0 .LBB2_2-.Ltmp0, $4  }
0x7b: {  	s26 =	sadd.s32 s29, s31;
	[sflag:s7] =	ssyncadd.s32 $0xFFFFC180  }
0x7c: {  	[hbm4b:s26+s2] =	stream.linear.scatter [tilespmem:s6], [sflag:$0x2], $0x3E80, $0x38;
	[tilespmem:$0x4268] =	vst v63  }
0x7d: {  	_ =	swait.ge [sflag:s3], $0x3E80  }
0x7e: {  	s28 =	sadd.s32 $0xFFFFFFFF, s28;
	[sflag:s3] =	ssyncset.done $0x0  }
.LBB2_1:
0x7f: {  	p0 =	sne.s32 s28, $0x1;
	s28 =	sadd.s32 $0xFFFFFFFF, s28;
	[sflag:s3] =	ssyncadd.s32 $0xFFFFC180  }
0x80: {  	[tilespmem:s2], [sflag:$0x2] =	stream.linear.gather [hbm4b:s4+s2], $0x3E8, $0x38;
	[tilespmem:$0x4268] =	vst v63  }
0x81: {  	_ =	swait.ge [sflag:s3], $0x3E8  }
0x82: {  	[sflag:s3] =	ssyncset.done $0x0  }
0x83: {  	[sflag:s3] =	ssyncadd.s32 $0xFFFFFC18  }
0x84: {  	[tilespmem:s6], [sflag:$0x1] =	stream.indirect.gather [hbm4b:s5+s6], $0x10, s2, s6, $0xb8;
	[tilespmem:$0x4268] =	vst v63  }
0x85: {  	_ =	swait.ge [sflag:s7], $0x3E80  }
0x86: {  	[sflag:s7] =	ssyncset.done $0x0  }
0x87: {  	[sflag:s7] =	ssyncadd.s32 $0xFFFFC180  }
0x88: {  	[hbm4b:s8+s2] =	stream.linear.scatter [tilespmem:s6], [sflag:$0x2], $0x3E80, $0x38;
	[tilespmem:$0x4268] =	vst v63  }
0x89: {  	_ =	swait.ge [sflag:s3], $0x3E80  }
0x8a: {  	[sflag:s3] =	ssyncset.done $0x0  }
0x8b: {  	[sflag:s3] =	ssyncadd.s32 $0xFFFFC180  }
0x8c: {  	[tilespmem:s2], [sflag:$0x2] =	stream.linear.gather [hbm4b:s9+s2], $0x3E8, $0x38;
	[tilespmem:$0x4268] =	vst v63  }
0x8d: {  	_ =	swait.ge [sflag:s3], $0x3E8  }
0x8e: {  	[sflag:s3] =	ssyncset.done $0x0  }
0x8f: {  	[sflag:s3] =	ssyncadd.s32 $0xFFFFFC18  }
0x90: {  	[tilespmem:s6], [sflag:$0x1] =	stream.indirect.gather [hbm4b:s5+s6], $0x10, s2, s6, $0xb8;
	[tilespmem:$0x4268] =	vst v63  }
0x91: {  	_ =	swait.ge [sflag:s7], $0x3E80  }
0x92: {  	[sflag:s7] =	ssyncset.done $0x0  }
0x93: {  	[sflag:s7] =	ssyncadd.s32 $0xFFFFC180  }
0x94: {  	[hbm4b:s10+s2] =	stream.linear.scatter [tilespmem:s6], [sflag:$0x2], $0x3E80, $0x38;
	[tilespmem:$0x4268] =	vst v63  }
0x95: {  	_ =	swait.ge [sflag:s3], $0x3E80  }
0x96: {  	[sflag:s3] =	ssyncset.done $0x0  }
0x97: {  	[sflag:s3] =	ssyncadd.s32 $0xFFFFC180  }
0x98: {  	[tilespmem:s2], [sflag:$0x2] =	stream.linear.gather [hbm4b:s11+s2], $0x3E8, $0x38;
	[tilespmem:$0x4268] =	vst v63  }
0x99: {  	_ =	swait.ge [sflag:s3], $0x3E8  }
0x9a: {  	[sflag:s3] =	ssyncset.done $0x0  }
0x9b: {  	[sflag:s3] =	ssyncadd.s32 $0xFFFFFC18  }
0x9c: {  	[tilespmem:s6], [sflag:$0x1] =	stream.indirect.gather [hbm4b:s5+s6], $0x10, s2, s6, $0xb8;
	[tilespmem:$0x4268] =	vst v63  }
0x9d: {  	_ =	swait.ge [sflag:s7], $0x3E80  }
0x9e: {  	[sflag:s7] =	ssyncset.done $0x0  }
0x9f: {  	[sflag:s7] =	ssyncadd.s32 $0xFFFFC180  }
0xa0: {  	[hbm4b:s12+s2] =	stream.linear.scatter [tilespmem:s6], [sflag:$0x2], $0x3E80, $0x38;
	[tilespmem:$0x4268] =	vst v63  }
0xa1: {  	_ =	swait.ge [sflag:s3], $0x3E80  }
0xa2: {  	[sflag:s3] =	ssyncset.done $0x0  }
0xa3: {  	[sflag:s3] =	ssyncadd.s32 $0xFFFFC180  }
0xa4: {  	[tilespmem:s2], [sflag:$0x2] =	stream.linear.gather [hbm4b:s13+s2], $0x3E8, $0x38;
	[tilespmem:$0x4268] =	vst v63  }
0xa5: {  	_ =	swait.ge [sflag:s3], $0x3E8  }
0xa6: {  	[sflag:s3] =	ssyncset.done $0x0  }
0xa7: {  	[sflag:s3] =	ssyncadd.s32 $0xFFFFFC18  }
0xa8: {  	[tilespmem:s6], [sflag:$0x1] =	stream.indirect.gather [hbm4b:s5+s6], $0x10, s2, s6, $0xb8;
	[tilespmem:$0x4268] =	vst v63  }
0xa9: {  	_ =	swait.ge [sflag:s7], $0x3E80  }
0xaa: {  	[sflag:s7] =	ssyncset.done $0x0  }
0xab: {  	[sflag:s7] =	ssyncadd.s32 $0xFFFFC180  }
0xac: {  	[hbm4b:s14+s2] =	stream.linear.scatter [tilespmem:s6], [sflag:$0x2], $0x3E80, $0x38;
	[tilespmem:$0x4268] =	vst v63  }
0xad: {  	_ =	swait.ge [sflag:s3], $0x3E80  }
0xae: {  	[sflag:s3] =	ssyncset.done $0x0  }
0xaf: {  	[sflag:s3] =	ssyncadd.s32 $0xFFFFC180  }
0xb0: {  	[tilespmem:s2], [sflag:$0x2] =	stream.linear.gather [hbm4b:s15+s2], $0x3E8, $0x38;
	[tilespmem:$0x4268] =	vst v63  }
0xb1: {  	_ =	swait.ge [sflag:s3], $0x3E8  }
0xb2: {  	[sflag:s3] =	ssyncset.done $0x0  }
0xb3: {  	[sflag:s3] =	ssyncadd.s32 $0xFFFFFC18  }
0xb4: {  	[tilespmem:s6], [sflag:$0x1] =	stream.indirect.gather [hbm4b:s5+s6], $0x10, s2, s6, $0xb8;
	[tilespmem:$0x4268] =	vst v63  }
0xb5: {  	_ =	swait.ge [sflag:s7], $0x3E80  }
0xb6: {  	[sflag:s7] =	ssyncset.done $0x0  }
0xb7: {  	[sflag:s7] =	ssyncadd.s32 $0xFFFFC180  }
0xb8: {  	[hbm4b:s16+s2] =	stream.linear.scatter [tilespmem:s6], [sflag:$0x2], $0x3E80, $0x38;
	[tilespmem:$0x4268] =	vst v63  }
0xb9: {  	_ =	swait.ge [sflag:s3], $0x3E80  }
0xba: {  	[sflag:s3] =	ssyncset.done $0x0  }
0xbb: {  	[sflag:s3] =	ssyncadd.s32 $0xFFFFC180  }
0xbc: {  	[tilespmem:s2], [sflag:$0x2] =	stream.linear.gather [hbm4b:s17+s2], $0x3E8, $0x38;
	[tilespmem:$0x4268] =	vst v63  }
0xbd: {  	_ =	swait.ge [sflag:s3], $0x3E8  }
0xbe: {  	[sflag:s3] =	ssyncset.done $0x0  }
0xbf: {  	[sflag:s3] =	ssyncadd.s32 $0xFFFFFC18  }
0xc0: {  	[tilespmem:s6], [sflag:$0x1] =	stream.indirect.gather [hbm4b:s5+s6], $0x10, s2, s6, $0xb8;
	[tilespmem:$0x4268] =	vst v63  }
0xc1: {  	_ =	swait.ge [sflag:s7], $0x3E80  }
0xc2: {  	[sflag:s7] =	ssyncset.done $0x0  }
0xc3: {  	[sflag:s7] =	ssyncadd.s32 $0xFFFFC180  }
0xc4: {  	[hbm4b:s18+s2] =	stream.linear.scatter [tilespmem:s6], [sflag:$0x2], $0x3E80, $0x38;
	[tilespmem:$0x4268] =	vst v63  }
0xc5: {  	_ =	swait.ge [sflag:s3], $0x3E80  }
0xc6: {  	[sflag:s3] =	ssyncset.done $0x0  }
0xc7: {  	[sflag:s3] =	ssyncadd.s32 $0xFFFFC180  }
0xc8: {  	[tilespmem:s2], [sflag:$0x2] =	stream.linear.gather [hbm4b:s19+s2], $0x3E8, $0x38;
	[tilespmem:$0x4268] =	vst v63  }
0xc9: {  	_ =	swait.ge [sflag:s3], $0x3E8  }
0xca: {  	[sflag:s3] =	ssyncset.done $0x0  }
0xcb: {  	[sflag:s3] =	ssyncadd.s32 $0xFFFFFC18  }
0xcc: {  	[tilespmem:s6], [sflag:$0x1] =	stream.indirect.gather [hbm4b:s5+s6], $0x10, s2, s6, $0xb8;
	[tilespmem:$0x4268] =	vst v63  }
0xcd: {  	_ =	swait.ge [sflag:s7], $0x3E80  }
0xce: {  	[sflag:s7] =	ssyncset.done $0x0  }
0xcf: {  	[sflag:s7] =	ssyncadd.s32 $0xFFFFC180  }
0xd0: {  	[hbm4b:s20+s2] =	stream.linear.scatter [tilespmem:s6], [sflag:$0x2], $0x3E80, $0x38;
	[tilespmem:$0x4268] =	vst v63  }
0xd1: {  	_ =	swait.ge [sflag:s3], $0x3E80  }
0xd2: {  	[sflag:s3] =	ssyncset.done $0x0  }
0xd3: {  	[sflag:s3] =	ssyncadd.s32 $0xFFFFC180  }
0xd4: {  	[tilespmem:s2], [sflag:$0x2] =	stream.linear.gather [hbm4b:s21+s2], $0x3E8, $0x38;
	[tilespmem:$0x4268] =	vst v63  }
0xd5: {  	_ =	swait.ge [sflag:s3], $0x3E8  }
0xd6: {  	[sflag:s3] =	ssyncset.done $0x0  }
0xd7: {  	[sflag:s3] =	ssyncadd.s32 $0xFFFFFC18  }
0xd8: {  	[tilespmem:s6], [sflag:$0x1] =	stream.indirect.gather [hbm4b:s5+s6], $0x10, s2, s6, $0xb8;
	[tilespmem:$0x4268] =	vst v63  }
0xd9: {  	_ =	swait.ge [sflag:s7], $0x3E80  }
0xda: {  	[sflag:s7] =	ssyncset.done $0x0  }
0xdb: {  	[sflag:s7] =	ssyncadd.s32 $0xFFFFC180  }
0xdc: {  	[hbm4b:s22+s2] =	stream.linear.scatter [tilespmem:s6], [sflag:$0x2], $0x3E80, $0x38;
	[tilespmem:$0x4268] =	vst v63  }
0xdd: {  	_ =	swait.ge [sflag:s3], $0x3E80  }
0xde: {  	[sflag:s3] =	ssyncset.done $0x0  }
0xdf: {  	[sflag:s3] =	ssyncadd.s32 $0xFFFFC180  }
0xe0: {  	[tilespmem:s2], [sflag:$0x2] =	stream.linear.gather [hbm4b:s23+s2], $0x3E8, $0x38;
	[tilespmem:$0x4268] =	vst v63  }
0xe1: {  	_ =	swait.ge [sflag:s3], $0x3E8  }
0xe2: {  	[sflag:s3] =	ssyncset.done $0x0  }
0xe3: {  	[sflag:s3] =	ssyncadd.s32 $0xFFFFFC18  }
0xe4: {  	[tilespmem:s6], [sflag:$0x1] =	stream.indirect.gather [hbm4b:s5+s6], $0x10, s2, s6, $0xb8;
	[tilespmem:$0x4268] =	vst v63  }
0xe5: {  	_ =	swait.ge [sflag:s7], $0x3E80  }
0xe6: {  	[sflag:s7] =	ssyncset.done $0x0  }
0xe7: {  	[sflag:s7] =	ssyncadd.s32 $0xFFFFC180  }
0xe8: {  	[hbm4b:s24+s2] =	stream.linear.scatter [tilespmem:s6], [sflag:$0x2], $0x3E80, $0x38;
	[tilespmem:$0x4268] =	vst v63  }
0xe9: {  	_ =	swait.ge [sflag:s3], $0x3E80  }
0xea: {  	[sflag:s3] =	ssyncset.done $0x0  }
0xeb: {  	[sflag:s3] =	ssyncadd.s32 $0xFFFFC180  }
0xec: {  	[tilespmem:s2], [sflag:$0x2] =	stream.linear.gather [hbm4b:s25+s2], $0x3E8, $0x38;
	[tilespmem:$0x4268] =	vst v63  }
0xed: {  	_ =	swait.ge [sflag:s3], $0x3E8  }
0xee: {  	[sflag:s3] =	ssyncset.done $0x0  }
0xef: {  	[sflag:s3] =	ssyncadd.s32 $0xFFFFFC18  }
0xf0: {  	[tilespmem:s6], [sflag:$0x1] =	stream.indirect.gather [hbm4b:s5+s6], $0x10, s2, s6, $0xb8;
	[tilespmem:$0x4268] =	vst v63  }
0xf1: {  	_ =	swait.ge [sflag:s7], $0x3E80  }
.Ltmp1:
0xf2: {  	[sflag:s7] =	ssyncset.done $0x0;
	(pc) =	sbr.rel @p0 .LBB2_1-.Ltmp1, $4  }
0xf3: {  	[sflag:s7] =	ssyncadd.s32 $0xFFFFC180  }
0xf4: {  	[hbm4b:s26+s2] =	stream.linear.scatter [tilespmem:s6], [sflag:$0x2], $0x3E80, $0x38;
	[tilespmem:$0x4268] =	vst v63  }
0xf5: {  	_ =	swait.ge [sflag:s3], $0x3E80  }
0xf6: {  	[sflag:s3] =	ssyncset.done $0x0  }
.LBB2_2:
0xf7: {  	[sflag:s3] =	ssyncadd.s32 $0xFFFFC180  }
0xf8: {  	_ =	sfence.sel $0x180000  }
0xf9: {  	[bflag:$0x0] =	sbarrier.arrive $0xFFFF  }
0xfa: {  	p0 =	sne.s32 s0, $0x0;
	_ =	strace $0x90000047  }
0xfb: {  	s0 =	sadd.s32 @!p0 $0x100000, s1;
	[bflag:$0x2] =	sbarrier.arrive $0xFFFF  }
0xfc: {  	[sflag:s0] =	ssyncadd.tile.s32 @!p0 $0x1;
	_ =	shalt  }
.Lfunc_end2:
_tile_overlayer_lowered:
.L_overlay_start_2:
0xfd: {  	(tag) =	ssettag $0x2  }
0xfe: {  	s0 =	rddreg [dreg:$0x0];
	s2 =	stileid.u32  }
0xff: {  	s1 =	rddreg [dreg:$0x1];
	p0 =	sne.s32 s2, $0x0  }
0x100: {  	s3 =	rddreg [dreg:$0x2];
	[bflag:$0x3] =	sbarrier.arrive $0xFFFF;
	s2 =	simm.s32 @!p0 $0x1C02  }
0x101: {  	[timem:s3], [sflag:s2] =	dma.local @!p0 [hbm:s0], s1  }
0x102: {  	s0 =	simm.s32 @!p0 $0x2  }
0x103: {  	_ =	swait.ge @!p0 [sflag:s0], s1  }
0x104: {  	s1 =	ssub.s32 @!p0 $0x0, s1;
	[sflag:s0] =	ssyncset.done @!p0 $0x0  }
0x105: {  	[sflag:s0] =	ssyncadd.s32 @!p0 s1  }
0x106: {  	[bflag:$0x3] =	sbarrier.arrive $0xFFFF  }
0x107: {  	_ =	shalt  }

</sc_bundles>
